<compile_context>
chip_gen: v7x
topology: tpu7x:2x2x1
jax: 0.10.2.dev20260603
libtpu: 0.0.44.dev20260713+nightly
codegen_flags: <defaults>
</compile_context>

<pallas_src>
import functools

import jax
import jax.numpy as jnp
import numpy as np
from jax import lax
from jax.experimental import pallas as pl
from jax.experimental.pallas import tpu as pltpu
from jax.experimental.pallas import tpu_sc as plsc

_BN = 1.0 / np.sqrt(1.0 + 1e-5)
_NPOINTS = [1024, 256, 64]
_K = 32


def _dot(a, b):
    return lax.dot_general(a, b, (((a.ndim - 1,), (0,)), ((), ())),
                           preferred_element_type=jnp.float32)



def _rows_mlp(x, layers):
    layers = [(wt, jnp.zeros((wt.shape[1],), jnp.float32) if b is None else b, a)
              for (wt, b, a) in layers]
    M = x.shape[0]
    Mb = M if M <= 2048 else 2048
    cout = layers[-1][0].shape[1]

    def body(x_ref, *refs):
        out_ref = refs[-1]
        h = x_ref[...]
        for li in range(len(layers)):
            wt = refs[2 * li][...]
            b = refs[2 * li + 1][...]
            h = _dot(h, wt) + b[None, :]
            if layers[li][2]:
                h = jnp.maximum(h * _BN, 0.0)
        out_ref[...] = h

    in_specs = [pl.BlockSpec((Mb, x.shape[1]), lambda i: (i, 0))]
    args = [x]
    for (wt, b, _a) in layers:
        in_specs.append(pl.BlockSpec(wt.shape, lambda i: (0, 0)))
        in_specs.append(pl.BlockSpec(b.shape, lambda i: (0,)))
        args += [wt, b]
    return pl.pallas_call(
        body,
        grid=(M // Mb,),
        in_specs=in_specs,
        out_specs=pl.BlockSpec((Mb, cout), lambda i: (i, 0)),
        out_shape=jax.ShapeDtypeStruct((M, cout), jnp.float32),
    )(*args)



def _knn_kernel(q, pts, k, with_weights=False):
    B, S, _ = q.shape
    N = pts.shape[1]
    Sb = min(S, 512)

    def body(q_ref, p_ref, *refs):
        if with_weights:
            idx_ref, w_ref, dist_ref, dv_ref = refs
        else:
            idx_ref, dist_ref, dv_ref = refs
        b = pl.program_id(0)
        qb = q_ref[0]
        pb = p_ref[0]
        q2 = jnp.sum(qb * qb, axis=1)
        p2 = jnp.sum(pb * pb, axis=1)
        cross = lax.dot_general(qb, pb, (((1,), (1,)), ((), ())),
                                preferred_element_type=jnp.float32)
        dist_ref[...] = jnp.maximum(q2[:, None] + p2[None, :] - 2.0 * cross, 0.0)
        iota = lax.broadcasted_iota(jnp.int32, (Sb, N), 1)

        kiota = lax.broadcasted_iota(jnp.int32, (Sb, k), 1)

        def step(j, sel_prev):
            dm = jnp.where(iota == sel_prev[:, None], jnp.inf, dist_ref[...])
            dist_ref[...] = dm
            sel = jnp.argmin(dm, axis=1).astype(jnp.int32)
            idx_ref[0] = jnp.where(kiota == j, (sel + b * N)[:, None],
                                   idx_ref[0])
            if with_weights:
                m = jnp.min(dm, axis=1)
                dv_ref[...] = jnp.where(kiota == j, m[:, None], dv_ref[...])
            return sel

        lax.fori_loop(0, k, step, jnp.full((Sb,), -1, jnp.int32))
        if with_weights:
            recip = 1.0 / (dv_ref[...] + 1e-8)
            w_ref[0] = recip / jnp.sum(recip, axis=1, keepdims=True)

    in_specs = [
        pl.BlockSpec((1, Sb, 3), lambda b, s: (b, s, 0)),
        pl.BlockSpec((1, N, 3), lambda b, s: (b, 0, 0)),
    ]
    args = [q, pts]
    out_specs = [pl.BlockSpec((1, Sb, k), lambda b, s: (b, s, 0))]
    out_shape = [jax.ShapeDtypeStruct((B, S, k), jnp.int32)]
    if with_weights:
        out_specs.append(pl.BlockSpec((1, Sb, k), lambda b, s: (b, s, 0)))
        out_shape.append(jax.ShapeDtypeStruct((B, S, k), jnp.float32))
    res = pl.pallas_call(
        body,
        grid=(B, S // Sb),
        in_specs=in_specs,
        out_specs=out_specs,
        out_shape=out_shape,
        scratch_shapes=[pltpu.VMEM((Sb, N), jnp.float32),
                        pltpu.VMEM((Sb, k), jnp.float32)],
    )(*args)
    return res if with_weights else (res[0] if isinstance(res, (list, tuple)) else res)



def _sc_gather(table, idx):
    R = idx.shape[0]
    C = table.shape[1]
    NW = 32
    rpw = R // NW
    ch = 128 if rpw % 128 == 0 else rpw
    nch = rpw // ch
    mesh = plsc.VectorSubcoreMesh(core_axis_name="c", subcore_axis_name="s")

    @functools.partial(
        pl.kernel,
        mesh=mesh,
        compiler_params=pltpu.CompilerParams(use_tc_tiling_on_sc=False),
        out_type=jax.ShapeDtypeStruct((R, C), jnp.float32),
        scratch_types=[
            pltpu.VMEM((ch,), jnp.int32),
            pltpu.VMEM((ch, C), jnp.float32),
            pltpu.SemaphoreType.DMA,
        ],
    )
    def k(table_hbm, idx_hbm, out_hbm, idx_v, rows_v, sem):
        wid = lax.axis_index("s") * 2 + lax.axis_index("c")
        base = wid * rpw

        def chunk(c, carry):
            r0 = base + c * ch
            pltpu.sync_copy(idx_hbm.at[pl.ds(r0, ch)], idx_v)
            pltpu.async_copy(table_hbm.at[idx_v], rows_v, sem).wait()
            pltpu.sync_copy(rows_v, out_hbm.at[pl.ds(r0, ch)])
            return carry

        lax.fori_loop(0, nch, chunk, 0)

    return k(table, idx)


def _sc_gather2(t1, t2, idx):
    R = idx.shape[0]
    C1 = t1.shape[1]
    C2 = t2.shape[1]
    NW = 32
    rpw = R // NW
    ch = 128 if rpw % 128 == 0 else rpw
    nch = rpw // ch
    mesh = plsc.VectorSubcoreMesh(core_axis_name="c", subcore_axis_name="s")

    @functools.partial(
        pl.kernel,
        mesh=mesh,
        compiler_params=pltpu.CompilerParams(use_tc_tiling_on_sc=False),
        out_type=(jax.ShapeDtypeStruct((R, C1), jnp.float32),
                  jax.ShapeDtypeStruct((R, C2), jnp.float32)),
        scratch_types=[
            pltpu.VMEM((ch,), jnp.int32),
            pltpu.VMEM((ch, C1), jnp.float32),
            pltpu.VMEM((ch, C2), jnp.float32),
            pltpu.SemaphoreType.DMA,
            pltpu.SemaphoreType.DMA,
        ],
    )
    def k(t1_hbm, t2_hbm, idx_hbm, o1_hbm, o2_hbm, idx_v, r1_v, r2_v, s1, s2):
        wid = lax.axis_index("s") * 2 + lax.axis_index("c")
        base = wid * rpw

        def chunk(c, carry):
            r0 = base + c * ch
            pltpu.sync_copy(idx_hbm.at[pl.ds(r0, ch)], idx_v)
            d1 = pltpu.async_copy(t1_hbm.at[idx_v], r1_v, s1)
            d2 = pltpu.async_copy(t2_hbm.at[idx_v], r2_v, s2)
            d1.wait()
            d2.wait()
            pltpu.sync_copy(r1_v, o1_hbm.at[pl.ds(r0, ch)])
            pltpu.sync_copy(r2_v, o2_hbm.at[pl.ds(r0, ch)])
            return carry

        lax.fori_loop(0, nch, chunk, 0)

    return k(t1, t2, idx)



def _sa_tail(gx, gf, q, wxt, b1, layers):
    Q = q.shape[0]
    c1 = wxt.shape[1]
    Qb = min(Q, 256)
    cout = layers[-1][0].shape[1]

    def body(gx_ref, *refs):
        out_ref = refs[-1]
        if gf is None:
            q_ref, wxt_ref, b1_ref = refs[:3]
            wrefs = refs[3:-1]
        else:
            gf_ref, q_ref, wxt_ref, b1_ref = refs[:4]
            wrefs = refs[4:-1]
        gx3 = gx_ref[...].reshape(Qb, _K, 16)[:, :, :3]
        rel = (gx3 - q_ref[...][:, None, :]).reshape(Qb * _K, 3)
        h = _dot(rel, wxt_ref[...]) + b1_ref[...][None, :]
        if gf is not None:
            h = h + gf_ref[...]
        h = jnp.maximum(h * _BN, 0.0)
        for li in range(len(layers)):
            wt = wrefs[2 * li][...]
            b = wrefs[2 * li + 1][...]
            h = jnp.maximum((_dot(h, wt) + b[None, :]) * _BN, 0.0)
        out_ref[...] = jnp.max(h.reshape(Qb, _K, cout), axis=1)

    in_specs = [pl.BlockSpec((Qb * _K, 16), lambda i: (i, 0))]
    args = [gx]
    if gf is not None:
        in_specs.append(pl.BlockSpec((Qb * _K, c1), lambda i: (i, 0)))
        args.append(gf)
    in_specs += [pl.BlockSpec((Qb, 3), lambda i: (i, 0)),
                 pl.BlockSpec(wxt.shape, lambda i: (0, 0)),
                 pl.BlockSpec(b1.shape, lambda i: (0,))]
    args += [q, wxt, b1]
    for (wt, b, _a) in layers:
        in_specs.append(pl.BlockSpec(wt.shape, lambda i: (0, 0)))
        in_specs.append(pl.BlockSpec(b.shape, lambda i: (0,)))
        args += [wt, b]
    return pl.pallas_call(
        body,
        grid=(Q // Qb,),
        in_specs=in_specs,
        out_specs=pl.BlockSpec((Qb, cout), lambda i: (i, 0)),
        out_shape=jax.ShapeDtypeStruct((Q, cout), jnp.float32),
    )(*args)



def _fp_tail(g, w, z1, b1, w1at, layers):
    Q3, ca = g.shape
    Q = Q3 // 3
    Qb = min(Q, 512)
    cm = w1at.shape[1]
    cout = layers[-1][0].shape[1]

    def body(g_ref, w_ref, z_ref, b1_ref, w1a_ref, *refs):
        out_ref = refs[-1]
        g3 = g_ref[...].reshape(Qb, 3, ca)
        interp = jnp.sum(g3 * w_ref[...][:, :, None], axis=1)
        h = _dot(interp, w1a_ref[...]) + z_ref[...] + b1_ref[...][None, :]
        h = jnp.maximum(h * _BN, 0.0)
        for li in range(len(layers)):
            wt = refs[2 * li][...]
            b = refs[2 * li + 1][...]
            h = _dot(h, wt) + b[None, :]
            if layers[li][2]:
                h = jnp.maximum(h * _BN, 0.0)
        out_ref[...] = h

    in_specs = [pl.BlockSpec((Qb * 3, ca), lambda i: (i, 0)),
                pl.BlockSpec((Qb, 3), lambda i: (i, 0)),
                pl.BlockSpec((Qb, cm), lambda i: (i, 0)),
                pl.BlockSpec(b1.shape, lambda i: (0,)),
                pl.BlockSpec(w1at.shape, lambda i: (0, 0))]
    args = [g, w, z1, b1, w1at]
    for (wt, b, _a) in layers:
        in_specs.append(pl.BlockSpec(wt.shape, lambda i: (0, 0)))
        in_specs.append(pl.BlockSpec(b.shape, lambda i: (0,)))
        args += [wt, b]
    return pl.pallas_call(
        body,
        grid=(Q // Qb,),
        in_specs=in_specs,
        out_specs=pl.BlockSpec((Qb, cout), lambda i: (i, 0)),
        out_shape=jax.ShapeDtypeStruct((Q, cout), jnp.float32),
    )(*args)



def _sa_global(xyz3, f, w1xt, w1ft, b1, w2t, b2):
    B, P, C = f.shape
    cmid = w1xt.shape[1]
    cout = w2t.shape[1]

    def body(x_ref, f_ref, wx_ref, wf_ref, b1_ref, w2_ref, b2_ref, out_ref):
        x = x_ref[0]
        rel = x - jnp.mean(x, axis=0, keepdims=True)
        h = _dot(rel, wx_ref[...]) + _dot(f_ref[0], wf_ref[...]) + b1_ref[...][None, :]
        h = jnp.maximum(h * _BN, 0.0)
        h = jnp.maximum((_dot(h, w2_ref[...]) + b2_ref[...][None, :]) * _BN, 0.0)
        out_ref[0, 0] = jnp.max(h, axis=0)

    return pl.pallas_call(
        body,
        grid=(B,),
        in_specs=[
            pl.BlockSpec((1, P, 3), lambda b: (b, 0, 0)),
            pl.BlockSpec((1, P, C), lambda b: (b, 0, 0)),
            pl.BlockSpec(w1xt.shape, lambda b: (0, 0)),
            pl.BlockSpec(w1ft.shape, lambda b: (0, 0)),
            pl.BlockSpec(b1.shape, lambda b: (0,)),
            pl.BlockSpec(w2t.shape, lambda b: (0, 0)),
            pl.BlockSpec(b2.shape, lambda b: (0,)),
        ],
        out_specs=pl.BlockSpec((1, 1, cout), lambda b: (b, 0, 0)),
        out_shape=jax.ShapeDtypeStruct((B, 1, cout), jnp.float32),
    )(xyz3, f, w1xt, w1ft, b1, w2t, b2)[:, 0]



def _fps_indices(B, N, npoint, level):
    skey = jax.random.key(42)
    keys = jax.random.split(jax.random.fold_in(skey, level), B)
    return jax.vmap(lambda k: jax.random.permutation(k, N)[:npoint])(keys)


def _pad16(x):
    B, N, _ = x.shape
    return jnp.concatenate([x, jnp.zeros((B, N, 13), jnp.float32)], axis=-1)


def _sa_level(level, plist, npoint, xyz, feats):
    B, N, _ = xyz.shape
    (w1, b1) = plist[0]
    c1 = w1.shape[0]
    fps = _fps_indices(B, N, npoint, level)
    fps_flat = (fps + jnp.arange(B, dtype=fps.dtype)[:, None] * N).reshape(-1)
    xyz16 = _pad16(xyz).reshape(B * N, 16)
    new_xyz = _sc_gather(xyz16, fps_flat.astype(jnp.int32))[:, :3]
    new_xyz = new_xyz.reshape(B, npoint, 3)

    idx = _knn_kernel(new_xyz, xyz, _K)
    idx_flat = idx.reshape(-1)
    if feats is None:
        gx = _sc_gather(xyz16, idx_flat)
        gf = None
    else:
        yf = _rows_mlp(feats.reshape(B * N, feats.shape[-1]),
                       [(w1[:, 3:].T, None, False)])
        gx, gf = _sc_gather2(xyz16, yf, idx_flat)
    layers = [(w.T, b, True) for (w, b) in plist[1:]]
    nf = _sa_tail(gx, gf, new_xyz.reshape(B * npoint, 3), w1[:, :3].T, b1,
                  layers)
    return new_xyz, nf.reshape(B, npoint, -1)


def _fp_level(plist, xyz1, xyz2, f1, f2, extra_layers=()):
    B, N, _ = xyz1.shape
    S = xyz2.shape[1]
    (w1, b1) = plist[0]
    ca = f2.shape[-1]
    idx, w = _knn_kernel(xyz1, xyz2, 3, with_weights=True)
    z1 = _rows_mlp(f1.reshape(B * N, f1.shape[-1]),
                   [(w1[:, ca:].T, None, False)])
    g = _sc_gather(f2.reshape(B * S, ca), idx.reshape(-1))
    layers = [(wb[0].T, wb[1], True) for wb in plist[1:]] + list(extra_layers)
    out = _fp_tail(g, w.reshape(B * N, 3), z1, b1, w1[:, :ca].T, layers)
    return out.reshape(B, N, -1)


def kernel(xyz, params):
    B, N, _ = xyz.shape
    l1_xyz, l1_f = _sa_level(1, params['sa1'], _NPOINTS[0], xyz, None)
    l2_xyz, l2_f = _sa_level(2, params['sa2'], _NPOINTS[1], l1_xyz, l1_f)
    l3_xyz, l3_f = _sa_level(3, params['sa3'], _NPOINTS[2], l2_xyz, l2_f)

    (w1, b1), (w2, b2) = params['sa4']
    l4_f = _sa_global(l3_xyz, l3_f, w1[:, :3].T, w1[:, 3:].T, b1, w2.T, b2)

    P3 = l3_f.shape[1]
    cat = jnp.concatenate(
        [jnp.broadcast_to(l4_f[:, None, :], (B, P3, l4_f.shape[-1])), l3_f],
        axis=-1)
    fp4_layers = [(w.T, b, True) for (w, b) in params['fp4']]
    l3_f = _rows_mlp(cat.reshape(B * P3, cat.shape[-1]),
                     fp4_layers).reshape(B, P3, -1)

    l2_f = _fp_level(params['fp3'], l2_xyz, l3_xyz, l2_f, l3_f)
    l1_f = _fp_level(params['fp2'], l1_xyz, l2_xyz, l1_f, l2_f)

    head = params['head']
    extra = [(head[0][0].T, head[0][1], True), (head[1][0].T, head[1][1], False)]
    out = _fp_level(params['fp1'], xyz, l1_xyz, xyz, l1_f, extra_layers=extra)
    return out

# --- scband reference (transcript-rebuilt; emitter-appended) ---
"""Pipeline reference for scband-point-net2-segmentation-1211180777514 (READ-ONLY COPY).

The authoritative reference and input builder live on the scoring server;
editing this copy changes nothing except your own understanding.
"""

import jax, jax.numpy as jnp
import numpy as np

BN_SCALE = 1.0 / np.sqrt(1.0 + 1e-5)
SA_NPOINTS = [1024, 256, 64]
SA_NSAMPLES = [32, 32, 32]

def _mlp_params(key, channels):
    ps = []
    for i in range(len(channels) - 1):
        key, k = jax.random.split(key)
        W = jax.random.normal(k, (channels[i + 1], channels[i]), jnp.float32) * np.sqrt(2.0 / channels[i])
        b = jnp.zeros((channels[i + 1],), jnp.float32)
        ps.append((W, b))
    return ps

def setup_inputs(seed: int = 0):
    key = jax.random.key(seed)
    kx, kp = jax.random.split(key)
    xyz = jax.random.normal(kx, (4, 8192, 3), jnp.float32)
    ks = jax.random.split(kp, 10)
    params = {
        'sa1': _mlp_params(ks[0], [3, 32, 32, 64]),
        'sa2': _mlp_params(ks[1], [67, 64, 64, 128]),
        'sa3': _mlp_params(ks[2], [131, 128, 128, 256]),
        'sa4': _mlp_params(ks[3], [259, 256, 512]),
        'fp4': _mlp_params(ks[4], [768, 256, 256]),
        'fp3': _mlp_params(ks[5], [384, 256, 128]),
        'fp2': _mlp_params(ks[6], [192, 128, 128]),
        'fp1': _mlp_params(ks[7], [131, 128, 128]),
        'head': _mlp_params(ks[8], [128, 128]) + _mlp_params(ks[9], [128, 2]),
    }
    return {'xyz': xyz, 'params': params}

def _shared_mlp(plist, x):
    for (W, b) in plist:
        x = jnp.einsum('oc,bcl->bol', W, x) + b[None, :, None]
        x = jax.nn.relu(x * BN_SCALE)
    return x

def _index_points(points, idx):
    return jax.vmap(lambda p, i: p[i])(points, idx)

def _square_distance(src, dst):
    s2 = jnp.sum(src * src, -1)
    d2 = jnp.sum(dst * dst, -1)
    cross = jnp.einsum('bnc,bmc->bnm', src, dst)
    return jnp.maximum(s2[:, :, None] + d2[:, None, :] - 2.0 * cross, 0.0)

def _knn(xyz, new_xyz, k):
    dist = _square_distance(new_xyz, xyz)
    negd, idx = jax.lax.top_k(-dist, k)
    return -negd, idx

def _random_sample(key, B, N, npoint):
    keys = jax.random.split(key, B)
    return jax.vmap(lambda k: jax.random.permutation(k, N)[:npoint])(keys)

def _set_abstraction(key, plist, npoint, nsample, xyz, features):
    B, N, _ = xyz.shape
    fps_idx = _random_sample(key, B, N, npoint)
    new_xyz = _index_points(xyz, fps_idx)
    _, idx = _knn(xyz, new_xyz, nsample)
    grouped_xyz = _index_points(xyz, idx) - new_xyz[:, :, None, :]
    if features is not None:
        grouped = jnp.concatenate([grouped_xyz, _index_points(features, idx)], -1)
    else:
        grouped = grouped_xyz
    g = grouped.reshape(B * npoint, nsample, -1).transpose(0, 2, 1)
    g = _shared_mlp(plist, g)
    new_features = jnp.max(g, axis=-1).reshape(B, npoint, -1)
    return new_xyz, new_features

def _set_abstraction_all(plist, xyz, features):
    new_xyz = jnp.mean(xyz, axis=1, keepdims=True)
    rel = xyz - new_xyz
    grouped = jnp.concatenate([rel, features], -1) if features is not None else rel
    g = _shared_mlp(plist, grouped.transpose(0, 2, 1))
    new_features = jnp.max(g, axis=-1)[:, None, :]
    return new_xyz, new_features

def _feature_propagation(plist, xyz1, xyz2, f1, f2):
    B, N, _ = xyz1.shape
    S = xyz2.shape[1]
    if S == 1:
        interpolated = jnp.repeat(f2, N, axis=1)
    else:
        d, idx = _knn(xyz2, xyz1, 3)
        recip = 1.0 / (d + 1e-8)
        w = recip / jnp.sum(recip, -1, keepdims=True)
        interpolated = jnp.sum(_index_points(f2, idx) * w[..., None], axis=2)
    cat = jnp.concatenate([interpolated, f1], -1) if f1 is not None else interpolated
    x = _shared_mlp(plist, cat.transpose(0, 2, 1))
    return x.transpose(0, 2, 1)

def _head(plist, x):
    h = x.transpose(0, 2, 1)
    n = len(plist)
    for li, (W, b) in enumerate(plist):
        h = jnp.einsum('oc,bcl->bol', W, h) + b[None, :, None]
        if li < n - 1:
            h = jax.nn.relu(h * BN_SCALE)
    return h.transpose(0, 2, 1)

def _forward(xyz, params):
    skey = jax.random.key(42)
    l1_xyz, l1_f = _set_abstraction(jax.random.fold_in(skey, 1), params['sa1'], SA_NPOINTS[0], SA_NSAMPLES[0], xyz, None)
    l2_xyz, l2_f = _set_abstraction(jax.random.fold_in(skey, 2), params['sa2'], SA_NPOINTS[1], SA_NSAMPLES[1], l1_xyz, l1_f)
    l3_xyz, l3_f = _set_abstraction(jax.random.fold_in(skey, 3), params['sa3'], SA_NPOINTS[2], SA_NSAMPLES[2], l2_xyz, l2_f)
    l4_xyz, l4_f = _set_abstraction_all(params['sa4'], l3_xyz, l3_f)
    l3_f = _feature_propagation(params['fp4'], l3_xyz, l4_xyz, l3_f, l4_f)
    l2_f = _feature_propagation(params['fp3'], l2_xyz, l3_xyz, l2_f, l3_f)
    l1_f = _feature_propagation(params['fp2'], l1_xyz, l2_xyz, l1_f, l2_f)
    l0_f = _feature_propagation(params['fp1'], xyz, l1_xyz, xyz, l1_f)
    return _head(params['head'], l0_f)

def reference(xyz, params):
    return _forward(xyz, params)

if __name__ == "__main__":
    import jax
    _d = setup_inputs()
    print(jax.jit(kernel)(*tuple(_d.values())))

</pallas_src>

<mosaic_0001>
#map = affine_map<(d0, d1) -> (0, 0)>
#map1 = affine_map<(d0, d1) -> (0)>
module attributes {stable_mosaic.version = 14 : i64} {
  func.func @k(%arg0: i32, %arg1: i32, %arg2: memref<32768x16xf32, #tpu.memory_space<hbm>>, %arg3: memref<131072xi32, #tpu.memory_space<hbm>>, %arg4: memref<131072x16xf32, #tpu.memory_space<hbm>>, %arg5: memref<128xi32, #tpu.memory_space<vmem>>, %arg6: memref<128x16xf32, #tpu.memory_space<vmem>>, %arg7: memref<!tpu.dma_semaphore, #tpu.memory_space<semaphore_mem>>) attributes {dimension_semantics = [#tpu.dimension_semantics<core_parallel>, #tpu.dimension_semantics<subcore_parallel>], iteration_bounds = array<i64: 2, 16>, scalar_prefetch = 0 : i64, scratch_operands = 3 : i64, tpu.core_type = #tpu.core_type<sc_vector_subcore>, window_params = [{transform_indices = #map}, {transform_indices = #map1}, {transform_indices = #map}]} {
    %mul3A = arith.constant 2 : i32
    %mul3A_0 = arith.muli %arg1, %mul3A : i32
    %add3A = arith.addi %mul3A_0, %arg0 : i32
    %mul3A_1 = arith.constant 4096 : i32
    %mul3A_2 = arith.muli %add3A, %mul3A_1 : i32
    %scan3A = arith.constant 0 : i32
    %scan3A_3 = arith.constant 0 : i32
    %scan3A_4 = arith.constant 32 : i32
    %scan3A_5 = arith.addi %scan3A_3, %scan3A_4 : i32
    %scan3A_6 = arith.constant 1 : i32
    scf.for %scan3A_8 = %scan3A_3 to %scan3A_5 step %scan3A_6  : i32 {
      %mul3A_9 = arith.constant 128 : i32
      %mul3A_10 = arith.muli %scan3A_8, %mul3A_9 : i32
      %add3A_11 = arith.addi %mul3A_2, %mul3A_10 : i32
      "tpu.region"() ({
        %run_scoped3A = tpu.sem_alloc : memref<!tpu.dma_semaphore, #tpu.memory_space<semaphore_mem>>
        %dma_start3A_16 = tpu.memref_slice %arg3[%add3A_11] : memref<131072xi32, #tpu.memory_space<hbm>> -> memref<128xi32, #tpu.memory_space<hbm>>
        %dma_start3A_17 = tpu.memref_slice %arg3[%add3A_11] : memref<131072xi32, #tpu.memory_space<hbm>> -> memref<128xi32, #tpu.memory_space<hbm>>
        tpu.enqueue_dma source(%dma_start3A_17 : memref<128xi32, #tpu.memory_space<hbm>>) target(%arg5 : memref<128xi32, #tpu.memory_space<vmem>>) target_semaphore(%run_scoped3A : memref<!tpu.dma_semaphore, #tpu.memory_space<semaphore_mem>>)
        %dma_wait3A_18 = tpu.memref_slice %arg3[%add3A_11] : memref<131072xi32, #tpu.memory_space<hbm>> -> memref<128xi32, #tpu.memory_space<hbm>>
        %dma_wait3A_19 = tpu.memref_slice %arg3[%add3A_11] : memref<131072xi32, #tpu.memory_space<hbm>> -> memref<128xi32, #tpu.memory_space<hbm>>
        tpu.wait_dma2 semaphore(%run_scoped3A : memref<!tpu.dma_semaphore, #tpu.memory_space<semaphore_mem>>) src(%dma_wait3A_19 : memref<128xi32, #tpu.memory_space<hbm>>) dst(%arg5 : memref<128xi32, #tpu.memory_space<vmem>>)
        tpu.yield
      }) : () -> ()
      %dma_start3A = arith.constant 0 : i32
      %dma_start3A_12 = arith.constant 0 : i32
      %dma_start3A_13 = tpu.memref_slice %arg2[%dma_start3A, %dma_start3A_12] : memref<32768x16xf32, #tpu.memory_space<hbm>> -> memref<32768x16xf32, #tpu.memory_space<hbm>>
      tpu.enqueue_indirect_dma source(%dma_start3A_13 : memref<32768x16xf32, #tpu.memory_space<hbm>>) target(%arg6 : memref<128x16xf32, #tpu.memory_space<vmem>>) offsets(%arg5 : memref<128xi32, #tpu.memory_space<vmem>>) semaphore(%arg7 : memref<!tpu.dma_semaphore, #tpu.memory_space<semaphore_mem>>)
      %dma_wait3A = arith.constant 0 : i32
      %dma_wait3A_14 = arith.constant 0 : i32
      %dma_wait3A_15 = tpu.memref_slice %arg2[%dma_wait3A, %dma_wait3A_14] : memref<32768x16xf32, #tpu.memory_space<hbm>> -> memref<32768x16xf32, #tpu.memory_space<hbm>>
      tpu.wait_indirect_dma semaphore(%arg7 : memref<!tpu.dma_semaphore, #tpu.memory_space<semaphore_mem>>) src(%dma_wait3A_15 : memref<32768x16xf32, #tpu.memory_space<hbm>>) dst(%arg6 : memref<128x16xf32, #tpu.memory_space<vmem>>)
      "tpu.region"() ({
        %run_scoped3A = tpu.sem_alloc : memref<!tpu.dma_semaphore, #tpu.memory_space<semaphore_mem>>
        %dma_start3A_16 = arith.constant 0 : i32
        %dma_start3A_17 = tpu.memref_slice %arg4[%add3A_11, %dma_start3A_16] : memref<131072x16xf32, #tpu.memory_space<hbm>> -> memref<128x16xf32, #tpu.memory_space<hbm>>
        %dma_start3A_18 = arith.constant 0 : i32
        %dma_start3A_19 = tpu.memref_slice %arg4[%add3A_11, %dma_start3A_18] : memref<131072x16xf32, #tpu.memory_space<hbm>> -> memref<128x16xf32, #tpu.memory_space<hbm>>
        tpu.enqueue_dma source(%arg6 : memref<128x16xf32, #tpu.memory_space<vmem>>) target(%dma_start3A_19 : memref<128x16xf32, #tpu.memory_space<hbm>>) target_semaphore(%run_scoped3A : memref<!tpu.dma_semaphore, #tpu.memory_space<semaphore_mem>>)
        %dma_wait3A_20 = arith.constant 0 : i32
        %dma_wait3A_21 = tpu.memref_slice %arg4[%add3A_11, %dma_wait3A_20] : memref<131072x16xf32, #tpu.memory_space<hbm>> -> memref<128x16xf32, #tpu.memory_space<hbm>>
        %dma_wait3A_22 = arith.constant 0 : i32
        %dma_wait3A_23 = tpu.memref_slice %arg4[%add3A_11, %dma_wait3A_22] : memref<131072x16xf32, #tpu.memory_space<hbm>> -> memref<128x16xf32, #tpu.memory_space<hbm>>
        tpu.wait_dma2 semaphore(%run_scoped3A : memref<!tpu.dma_semaphore, #tpu.memory_space<semaphore_mem>>) src(%arg6 : memref<128x16xf32, #tpu.memory_space<vmem>>) dst(%dma_wait3A_23 : memref<128x16xf32, #tpu.memory_space<hbm>>)
        tpu.yield
      }) : () -> ()
    }
    %scan3A_7 = arith.constant 32 : i32
    return
  }
}

#map = affine_map<(d0, d1) -> (0, 0)>
#map1 = affine_map<(d0, d1) -> (0)>
module attributes {stable_mosaic.version = 14 : i64} {
  func.func @k(%arg0: i32, %arg1: i32, %arg2: memref<4096x16xf32, #tpu.memory_space<hbm>>, %arg3: memref<1024xi32, #tpu.memory_space<hbm>>, %arg4: memref<1024x16xf32, #tpu.memory_space<hbm>>, %arg5: memref<32xi32, #tpu.memory_space<vmem>>, %arg6: memref<32x16xf32, #tpu.memory_space<vmem>>, %arg7: memref<!tpu.dma_semaphore, #tpu.memory_space<semaphore_mem>>) attributes {dimension_semantics = [#tpu.dimension_semantics<core_parallel>, #tpu.dimension_semantics<subcore_parallel>], iteration_bounds = array<i64: 2, 16>, scalar_prefetch = 0 : i64, scratch_operands = 3 : i64, tpu.core_type = #tpu.core_type<sc_vector_subcore>, window_params = [{transform_indices = #map}, {transform_indices = #map1}, {transform_indices = #map}]} {
    %mul3A = arith.constant 2 : i32
    %mul3A_0 = arith.muli %arg1, %mul3A : i32
    %add3A = arith.addi %mul3A_0, %arg0 : i32
    %mul3A_1 = arith.constant 32 : i32
    %mul3A_2 = arith.muli %add3A, %mul3A_1 : i32
    %scan3A = arith.constant 0 : i32
    %scan3A_3 = arith.constant 0 : i32
    %mul3A_4 = arith.constant 32 : i32
    %mul3A_5 = arith.muli %scan3A_3, %mul3A_4 : i32
    %add3A_6 = arith.addi %mul3A_2, %mul3A_5 : i32
    "tpu.region"() ({
      %run_scoped3A = tpu.sem_alloc : memref<!tpu.dma_semaphore, #tpu.memory_space<semaphore_mem>>
      %dma_start3A_12 = tpu.memref_slice %arg3[%add3A_6] : memref<1024xi32, #tpu.memory_space<hbm>> -> memref<32xi32, #tpu.memory_space<hbm>>
      %dma_start3A_13 = tpu.memref_slice %arg3[%add3A_6] : memref<1024xi32, #tpu.memory_space<hbm>> -> memref<32xi32, #tpu.memory_space<hbm>>
      tpu.enqueue_dma source(%dma_start3A_13 : memref<32xi32, #tpu.memory_space<hbm>>) target(%arg5 : memref<32xi32, #tpu.memory_space<vmem>>) target_semaphore(%run_scoped3A : memref<!tpu.dma_semaphore, #tpu.memory_space<semaphore_mem>>)
      %dma_wait3A_14 = tpu.memref_slice %arg3[%add3A_6] : memref<1024xi32, #tpu.memory_space<hbm>> -> memref<32xi32, #tpu.memory_space<hbm>>
      %dma_wait3A_15 = tpu.memref_slice %arg3[%add3A_6] : memref<1024xi32, #tpu.memory_space<hbm>> -> memref<32xi32, #tpu.memory_space<hbm>>
      tpu.wait_dma2 semaphore(%run_scoped3A : memref<!tpu.dma_semaphore, #tpu.memory_space<semaphore_mem>>) src(%dma_wait3A_15 : memref<32xi32, #tpu.memory_space<hbm>>) dst(%arg5 : memref<32xi32, #tpu.memory_space<vmem>>)
      tpu.yield
    }) : () -> ()
    %dma_start3A = arith.constant 0 : i32
    %dma_start3A_7 = arith.constant 0 : i32
    %dma_start3A_8 = tpu.memref_slice %arg2[%dma_start3A, %dma_start3A_7] : memref<4096x16xf32, #tpu.memory_space<hbm>> -> memref<4096x16xf32, #tpu.memory_space<hbm>>
    tpu.enqueue_indirect_dma source(%dma_start3A_8 : memref<4096x16xf32, #tpu.memory_space<hbm>>) target(%arg6 : memref<32x16xf32, #tpu.memory_space<vmem>>) offsets(%arg5 : memref<32xi32, #tpu.memory_space<vmem>>) semaphore(%arg7 : memref<!tpu.dma_semaphore, #tpu.memory_space<semaphore_mem>>)
    %dma_wait3A = arith.constant 0 : i32
    %dma_wait3A_9 = arith.constant 0 : i32
    %dma_wait3A_10 = tpu.memref_slice %arg2[%dma_wait3A, %dma_wait3A_9] : memref<4096x16xf32, #tpu.memory_space<hbm>> -> memref<4096x16xf32, #tpu.memory_space<hbm>>
    tpu.wait_indirect_dma semaphore(%arg7 : memref<!tpu.dma_semaphore, #tpu.memory_space<semaphore_mem>>) src(%dma_wait3A_10 : memref<4096x16xf32, #tpu.memory_space<hbm>>) dst(%arg6 : memref<32x16xf32, #tpu.memory_space<vmem>>)
    "tpu.region"() ({
      %run_scoped3A = tpu.sem_alloc : memref<!tpu.dma_semaphore, #tpu.memory_space<semaphore_mem>>
      %dma_start3A_12 = arith.constant 0 : i32
      %dma_start3A_13 = tpu.memref_slice %arg4[%add3A_6, %dma_start3A_12] : memref<1024x16xf32, #tpu.memory_space<hbm>> -> memref<32x16xf32, #tpu.memory_space<hbm>>
      %dma_start3A_14 = arith.constant 0 : i32
      %dma_start3A_15 = tpu.memref_slice %arg4[%add3A_6, %dma_start3A_14] : memref<1024x16xf32, #tpu.memory_space<hbm>> -> memref<32x16xf32, #tpu.memory_space<hbm>>
      tpu.enqueue_dma source(%arg6 : memref<32x16xf32, #tpu.memory_space<vmem>>) target(%dma_start3A_15 : memref<32x16xf32, #tpu.memory_space<hbm>>) target_semaphore(%run_scoped3A : memref<!tpu.dma_semaphore, #tpu.memory_space<semaphore_mem>>)
      %dma_wait3A_16 = arith.constant 0 : i32
      %dma_wait3A_17 = tpu.memref_slice %arg4[%add3A_6, %dma_wait3A_16] : memref<1024x16xf32, #tpu.memory_space<hbm>> -> memref<32x16xf32, #tpu.memory_space<hbm>>
      %dma_wait3A_18 = arith.constant 0 : i32
      %dma_wait3A_19 = tpu.memref_slice %arg4[%add3A_6, %dma_wait3A_18] : memref<1024x16xf32, #tpu.memory_space<hbm>> -> memref<32x16xf32, #tpu.memory_space<hbm>>
      tpu.wait_dma2 semaphore(%run_scoped3A : memref<!tpu.dma_semaphore, #tpu.memory_space<semaphore_mem>>) src(%arg6 : memref<32x16xf32, #tpu.memory_space<vmem>>) dst(%dma_wait3A_19 : memref<32x16xf32, #tpu.memory_space<hbm>>)
      tpu.yield
    }) : () -> ()
    %scan3A_11 = arith.constant 1 : i32
    return
  }
}

#map = affine_map<(d0, d1) -> (0, 0)>
#map1 = affine_map<(d0, d1) -> (0)>
module attributes {stable_mosaic.version = 14 : i64} {
  func.func @k(%arg0: i32, %arg1: i32, %arg2: memref<32768x16xf32, #tpu.memory_space<hbm>>, %arg3: memref<4096xi32, #tpu.memory_space<hbm>>, %arg4: memref<4096x16xf32, #tpu.memory_space<hbm>>, %arg5: memref<128xi32, #tpu.memory_space<vmem>>, %arg6: memref<128x16xf32, #tpu.memory_space<vmem>>, %arg7: memref<!tpu.dma_semaphore, #tpu.memory_space<semaphore_mem>>) attributes {dimension_semantics = [#tpu.dimension_semantics<core_parallel>, #tpu.dimension_semantics<subcore_parallel>], iteration_bounds = array<i64: 2, 16>, scalar_prefetch = 0 : i64, scratch_operands = 3 : i64, tpu.core_type = #tpu.core_type<sc_vector_subcore>, window_params = [{transform_indices = #map}, {transform_indices = #map1}, {transform_indices = #map}]} {
    %mul3A = arith.constant 2 : i32
    %mul3A_0 = arith.muli %arg1, %mul3A : i32
    %add3A = arith.addi %mul3A_0, %arg0 : i32
    %mul3A_1 = arith.constant 128 : i32
    %mul3A_2 = arith.muli %add3A, %mul3A_1 : i32
    %scan3A = arith.constant 0 : i32
    %scan3A_3 = arith.constant 0 : i32
    %mul3A_4 = arith.constant 128 : i32
    %mul3A_5 = arith.muli %scan3A_3, %mul3A_4 : i32
    %add3A_6 = arith.addi %mul3A_2, %mul3A_5 : i32
    "tpu.region"() ({
      %run_scoped3A = tpu.sem_alloc : memref<!tpu.dma_semaphore, #tpu.memory_space<semaphore_mem>>
      %dma_start3A_12 = tpu.memref_slice %arg3[%add3A_6] : memref<4096xi32, #tpu.memory_space<hbm>> -> memref<128xi32, #tpu.memory_space<hbm>>
      %dma_start3A_13 = tpu.memref_slice %arg3[%add3A_6] : memref<4096xi32, #tpu.memory_space<hbm>> -> memref<128xi32, #tpu.memory_space<hbm>>
      tpu.enqueue_dma source(%dma_start3A_13 : memref<128xi32, #tpu.memory_space<hbm>>) target(%arg5 : memref<128xi32, #tpu.memory_space<vmem>>) target_semaphore(%run_scoped3A : memref<!tpu.dma_semaphore, #tpu.memory_space<semaphore_mem>>)
      %dma_wait3A_14 = tpu.memref_slice %arg3[%add3A_6] : memref<4096xi32, #tpu.memory_space<hbm>> -> memref<128xi32, #tpu.memory_space<hbm>>
      %dma_wait3A_15 = tpu.memref_slice %arg3[%add3A_6] : memref<4096xi32, #tpu.memory_space<hbm>> -> memref<128xi32, #tpu.memory_space<hbm>>
      tpu.wait_dma2 semaphore(%run_scoped3A : memref<!tpu.dma_semaphore, #tpu.memory_space<semaphore_mem>>) src(%dma_wait3A_15 : memref<128xi32, #tpu.memory_space<hbm>>) dst(%arg5 : memref<128xi32, #tpu.memory_space<vmem>>)
      tpu.yield
    }) : () -> ()
    %dma_start3A = arith.constant 0 : i32
    %dma_start3A_7 = arith.constant 0 : i32
    %dma_start3A_8 = tpu.memref_slice %arg2[%dma_start3A, %dma_start3A_7] : memref<32768x16xf32, #tpu.memory_space<hbm>> -> memref<32768x16xf32, #tpu.memory_space<hbm>>
    tpu.enqueue_indirect_dma source(%dma_start3A_8 : memref<32768x16xf32, #tpu.memory_space<hbm>>) target(%arg6 : memref<128x16xf32, #tpu.memory_space<vmem>>) offsets(%arg5 : memref<128xi32, #tpu.memory_space<vmem>>) semaphore(%arg7 : memref<!tpu.dma_semaphore, #tpu.memory_space<semaphore_mem>>)
    %dma_wait3A = arith.constant 0 : i32
    %dma_wait3A_9 = arith.constant 0 : i32
    %dma_wait3A_10 = tpu.memref_slice %arg2[%dma_wait3A, %dma_wait3A_9] : memref<32768x16xf32, #tpu.memory_space<hbm>> -> memref<32768x16xf32, #tpu.memory_space<hbm>>
    tpu.wait_indirect_dma semaphore(%arg7 : memref<!tpu.dma_semaphore, #tpu.memory_space<semaphore_mem>>) src(%dma_wait3A_10 : memref<32768x16xf32, #tpu.memory_space<hbm>>) dst(%arg6 : memref<128x16xf32, #tpu.memory_space<vmem>>)
    "tpu.region"() ({
      %run_scoped3A = tpu.sem_alloc : memref<!tpu.dma_semaphore, #tpu.memory_space<semaphore_mem>>
      %dma_start3A_12 = arith.constant 0 : i32
      %dma_start3A_13 = tpu.memref_slice %arg4[%add3A_6, %dma_start3A_12] : memref<4096x16xf32, #tpu.memory_space<hbm>> -> memref<128x16xf32, #tpu.memory_space<hbm>>
      %dma_start3A_14 = arith.constant 0 : i32
      %dma_start3A_15 = tpu.memref_slice %arg4[%add3A_6, %dma_start3A_14] : memref<4096x16xf32, #tpu.memory_space<hbm>> -> memref<128x16xf32, #tpu.memory_space<hbm>>
      tpu.enqueue_dma source(%arg6 : memref<128x16xf32, #tpu.memory_space<vmem>>) target(%dma_start3A_15 : memref<128x16xf32, #tpu.memory_space<hbm>>) target_semaphore(%run_scoped3A : memref<!tpu.dma_semaphore, #tpu.memory_space<semaphore_mem>>)
      %dma_wait3A_16 = arith.constant 0 : i32
      %dma_wait3A_17 = tpu.memref_slice %arg4[%add3A_6, %dma_wait3A_16] : memref<4096x16xf32, #tpu.memory_space<hbm>> -> memref<128x16xf32, #tpu.memory_space<hbm>>
      %dma_wait3A_18 = arith.constant 0 : i32
      %dma_wait3A_19 = tpu.memref_slice %arg4[%add3A_6, %dma_wait3A_18] : memref<4096x16xf32, #tpu.memory_space<hbm>> -> memref<128x16xf32, #tpu.memory_space<hbm>>
      tpu.wait_dma2 semaphore(%run_scoped3A : memref<!tpu.dma_semaphore, #tpu.memory_space<semaphore_mem>>) src(%arg6 : memref<128x16xf32, #tpu.memory_space<vmem>>) dst(%dma_wait3A_19 : memref<128x16xf32, #tpu.memory_space<hbm>>)
      tpu.yield
    }) : () -> ()
    %scan3A_11 = arith.constant 1 : i32
    return
  }
}

#map = affine_map<(d0, d1) -> (0, 0)>
#map1 = affine_map<(d0, d1) -> (0)>
module attributes {stable_mosaic.version = 14 : i64} {
  func.func @k(%arg0: i32, %arg1: i32, %arg2: memref<4096x16xf32, #tpu.memory_space<hbm>>, %arg3: memref<4096x64xf32, #tpu.memory_space<hbm>>, %arg4: memref<32768xi32, #tpu.memory_space<hbm>>, %arg5: memref<32768x16xf32, #tpu.memory_space<hbm>>, %arg6: memref<32768x64xf32, #tpu.memory_space<hbm>>, %arg7: memref<128xi32, #tpu.memory_space<vmem>>, %arg8: memref<128x16xf32, #tpu.memory_space<vmem>>, %arg9: memref<128x64xf32, #tpu.memory_space<vmem>>, %arg10: memref<!tpu.dma_semaphore, #tpu.memory_space<semaphore_mem>>, %arg11: memref<!tpu.dma_semaphore, #tpu.memory_space<semaphore_mem>>) attributes {dimension_semantics = [#tpu.dimension_semantics<core_parallel>, #tpu.dimension_semantics<subcore_parallel>], iteration_bounds = array<i64: 2, 16>, scalar_prefetch = 0 : i64, scratch_operands = 5 : i64, tpu.core_type = #tpu.core_type<sc_vector_subcore>, window_params = [{transform_indices = #map}, {transform_indices = #map}, {transform_indices = #map1}, {transform_indices = #map}, {transform_indices = #map}]} {
    %mul3A = arith.constant 2 : i32
    %mul3A_0 = arith.muli %arg1, %mul3A : i32
    %add3A = arith.addi %mul3A_0, %arg0 : i32
    %mul3A_1 = arith.constant 1024 : i32
    %mul3A_2 = arith.muli %add3A, %mul3A_1 : i32
    %scan3A = arith.constant 0 : i32
    %scan3A_3 = arith.constant 0 : i32
    %scan3A_4 = arith.constant 8 : i32
    %scan3A_5 = arith.addi %scan3A_3, %scan3A_4 : i32
    %scan3A_6 = arith.constant 1 : i32
    scf.for %scan3A_8 = %scan3A_3 to %scan3A_5 step %scan3A_6  : i32 {
      %mul3A_9 = arith.constant 128 : i32
      %mul3A_10 = arith.muli %scan3A_8, %mul3A_9 : i32
      %add3A_11 = arith.addi %mul3A_2, %mul3A_10 : i32
      "tpu.region"() ({
        %run_scoped3A = tpu.sem_alloc : memref<!tpu.dma_semaphore, #tpu.memory_space<semaphore_mem>>
        %dma_start3A_22 = tpu.memref_slice %arg4[%add3A_11] : memref<32768xi32, #tpu.memory_space<hbm>> -> memref<128xi32, #tpu.memory_space<hbm>>
        %dma_start3A_23 = tpu.memref_slice %arg4[%add3A_11] : memref<32768xi32, #tpu.memory_space<hbm>> -> memref<128xi32, #tpu.memory_space<hbm>>
        tpu.enqueue_dma source(%dma_start3A_23 : memref<128xi32, #tpu.memory_space<hbm>>) target(%arg7 : memref<128xi32, #tpu.memory_space<vmem>>) target_semaphore(%run_scoped3A : memref<!tpu.dma_semaphore, #tpu.memory_space<semaphore_mem>>)
        %dma_wait3A_24 = tpu.memref_slice %arg4[%add3A_11] : memref<32768xi32, #tpu.memory_space<hbm>> -> memref<128xi32, #tpu.memory_space<hbm>>
        %dma_wait3A_25 = tpu.memref_slice %arg4[%add3A_11] : memref<32768xi32, #tpu.memory_space<hbm>> -> memref<128xi32, #tpu.memory_space<hbm>>
        tpu.wait_dma2 semaphore(%run_scoped3A : memref<!tpu.dma_semaphore, #tpu.memory_space<semaphore_mem>>) src(%dma_wait3A_25 : memref<128xi32, #tpu.memory_space<hbm>>) dst(%arg7 : memref<128xi32, #tpu.memory_space<vmem>>)
        tpu.yield
      }) : () -> ()
      %dma_start3A = arith.constant 0 : i32
      %dma_start3A_12 = arith.constant 0 : i32
      %dma_start3A_13 = tpu.memref_slice %arg2[%dma_start3A, %dma_start3A_12] : memref<4096x16xf32, #tpu.memory_space<hbm>> -> memref<4096x16xf32, #tpu.memory_space<hbm>>
      tpu.enqueue_indirect_dma source(%dma_start3A_13 : memref<4096x16xf32, #tpu.memory_space<hbm>>) target(%arg8 : memref<128x16xf32, #tpu.memory_space<vmem>>) offsets(%arg7 : memref<128xi32, #tpu.memory_space<vmem>>) semaphore(%arg10 : memref<!tpu.dma_semaphore, #tpu.memory_space<semaphore_mem>>)
      %dma_start3A_14 = arith.constant 0 : i32
      %dma_start3A_15 = arith.constant 0 : i32
      %dma_start3A_16 = tpu.memref_slice %arg3[%dma_start3A_14, %dma_start3A_15] : memref<4096x64xf32, #tpu.memory_space<hbm>> -> memref<4096x64xf32, #tpu.memory_space<hbm>>
      tpu.enqueue_indirect_dma source(%dma_start3A_16 : memref<4096x64xf32, #tpu.memory_space<hbm>>) target(%arg9 : memref<128x64xf32, #tpu.memory_space<vmem>>) offsets(%arg7 : memref<128xi32, #tpu.memory_space<vmem>>) semaphore(%arg11 : memref<!tpu.dma_semaphore, #tpu.memory_space<semaphore_mem>>)
      %dma_wait3A = arith.constant 0 : i32
      %dma_wait3A_17 = arith.constant 0 : i32
      %dma_wait3A_18 = tpu.memref_slice %arg2[%dma_wait3A, %dma_wait3A_17] : memref<4096x16xf32, #tpu.memory_space<hbm>> -> memref<4096x16xf32, #tpu.memory_space<hbm>>
      tpu.wait_indirect_dma semaphore(%arg10 : memref<!tpu.dma_semaphore, #tpu.memory_space<semaphore_mem>>) src(%dma_wait3A_18 : memref<4096x16xf32, #tpu.memory_space<hbm>>) dst(%arg8 : memref<128x16xf32, #tpu.memory_space<vmem>>)
      %dma_wait3A_19 = arith.constant 0 : i32
      %dma_wait3A_20 = arith.constant 0 : i32
      %dma_wait3A_21 = tpu.memref_slice %arg3[%dma_wait3A_19, %dma_wait3A_20] : memref<4096x64xf32, #tpu.memory_space<hbm>> -> memref<4096x64xf32, #tpu.memory_space<hbm>>
      tpu.wait_indirect_dma semaphore(%arg11 : memref<!tpu.dma_semaphore, #tpu.memory_space<semaphore_mem>>) src(%dma_wait3A_21 : memref<4096x64xf32, #tpu.memory_space<hbm>>) dst(%arg9 : memref<128x64xf32, #tpu.memory_space<vmem>>)
      "tpu.region"() ({
        %run_scoped3A = tpu.sem_alloc : memref<!tpu.dma_semaphore, #tpu.memory_space<semaphore_mem>>
        %dma_start3A_22 = arith.constant 0 : i32
        %dma_start3A_23 = tpu.memref_slice %arg5[%add3A_11, %dma_start3A_22] : memref<32768x16xf32, #tpu.memory_space<hbm>> -> memref<128x16xf32, #tpu.memory_space<hbm>>
        %dma_start3A_24 = arith.constant 0 : i32
        %dma_start3A_25 = tpu.memref_slice %arg5[%add3A_11, %dma_start3A_24] : memref<32768x16xf32, #tpu.memory_space<hbm>> -> memref<128x16xf32, #tpu.memory_space<hbm>>
        tpu.enqueue_dma source(%arg8 : memref<128x16xf32, #tpu.memory_space<vmem>>) target(%dma_start3A_25 : memref<128x16xf32, #tpu.memory_space<hbm>>) target_semaphore(%run_scoped3A : memref<!tpu.dma_semaphore, #tpu.memory_space<semaphore_mem>>)
        %dma_wait3A_26 = arith.constant 0 : i32
        %dma_wait3A_27 = tpu.memref_slice %arg5[%add3A_11, %dma_wait3A_26] : memref<32768x16xf32, #tpu.memory_space<hbm>> -> memref<128x16xf32, #tpu.memory_space<hbm>>
        %dma_wait3A_28 = arith.constant 0 : i32
        %dma_wait3A_29 = tpu.memref_slice %arg5[%add3A_11, %dma_wait3A_28] : memref<32768x16xf32, #tpu.memory_space<hbm>> -> memref<128x16xf32, #tpu.memory_space<hbm>>
        tpu.wait_dma2 semaphore(%run_scoped3A : memref<!tpu.dma_semaphore, #tpu.memory_space<semaphore_mem>>) src(%arg8 : memref<128x16xf32, #tpu.memory_space<vmem>>) dst(%dma_wait3A_29 : memref<128x16xf32, #tpu.memory_space<hbm>>)
        tpu.yield
      }) : () -> ()
      "tpu.region"() ({
        %run_scoped3A = tpu.sem_alloc : memref<!tpu.dma_semaphore, #tpu.memory_space<semaphore_mem>>
        %dma_start3A_22 = arith.constant 0 : i32
        %dma_start3A_23 = tpu.memref_slice %arg6[%add3A_11, %dma_start3A_22] : memref<32768x64xf32, #tpu.memory_space<hbm>> -> memref<128x64xf32, #tpu.memory_space<hbm>>
        %dma_start3A_24 = arith.constant 0 : i32
        %dma_start3A_25 = tpu.memref_slice %arg6[%add3A_11, %dma_start3A_24] : memref<32768x64xf32, #tpu.memory_space<hbm>> -> memref<128x64xf32, #tpu.memory_space<hbm>>
        tpu.enqueue_dma source(%arg9 : memref<128x64xf32, #tpu.memory_space<vmem>>) target(%dma_start3A_25 : memref<128x64xf32, #tpu.memory_space<hbm>>) target_semaphore(%run_scoped3A : memref<!tpu.dma_semaphore, #tpu.memory_space<semaphore_mem>>)
        %dma_wait3A_26 = arith.constant 0 : i32
        %dma_wait3A_27 = tpu.memref_slice %arg6[%add3A_11, %dma_wait3A_26] : memref<32768x64xf32, #tpu.memory_space<hbm>> -> memref<128x64xf32, #tpu.memory_space<hbm>>
        %dma_wait3A_28 = arith.constant 0 : i32
        %dma_wait3A_29 = tpu.memref_slice %arg6[%add3A_11, %dma_wait3A_28] : memref<32768x64xf32, #tpu.memory_space<hbm>> -> memref<128x64xf32, #tpu.memory_space<hbm>>
        tpu.wait_dma2 semaphore(%run_scoped3A : memref<!tpu.dma_semaphore, #tpu.memory_space<semaphore_mem>>) src(%arg9 : memref<128x64xf32, #tpu.memory_space<vmem>>) dst(%dma_wait3A_29 : memref<128x64xf32, #tpu.memory_space<hbm>>)
        tpu.yield
      }) : () -> ()
    }
    %scan3A_7 = arith.constant 8 : i32
    return
  }
}

#map = affine_map<(d0, d1) -> (0, 0)>
#map1 = affine_map<(d0, d1) -> (0)>
module attributes {stable_mosaic.version = 14 : i64} {
  func.func @k(%arg0: i32, %arg1: i32, %arg2: memref<1024x16xf32, #tpu.memory_space<hbm>>, %arg3: memref<256xi32, #tpu.memory_space<hbm>>, %arg4: memref<256x16xf32, #tpu.memory_space<hbm>>, %arg5: memref<8xi32, #tpu.memory_space<vmem>>, %arg6: memref<8x16xf32, #tpu.memory_space<vmem>>, %arg7: memref<!tpu.dma_semaphore, #tpu.memory_space<semaphore_mem>>) attributes {dimension_semantics = [#tpu.dimension_semantics<core_parallel>, #tpu.dimension_semantics<subcore_parallel>], iteration_bounds = array<i64: 2, 16>, scalar_prefetch = 0 : i64, scratch_operands = 3 : i64, tpu.core_type = #tpu.core_type<sc_vector_subcore>, window_params = [{transform_indices = #map}, {transform_indices = #map1}, {transform_indices = #map}]} {
    %mul3A = arith.constant 2 : i32
    %mul3A_0 = arith.muli %arg1, %mul3A : i32
    %add3A = arith.addi %mul3A_0, %arg0 : i32
    %mul3A_1 = arith.constant 8 : i32
    %mul3A_2 = arith.muli %add3A, %mul3A_1 : i32
    %scan3A = arith.constant 0 : i32
    %scan3A_3 = arith.constant 0 : i32
    %mul3A_4 = arith.constant 8 : i32
    %mul3A_5 = arith.muli %scan3A_3, %mul3A_4 : i32
    %add3A_6 = arith.addi %mul3A_2, %mul3A_5 : i32
    "tpu.region"() ({
      %run_scoped3A = tpu.sem_alloc : memref<!tpu.dma_semaphore, #tpu.memory_space<semaphore_mem>>
      %dma_start3A_12 = tpu.memref_slice %arg3[%add3A_6] : memref<256xi32, #tpu.memory_space<hbm>> -> memref<8xi32, #tpu.memory_space<hbm>>
      %dma_start3A_13 = tpu.memref_slice %arg3[%add3A_6] : memref<256xi32, #tpu.memory_space<hbm>> -> memref<8xi32, #tpu.memory_space<hbm>>
      tpu.enqueue_dma source(%dma_start3A_13 : memref<8xi32, #tpu.memory_space<hbm>>) target(%arg5 : memref<8xi32, #tpu.memory_space<vmem>>) target_semaphore(%run_scoped3A : memref<!tpu.dma_semaphore, #tpu.memory_space<semaphore_mem>>)
      %dma_wait3A_14 = tpu.memref_slice %arg3[%add3A_6] : memref<256xi32, #tpu.memory_space<hbm>> -> memref<8xi32, #tpu.memory_space<hbm>>
      %dma_wait3A_15 = tpu.memref_slice %arg3[%add3A_6] : memref<256xi32, #tpu.memory_space<hbm>> -> memref<8xi32, #tpu.memory_space<hbm>>
      tpu.wait_dma2 semaphore(%run_scoped3A : memref<!tpu.dma_semaphore, #tpu.memory_space<semaphore_mem>>) src(%dma_wait3A_15 : memref<8xi32, #tpu.memory_space<hbm>>) dst(%arg5 : memref<8xi32, #tpu.memory_space<vmem>>)
      tpu.yield
    }) : () -> ()
    %dma_start3A = arith.constant 0 : i32
    %dma_start3A_7 = arith.constant 0 : i32
    %dma_start3A_8 = tpu.memref_slice %arg2[%dma_start3A, %dma_start3A_7] : memref<1024x16xf32, #tpu.memory_space<hbm>> -> memref<1024x16xf32, #tpu.memory_space<hbm>>
    tpu.enqueue_indirect_dma source(%dma_start3A_8 : memref<1024x16xf32, #tpu.memory_space<hbm>>) target(%arg6 : memref<8x16xf32, #tpu.memory_space<vmem>>) offsets(%arg5 : memref<8xi32, #tpu.memory_space<vmem>>) semaphore(%arg7 : memref<!tpu.dma_semaphore, #tpu.memory_space<semaphore_mem>>)
    %dma_wait3A = arith.constant 0 : i32
    %dma_wait3A_9 = arith.constant 0 : i32
    %dma_wait3A_10 = tpu.memref_slice %arg2[%dma_wait3A, %dma_wait3A_9] : memref<1024x16xf32, #tpu.memory_space<hbm>> -> memref<1024x16xf32, #tpu.memory_space<hbm>>
    tpu.wait_indirect_dma semaphore(%arg7 : memref<!tpu.dma_semaphore, #tpu.memory_space<semaphore_mem>>) src(%dma_wait3A_10 : memref<1024x16xf32, #tpu.memory_space<hbm>>) dst(%arg6 : memref<8x16xf32, #tpu.memory_space<vmem>>)
    "tpu.region"() ({
      %run_scoped3A = tpu.sem_alloc : memref<!tpu.dma_semaphore, #tpu.memory_space<semaphore_mem>>
      %dma_start3A_12 = arith.constant 0 : i32
      %dma_start3A_13 = tpu.memref_slice %arg4[%add3A_6, %dma_start3A_12] : memref<256x16xf32, #tpu.memory_space<hbm>> -> memref<8x16xf32, #tpu.memory_space<hbm>>
      %dma_start3A_14 = arith.constant 0 : i32
      %dma_start3A_15 = tpu.memref_slice %arg4[%add3A_6, %dma_start3A_14] : memref<256x16xf32, #tpu.memory_space<hbm>> -> memref<8x16xf32, #tpu.memory_space<hbm>>
      tpu.enqueue_dma source(%arg6 : memref<8x16xf32, #tpu.memory_space<vmem>>) target(%dma_start3A_15 : memref<8x16xf32, #tpu.memory_space<hbm>>) target_semaphore(%run_scoped3A : memref<!tpu.dma_semaphore, #tpu.memory_space<semaphore_mem>>)
      %dma_wait3A_16 = arith.constant 0 : i32
      %dma_wait3A_17 = tpu.memref_slice %arg4[%add3A_6, %dma_wait3A_16] : memref<256x16xf32, #tpu.memory_space<hbm>> -> memref<8x16xf32, #tpu.memory_space<hbm>>
      %dma_wait3A_18 = arith.constant 0 : i32
      %dma_wait3A_19 = tpu.memref_slice %arg4[%add3A_6, %dma_wait3A_18] : memref<256x16xf32, #tpu.memory_space<hbm>> -> memref<8x16xf32, #tpu.memory_space<hbm>>
      tpu.wait_dma2 semaphore(%run_scoped3A : memref<!tpu.dma_semaphore, #tpu.memory_space<semaphore_mem>>) src(%arg6 : memref<8x16xf32, #tpu.memory_space<vmem>>) dst(%dma_wait3A_19 : memref<8x16xf32, #tpu.memory_space<hbm>>)
      tpu.yield
    }) : () -> ()
    %scan3A_11 = arith.constant 1 : i32
    return
  }
}

#map = affine_map<(d0, d1) -> (0, 0)>
#map1 = affine_map<(d0, d1) -> (0)>
module attributes {stable_mosaic.version = 14 : i64} {
  func.func @k(%arg0: i32, %arg1: i32, %arg2: memref<1024x16xf32, #tpu.memory_space<hbm>>, %arg3: memref<1024x128xf32, #tpu.memory_space<hbm>>, %arg4: memref<8192xi32, #tpu.memory_space<hbm>>, %arg5: memref<8192x16xf32, #tpu.memory_space<hbm>>, %arg6: memref<8192x128xf32, #tpu.memory_space<hbm>>, %arg7: memref<128xi32, #tpu.memory_space<vmem>>, %arg8: memref<128x16xf32, #tpu.memory_space<vmem>>, %arg9: memref<128x128xf32, #tpu.memory_space<vmem>>, %arg10: memref<!tpu.dma_semaphore, #tpu.memory_space<semaphore_mem>>, %arg11: memref<!tpu.dma_semaphore, #tpu.memory_space<semaphore_mem>>) attributes {dimension_semantics = [#tpu.dimension_semantics<core_parallel>, #tpu.dimension_semantics<subcore_parallel>], iteration_bounds = array<i64: 2, 16>, scalar_prefetch = 0 : i64, scratch_operands = 5 : i64, tpu.core_type = #tpu.core_type<sc_vector_subcore>, window_params = [{transform_indices = #map}, {transform_indices = #map}, {transform_indices = #map1}, {transform_indices = #map}, {transform_indices = #map}]} {
    %mul3A = arith.constant 2 : i32
    %mul3A_0 = arith.muli %arg1, %mul3A : i32
    %add3A = arith.addi %mul3A_0, %arg0 : i32
    %mul3A_1 = arith.constant 256 : i32
    %mul3A_2 = arith.muli %add3A, %mul3A_1 : i32
    %scan3A = arith.constant 0 : i32
    %scan3A_3 = arith.constant 0 : i32
    %scan3A_4 = arith.constant 2 : i32
    %scan3A_5 = arith.addi %scan3A_3, %scan3A_4 : i32
    %scan3A_6 = arith.constant 1 : i32
    scf.for %scan3A_8 = %scan3A_3 to %scan3A_5 step %scan3A_6  : i32 {
      %mul3A_9 = arith.constant 128 : i32
      %mul3A_10 = arith.muli %scan3A_8, %mul3A_9 : i32
      %add3A_11 = arith.addi %mul3A_2, %mul3A_10 : i32
      "tpu.region"() ({
        %run_scoped3A = tpu.sem_alloc : memref<!tpu.dma_semaphore, #tpu.memory_space<semaphore_mem>>
        %dma_start3A_22 = tpu.memref_slice %arg4[%add3A_11] : memref<8192xi32, #tpu.memory_space<hbm>> -> memref<128xi32, #tpu.memory_space<hbm>>
        %dma_start3A_23 = tpu.memref_slice %arg4[%add3A_11] : memref<8192xi32, #tpu.memory_space<hbm>> -> memref<128xi32, #tpu.memory_space<hbm>>
        tpu.enqueue_dma source(%dma_start3A_23 : memref<128xi32, #tpu.memory_space<hbm>>) target(%arg7 : memref<128xi32, #tpu.memory_space<vmem>>) target_semaphore(%run_scoped3A : memref<!tpu.dma_semaphore, #tpu.memory_space<semaphore_mem>>)
        %dma_wait3A_24 = tpu.memref_slice %arg4[%add3A_11] : memref<8192xi32, #tpu.memory_space<hbm>> -> memref<128xi32, #tpu.memory_space<hbm>>
        %dma_wait3A_25 = tpu.memref_slice %arg4[%add3A_11] : memref<8192xi32, #tpu.memory_space<hbm>> -> memref<128xi32, #tpu.memory_space<hbm>>
        tpu.wait_dma2 semaphore(%run_scoped3A : memref<!tpu.dma_semaphore, #tpu.memory_space<semaphore_mem>>) src(%dma_wait3A_25 : memref<128xi32, #tpu.memory_space<hbm>>) dst(%arg7 : memref<128xi32, #tpu.memory_space<vmem>>)
        tpu.yield
      }) : () -> ()
      %dma_start3A = arith.constant 0 : i32
      %dma_start3A_12 = arith.constant 0 : i32
      %dma_start3A_13 = tpu.memref_slice %arg2[%dma_start3A, %dma_start3A_12] : memref<1024x16xf32, #tpu.memory_space<hbm>> -> memref<1024x16xf32, #tpu.memory_space<hbm>>
      tpu.enqueue_indirect_dma source(%dma_start3A_13 : memref<1024x16xf32, #tpu.memory_space<hbm>>) target(%arg8 : memref<128x16xf32, #tpu.memory_space<vmem>>) offsets(%arg7 : memref<128xi32, #tpu.memory_space<vmem>>) semaphore(%arg10 : memref<!tpu.dma_semaphore, #tpu.memory_space<semaphore_mem>>)
      %dma_start3A_14 = arith.constant 0 : i32
      %dma_start3A_15 = arith.constant 0 : i32
      %dma_start3A_16 = tpu.memref_slice %arg3[%dma_start3A_14, %dma_start3A_15] : memref<1024x128xf32, #tpu.memory_space<hbm>> -> memref<1024x128xf32, #tpu.memory_space<hbm>>
      tpu.enqueue_indirect_dma source(%dma_start3A_16 : memref<1024x128xf32, #tpu.memory_space<hbm>>) target(%arg9 : memref<128x128xf32, #tpu.memory_space<vmem>>) offsets(%arg7 : memref<128xi32, #tpu.memory_space<vmem>>) semaphore(%arg11 : memref<!tpu.dma_semaphore, #tpu.memory_space<semaphore_mem>>)
      %dma_wait3A = arith.constant 0 : i32
      %dma_wait3A_17 = arith.constant 0 : i32
      %dma_wait3A_18 = tpu.memref_slice %arg2[%dma_wait3A, %dma_wait3A_17] : memref<1024x16xf32, #tpu.memory_space<hbm>> -> memref<1024x16xf32, #tpu.memory_space<hbm>>
      tpu.wait_indirect_dma semaphore(%arg10 : memref<!tpu.dma_semaphore, #tpu.memory_space<semaphore_mem>>) src(%dma_wait3A_18 : memref<1024x16xf32, #tpu.memory_space<hbm>>) dst(%arg8 : memref<128x16xf32, #tpu.memory_space<vmem>>)
      %dma_wait3A_19 = arith.constant 0 : i32
      %dma_wait3A_20 = arith.constant 0 : i32
      %dma_wait3A_21 = tpu.memref_slice %arg3[%dma_wait3A_19, %dma_wait3A_20] : memref<1024x128xf32, #tpu.memory_space<hbm>> -> memref<1024x128xf32, #tpu.memory_space<hbm>>
      tpu.wait_indirect_dma semaphore(%arg11 : memref<!tpu.dma_semaphore, #tpu.memory_space<semaphore_mem>>) src(%dma_wait3A_21 : memref<1024x128xf32, #tpu.memory_space<hbm>>) dst(%arg9 : memref<128x128xf32, #tpu.memory_space<vmem>>)
      "tpu.region"() ({
        %run_scoped3A = tpu.sem_alloc : memref<!tpu.dma_semaphore, #tpu.memory_space<semaphore_mem>>
        %dma_start3A_22 = arith.constant 0 : i32
        %dma_start3A_23 = tpu.memref_slice %arg5[%add3A_11, %dma_start3A_22] : memref<8192x16xf32, #tpu.memory_space<hbm>> -> memref<128x16xf32, #tpu.memory_space<hbm>>
        %dma_start3A_24 = arith.constant 0 : i32
        %dma_start3A_25 = tpu.memref_slice %arg5[%add3A_11, %dma_start3A_24] : memref<8192x16xf32, #tpu.memory_space<hbm>> -> memref<128x16xf32, #tpu.memory_space<hbm>>
        tpu.enqueue_dma source(%arg8 : memref<128x16xf32, #tpu.memory_space<vmem>>) target(%dma_start3A_25 : memref<128x16xf32, #tpu.memory_space<hbm>>) target_semaphore(%run_scoped3A : memref<!tpu.dma_semaphore, #tpu.memory_space<semaphore_mem>>)
        %dma_wait3A_26 = arith.constant 0 : i32
        %dma_wait3A_27 = tpu.memref_slice %arg5[%add3A_11, %dma_wait3A_26] : memref<8192x16xf32, #tpu.memory_space<hbm>> -> memref<128x16xf32, #tpu.memory_space<hbm>>
        %dma_wait3A_28 = arith.constant 0 : i32
        %dma_wait3A_29 = tpu.memref_slice %arg5[%add3A_11, %dma_wait3A_28] : memref<8192x16xf32, #tpu.memory_space<hbm>> -> memref<128x16xf32, #tpu.memory_space<hbm>>
        tpu.wait_dma2 semaphore(%run_scoped3A : memref<!tpu.dma_semaphore, #tpu.memory_space<semaphore_mem>>) src(%arg8 : memref<128x16xf32, #tpu.memory_space<vmem>>) dst(%dma_wait3A_29 : memref<128x16xf32, #tpu.memory_space<hbm>>)
        tpu.yield
      }) : () -> ()
      "tpu.region"() ({
        %run_scoped3A = tpu.sem_alloc : memref<!tpu.dma_semaphore, #tpu.memory_space<semaphore_mem>>
        %dma_start3A_22 = arith.constant 0 : i32
        %dma_start3A_23 = tpu.memref_slice %arg6[%add3A_11, %dma_start3A_22] : memref<8192x128xf32, #tpu.memory_space<hbm>> -> memref<128x128xf32, #tpu.memory_space<hbm>>
        %dma_start3A_24 = arith.constant 0 : i32
        %dma_start3A_25 = tpu.memref_slice %arg6[%add3A_11, %dma_start3A_24] : memref<8192x128xf32, #tpu.memory_space<hbm>> -> memref<128x128xf32, #tpu.memory_space<hbm>>
        tpu.enqueue_dma source(%arg9 : memref<128x128xf32, #tpu.memory_space<vmem>>) target(%dma_start3A_25 : memref<128x128xf32, #tpu.memory_space<hbm>>) target_semaphore(%run_scoped3A : memref<!tpu.dma_semaphore, #tpu.memory_space<semaphore_mem>>)
        %dma_wait3A_26 = arith.constant 0 : i32
        %dma_wait3A_27 = tpu.memref_slice %arg6[%add3A_11, %dma_wait3A_26] : memref<8192x128xf32, #tpu.memory_space<hbm>> -> memref<128x128xf32, #tpu.memory_space<hbm>>
        %dma_wait3A_28 = arith.constant 0 : i32
        %dma_wait3A_29 = tpu.memref_slice %arg6[%add3A_11, %dma_wait3A_28] : memref<8192x128xf32, #tpu.memory_space<hbm>> -> memref<128x128xf32, #tpu.memory_space<hbm>>
        tpu.wait_dma2 semaphore(%run_scoped3A : memref<!tpu.dma_semaphore, #tpu.memory_space<semaphore_mem>>) src(%arg9 : memref<128x128xf32, #tpu.memory_space<vmem>>) dst(%dma_wait3A_29 : memref<128x128xf32, #tpu.memory_space<hbm>>)
        tpu.yield
      }) : () -> ()
    }
    %scan3A_7 = arith.constant 2 : i32
    return
  }
}

#map = affine_map<(d0, d1) -> (0, 0)>
#map1 = affine_map<(d0, d1) -> (0)>
module attributes {stable_mosaic.version = 14 : i64} {
  func.func @k(%arg0: i32, %arg1: i32, %arg2: memref<256x256xf32, #tpu.memory_space<hbm>>, %arg3: memref<3072xi32, #tpu.memory_space<hbm>>, %arg4: memref<3072x256xf32, #tpu.memory_space<hbm>>, %arg5: memref<96xi32, #tpu.memory_space<vmem>>, %arg6: memref<96x256xf32, #tpu.memory_space<vmem>>, %arg7: memref<!tpu.dma_semaphore, #tpu.memory_space<semaphore_mem>>) attributes {dimension_semantics = [#tpu.dimension_semantics<core_parallel>, #tpu.dimension_semantics<subcore_parallel>], iteration_bounds = array<i64: 2, 16>, scalar_prefetch = 0 : i64, scratch_operands = 3 : i64, tpu.core_type = #tpu.core_type<sc_vector_subcore>, window_params = [{transform_indices = #map}, {transform_indices = #map1}, {transform_indices = #map}]} {
    %mul3A = arith.constant 2 : i32
    %mul3A_0 = arith.muli %arg1, %mul3A : i32
    %add3A = arith.addi %mul3A_0, %arg0 : i32
    %mul3A_1 = arith.constant 96 : i32
    %mul3A_2 = arith.muli %add3A, %mul3A_1 : i32
    %scan3A = arith.constant 0 : i32
    %scan3A_3 = arith.constant 0 : i32
    %mul3A_4 = arith.constant 96 : i32
    %mul3A_5 = arith.muli %scan3A_3, %mul3A_4 : i32
    %add3A_6 = arith.addi %mul3A_2, %mul3A_5 : i32
    "tpu.region"() ({
      %run_scoped3A = tpu.sem_alloc : memref<!tpu.dma_semaphore, #tpu.memory_space<semaphore_mem>>
      %dma_start3A_12 = tpu.memref_slice %arg3[%add3A_6] : memref<3072xi32, #tpu.memory_space<hbm>> -> memref<96xi32, #tpu.memory_space<hbm>>
      %dma_start3A_13 = tpu.memref_slice %arg3[%add3A_6] : memref<3072xi32, #tpu.memory_space<hbm>> -> memref<96xi32, #tpu.memory_space<hbm>>
      tpu.enqueue_dma source(%dma_start3A_13 : memref<96xi32, #tpu.memory_space<hbm>>) target(%arg5 : memref<96xi32, #tpu.memory_space<vmem>>) target_semaphore(%run_scoped3A : memref<!tpu.dma_semaphore, #tpu.memory_space<semaphore_mem>>)
      %dma_wait3A_14 = tpu.memref_slice %arg3[%add3A_6] : memref<3072xi32, #tpu.memory_space<hbm>> -> memref<96xi32, #tpu.memory_space<hbm>>
      %dma_wait3A_15 = tpu.memref_slice %arg3[%add3A_6] : memref<3072xi32, #tpu.memory_space<hbm>> -> memref<96xi32, #tpu.memory_space<hbm>>
      tpu.wait_dma2 semaphore(%run_scoped3A : memref<!tpu.dma_semaphore, #tpu.memory_space<semaphore_mem>>) src(%dma_wait3A_15 : memref<96xi32, #tpu.memory_space<hbm>>) dst(%arg5 : memref<96xi32, #tpu.memory_space<vmem>>)
      tpu.yield
    }) : () -> ()
    %dma_start3A = arith.constant 0 : i32
    %dma_start3A_7 = arith.constant 0 : i32
    %dma_start3A_8 = tpu.memref_slice %arg2[%dma_start3A, %dma_start3A_7] : memref<256x256xf32, #tpu.memory_space<hbm>> -> memref<256x256xf32, #tpu.memory_space<hbm>>
    tpu.enqueue_indirect_dma source(%dma_start3A_8 : memref<256x256xf32, #tpu.memory_space<hbm>>) target(%arg6 : memref<96x256xf32, #tpu.memory_space<vmem>>) offsets(%arg5 : memref<96xi32, #tpu.memory_space<vmem>>) semaphore(%arg7 : memref<!tpu.dma_semaphore, #tpu.memory_space<semaphore_mem>>)
    %dma_wait3A = arith.constant 0 : i32
    %dma_wait3A_9 = arith.constant 0 : i32
    %dma_wait3A_10 = tpu.memref_slice %arg2[%dma_wait3A, %dma_wait3A_9] : memref<256x256xf32, #tpu.memory_space<hbm>> -> memref<256x256xf32, #tpu.memory_space<hbm>>
    tpu.wait_indirect_dma semaphore(%arg7 : memref<!tpu.dma_semaphore, #tpu.memory_space<semaphore_mem>>) src(%dma_wait3A_10 : memref<256x256xf32, #tpu.memory_space<hbm>>) dst(%arg6 : memref<96x256xf32, #tpu.memory_space<vmem>>)
    "tpu.region"() ({
      %run_scoped3A = tpu.sem_alloc : memref<!tpu.dma_semaphore, #tpu.memory_space<semaphore_mem>>
      %dma_start3A_12 = arith.constant 0 : i32
      %dma_start3A_13 = tpu.memref_slice %arg4[%add3A_6, %dma_start3A_12] : memref<3072x256xf32, #tpu.memory_space<hbm>> -> memref<96x256xf32, #tpu.memory_space<hbm>>
      %dma_start3A_14 = arith.constant 0 : i32
      %dma_start3A_15 = tpu.memref_slice %arg4[%add3A_6, %dma_start3A_14] : memref<3072x256xf32, #tpu.memory_space<hbm>> -> memref<96x256xf32, #tpu.memory_space<hbm>>
      tpu.enqueue_dma source(%arg6 : memref<96x256xf32, #tpu.memory_space<vmem>>) target(%dma_start3A_15 : memref<96x256xf32, #tpu.memory_space<hbm>>) target_semaphore(%run_scoped3A : memref<!tpu.dma_semaphore, #tpu.memory_space<semaphore_mem>>)
      %dma_wait3A_16 = arith.constant 0 : i32
      %dma_wait3A_17 = tpu.memref_slice %arg4[%add3A_6, %dma_wait3A_16] : memref<3072x256xf32, #tpu.memory_space<hbm>> -> memref<96x256xf32, #tpu.memory_space<hbm>>
      %dma_wait3A_18 = arith.constant 0 : i32
      %dma_wait3A_19 = tpu.memref_slice %arg4[%add3A_6, %dma_wait3A_18] : memref<3072x256xf32, #tpu.memory_space<hbm>> -> memref<96x256xf32, #tpu.memory_space<hbm>>
      tpu.wait_dma2 semaphore(%run_scoped3A : memref<!tpu.dma_semaphore, #tpu.memory_space<semaphore_mem>>) src(%arg6 : memref<96x256xf32, #tpu.memory_space<vmem>>) dst(%dma_wait3A_19 : memref<96x256xf32, #tpu.memory_space<hbm>>)
      tpu.yield
    }) : () -> ()
    %scan3A_11 = arith.constant 1 : i32
    return
  }
}

#map = affine_map<(d0, d1) -> (0, 0)>
#map1 = affine_map<(d0, d1) -> (0)>
module attributes {stable_mosaic.version = 14 : i64} {
  func.func @k(%arg0: i32, %arg1: i32, %arg2: memref<1024x128xf32, #tpu.memory_space<hbm>>, %arg3: memref<12288xi32, #tpu.memory_space<hbm>>, %arg4: memref<12288x128xf32, #tpu.memory_space<hbm>>, %arg5: memref<128xi32, #tpu.memory_space<vmem>>, %arg6: memref<128x128xf32, #tpu.memory_space<vmem>>, %arg7: memref<!tpu.dma_semaphore, #tpu.memory_space<semaphore_mem>>) attributes {dimension_semantics = [#tpu.dimension_semantics<core_parallel>, #tpu.dimension_semantics<subcore_parallel>], iteration_bounds = array<i64: 2, 16>, scalar_prefetch = 0 : i64, scratch_operands = 3 : i64, tpu.core_type = #tpu.core_type<sc_vector_subcore>, window_params = [{transform_indices = #map}, {transform_indices = #map1}, {transform_indices = #map}]} {
    %mul3A = arith.constant 2 : i32
    %mul3A_0 = arith.muli %arg1, %mul3A : i32
    %add3A = arith.addi %mul3A_0, %arg0 : i32
    %mul3A_1 = arith.constant 384 : i32
    %mul3A_2 = arith.muli %add3A, %mul3A_1 : i32
    %scan3A = arith.constant 0 : i32
    %scan3A_3 = arith.constant 0 : i32
    %scan3A_4 = arith.constant 3 : i32
    %scan3A_5 = arith.addi %scan3A_3, %scan3A_4 : i32
    %scan3A_6 = arith.constant 1 : i32
    scf.for %scan3A_8 = %scan3A_3 to %scan3A_5 step %scan3A_6  : i32 {
      %mul3A_9 = arith.constant 128 : i32
      %mul3A_10 = arith.muli %scan3A_8, %mul3A_9 : i32
      %add3A_11 = arith.addi %mul3A_2, %mul3A_10 : i32
      "tpu.region"() ({
        %run_scoped3A = tpu.sem_alloc : memref<!tpu.dma_semaphore, #tpu.memory_space<semaphore_mem>>
        %dma_start3A_16 = tpu.memref_slice %arg3[%add3A_11] : memref<12288xi32, #tpu.memory_space<hbm>> -> memref<128xi32, #tpu.memory_space<hbm>>
        %dma_start3A_17 = tpu.memref_slice %arg3[%add3A_11] : memref<12288xi32, #tpu.memory_space<hbm>> -> memref<128xi32, #tpu.memory_space<hbm>>
        tpu.enqueue_dma source(%dma_start3A_17 : memref<128xi32, #tpu.memory_space<hbm>>) target(%arg5 : memref<128xi32, #tpu.memory_space<vmem>>) target_semaphore(%run_scoped3A : memref<!tpu.dma_semaphore, #tpu.memory_space<semaphore_mem>>)
        %dma_wait3A_18 = tpu.memref_slice %arg3[%add3A_11] : memref<12288xi32, #tpu.memory_space<hbm>> -> memref<128xi32, #tpu.memory_space<hbm>>
        %dma_wait3A_19 = tpu.memref_slice %arg3[%add3A_11] : memref<12288xi32, #tpu.memory_space<hbm>> -> memref<128xi32, #tpu.memory_space<hbm>>
        tpu.wait_dma2 semaphore(%run_scoped3A : memref<!tpu.dma_semaphore, #tpu.memory_space<semaphore_mem>>) src(%dma_wait3A_19 : memref<128xi32, #tpu.memory_space<hbm>>) dst(%arg5 : memref<128xi32, #tpu.memory_space<vmem>>)
        tpu.yield
      }) : () -> ()
      %dma_start3A = arith.constant 0 : i32
      %dma_start3A_12 = arith.constant 0 : i32
      %dma_start3A_13 = tpu.memref_slice %arg2[%dma_start3A, %dma_start3A_12] : memref<1024x128xf32, #tpu.memory_space<hbm>> -> memref<1024x128xf32, #tpu.memory_space<hbm>>
      tpu.enqueue_indirect_dma source(%dma_start3A_13 : memref<1024x128xf32, #tpu.memory_space<hbm>>) target(%arg6 : memref<128x128xf32, #tpu.memory_space<vmem>>) offsets(%arg5 : memref<128xi32, #tpu.memory_space<vmem>>) semaphore(%arg7 : memref<!tpu.dma_semaphore, #tpu.memory_space<semaphore_mem>>)
      %dma_wait3A = arith.constant 0 : i32
      %dma_wait3A_14 = arith.constant 0 : i32
      %dma_wait3A_15 = tpu.memref_slice %arg2[%dma_wait3A, %dma_wait3A_14] : memref<1024x128xf32, #tpu.memory_space<hbm>> -> memref<1024x128xf32, #tpu.memory_space<hbm>>
      tpu.wait_indirect_dma semaphore(%arg7 : memref<!tpu.dma_semaphore, #tpu.memory_space<semaphore_mem>>) src(%dma_wait3A_15 : memref<1024x128xf32, #tpu.memory_space<hbm>>) dst(%arg6 : memref<128x128xf32, #tpu.memory_space<vmem>>)
      "tpu.region"() ({
        %run_scoped3A = tpu.sem_alloc : memref<!tpu.dma_semaphore, #tpu.memory_space<semaphore_mem>>
        %dma_start3A_16 = arith.constant 0 : i32
        %dma_start3A_17 = tpu.memref_slice %arg4[%add3A_11, %dma_start3A_16] : memref<12288x128xf32, #tpu.memory_space<hbm>> -> memref<128x128xf32, #tpu.memory_space<hbm>>
        %dma_start3A_18 = arith.constant 0 : i32
        %dma_start3A_19 = tpu.memref_slice %arg4[%add3A_11, %dma_start3A_18] : memref<12288x128xf32, #tpu.memory_space<hbm>> -> memref<128x128xf32, #tpu.memory_space<hbm>>
        tpu.enqueue_dma source(%arg6 : memref<128x128xf32, #tpu.memory_space<vmem>>) target(%dma_start3A_19 : memref<128x128xf32, #tpu.memory_space<hbm>>) target_semaphore(%run_scoped3A : memref<!tpu.dma_semaphore, #tpu.memory_space<semaphore_mem>>)
        %dma_wait3A_20 = arith.constant 0 : i32
        %dma_wait3A_21 = tpu.memref_slice %arg4[%add3A_11, %dma_wait3A_20] : memref<12288x128xf32, #tpu.memory_space<hbm>> -> memref<128x128xf32, #tpu.memory_space<hbm>>
        %dma_wait3A_22 = arith.constant 0 : i32
        %dma_wait3A_23 = tpu.memref_slice %arg4[%add3A_11, %dma_wait3A_22] : memref<12288x128xf32, #tpu.memory_space<hbm>> -> memref<128x128xf32, #tpu.memory_space<hbm>>
        tpu.wait_dma2 semaphore(%run_scoped3A : memref<!tpu.dma_semaphore, #tpu.memory_space<semaphore_mem>>) src(%arg6 : memref<128x128xf32, #tpu.memory_space<vmem>>) dst(%dma_wait3A_23 : memref<128x128xf32, #tpu.memory_space<hbm>>)
        tpu.yield
      }) : () -> ()
    }
    %scan3A_7 = arith.constant 3 : i32
    return
  }
}

#map = affine_map<(d0, d1) -> (0, 0)>
#map1 = affine_map<(d0, d1) -> (0)>
module attributes {stable_mosaic.version = 14 : i64} {
  func.func @k(%arg0: i32, %arg1: i32, %arg2: memref<4096x128xf32, #tpu.memory_space<hbm>>, %arg3: memref<98304xi32, #tpu.memory_space<hbm>>, %arg4: memref<98304x128xf32, #tpu.memory_space<hbm>>, %arg5: memref<128xi32, #tpu.memory_space<vmem>>, %arg6: memref<128x128xf32, #tpu.memory_space<vmem>>, %arg7: memref<!tpu.dma_semaphore, #tpu.memory_space<semaphore_mem>>) attributes {dimension_semantics = [#tpu.dimension_semantics<core_parallel>, #tpu.dimension_semantics<subcore_parallel>], iteration_bounds = array<i64: 2, 16>, scalar_prefetch = 0 : i64, scratch_operands = 3 : i64, tpu.core_type = #tpu.core_type<sc_vector_subcore>, window_params = [{transform_indices = #map}, {transform_indices = #map1}, {transform_indices = #map}]} {
    %mul3A = arith.constant 2 : i32
    %mul3A_0 = arith.muli %arg1, %mul3A : i32
    %add3A = arith.addi %mul3A_0, %arg0 : i32
    %mul3A_1 = arith.constant 3072 : i32
    %mul3A_2 = arith.muli %add3A, %mul3A_1 : i32
    %scan3A = arith.constant 0 : i32
    %scan3A_3 = arith.constant 0 : i32
    %scan3A_4 = arith.constant 24 : i32
    %scan3A_5 = arith.addi %scan3A_3, %scan3A_4 : i32
    %scan3A_6 = arith.constant 1 : i32
    scf.for %scan3A_8 = %scan3A_3 to %scan3A_5 step %scan3A_6  : i32 {
      %mul3A_9 = arith.constant 128 : i32
      %mul3A_10 = arith.muli %scan3A_8, %mul3A_9 : i32
      %add3A_11 = arith.addi %mul3A_2, %mul3A_10 : i32
      "tpu.region"() ({
        %run_scoped3A = tpu.sem_alloc : memref<!tpu.dma_semaphore, #tpu.memory_space<semaphore_mem>>
        %dma_start3A_16 = tpu.memref_slice %arg3[%add3A_11] : memref<98304xi32, #tpu.memory_space<hbm>> -> memref<128xi32, #tpu.memory_space<hbm>>
        %dma_start3A_17 = tpu.memref_slice %arg3[%add3A_11] : memref<98304xi32, #tpu.memory_space<hbm>> -> memref<128xi32, #tpu.memory_space<hbm>>
        tpu.enqueue_dma source(%dma_start3A_17 : memref<128xi32, #tpu.memory_space<hbm>>) target(%arg5 : memref<128xi32, #tpu.memory_space<vmem>>) target_semaphore(%run_scoped3A : memref<!tpu.dma_semaphore, #tpu.memory_space<semaphore_mem>>)
        %dma_wait3A_18 = tpu.memref_slice %arg3[%add3A_11] : memref<98304xi32, #tpu.memory_space<hbm>> -> memref<128xi32, #tpu.memory_space<hbm>>
        %dma_wait3A_19 = tpu.memref_slice %arg3[%add3A_11] : memref<98304xi32, #tpu.memory_space<hbm>> -> memref<128xi32, #tpu.memory_space<hbm>>
        tpu.wait_dma2 semaphore(%run_scoped3A : memref<!tpu.dma_semaphore, #tpu.memory_space<semaphore_mem>>) src(%dma_wait3A_19 : memref<128xi32, #tpu.memory_space<hbm>>) dst(%arg5 : memref<128xi32, #tpu.memory_space<vmem>>)
        tpu.yield
      }) : () -> ()
      %dma_start3A = arith.constant 0 : i32
      %dma_start3A_12 = arith.constant 0 : i32
      %dma_start3A_13 = tpu.memref_slice %arg2[%dma_start3A, %dma_start3A_12] : memref<4096x128xf32, #tpu.memory_space<hbm>> -> memref<4096x128xf32, #tpu.memory_space<hbm>>
      tpu.enqueue_indirect_dma source(%dma_start3A_13 : memref<4096x128xf32, #tpu.memory_space<hbm>>) target(%arg6 : memref<128x128xf32, #tpu.memory_space<vmem>>) offsets(%arg5 : memref<128xi32, #tpu.memory_space<vmem>>) semaphore(%arg7 : memref<!tpu.dma_semaphore, #tpu.memory_space<semaphore_mem>>)
      %dma_wait3A = arith.constant 0 : i32
      %dma_wait3A_14 = arith.constant 0 : i32
      %dma_wait3A_15 = tpu.memref_slice %arg2[%dma_wait3A, %dma_wait3A_14] : memref<4096x128xf32, #tpu.memory_space<hbm>> -> memref<4096x128xf32, #tpu.memory_space<hbm>>
      tpu.wait_indirect_dma semaphore(%arg7 : memref<!tpu.dma_semaphore, #tpu.memory_space<semaphore_mem>>) src(%dma_wait3A_15 : memref<4096x128xf32, #tpu.memory_space<hbm>>) dst(%arg6 : memref<128x128xf32, #tpu.memory_space<vmem>>)
      "tpu.region"() ({
        %run_scoped3A = tpu.sem_alloc : memref<!tpu.dma_semaphore, #tpu.memory_space<semaphore_mem>>
        %dma_start3A_16 = arith.constant 0 : i32
        %dma_start3A_17 = tpu.memref_slice %arg4[%add3A_11, %dma_start3A_16] : memref<98304x128xf32, #tpu.memory_space<hbm>> -> memref<128x128xf32, #tpu.memory_space<hbm>>
        %dma_start3A_18 = arith.constant 0 : i32
        %dma_start3A_19 = tpu.memref_slice %arg4[%add3A_11, %dma_start3A_18] : memref<98304x128xf32, #tpu.memory_space<hbm>> -> memref<128x128xf32, #tpu.memory_space<hbm>>
        tpu.enqueue_dma source(%arg6 : memref<128x128xf32, #tpu.memory_space<vmem>>) target(%dma_start3A_19 : memref<128x128xf32, #tpu.memory_space<hbm>>) target_semaphore(%run_scoped3A : memref<!tpu.dma_semaphore, #tpu.memory_space<semaphore_mem>>)
        %dma_wait3A_20 = arith.constant 0 : i32
        %dma_wait3A_21 = tpu.memref_slice %arg4[%add3A_11, %dma_wait3A_20] : memref<98304x128xf32, #tpu.memory_space<hbm>> -> memref<128x128xf32, #tpu.memory_space<hbm>>
        %dma_wait3A_22 = arith.constant 0 : i32
        %dma_wait3A_23 = tpu.memref_slice %arg4[%add3A_11, %dma_wait3A_22] : memref<98304x128xf32, #tpu.memory_space<hbm>> -> memref<128x128xf32, #tpu.memory_space<hbm>>
        tpu.wait_dma2 semaphore(%run_scoped3A : memref<!tpu.dma_semaphore, #tpu.memory_space<semaphore_mem>>) src(%arg6 : memref<128x128xf32, #tpu.memory_space<vmem>>) dst(%dma_wait3A_23 : memref<128x128xf32, #tpu.memory_space<hbm>>)
        tpu.yield
      }) : () -> ()
    }
    %scan3A_7 = arith.constant 24 : i32
    return
  }
}

module attributes {stable_mosaic.version = 14 : i64} {
  func.func @body(%arg0: i32, %arg1: i32, %arg2: memref<1x512x3xf32, #tpu.memory_space<vmem>>, %arg3: memref<1x8192x3xf32, #tpu.memory_space<vmem>>, %arg4: memref<1x512x32xi32, #tpu.memory_space<vmem>>, %arg5: memref<512x8192xf32, #tpu.memory_space<vmem>>, %arg6: memref<512x32xf32, #tpu.memory_space<vmem>>) attributes {dimension_semantics = [#tpu.dimension_semantics<arbitrary>, #tpu.dimension_semantics<arbitrary>], iteration_bounds = array<i64: 4, 2>, scalar_prefetch = 0 : i64, scratch_operands = 2 : i64, tpu.core_type = #tpu.core_type<tc>, window_params = [{transform_indices = @transform_0, window_bounds = array<i64: 1, 512, 3>}, {transform_indices = @transform_1, window_bounds = array<i64: 1, 8192, 3>}, {transform_indices = @transform_2, window_bounds = array<i64: 1, 512, 32>}]} {
    %get3A = arith.constant 0 : index
    %get3A_0 = arith.constant 0 : index
    %get3A_1 = arith.constant 0 : index
    %get3A_2 = vector.load %arg2[%get3A, %get3A_0, %get3A_1] : memref<1x512x3xf32, #tpu.memory_space<vmem>>, vector<1x512x3xf32>
    %get3A_3 = vector.shape_cast %get3A_2 : vector<1x512x3xf32> to vector<512x3xf32>
    %get3A_4 = arith.constant 0 : index
    %get3A_5 = arith.constant 0 : index
    %get3A_6 = arith.constant 0 : index
    %get3A_7 = vector.load %arg3[%get3A_4, %get3A_5, %get3A_6] : memref<1x8192x3xf32, #tpu.memory_space<vmem>>, vector<1x8192x3xf32>
    %get3A_8 = vector.shape_cast %get3A_7 : vector<1x8192x3xf32> to vector<8192x3xf32>
    %mul3A = arith.mulf %get3A_3, %get3A_3 : vector<512x3xf32>
    %reduce_sum3A = arith.constant dense<0.000000e+00> : vector<512xf32>
    %reduce_sum3A_9 = vector.multi_reduction <add>, %mul3A, %reduce_sum3A [1] : vector<512x3xf32> to vector<512xf32>
    %mul3A_10 = arith.mulf %get3A_8, %get3A_8 : vector<8192x3xf32>
    %reduce_sum3A_11 = arith.constant dense<0.000000e+00> : vector<8192xf32>
    %reduce_sum3A_12 = vector.multi_reduction <add>, %mul3A_10, %reduce_sum3A_11 [1] : vector<8192x3xf32> to vector<8192xf32>
    %dot_general3A = arith.constant dense<0.000000e+00> : vector<512x8192xf32>
    %dot_general3A_13 = tpu.matmul %get3A_3, %get3A_8, %dot_general3A {dimension_numbers = #tpu.dot_dimension_numbers<[1], [1], [0], [0], [0, 0, 1, 0], [], []>, transpose_lhs_hint = false} : vector<512x3xf32>, vector<8192x3xf32>, vector<512x8192xf32> -> vector<512x8192xf32>
    %broadcast_in_dim3A = vector.shape_cast %reduce_sum3A_9 : vector<512xf32> to vector<512x1xf32>
    %broadcast_in_dim3A_14 = vector.shape_cast %reduce_sum3A_12 : vector<8192xf32> to vector<1x8192xf32>
    %add3A = vector.broadcast %broadcast_in_dim3A : vector<512x1xf32> to vector<512x8192xf32>
    %add3A_15 = vector.broadcast %broadcast_in_dim3A_14 : vector<1x8192xf32> to vector<512x8192xf32>
    %add3A_16 = arith.addf %add3A, %add3A_15 : vector<512x8192xf32>
    %mul3A_17 = arith.constant 2.000000e+00 : f32
    %mul3A_18 = vector.broadcast %mul3A_17 : f32 to vector<512x8192xf32>
    %mul3A_19 = arith.mulf %mul3A_18, %dot_general3A_13 : vector<512x8192xf32>
    %sub3A = arith.subf %add3A_16, %mul3A_19 : vector<512x8192xf32>
    %max3A = arith.constant 0.000000e+00 : f32
    %max3A_20 = vector.broadcast %max3A : f32 to vector<512x8192xf32>
    %max3A_21 = arith.maximumf %sub3A, %max3A_20 : vector<512x8192xf32>
    %swap3A = arith.constant 0 : index
    %swap3A_22 = arith.constant 0 : index
    %swap3A_23 = vector.load %arg5[%swap3A, %swap3A_22] : memref<512x8192xf32, #tpu.memory_space<vmem>>, vector<512x8192xf32>
    tpu.vector_store %arg5[%swap3A, %swap3A_22], %max3A_21 {strides = array<i32>} : memref<512x8192xf32, #tpu.memory_space<vmem>>, vector<512x8192xf32>,
    %iota3A = tpu.iota {dimensions = array<i32: 1>} : vector<512x8192xi32>
    %iota3A_24 = tpu.iota {dimensions = array<i32: 1>} : vector<512x32xi32>
    %broadcast_in_dim3A_25 = arith.constant -1 : i32
    %broadcast_in_dim3A_26 = vector.broadcast %broadcast_in_dim3A_25 : i32 to vector<512xi32>
    %scan3A = arith.constant 0 : i32
    %scan3A_27 = arith.constant 32 : i32
    %scan3A_28 = arith.addi %scan3A, %scan3A_27 : i32
    %scan3A_29 = arith.constant 1 : i32
    %scan3A_30 = scf.for %scan3A_32 = %scan3A to %scan3A_28 step %scan3A_29 iter_args(%scan3A_33 = %broadcast_in_dim3A_26) -> (vector<512xi32>)  : i32 {
      %broadcast_in_dim3A_34 = vector.shape_cast %scan3A_33 : vector<512xi32> to vector<512x1xi32>
      %eq3A = vector.broadcast %broadcast_in_dim3A_34 : vector<512x1xi32> to vector<512x8192xi32>
      %eq3A_35 = arith.cmpi eq, %iota3A, %eq3A : vector<512x8192xi32>
      %get3A_36 = arith.constant 0 : index
      %get3A_37 = arith.constant 0 : index
      %get3A_38 = vector.load %arg5[%get3A_36, %get3A_37] : memref<512x8192xf32, #tpu.memory_space<vmem>>, vector<512x8192xf32>
      %jit3A = arith.constant 0x7F800000 : f32
      %broadcast_in_dim3A_39 = vector.broadcast %jit3A : f32 to vector<512x8192xf32>
      %select_n3A = arith.select %eq3A_35, %broadcast_in_dim3A_39, %get3A_38 : vector<512x8192xi1>, vector<512x8192xf32>
      %swap3A_40 = arith.constant 0 : index
      %swap3A_41 = arith.constant 0 : index
      %swap3A_42 = vector.load %arg5[%swap3A_40, %swap3A_41] : memref<512x8192xf32, #tpu.memory_space<vmem>>, vector<512x8192xf32>
      tpu.vector_store %arg5[%swap3A_40, %swap3A_41], %select_n3A {strides = array<i32>} : memref<512x8192xf32, #tpu.memory_space<vmem>>, vector<512x8192xf32>,
      %argmin3A = tpu.reduce_index %select_n3A {axis = 1 : i32, kind = #tpu.reduction_kind<arg_min>} : vector<512x8192xf32> -> vector<512xi32>
      %eq3A_43 = vector.broadcast %scan3A_32 : i32 to vector<512x32xi32>
      %eq3A_44 = arith.cmpi eq, %iota3A_24, %eq3A_43 : vector<512x32xi32>
      %mul3A_45 = arith.constant 8192 : i32
      %mul3A_46 = arith.muli %arg0, %mul3A_45 : i32
      %add3A_47 = vector.broadcast %mul3A_46 : i32 to vector<512xi32>
      %add3A_48 = arith.addi %argmin3A, %add3A_47 : vector<512xi32>
      %broadcast_in_dim3A_49 = vector.shape_cast %add3A_48 : vector<512xi32> to vector<512x1xi32>
      %get3A_50 = arith.constant 0 : index
      %get3A_51 = arith.constant 0 : index
      %get3A_52 = arith.constant 0 : index
      %get3A_53 = vector.load %arg4[%get3A_50, %get3A_51, %get3A_52] : memref<1x512x32xi32, #tpu.memory_space<vmem>>, vector<1x512x32xi32>
      %get3A_54 = vector.shape_cast %get3A_53 : vector<1x512x32xi32> to vector<512x32xi32>
      %broadcast_in_dim3A_55 = vector.shape_cast %broadcast_in_dim3A_49 : vector<512x1xi32> to vector<512x1xi32>
      %broadcast_in_dim3A_56 = vector.broadcast %broadcast_in_dim3A_55 : vector<512x1xi32> to vector<512x32xi32>
      %select_n3A_57 = arith.select %eq3A_44, %broadcast_in_dim3A_56, %get3A_54 : vector<512x32xi1>, vector<512x32xi32>
      %swap3A_58 = arith.constant 0 : index
      %swap3A_59 = arith.constant 0 : index
      %swap3A_60 = arith.constant 0 : index
      %swap3A_61 = vector.load %arg4[%swap3A_58, %swap3A_59, %swap3A_60] : memref<1x512x32xi32, #tpu.memory_space<vmem>>, vector<1x512x32xi32>
      %swap3A_62 = vector.shape_cast %swap3A_61 : vector<1x512x32xi32> to vector<512x32xi32>
      %swap3A_63 = vector.shape_cast %select_n3A_57 : vector<512x32xi32> to vector<1x512x32xi32>
      tpu.vector_store %arg4[%swap3A_58, %swap3A_59, %swap3A_60], %swap3A_63 {strides = array<i32>} : memref<1x512x32xi32, #tpu.memory_space<vmem>>, vector<1x512x32xi32>,
      scf.yield %argmin3A : vector<512xi32>
    }
    %scan3A_31 = arith.constant 32 : i32
    return
  }
  func.func @transform_0(%arg0: i32, %arg1: i32) -> (i32, i32, i32) {
    %c0_i32 = arith.constant 0 : i32
    %c0_i32_0 = arith.constant 0 : i32
    return %arg0, %arg1, %c0_i32 : i32, i32, i32
  }
  func.func @transform_1(%arg0: i32, %arg1: i32) -> (i32, i32, i32) {
    %c0_i32 = arith.constant 0 : i32
    %c0_i32_0 = arith.constant 0 : i32
    %c0_i32_1 = arith.constant 0 : i32
    return %arg0, %c0_i32, %c0_i32_0 : i32, i32, i32
  }
  func.func @transform_2(%arg0: i32, %arg1: i32) -> (i32, i32, i32) {
    %c0_i32 = arith.constant 0 : i32
    %c0_i32_0 = arith.constant 0 : i32
    return %arg0, %arg1, %c0_i32 : i32, i32, i32
  }
}

module attributes {stable_mosaic.version = 14 : i64} {
  func.func @body(%arg0: i32, %arg1: memref<8192x16xf32, #tpu.memory_space<vmem>>, %arg2: memref<256x3xf32, #tpu.memory_space<vmem>>, %arg3: memref<3x32xf32, #tpu.memory_space<vmem>>, %arg4: memref<32xf32, #tpu.memory_space<vmem>>, %arg5: memref<32x32xf32, #tpu.memory_space<vmem>>, %arg6: memref<32xf32, #tpu.memory_space<vmem>>, %arg7: memref<32x64xf32, #tpu.memory_space<vmem>>, %arg8: memref<64xf32, #tpu.memory_space<vmem>>, %arg9: memref<256x64xf32, #tpu.memory_space<vmem>>) attributes {dimension_semantics = [#tpu.dimension_semantics<arbitrary>], iteration_bounds = array<i64: 16>, scalar_prefetch = 0 : i64, scratch_operands = 0 : i64, tpu.core_type = #tpu.core_type<tc>, window_params = [{transform_indices = @transform_0, window_bounds = array<i64: 8192, 16>}, {transform_indices = @transform_1, window_bounds = array<i64: 256, 3>}, {pipeline_mode = #tpu.pipeline_mode<synchronous>, transform_indices = @transform_2, window_bounds = array<i64: 3, 32>}, {pipeline_mode = #tpu.pipeline_mode<synchronous>, transform_indices = @transform_3, window_bounds = array<i64: 32>}, {pipeline_mode = #tpu.pipeline_mode<synchronous>, transform_indices = @transform_4, window_bounds = array<i64: 32, 32>}, {pipeline_mode = #tpu.pipeline_mode<synchronous>, transform_indices = @transform_5, window_bounds = array<i64: 32>}, {pipeline_mode = #tpu.pipeline_mode<synchronous>, transform_indices = @transform_6, window_bounds = array<i64: 32, 64>}, {pipeline_mode = #tpu.pipeline_mode<synchronous>, transform_indices = @transform_7, window_bounds = array<i64: 64>}, {transform_indices = @transform_8, window_bounds = array<i64: 256, 64>}]} {
    %get3A = arith.constant 0 : index
    %get3A_0 = arith.constant 0 : index
    %get3A_1 = vector.load %arg1[%get3A, %get3A_0] : memref<8192x16xf32, #tpu.memory_space<vmem>>, vector<8192x16xf32>
    %reshape3A = vector.shape_cast %get3A_1 : vector<8192x16xf32> to vector<256x32x16xf32>
    %slice3A = vector.extract_strided_slice %reshape3A {offsets = [0, 0, 0], sizes = [256, 32, 3], strides = [1, 1, 1]} : vector<256x32x16xf32> to vector<256x32x3xf32>
    %get3A_2 = arith.constant 0 : index
    %get3A_3 = arith.constant 0 : index
    %get3A_4 = vector.load %arg2[%get3A_2, %get3A_3] : memref<256x3xf32, #tpu.memory_space<vmem>>, vector<256x3xf32>
    %broadcast_in_dim3A = vector.shape_cast %get3A_4 : vector<256x3xf32> to vector<256x1x3xf32>
    %sub3A = vector.broadcast %broadcast_in_dim3A : vector<256x1x3xf32> to vector<256x32x3xf32>
    %sub3A_5 = arith.subf %slice3A, %sub3A : vector<256x32x3xf32>
    %reshape3A_6 = vector.shape_cast %sub3A_5 : vector<256x32x3xf32> to vector<8192x3xf32>
    %get3A_7 = arith.constant 0 : index
    %get3A_8 = arith.constant 0 : index
    %get3A_9 = vector.load %arg3[%get3A_7, %get3A_8] : memref<3x32xf32, #tpu.memory_space<vmem>>, vector<3x32xf32>
    %dot_general3A = arith.constant dense<0.000000e+00> : vector<8192x32xf32>
    %dot_general3A_10 = tpu.matmul %reshape3A_6, %get3A_9, %dot_general3A {dimension_numbers = #tpu.dot_dimension_numbers<[1], [0], [0], [1], [0, 0, 1, 1], [], []>, transpose_lhs_hint = false} : vector<8192x3xf32>, vector<3x32xf32>, vector<8192x32xf32> -> vector<8192x32xf32>
    %get3A_11 = arith.constant 0 : index
    %get3A_12 = vector.load %arg4[%get3A_11] : memref<32xf32, #tpu.memory_space<vmem>>, vector<32xf32>
    %broadcast_in_dim3A_13 = vector.shape_cast %get3A_12 : vector<32xf32> to vector<1x32xf32>
    %add3A = vector.broadcast %broadcast_in_dim3A_13 : vector<1x32xf32> to vector<8192x32xf32>
    %add3A_14 = arith.addf %dot_general3A_10, %add3A : vector<8192x32xf32>
    %mul3A = arith.constant 0.999994993 : f32
    %mul3A_15 = vector.broadcast %mul3A : f32 to vector<8192x32xf32>
    %mul3A_16 = arith.mulf %add3A_14, %mul3A_15 : vector<8192x32xf32>
    %max3A = arith.constant 0.000000e+00 : f32
    %max3A_17 = vector.broadcast %max3A : f32 to vector<8192x32xf32>
    %max3A_18 = arith.maximumf %mul3A_16, %max3A_17 : vector<8192x32xf32>
    %get3A_19 = arith.constant 0 : index
    %get3A_20 = arith.constant 0 : index
    %get3A_21 = vector.load %arg5[%get3A_19, %get3A_20] : memref<32x32xf32, #tpu.memory_space<vmem>>, vector<32x32xf32>
    %get3A_22 = arith.constant 0 : index
    %get3A_23 = vector.load %arg6[%get3A_22] : memref<32xf32, #tpu.memory_space<vmem>>, vector<32xf32>
    %dot_general3A_24 = arith.constant dense<0.000000e+00> : vector<8192x32xf32>
    %dot_general3A_25 = tpu.matmul %max3A_18, %get3A_21, %dot_general3A_24 {dimension_numbers = #tpu.dot_dimension_numbers<[1], [0], [0], [1], [0, 0, 1, 1], [], []>, transpose_lhs_hint = false} : vector<8192x32xf32>, vector<32x32xf32>, vector<8192x32xf32> -> vector<8192x32xf32>
    %broadcast_in_dim3A_26 = vector.shape_cast %get3A_23 : vector<32xf32> to vector<1x32xf32>
    %add3A_27 = vector.broadcast %broadcast_in_dim3A_26 : vector<1x32xf32> to vector<8192x32xf32>
    %add3A_28 = arith.addf %dot_general3A_25, %add3A_27 : vector<8192x32xf32>
    %mul3A_29 = arith.constant 0.999994993 : f32
    %mul3A_30 = vector.broadcast %mul3A_29 : f32 to vector<8192x32xf32>
    %mul3A_31 = arith.mulf %add3A_28, %mul3A_30 : vector<8192x32xf32>
    %max3A_32 = arith.constant 0.000000e+00 : f32
    %max3A_33 = vector.broadcast %max3A_32 : f32 to vector<8192x32xf32>
    %max3A_34 = arith.maximumf %mul3A_31, %max3A_33 : vector<8192x32xf32>
    %get3A_35 = arith.constant 0 : index
    %get3A_36 = arith.constant 0 : index
    %get3A_37 = vector.load %arg7[%get3A_35, %get3A_36] : memref<32x64xf32, #tpu.memory_space<vmem>>, vector<32x64xf32>
    %get3A_38 = arith.constant 0 : index
    %get3A_39 = vector.load %arg8[%get3A_38] : memref<64xf32, #tpu.memory_space<vmem>>, vector<64xf32>
    %dot_general3A_40 = arith.constant dense<0.000000e+00> : vector<8192x64xf32>
    %dot_general3A_41 = tpu.matmul %max3A_34, %get3A_37, %dot_general3A_40 {dimension_numbers = #tpu.dot_dimension_numbers<[1], [0], [0], [1], [0, 0, 1, 1], [], []>, transpose_lhs_hint = false} : vector<8192x32xf32>, vector<32x64xf32>, vector<8192x64xf32> -> vector<8192x64xf32>
    %broadcast_in_dim3A_42 = vector.shape_cast %get3A_39 : vector<64xf32> to vector<1x64xf32>
    %add3A_43 = vector.broadcast %broadcast_in_dim3A_42 : vector<1x64xf32> to vector<8192x64xf32>
    %add3A_44 = arith.addf %dot_general3A_41, %add3A_43 : vector<8192x64xf32>
    %mul3A_45 = arith.constant 0.999994993 : f32
    %mul3A_46 = vector.broadcast %mul3A_45 : f32 to vector<8192x64xf32>
    %mul3A_47 = arith.mulf %add3A_44, %mul3A_46 : vector<8192x64xf32>
    %max3A_48 = arith.constant 0.000000e+00 : f32
    %max3A_49 = vector.broadcast %max3A_48 : f32 to vector<8192x64xf32>
    %max3A_50 = arith.maximumf %mul3A_47, %max3A_49 : vector<8192x64xf32>
    %reshape3A_51 = vector.shape_cast %max3A_50 : vector<8192x64xf32> to vector<256x32x64xf32>
    %reduce_max3A = arith.constant dense<0xFF800000> : vector<256x64xf32>
    %reduce_max3A_52 = vector.multi_reduction <maximumf>, %reshape3A_51, %reduce_max3A [1] : vector<256x32x64xf32> to vector<256x64xf32>
    %swap3A = arith.constant 0 : index
    %swap3A_53 = arith.constant 0 : index
    %swap3A_54 = vector.load %arg9[%swap3A, %swap3A_53] : memref<256x64xf32, #tpu.memory_space<vmem>>, vector<256x64xf32>
    tpu.vector_store %arg9[%swap3A, %swap3A_53], %reduce_max3A_52 {strides = array<i32>} : memref<256x64xf32, #tpu.memory_space<vmem>>, vector<256x64xf32>,
    return
  }
  func.func @transform_0(%arg0: i32) -> (i32, i32) {
    %c0_i32 = arith.constant 0 : i32
    %c0_i32_0 = arith.constant 0 : i32
    return %arg0, %c0_i32 : i32, i32
  }
  func.func @transform_1(%arg0: i32) -> (i32, i32) {
    %c0_i32 = arith.constant 0 : i32
    %c0_i32_0 = arith.constant 0 : i32
    return %arg0, %c0_i32 : i32, i32
  }
  func.func @transform_2(%arg0: i32) -> (i32, i32) {
    %c0_i32 = arith.constant 0 : i32
    %c0_i32_0 = arith.constant 0 : i32
    %c0_i32_1 = arith.constant 0 : i32
    return %c0_i32, %c0_i32_0 : i32, i32
  }
  func.func @transform_3(%arg0: i32) -> i32 {
    %c0_i32 = arith.constant 0 : i32
    %c0_i32_0 = arith.constant 0 : i32
    return %c0_i32 : i32
  }
  func.func @transform_4(%arg0: i32) -> (i32, i32) {
    %c0_i32 = arith.constant 0 : i32
    %c0_i32_0 = arith.constant 0 : i32
    %c0_i32_1 = arith.constant 0 : i32
    return %c0_i32, %c0_i32_0 : i32, i32
  }
  func.func @transform_5(%arg0: i32) -> i32 {
    %c0_i32 = arith.constant 0 : i32
    %c0_i32_0 = arith.constant 0 : i32
    return %c0_i32 : i32
  }
  func.func @transform_6(%arg0: i32) -> (i32, i32) {
    %c0_i32 = arith.constant 0 : i32
    %c0_i32_0 = arith.constant 0 : i32
    %c0_i32_1 = arith.constant 0 : i32
    return %c0_i32, %c0_i32_0 : i32, i32
  }
  func.func @transform_7(%arg0: i32) -> i32 {
    %c0_i32 = arith.constant 0 : i32
    %c0_i32_0 = arith.constant 0 : i32
    return %c0_i32 : i32
  }
  func.func @transform_8(%arg0: i32) -> (i32, i32) {
    %c0_i32 = arith.constant 0 : i32
    %c0_i32_0 = arith.constant 0 : i32
    return %arg0, %c0_i32 : i32, i32
  }
}

module attributes {stable_mosaic.version = 14 : i64} {
  func.func @body(%arg0: i32, %arg1: memref<2048x64xf32, #tpu.memory_space<vmem>>, %arg2: memref<64x64xf32, #tpu.memory_space<vmem>>, %arg3: memref<64xf32, #tpu.memory_space<vmem>>, %arg4: memref<2048x64xf32, #tpu.memory_space<vmem>>) attributes {dimension_semantics = [#tpu.dimension_semantics<arbitrary>], iteration_bounds = array<i64: 2>, scalar_prefetch = 0 : i64, scratch_operands = 0 : i64, tpu.core_type = #tpu.core_type<tc>, window_params = [{transform_indices = @transform_0, window_bounds = array<i64: 2048, 64>}, {pipeline_mode = #tpu.pipeline_mode<synchronous>, transform_indices = @transform_1, window_bounds = array<i64: 64, 64>}, {pipeline_mode = #tpu.pipeline_mode<synchronous>, transform_indices = @transform_2, window_bounds = array<i64: 64>}, {transform_indices = @transform_3, window_bounds = array<i64: 2048, 64>}]} {
    %get3A = arith.constant 0 : index
    %get3A_0 = arith.constant 0 : index
    %get3A_1 = vector.load %arg1[%get3A, %get3A_0] : memref<2048x64xf32, #tpu.memory_space<vmem>>, vector<2048x64xf32>
    %get3A_2 = arith.constant 0 : index
    %get3A_3 = arith.constant 0 : index
    %get3A_4 = vector.load %arg2[%get3A_2, %get3A_3] : memref<64x64xf32, #tpu.memory_space<vmem>>, vector<64x64xf32>
    %get3A_5 = arith.constant 0 : index
    %get3A_6 = vector.load %arg3[%get3A_5] : memref<64xf32, #tpu.memory_space<vmem>>, vector<64xf32>
    %dot_general3A = arith.constant dense<0.000000e+00> : vector<2048x64xf32>
    %dot_general3A_7 = tpu.matmul %get3A_1, %get3A_4, %dot_general3A {dimension_numbers = #tpu.dot_dimension_numbers<[1], [0], [0], [1], [0, 0, 1, 1], [], []>, transpose_lhs_hint = false} : vector<2048x64xf32>, vector<64x64xf32>, vector<2048x64xf32> -> vector<2048x64xf32>
    %broadcast_in_dim3A = vector.shape_cast %get3A_6 : vector<64xf32> to vector<1x64xf32>
    %add3A = vector.broadcast %broadcast_in_dim3A : vector<1x64xf32> to vector<2048x64xf32>
    %add3A_8 = arith.addf %dot_general3A_7, %add3A : vector<2048x64xf32>
    %swap3A = arith.constant 0 : index
    %swap3A_9 = arith.constant 0 : index
    %swap3A_10 = vector.load %arg4[%swap3A, %swap3A_9] : memref<2048x64xf32, #tpu.memory_space<vmem>>, vector<2048x64xf32>
    tpu.vector_store %arg4[%swap3A, %swap3A_9], %add3A_8 {strides = array<i32>} : memref<2048x64xf32, #tpu.memory_space<vmem>>, vector<2048x64xf32>,
    return
  }
  func.func @transform_0(%arg0: i32) -> (i32, i32) {
    %c0_i32 = arith.constant 0 : i32
    %c0_i32_0 = arith.constant 0 : i32
    return %arg0, %c0_i32 : i32, i32
  }
  func.func @transform_1(%arg0: i32) -> (i32, i32) {
    %c0_i32 = arith.constant 0 : i32
    %c0_i32_0 = arith.constant 0 : i32
    %c0_i32_1 = arith.constant 0 : i32
    return %c0_i32, %c0_i32_0 : i32, i32
  }
  func.func @transform_2(%arg0: i32) -> i32 {
    %c0_i32 = arith.constant 0 : i32
    %c0_i32_0 = arith.constant 0 : i32
    return %c0_i32 : i32
  }
  func.func @transform_3(%arg0: i32) -> (i32, i32) {
    %c0_i32 = arith.constant 0 : i32
    %c0_i32_0 = arith.constant 0 : i32
    return %arg0, %c0_i32 : i32, i32
  }
}

module attributes {stable_mosaic.version = 14 : i64} {
  func.func @body(%arg0: i32, %arg1: i32, %arg2: memref<1x256x3xf32, #tpu.memory_space<vmem>>, %arg3: memref<1x1024x3xf32, #tpu.memory_space<vmem>>, %arg4: memref<1x256x32xi32, #tpu.memory_space<vmem>>, %arg5: memref<256x1024xf32, #tpu.memory_space<vmem>>, %arg6: memref<256x32xf32, #tpu.memory_space<vmem>>) attributes {dimension_semantics = [#tpu.dimension_semantics<arbitrary>, #tpu.dimension_semantics<arbitrary>], iteration_bounds = array<i64: 4, 1>, scalar_prefetch = 0 : i64, scratch_operands = 2 : i64, tpu.core_type = #tpu.core_type<tc>, window_params = [{transform_indices = @transform_0, window_bounds = array<i64: 1, 256, 3>}, {transform_indices = @transform_1, window_bounds = array<i64: 1, 1024, 3>}, {transform_indices = @transform_2, window_bounds = array<i64: 1, 256, 32>}]} {
    %get3A = arith.constant 0 : index
    %get3A_0 = arith.constant 0 : index
    %get3A_1 = arith.constant 0 : index
    %get3A_2 = vector.load %arg2[%get3A, %get3A_0, %get3A_1] : memref<1x256x3xf32, #tpu.memory_space<vmem>>, vector<1x256x3xf32>
    %get3A_3 = vector.shape_cast %get3A_2 : vector<1x256x3xf32> to vector<256x3xf32>
    %get3A_4 = arith.constant 0 : index
    %get3A_5 = arith.constant 0 : index
    %get3A_6 = arith.constant 0 : index
    %get3A_7 = vector.load %arg3[%get3A_4, %get3A_5, %get3A_6] : memref<1x1024x3xf32, #tpu.memory_space<vmem>>, vector<1x1024x3xf32>
    %get3A_8 = vector.shape_cast %get3A_7 : vector<1x1024x3xf32> to vector<1024x3xf32>
    %mul3A = arith.mulf %get3A_3, %get3A_3 : vector<256x3xf32>
    %reduce_sum3A = arith.constant dense<0.000000e+00> : vector<256xf32>
    %reduce_sum3A_9 = vector.multi_reduction <add>, %mul3A, %reduce_sum3A [1] : vector<256x3xf32> to vector<256xf32>
    %mul3A_10 = arith.mulf %get3A_8, %get3A_8 : vector<1024x3xf32>
    %reduce_sum3A_11 = arith.constant dense<0.000000e+00> : vector<1024xf32>
    %reduce_sum3A_12 = vector.multi_reduction <add>, %mul3A_10, %reduce_sum3A_11 [1] : vector<1024x3xf32> to vector<1024xf32>
    %dot_general3A = arith.constant dense<0.000000e+00> : vector<256x1024xf32>
    %dot_general3A_13 = tpu.matmul %get3A_3, %get3A_8, %dot_general3A {dimension_numbers = #tpu.dot_dimension_numbers<[1], [1], [0], [0], [0, 0, 1, 0], [], []>, transpose_lhs_hint = false} : vector<256x3xf32>, vector<1024x3xf32>, vector<256x1024xf32> -> vector<256x1024xf32>
    %broadcast_in_dim3A = vector.shape_cast %reduce_sum3A_9 : vector<256xf32> to vector<256x1xf32>
    %broadcast_in_dim3A_14 = vector.shape_cast %reduce_sum3A_12 : vector<1024xf32> to vector<1x1024xf32>
    %add3A = vector.broadcast %broadcast_in_dim3A : vector<256x1xf32> to vector<256x1024xf32>
    %add3A_15 = vector.broadcast %broadcast_in_dim3A_14 : vector<1x1024xf32> to vector<256x1024xf32>
    %add3A_16 = arith.addf %add3A, %add3A_15 : vector<256x1024xf32>
    %mul3A_17 = arith.constant 2.000000e+00 : f32
    %mul3A_18 = vector.broadcast %mul3A_17 : f32 to vector<256x1024xf32>
    %mul3A_19 = arith.mulf %mul3A_18, %dot_general3A_13 : vector<256x1024xf32>
    %sub3A = arith.subf %add3A_16, %mul3A_19 : vector<256x1024xf32>
    %max3A = arith.constant 0.000000e+00 : f32
    %max3A_20 = vector.broadcast %max3A : f32 to vector<256x1024xf32>
    %max3A_21 = arith.maximumf %sub3A, %max3A_20 : vector<256x1024xf32>
    %swap3A = arith.constant 0 : index
    %swap3A_22 = arith.constant 0 : index
    %swap3A_23 = vector.load %arg5[%swap3A, %swap3A_22] : memref<256x1024xf32, #tpu.memory_space<vmem>>, vector<256x1024xf32>
    tpu.vector_store %arg5[%swap3A, %swap3A_22], %max3A_21 {strides = array<i32>} : memref<256x1024xf32, #tpu.memory_space<vmem>>, vector<256x1024xf32>,
    %iota3A = tpu.iota {dimensions = array<i32: 1>} : vector<256x1024xi32>
    %iota3A_24 = tpu.iota {dimensions = array<i32: 1>} : vector<256x32xi32>
    %broadcast_in_dim3A_25 = arith.constant -1 : i32
    %broadcast_in_dim3A_26 = vector.broadcast %broadcast_in_dim3A_25 : i32 to vector<256xi32>
    %scan3A = arith.constant 0 : i32
    %scan3A_27 = arith.constant 32 : i32
    %scan3A_28 = arith.addi %scan3A, %scan3A_27 : i32
    %scan3A_29 = arith.constant 1 : i32
    %scan3A_30 = scf.for %scan3A_32 = %scan3A to %scan3A_28 step %scan3A_29 iter_args(%scan3A_33 = %broadcast_in_dim3A_26) -> (vector<256xi32>)  : i32 {
      %broadcast_in_dim3A_34 = vector.shape_cast %scan3A_33 : vector<256xi32> to vector<256x1xi32>
      %eq3A = vector.broadcast %broadcast_in_dim3A_34 : vector<256x1xi32> to vector<256x1024xi32>
      %eq3A_35 = arith.cmpi eq, %iota3A, %eq3A : vector<256x1024xi32>
      %get3A_36 = arith.constant 0 : index
      %get3A_37 = arith.constant 0 : index
      %get3A_38 = vector.load %arg5[%get3A_36, %get3A_37] : memref<256x1024xf32, #tpu.memory_space<vmem>>, vector<256x1024xf32>
      %jit3A = arith.constant 0x7F800000 : f32
      %broadcast_in_dim3A_39 = vector.broadcast %jit3A : f32 to vector<256x1024xf32>
      %select_n3A = arith.select %eq3A_35, %broadcast_in_dim3A_39, %get3A_38 : vector<256x1024xi1>, vector<256x1024xf32>
      %swap3A_40 = arith.constant 0 : index
      %swap3A_41 = arith.constant 0 : index
      %swap3A_42 = vector.load %arg5[%swap3A_40, %swap3A_41] : memref<256x1024xf32, #tpu.memory_space<vmem>>, vector<256x1024xf32>
      tpu.vector_store %arg5[%swap3A_40, %swap3A_41], %select_n3A {strides = array<i32>} : memref<256x1024xf32, #tpu.memory_space<vmem>>, vector<256x1024xf32>,
      %argmin3A = tpu.reduce_index %select_n3A {axis = 1 : i32, kind = #tpu.reduction_kind<arg_min>} : vector<256x1024xf32> -> vector<256xi32>
      %eq3A_43 = vector.broadcast %scan3A_32 : i32 to vector<256x32xi32>
      %eq3A_44 = arith.cmpi eq, %iota3A_24, %eq3A_43 : vector<256x32xi32>
      %mul3A_45 = arith.constant 1024 : i32
      %mul3A_46 = arith.muli %arg0, %mul3A_45 : i32
      %add3A_47 = vector.broadcast %mul3A_46 : i32 to vector<256xi32>
      %add3A_48 = arith.addi %argmin3A, %add3A_47 : vector<256xi32>
      %broadcast_in_dim3A_49 = vector.shape_cast %add3A_48 : vector<256xi32> to vector<256x1xi32>
      %get3A_50 = arith.constant 0 : index
      %get3A_51 = arith.constant 0 : index
      %get3A_52 = arith.constant 0 : index
      %get3A_53 = vector.load %arg4[%get3A_50, %get3A_51, %get3A_52] : memref<1x256x32xi32, #tpu.memory_space<vmem>>, vector<1x256x32xi32>
      %get3A_54 = vector.shape_cast %get3A_53 : vector<1x256x32xi32> to vector<256x32xi32>
      %broadcast_in_dim3A_55 = vector.shape_cast %broadcast_in_dim3A_49 : vector<256x1xi32> to vector<256x1xi32>
      %broadcast_in_dim3A_56 = vector.broadcast %broadcast_in_dim3A_55 : vector<256x1xi32> to vector<256x32xi32>
      %select_n3A_57 = arith.select %eq3A_44, %broadcast_in_dim3A_56, %get3A_54 : vector<256x32xi1>, vector<256x32xi32>
      %swap3A_58 = arith.constant 0 : index
      %swap3A_59 = arith.constant 0 : index
      %swap3A_60 = arith.constant 0 : index
      %swap3A_61 = vector.load %arg4[%swap3A_58, %swap3A_59, %swap3A_60] : memref<1x256x32xi32, #tpu.memory_space<vmem>>, vector<1x256x32xi32>
      %swap3A_62 = vector.shape_cast %swap3A_61 : vector<1x256x32xi32> to vector<256x32xi32>
      %swap3A_63 = vector.shape_cast %select_n3A_57 : vector<256x32xi32> to vector<1x256x32xi32>
      tpu.vector_store %arg4[%swap3A_58, %swap3A_59, %swap3A_60], %swap3A_63 {strides = array<i32>} : memref<1x256x32xi32, #tpu.memory_space<vmem>>, vector<1x256x32xi32>,
      scf.yield %argmin3A : vector<256xi32>
    }
    %scan3A_31 = arith.constant 32 : i32
    return
  }
  func.func @transform_0(%arg0: i32, %arg1: i32) -> (i32, i32, i32) {
    %c0_i32 = arith.constant 0 : i32
    %c0_i32_0 = arith.constant 0 : i32
    return %arg0, %arg1, %c0_i32 : i32, i32, i32
  }
  func.func @transform_1(%arg0: i32, %arg1: i32) -> (i32, i32, i32) {
    %c0_i32 = arith.constant 0 : i32
    %c0_i32_0 = arith.constant 0 : i32
    %c0_i32_1 = arith.constant 0 : i32
    return %arg0, %c0_i32, %c0_i32_0 : i32, i32, i32
  }
  func.func @transform_2(%arg0: i32, %arg1: i32) -> (i32, i32, i32) {
    %c0_i32 = arith.constant 0 : i32
    %c0_i32_0 = arith.constant 0 : i32
    return %arg0, %arg1, %c0_i32 : i32, i32, i32
  }
}

module attributes {stable_mosaic.version = 14 : i64} {
  func.func @body(%arg0: i32, %arg1: i32, %arg2: memref<1x64x3xf32, #tpu.memory_space<vmem>>, %arg3: memref<1x256x3xf32, #tpu.memory_space<vmem>>, %arg4: memref<1x64x32xi32, #tpu.memory_space<vmem>>, %arg5: memref<64x256xf32, #tpu.memory_space<vmem>>, %arg6: memref<64x32xf32, #tpu.memory_space<vmem>>) attributes {dimension_semantics = [#tpu.dimension_semantics<arbitrary>, #tpu.dimension_semantics<arbitrary>], iteration_bounds = array<i64: 4, 1>, scalar_prefetch = 0 : i64, scratch_operands = 2 : i64, tpu.core_type = #tpu.core_type<tc>, window_params = [{transform_indices = @transform_0, window_bounds = array<i64: 1, 64, 3>}, {transform_indices = @transform_1, window_bounds = array<i64: 1, 256, 3>}, {transform_indices = @transform_2, window_bounds = array<i64: 1, 64, 32>}]} {
    %get3A = arith.constant 0 : index
    %get3A_0 = arith.constant 0 : index
    %get3A_1 = arith.constant 0 : index
    %get3A_2 = vector.load %arg2[%get3A, %get3A_0, %get3A_1] : memref<1x64x3xf32, #tpu.memory_space<vmem>>, vector<1x64x3xf32>
    %get3A_3 = vector.shape_cast %get3A_2 : vector<1x64x3xf32> to vector<64x3xf32>
    %get3A_4 = arith.constant 0 : index
    %get3A_5 = arith.constant 0 : index
    %get3A_6 = arith.constant 0 : index
    %get3A_7 = vector.load %arg3[%get3A_4, %get3A_5, %get3A_6] : memref<1x256x3xf32, #tpu.memory_space<vmem>>, vector<1x256x3xf32>
    %get3A_8 = vector.shape_cast %get3A_7 : vector<1x256x3xf32> to vector<256x3xf32>
    %mul3A = arith.mulf %get3A_3, %get3A_3 : vector<64x3xf32>
    %reduce_sum3A = arith.constant dense<0.000000e+00> : vector<64xf32>
    %reduce_sum3A_9 = vector.multi_reduction <add>, %mul3A, %reduce_sum3A [1] : vector<64x3xf32> to vector<64xf32>
    %mul3A_10 = arith.mulf %get3A_8, %get3A_8 : vector<256x3xf32>
    %reduce_sum3A_11 = arith.constant dense<0.000000e+00> : vector<256xf32>
    %reduce_sum3A_12 = vector.multi_reduction <add>, %mul3A_10, %reduce_sum3A_11 [1] : vector<256x3xf32> to vector<256xf32>
    %dot_general3A = arith.constant dense<0.000000e+00> : vector<64x256xf32>
    %dot_general3A_13 = tpu.matmul %get3A_3, %get3A_8, %dot_general3A {dimension_numbers = #tpu.dot_dimension_numbers<[1], [1], [0], [0], [0, 0, 1, 0], [], []>, transpose_lhs_hint = false} : vector<64x3xf32>, vector<256x3xf32>, vector<64x256xf32> -> vector<64x256xf32>
    %broadcast_in_dim3A = vector.shape_cast %reduce_sum3A_9 : vector<64xf32> to vector<64x1xf32>
    %broadcast_in_dim3A_14 = vector.shape_cast %reduce_sum3A_12 : vector<256xf32> to vector<1x256xf32>
    %add3A = vector.broadcast %broadcast_in_dim3A : vector<64x1xf32> to vector<64x256xf32>
    %add3A_15 = vector.broadcast %broadcast_in_dim3A_14 : vector<1x256xf32> to vector<64x256xf32>
    %add3A_16 = arith.addf %add3A, %add3A_15 : vector<64x256xf32>
    %mul3A_17 = arith.constant 2.000000e+00 : f32
    %mul3A_18 = vector.broadcast %mul3A_17 : f32 to vector<64x256xf32>
    %mul3A_19 = arith.mulf %mul3A_18, %dot_general3A_13 : vector<64x256xf32>
    %sub3A = arith.subf %add3A_16, %mul3A_19 : vector<64x256xf32>
    %max3A = arith.constant 0.000000e+00 : f32
    %max3A_20 = vector.broadcast %max3A : f32 to vector<64x256xf32>
    %max3A_21 = arith.maximumf %sub3A, %max3A_20 : vector<64x256xf32>
    %swap3A = arith.constant 0 : index
    %swap3A_22 = arith.constant 0 : index
    %swap3A_23 = vector.load %arg5[%swap3A, %swap3A_22] : memref<64x256xf32, #tpu.memory_space<vmem>>, vector<64x256xf32>
    tpu.vector_store %arg5[%swap3A, %swap3A_22], %max3A_21 {strides = array<i32>} : memref<64x256xf32, #tpu.memory_space<vmem>>, vector<64x256xf32>,
    %iota3A = tpu.iota {dimensions = array<i32: 1>} : vector<64x256xi32>
    %iota3A_24 = tpu.iota {dimensions = array<i32: 1>} : vector<64x32xi32>
    %broadcast_in_dim3A_25 = arith.constant -1 : i32
    %broadcast_in_dim3A_26 = vector.broadcast %broadcast_in_dim3A_25 : i32 to vector<64xi32>
    %scan3A = arith.constant 0 : i32
    %scan3A_27 = arith.constant 32 : i32
    %scan3A_28 = arith.addi %scan3A, %scan3A_27 : i32
    %scan3A_29 = arith.constant 1 : i32
    %scan3A_30 = scf.for %scan3A_32 = %scan3A to %scan3A_28 step %scan3A_29 iter_args(%scan3A_33 = %broadcast_in_dim3A_26) -> (vector<64xi32>)  : i32 {
      %broadcast_in_dim3A_34 = vector.shape_cast %scan3A_33 : vector<64xi32> to vector<64x1xi32>
      %eq3A = vector.broadcast %broadcast_in_dim3A_34 : vector<64x1xi32> to vector<64x256xi32>
      %eq3A_35 = arith.cmpi eq, %iota3A, %eq3A : vector<64x256xi32>
      %get3A_36 = arith.constant 0 : index
      %get3A_37 = arith.constant 0 : index
      %get3A_38 = vector.load %arg5[%get3A_36, %get3A_37] : memref<64x256xf32, #tpu.memory_space<vmem>>, vector<64x256xf32>
      %jit3A = arith.constant 0x7F800000 : f32
      %broadcast_in_dim3A_39 = vector.broadcast %jit3A : f32 to vector<64x256xf32>
      %select_n3A = arith.select %eq3A_35, %broadcast_in_dim3A_39, %get3A_38 : vector<64x256xi1>, vector<64x256xf32>
      %swap3A_40 = arith.constant 0 : index
      %swap3A_41 = arith.constant 0 : index
      %swap3A_42 = vector.load %arg5[%swap3A_40, %swap3A_41] : memref<64x256xf32, #tpu.memory_space<vmem>>, vector<64x256xf32>
      tpu.vector_store %arg5[%swap3A_40, %swap3A_41], %select_n3A {strides = array<i32>} : memref<64x256xf32, #tpu.memory_space<vmem>>, vector<64x256xf32>,
      %argmin3A = tpu.reduce_index %select_n3A {axis = 1 : i32, kind = #tpu.reduction_kind<arg_min>} : vector<64x256xf32> -> vector<64xi32>
      %eq3A_43 = vector.broadcast %scan3A_32 : i32 to vector<64x32xi32>
      %eq3A_44 = arith.cmpi eq, %iota3A_24, %eq3A_43 : vector<64x32xi32>
      %mul3A_45 = arith.constant 256 : i32
      %mul3A_46 = arith.muli %arg0, %mul3A_45 : i32
      %add3A_47 = vector.broadcast %mul3A_46 : i32 to vector<64xi32>
      %add3A_48 = arith.addi %argmin3A, %add3A_47 : vector<64xi32>
      %broadcast_in_dim3A_49 = vector.shape_cast %add3A_48 : vector<64xi32> to vector<64x1xi32>
      %get3A_50 = arith.constant 0 : index
      %get3A_51 = arith.constant 0 : index
      %get3A_52 = arith.constant 0 : index
      %get3A_53 = vector.load %arg4[%get3A_50, %get3A_51, %get3A_52] : memref<1x64x32xi32, #tpu.memory_space<vmem>>, vector<1x64x32xi32>
      %get3A_54 = vector.shape_cast %get3A_53 : vector<1x64x32xi32> to vector<64x32xi32>
      %broadcast_in_dim3A_55 = vector.shape_cast %broadcast_in_dim3A_49 : vector<64x1xi32> to vector<64x1xi32>
      %broadcast_in_dim3A_56 = vector.broadcast %broadcast_in_dim3A_55 : vector<64x1xi32> to vector<64x32xi32>
      %select_n3A_57 = arith.select %eq3A_44, %broadcast_in_dim3A_56, %get3A_54 : vector<64x32xi1>, vector<64x32xi32>
      %swap3A_58 = arith.constant 0 : index
      %swap3A_59 = arith.constant 0 : index
      %swap3A_60 = arith.constant 0 : index
      %swap3A_61 = vector.load %arg4[%swap3A_58, %swap3A_59, %swap3A_60] : memref<1x64x32xi32, #tpu.memory_space<vmem>>, vector<1x64x32xi32>
      %swap3A_62 = vector.shape_cast %swap3A_61 : vector<1x64x32xi32> to vector<64x32xi32>
      %swap3A_63 = vector.shape_cast %select_n3A_57 : vector<64x32xi32> to vector<1x64x32xi32>
      tpu.vector_store %arg4[%swap3A_58, %swap3A_59, %swap3A_60], %swap3A_63 {strides = array<i32>} : memref<1x64x32xi32, #tpu.memory_space<vmem>>, vector<1x64x32xi32>,
      scf.yield %argmin3A : vector<64xi32>
    }
    %scan3A_31 = arith.constant 32 : i32
    return
  }
  func.func @transform_0(%arg0: i32, %arg1: i32) -> (i32, i32, i32) {
    %c0_i32 = arith.constant 0 : i32
    %c0_i32_0 = arith.constant 0 : i32
    return %arg0, %arg1, %c0_i32 : i32, i32, i32
  }
  func.func @transform_1(%arg0: i32, %arg1: i32) -> (i32, i32, i32) {
    %c0_i32 = arith.constant 0 : i32
    %c0_i32_0 = arith.constant 0 : i32
    %c0_i32_1 = arith.constant 0 : i32
    return %arg0, %c0_i32, %c0_i32_0 : i32, i32, i32
  }
  func.func @transform_2(%arg0: i32, %arg1: i32) -> (i32, i32, i32) {
    %c0_i32 = arith.constant 0 : i32
    %c0_i32_0 = arith.constant 0 : i32
    return %arg0, %arg1, %c0_i32 : i32, i32, i32
  }
}

module attributes {stable_mosaic.version = 14 : i64} {
  func.func @body(%arg0: i32, %arg1: memref<8192x16xf32, #tpu.memory_space<vmem>>, %arg2: memref<8192x64xf32, #tpu.memory_space<vmem>>, %arg3: memref<256x3xf32, #tpu.memory_space<vmem>>, %arg4: memref<3x64xf32, #tpu.memory_space<vmem>>, %arg5: memref<64xf32, #tpu.memory_space<vmem>>, %arg6: memref<64x64xf32, #tpu.memory_space<vmem>>, %arg7: memref<64xf32, #tpu.memory_space<vmem>>, %arg8: memref<64x128xf32, #tpu.memory_space<vmem>>, %arg9: memref<128xf32, #tpu.memory_space<vmem>>, %arg10: memref<256x128xf32, #tpu.memory_space<vmem>>) attributes {dimension_semantics = [#tpu.dimension_semantics<arbitrary>], iteration_bounds = array<i64: 4>, scalar_prefetch = 0 : i64, scratch_operands = 0 : i64, tpu.core_type = #tpu.core_type<tc>, window_params = [{transform_indices = @transform_0, window_bounds = array<i64: 8192, 16>}, {transform_indices = @transform_1, window_bounds = array<i64: 8192, 64>}, {transform_indices = @transform_2, window_bounds = array<i64: 256, 3>}, {pipeline_mode = #tpu.pipeline_mode<synchronous>, transform_indices = @transform_3, window_bounds = array<i64: 3, 64>}, {pipeline_mode = #tpu.pipeline_mode<synchronous>, transform_indices = @transform_4, window_bounds = array<i64: 64>}, {pipeline_mode = #tpu.pipeline_mode<synchronous>, transform_indices = @transform_5, window_bounds = array<i64: 64, 64>}, {pipeline_mode = #tpu.pipeline_mode<synchronous>, transform_indices = @transform_6, window_bounds = array<i64: 64>}, {pipeline_mode = #tpu.pipeline_mode<synchronous>, transform_indices = @transform_7, window_bounds = array<i64: 64, 128>}, {pipeline_mode = #tpu.pipeline_mode<synchronous>, transform_indices = @transform_8, window_bounds = array<i64: 128>}, {transform_indices = @transform_9, window_bounds = array<i64: 256, 128>}]} {
    %get3A = arith.constant 0 : index
    %get3A_0 = arith.constant 0 : index
    %get3A_1 = vector.load %arg1[%get3A, %get3A_0] : memref<8192x16xf32, #tpu.memory_space<vmem>>, vector<8192x16xf32>
    %reshape3A = vector.shape_cast %get3A_1 : vector<8192x16xf32> to vector<256x32x16xf32>
    %slice3A = vector.extract_strided_slice %reshape3A {offsets = [0, 0, 0], sizes = [256, 32, 3], strides = [1, 1, 1]} : vector<256x32x16xf32> to vector<256x32x3xf32>
    %get3A_2 = arith.constant 0 : index
    %get3A_3 = arith.constant 0 : index
    %get3A_4 = vector.load %arg3[%get3A_2, %get3A_3] : memref<256x3xf32, #tpu.memory_space<vmem>>, vector<256x3xf32>
    %broadcast_in_dim3A = vector.shape_cast %get3A_4 : vector<256x3xf32> to vector<256x1x3xf32>
    %sub3A = vector.broadcast %broadcast_in_dim3A : vector<256x1x3xf32> to vector<256x32x3xf32>
    %sub3A_5 = arith.subf %slice3A, %sub3A : vector<256x32x3xf32>
    %reshape3A_6 = vector.shape_cast %sub3A_5 : vector<256x32x3xf32> to vector<8192x3xf32>
    %get3A_7 = arith.constant 0 : index
    %get3A_8 = arith.constant 0 : index
    %get3A_9 = vector.load %arg4[%get3A_7, %get3A_8] : memref<3x64xf32, #tpu.memory_space<vmem>>, vector<3x64xf32>
    %dot_general3A = arith.constant dense<0.000000e+00> : vector<8192x64xf32>
    %dot_general3A_10 = tpu.matmul %reshape3A_6, %get3A_9, %dot_general3A {dimension_numbers = #tpu.dot_dimension_numbers<[1], [0], [0], [1], [0, 0, 1, 1], [], []>, transpose_lhs_hint = false} : vector<8192x3xf32>, vector<3x64xf32>, vector<8192x64xf32> -> vector<8192x64xf32>
    %get3A_11 = arith.constant 0 : index
    %get3A_12 = vector.load %arg5[%get3A_11] : memref<64xf32, #tpu.memory_space<vmem>>, vector<64xf32>
    %broadcast_in_dim3A_13 = vector.shape_cast %get3A_12 : vector<64xf32> to vector<1x64xf32>
    %add3A = vector.broadcast %broadcast_in_dim3A_13 : vector<1x64xf32> to vector<8192x64xf32>
    %add3A_14 = arith.addf %dot_general3A_10, %add3A : vector<8192x64xf32>
    %get3A_15 = arith.constant 0 : index
    %get3A_16 = arith.constant 0 : index
    %get3A_17 = vector.load %arg2[%get3A_15, %get3A_16] : memref<8192x64xf32, #tpu.memory_space<vmem>>, vector<8192x64xf32>
    %add3A_18 = arith.addf %add3A_14, %get3A_17 : vector<8192x64xf32>
    %mul3A = arith.constant 0.999994993 : f32
    %mul3A_19 = vector.broadcast %mul3A : f32 to vector<8192x64xf32>
    %mul3A_20 = arith.mulf %add3A_18, %mul3A_19 : vector<8192x64xf32>
    %max3A = arith.constant 0.000000e+00 : f32
    %max3A_21 = vector.broadcast %max3A : f32 to vector<8192x64xf32>
    %max3A_22 = arith.maximumf %mul3A_20, %max3A_21 : vector<8192x64xf32>
    %get3A_23 = arith.constant 0 : index
    %get3A_24 = arith.constant 0 : index
    %get3A_25 = vector.load %arg6[%get3A_23, %get3A_24] : memref<64x64xf32, #tpu.memory_space<vmem>>, vector<64x64xf32>
    %get3A_26 = arith.constant 0 : index
    %get3A_27 = vector.load %arg7[%get3A_26] : memref<64xf32, #tpu.memory_space<vmem>>, vector<64xf32>
    %dot_general3A_28 = arith.constant dense<0.000000e+00> : vector<8192x64xf32>
    %dot_general3A_29 = tpu.matmul %max3A_22, %get3A_25, %dot_general3A_28 {dimension_numbers = #tpu.dot_dimension_numbers<[1], [0], [0], [1], [0, 0, 1, 1], [], []>, transpose_lhs_hint = false} : vector<8192x64xf32>, vector<64x64xf32>, vector<8192x64xf32> -> vector<8192x64xf32>
    %broadcast_in_dim3A_30 = vector.shape_cast %get3A_27 : vector<64xf32> to vector<1x64xf32>
    %add3A_31 = vector.broadcast %broadcast_in_dim3A_30 : vector<1x64xf32> to vector<8192x64xf32>
    %add3A_32 = arith.addf %dot_general3A_29, %add3A_31 : vector<8192x64xf32>
    %mul3A_33 = arith.constant 0.999994993 : f32
    %mul3A_34 = vector.broadcast %mul3A_33 : f32 to vector<8192x64xf32>
    %mul3A_35 = arith.mulf %add3A_32, %mul3A_34 : vector<8192x64xf32>
    %max3A_36 = arith.constant 0.000000e+00 : f32
    %max3A_37 = vector.broadcast %max3A_36 : f32 to vector<8192x64xf32>
    %max3A_38 = arith.maximumf %mul3A_35, %max3A_37 : vector<8192x64xf32>
    %get3A_39 = arith.constant 0 : index
    %get3A_40 = arith.constant 0 : index
    %get3A_41 = vector.load %arg8[%get3A_39, %get3A_40] : memref<64x128xf32, #tpu.memory_space<vmem>>, vector<64x128xf32>
    %get3A_42 = arith.constant 0 : index
    %get3A_43 = vector.load %arg9[%get3A_42] : memref<128xf32, #tpu.memory_space<vmem>>, vector<128xf32>
    %dot_general3A_44 = arith.constant dense<0.000000e+00> : vector<8192x128xf32>
    %dot_general3A_45 = tpu.matmul %max3A_38, %get3A_41, %dot_general3A_44 {dimension_numbers = #tpu.dot_dimension_numbers<[1], [0], [0], [1], [0, 0, 1, 1], [], []>, transpose_lhs_hint = false} : vector<8192x64xf32>, vector<64x128xf32>, vector<8192x128xf32> -> vector<8192x128xf32>
    %broadcast_in_dim3A_46 = vector.shape_cast %get3A_43 : vector<128xf32> to vector<1x128xf32>
    %add3A_47 = vector.broadcast %broadcast_in_dim3A_46 : vector<1x128xf32> to vector<8192x128xf32>
    %add3A_48 = arith.addf %dot_general3A_45, %add3A_47 : vector<8192x128xf32>
    %mul3A_49 = arith.constant 0.999994993 : f32
    %mul3A_50 = vector.broadcast %mul3A_49 : f32 to vector<8192x128xf32>
    %mul3A_51 = arith.mulf %add3A_48, %mul3A_50 : vector<8192x128xf32>
    %max3A_52 = arith.constant 0.000000e+00 : f32
    %max3A_53 = vector.broadcast %max3A_52 : f32 to vector<8192x128xf32>
    %max3A_54 = arith.maximumf %mul3A_51, %max3A_53 : vector<8192x128xf32>
    %reshape3A_55 = vector.shape_cast %max3A_54 : vector<8192x128xf32> to vector<256x32x128xf32>
    %reduce_max3A = arith.constant dense<0xFF800000> : vector<256x128xf32>
    %reduce_max3A_56 = vector.multi_reduction <maximumf>, %reshape3A_55, %reduce_max3A [1] : vector<256x32x128xf32> to vector<256x128xf32>
    %swap3A = arith.constant 0 : index
    %swap3A_57 = arith.constant 0 : index
    %swap3A_58 = vector.load %arg10[%swap3A, %swap3A_57] : memref<256x128xf32, #tpu.memory_space<vmem>>, vector<256x128xf32>
    tpu.vector_store %arg10[%swap3A, %swap3A_57], %reduce_max3A_56 {strides = array<i32>} : memref<256x128xf32, #tpu.memory_space<vmem>>, vector<256x128xf32>,
    return
  }
  func.func @transform_0(%arg0: i32) -> (i32, i32) {
    %c0_i32 = arith.constant 0 : i32
    %c0_i32_0 = arith.constant 0 : i32
    return %arg0, %c0_i32 : i32, i32
  }
  func.func @transform_1(%arg0: i32) -> (i32, i32) {
    %c0_i32 = arith.constant 0 : i32
    %c0_i32_0 = arith.constant 0 : i32
    return %arg0, %c0_i32 : i32, i32
  }
  func.func @transform_2(%arg0: i32) -> (i32, i32) {
    %c0_i32 = arith.constant 0 : i32
    %c0_i32_0 = arith.constant 0 : i32
    return %arg0, %c0_i32 : i32, i32
  }
  func.func @transform_3(%arg0: i32) -> (i32, i32) {
    %c0_i32 = arith.constant 0 : i32
    %c0_i32_0 = arith.constant 0 : i32
    %c0_i32_1 = arith.constant 0 : i32
    return %c0_i32, %c0_i32_0 : i32, i32
  }
  func.func @transform_4(%arg0: i32) -> i32 {
    %c0_i32 = arith.constant 0 : i32
    %c0_i32_0 = arith.constant 0 : i32
    return %c0_i32 : i32
  }
  func.func @transform_5(%arg0: i32) -> (i32, i32) {
    %c0_i32 = arith.constant 0 : i32
    %c0_i32_0 = arith.constant 0 : i32
    %c0_i32_1 = arith.constant 0 : i32
    return %c0_i32, %c0_i32_0 : i32, i32
  }
  func.func @transform_6(%arg0: i32) -> i32 {
    %c0_i32 = arith.constant 0 : i32
    %c0_i32_0 = arith.constant 0 : i32
    return %c0_i32 : i32
  }
  func.func @transform_7(%arg0: i32) -> (i32, i32) {
    %c0_i32 = arith.constant 0 : i32
    %c0_i32_0 = arith.constant 0 : i32
    %c0_i32_1 = arith.constant 0 : i32
    return %c0_i32, %c0_i32_0 : i32, i32
  }
  func.func @transform_8(%arg0: i32) -> i32 {
    %c0_i32 = arith.constant 0 : i32
    %c0_i32_0 = arith.constant 0 : i32
    return %c0_i32 : i32
  }
  func.func @transform_9(%arg0: i32) -> (i32, i32) {
    %c0_i32 = arith.constant 0 : i32
    %c0_i32_0 = arith.constant 0 : i32
    return %arg0, %c0_i32 : i32, i32
  }
}

module attributes {stable_mosaic.version = 14 : i64} {
  func.func @body(%arg0: i32, %arg1: memref<1024x128xf32, #tpu.memory_space<vmem>>, %arg2: memref<128x128xf32, #tpu.memory_space<vmem>>, %arg3: memref<128xf32, #tpu.memory_space<vmem>>, %arg4: memref<1024x128xf32, #tpu.memory_space<vmem>>) attributes {dimension_semantics = [#tpu.dimension_semantics<arbitrary>], iteration_bounds = array<i64: 1>, scalar_prefetch = 0 : i64, scratch_operands = 0 : i64, tpu.core_type = #tpu.core_type<tc>, window_params = [{transform_indices = @transform_0, window_bounds = array<i64: 1024, 128>}, {pipeline_mode = #tpu.pipeline_mode<synchronous>, transform_indices = @transform_1, window_bounds = array<i64: 128, 128>}, {pipeline_mode = #tpu.pipeline_mode<synchronous>, transform_indices = @transform_2, window_bounds = array<i64: 128>}, {transform_indices = @transform_3, window_bounds = array<i64: 1024, 128>}]} {
    %get3A = arith.constant 0 : index
    %get3A_0 = arith.constant 0 : index
    %get3A_1 = vector.load %arg1[%get3A, %get3A_0] : memref<1024x128xf32, #tpu.memory_space<vmem>>, vector<1024x128xf32>
    %get3A_2 = arith.constant 0 : index
    %get3A_3 = arith.constant 0 : index
    %get3A_4 = vector.load %arg2[%get3A_2, %get3A_3] : memref<128x128xf32, #tpu.memory_space<vmem>>, vector<128x128xf32>
    %get3A_5 = arith.constant 0 : index
    %get3A_6 = vector.load %arg3[%get3A_5] : memref<128xf32, #tpu.memory_space<vmem>>, vector<128xf32>
    %dot_general3A = arith.constant dense<0.000000e+00> : vector<1024x128xf32>
    %dot_general3A_7 = tpu.matmul %get3A_1, %get3A_4, %dot_general3A {dimension_numbers = #tpu.dot_dimension_numbers<[1], [0], [0], [1], [0, 0, 1, 1], [], []>, transpose_lhs_hint = false} : vector<1024x128xf32>, vector<128x128xf32>, vector<1024x128xf32> -> vector<1024x128xf32>
    %broadcast_in_dim3A = vector.shape_cast %get3A_6 : vector<128xf32> to vector<1x128xf32>
    %add3A = vector.broadcast %broadcast_in_dim3A : vector<1x128xf32> to vector<1024x128xf32>
    %add3A_8 = arith.addf %dot_general3A_7, %add3A : vector<1024x128xf32>
    %swap3A = arith.constant 0 : index
    %swap3A_9 = arith.constant 0 : index
    %swap3A_10 = vector.load %arg4[%swap3A, %swap3A_9] : memref<1024x128xf32, #tpu.memory_space<vmem>>, vector<1024x128xf32>
    tpu.vector_store %arg4[%swap3A, %swap3A_9], %add3A_8 {strides = array<i32>} : memref<1024x128xf32, #tpu.memory_space<vmem>>, vector<1024x128xf32>,
    return
  }
  func.func @transform_0(%arg0: i32) -> (i32, i32) {
    %c0_i32 = arith.constant 0 : i32
    %c0_i32_0 = arith.constant 0 : i32
    return %arg0, %c0_i32 : i32, i32
  }
  func.func @transform_1(%arg0: i32) -> (i32, i32) {
    %c0_i32 = arith.constant 0 : i32
    %c0_i32_0 = arith.constant 0 : i32
    %c0_i32_1 = arith.constant 0 : i32
    return %c0_i32, %c0_i32_0 : i32, i32
  }
  func.func @transform_2(%arg0: i32) -> i32 {
    %c0_i32 = arith.constant 0 : i32
    %c0_i32_0 = arith.constant 0 : i32
    return %c0_i32 : i32
  }
  func.func @transform_3(%arg0: i32) -> (i32, i32) {
    %c0_i32 = arith.constant 0 : i32
    %c0_i32_0 = arith.constant 0 : i32
    return %arg0, %c0_i32 : i32, i32
  }
}

module attributes {stable_mosaic.version = 14 : i64} {
  func.func @body(%arg0: i32, %arg1: i32, %arg2: memref<1x256x3xf32, #tpu.memory_space<vmem>>, %arg3: memref<1x64x3xf32, #tpu.memory_space<vmem>>, %arg4: memref<1x256x3xi32, #tpu.memory_space<vmem>>, %arg5: memref<1x256x3xf32, #tpu.memory_space<vmem>>, %arg6: memref<256x64xf32, #tpu.memory_space<vmem>>, %arg7: memref<256x3xf32, #tpu.memory_space<vmem>>) attributes {dimension_semantics = [#tpu.dimension_semantics<arbitrary>, #tpu.dimension_semantics<arbitrary>], iteration_bounds = array<i64: 4, 1>, scalar_prefetch = 0 : i64, scratch_operands = 2 : i64, tpu.core_type = #tpu.core_type<tc>, window_params = [{transform_indices = @transform_0, window_bounds = array<i64: 1, 256, 3>}, {transform_indices = @transform_1, window_bounds = array<i64: 1, 64, 3>}, {transform_indices = @transform_2, window_bounds = array<i64: 1, 256, 3>}, {transform_indices = @transform_3, window_bounds = array<i64: 1, 256, 3>}]} {
    %get3A = arith.constant 0 : index
    %get3A_0 = arith.constant 0 : index
    %get3A_1 = arith.constant 0 : index
    %get3A_2 = vector.load %arg2[%get3A, %get3A_0, %get3A_1] : memref<1x256x3xf32, #tpu.memory_space<vmem>>, vector<1x256x3xf32>
    %get3A_3 = vector.shape_cast %get3A_2 : vector<1x256x3xf32> to vector<256x3xf32>
    %get3A_4 = arith.constant 0 : index
    %get3A_5 = arith.constant 0 : index
    %get3A_6 = arith.constant 0 : index
    %get3A_7 = vector.load %arg3[%get3A_4, %get3A_5, %get3A_6] : memref<1x64x3xf32, #tpu.memory_space<vmem>>, vector<1x64x3xf32>
    %get3A_8 = vector.shape_cast %get3A_7 : vector<1x64x3xf32> to vector<64x3xf32>
    %mul3A = arith.mulf %get3A_3, %get3A_3 : vector<256x3xf32>
    %reduce_sum3A = arith.constant dense<0.000000e+00> : vector<256xf32>
    %reduce_sum3A_9 = vector.multi_reduction <add>, %mul3A, %reduce_sum3A [1] : vector<256x3xf32> to vector<256xf32>
    %mul3A_10 = arith.mulf %get3A_8, %get3A_8 : vector<64x3xf32>
    %reduce_sum3A_11 = arith.constant dense<0.000000e+00> : vector<64xf32>
    %reduce_sum3A_12 = vector.multi_reduction <add>, %mul3A_10, %reduce_sum3A_11 [1] : vector<64x3xf32> to vector<64xf32>
    %dot_general3A = arith.constant dense<0.000000e+00> : vector<256x64xf32>
    %dot_general3A_13 = tpu.matmul %get3A_3, %get3A_8, %dot_general3A {dimension_numbers = #tpu.dot_dimension_numbers<[1], [1], [0], [0], [0, 0, 1, 0], [], []>, transpose_lhs_hint = false} : vector<256x3xf32>, vector<64x3xf32>, vector<256x64xf32> -> vector<256x64xf32>
    %broadcast_in_dim3A = vector.shape_cast %reduce_sum3A_9 : vector<256xf32> to vector<256x1xf32>
    %broadcast_in_dim3A_14 = vector.shape_cast %reduce_sum3A_12 : vector<64xf32> to vector<1x64xf32>
    %add3A = vector.broadcast %broadcast_in_dim3A : vector<256x1xf32> to vector<256x64xf32>
    %add3A_15 = vector.broadcast %broadcast_in_dim3A_14 : vector<1x64xf32> to vector<256x64xf32>
    %add3A_16 = arith.addf %add3A, %add3A_15 : vector<256x64xf32>
    %mul3A_17 = arith.constant 2.000000e+00 : f32
    %mul3A_18 = vector.broadcast %mul3A_17 : f32 to vector<256x64xf32>
    %mul3A_19 = arith.mulf %mul3A_18, %dot_general3A_13 : vector<256x64xf32>
    %sub3A = arith.subf %add3A_16, %mul3A_19 : vector<256x64xf32>
    %max3A = arith.constant 0.000000e+00 : f32
    %max3A_20 = vector.broadcast %max3A : f32 to vector<256x64xf32>
    %max3A_21 = arith.maximumf %sub3A, %max3A_20 : vector<256x64xf32>
    %swap3A = arith.constant 0 : index
    %swap3A_22 = arith.constant 0 : index
    %swap3A_23 = vector.load %arg6[%swap3A, %swap3A_22] : memref<256x64xf32, #tpu.memory_space<vmem>>, vector<256x64xf32>
    tpu.vector_store %arg6[%swap3A, %swap3A_22], %max3A_21 {strides = array<i32>} : memref<256x64xf32, #tpu.memory_space<vmem>>, vector<256x64xf32>,
    %iota3A = tpu.iota {dimensions = array<i32: 1>} : vector<256x64xi32>
    %iota3A_24 = tpu.iota {dimensions = array<i32: 1>} : vector<256x3xi32>
    %broadcast_in_dim3A_25 = arith.constant -1 : i32
    %broadcast_in_dim3A_26 = vector.broadcast %broadcast_in_dim3A_25 : i32 to vector<256xi32>
    %scan3A = arith.constant 0 : i32
    %scan3A_27 = arith.constant 3 : i32
    %scan3A_28 = arith.addi %scan3A, %scan3A_27 : i32
    %scan3A_29 = arith.constant 1 : i32
    %scan3A_30 = scf.for %scan3A_51 = %scan3A to %scan3A_28 step %scan3A_29 iter_args(%scan3A_52 = %broadcast_in_dim3A_26) -> (vector<256xi32>)  : i32 {
      %broadcast_in_dim3A_53 = vector.shape_cast %scan3A_52 : vector<256xi32> to vector<256x1xi32>
      %eq3A = vector.broadcast %broadcast_in_dim3A_53 : vector<256x1xi32> to vector<256x64xi32>
      %eq3A_54 = arith.cmpi eq, %iota3A, %eq3A : vector<256x64xi32>
      %get3A_55 = arith.constant 0 : index
      %get3A_56 = arith.constant 0 : index
      %get3A_57 = vector.load %arg6[%get3A_55, %get3A_56] : memref<256x64xf32, #tpu.memory_space<vmem>>, vector<256x64xf32>
      %jit3A = arith.constant 0x7F800000 : f32
      %broadcast_in_dim3A_58 = vector.broadcast %jit3A : f32 to vector<256x64xf32>
      %select_n3A = arith.select %eq3A_54, %broadcast_in_dim3A_58, %get3A_57 : vector<256x64xi1>, vector<256x64xf32>
      %swap3A_59 = arith.constant 0 : index
      %swap3A_60 = arith.constant 0 : index
      %swap3A_61 = vector.load %arg6[%swap3A_59, %swap3A_60] : memref<256x64xf32, #tpu.memory_space<vmem>>, vector<256x64xf32>
      tpu.vector_store %arg6[%swap3A_59, %swap3A_60], %select_n3A {strides = array<i32>} : memref<256x64xf32, #tpu.memory_space<vmem>>, vector<256x64xf32>,
      %argmin3A = tpu.reduce_index %select_n3A {axis = 1 : i32, kind = #tpu.reduction_kind<arg_min>} : vector<256x64xf32> -> vector<256xi32>
      %eq3A_62 = vector.broadcast %scan3A_51 : i32 to vector<256x3xi32>
      %eq3A_63 = arith.cmpi eq, %iota3A_24, %eq3A_62 : vector<256x3xi32>
      %mul3A_64 = arith.constant 64 : i32
      %mul3A_65 = arith.muli %arg0, %mul3A_64 : i32
      %add3A_66 = vector.broadcast %mul3A_65 : i32 to vector<256xi32>
      %add3A_67 = arith.addi %argmin3A, %add3A_66 : vector<256xi32>
      %broadcast_in_dim3A_68 = vector.shape_cast %add3A_67 : vector<256xi32> to vector<256x1xi32>
      %get3A_69 = arith.constant 0 : index
      %get3A_70 = arith.constant 0 : index
      %get3A_71 = arith.constant 0 : index
      %get3A_72 = vector.load %arg4[%get3A_69, %get3A_70, %get3A_71] : memref<1x256x3xi32, #tpu.memory_space<vmem>>, vector<1x256x3xi32>
      %get3A_73 = vector.shape_cast %get3A_72 : vector<1x256x3xi32> to vector<256x3xi32>
      %broadcast_in_dim3A_74 = vector.shape_cast %broadcast_in_dim3A_68 : vector<256x1xi32> to vector<256x1xi32>
      %broadcast_in_dim3A_75 = vector.broadcast %broadcast_in_dim3A_74 : vector<256x1xi32> to vector<256x3xi32>
      %select_n3A_76 = arith.select %eq3A_63, %broadcast_in_dim3A_75, %get3A_73 : vector<256x3xi1>, vector<256x3xi32>
      %swap3A_77 = arith.constant 0 : index
      %swap3A_78 = arith.constant 0 : index
      %swap3A_79 = arith.constant 0 : index
      %swap3A_80 = vector.load %arg4[%swap3A_77, %swap3A_78, %swap3A_79] : memref<1x256x3xi32, #tpu.memory_space<vmem>>, vector<1x256x3xi32>
      %swap3A_81 = vector.shape_cast %swap3A_80 : vector<1x256x3xi32> to vector<256x3xi32>
      %swap3A_82 = vector.shape_cast %select_n3A_76 : vector<256x3xi32> to vector<1x256x3xi32>
      tpu.vector_store %arg4[%swap3A_77, %swap3A_78, %swap3A_79], %swap3A_82 {strides = array<i32>} : memref<1x256x3xi32, #tpu.memory_space<vmem>>, vector<1x256x3xi32>,
      %reduce_min3A = arith.constant dense<0x7F800000> : vector<256xf32>
      %reduce_min3A_83 = vector.multi_reduction <minimumf>, %select_n3A, %reduce_min3A [1] : vector<256x64xf32> to vector<256xf32>
      %eq3A_84 = vector.broadcast %scan3A_51 : i32 to vector<256x3xi32>
      %eq3A_85 = arith.cmpi eq, %iota3A_24, %eq3A_84 : vector<256x3xi32>
      %broadcast_in_dim3A_86 = vector.shape_cast %reduce_min3A_83 : vector<256xf32> to vector<256x1xf32>
      %get3A_87 = arith.constant 0 : index
      %get3A_88 = arith.constant 0 : index
      %get3A_89 = vector.load %arg7[%get3A_87, %get3A_88] : memref<256x3xf32, #tpu.memory_space<vmem>>, vector<256x3xf32>
      %broadcast_in_dim3A_90 = vector.shape_cast %broadcast_in_dim3A_86 : vector<256x1xf32> to vector<256x1xf32>
      %broadcast_in_dim3A_91 = vector.broadcast %broadcast_in_dim3A_90 : vector<256x1xf32> to vector<256x3xf32>
      %select_n3A_92 = arith.select %eq3A_85, %broadcast_in_dim3A_91, %get3A_89 : vector<256x3xi1>, vector<256x3xf32>
      %swap3A_93 = arith.constant 0 : index
      %swap3A_94 = arith.constant 0 : index
      %swap3A_95 = vector.load %arg7[%swap3A_93, %swap3A_94] : memref<256x3xf32, #tpu.memory_space<vmem>>, vector<256x3xf32>
      tpu.vector_store %arg7[%swap3A_93, %swap3A_94], %select_n3A_92 {strides = array<i32>} : memref<256x3xf32, #tpu.memory_space<vmem>>, vector<256x3xf32>,
      scf.yield %argmin3A : vector<256xi32>
    }
    %scan3A_31 = arith.constant 3 : i32
    %get3A_32 = arith.constant 0 : index
    %get3A_33 = arith.constant 0 : index
    %get3A_34 = vector.load %arg7[%get3A_32, %get3A_33] : memref<256x3xf32, #tpu.memory_space<vmem>>, vector<256x3xf32>
    %add3A_35 = arith.constant 9.99999993E-9 : f32
    %add3A_36 = vector.broadcast %add3A_35 : f32 to vector<256x3xf32>
    %add3A_37 = arith.addf %get3A_34, %add3A_36 : vector<256x3xf32>
    %div3A = arith.constant 1.000000e+00 : f32
    %div3A_38 = vector.broadcast %div3A : f32 to vector<256x3xf32>
    %div3A_39 = arith.divf %div3A_38, %add3A_37 : vector<256x3xf32>
    %reduce_sum3A_40 = arith.constant dense<0.000000e+00> : vector<256xf32>
    %reduce_sum3A_41 = vector.multi_reduction <add>, %div3A_39, %reduce_sum3A_40 [1] : vector<256x3xf32> to vector<256xf32>
    %broadcast_in_dim3A_42 = vector.shape_cast %reduce_sum3A_41 : vector<256xf32> to vector<256x1xf32>
    %div3A_43 = vector.broadcast %broadcast_in_dim3A_42 : vector<256x1xf32> to vector<256x3xf32>
    %div3A_44 = arith.divf %div3A_39, %div3A_43 : vector<256x3xf32>
    %swap3A_45 = arith.constant 0 : index
    %swap3A_46 = arith.constant 0 : index
    %swap3A_47 = arith.constant 0 : index
    %swap3A_48 = vector.load %arg5[%swap3A_45, %swap3A_46, %swap3A_47] : memref<1x256x3xf32, #tpu.memory_space<vmem>>, vector<1x256x3xf32>
    %swap3A_49 = vector.shape_cast %swap3A_48 : vector<1x256x3xf32> to vector<256x3xf32>
    %swap3A_50 = vector.shape_cast %div3A_44 : vector<256x3xf32> to vector<1x256x3xf32>
    tpu.vector_store %arg5[%swap3A_45, %swap3A_46, %swap3A_47], %swap3A_50 {strides = array<i32>} : memref<1x256x3xf32, #tpu.memory_space<vmem>>, vector<1x256x3xf32>,
    return
  }
  func.func @transform_0(%arg0: i32, %arg1: i32) -> (i32, i32, i32) {
    %c0_i32 = arith.constant 0 : i32
    %c0_i32_0 = arith.constant 0 : i32
    return %arg0, %arg1, %c0_i32 : i32, i32, i32
  }
  func.func @transform_1(%arg0: i32, %arg1: i32) -> (i32, i32, i32) {
    %c0_i32 = arith.constant 0 : i32
    %c0_i32_0 = arith.constant 0 : i32
    %c0_i32_1 = arith.constant 0 : i32
    return %arg0, %c0_i32, %c0_i32_0 : i32, i32, i32
  }
  func.func @transform_2(%arg0: i32, %arg1: i32) -> (i32, i32, i32) {
    %c0_i32 = arith.constant 0 : i32
    %c0_i32_0 = arith.constant 0 : i32
    return %arg0, %arg1, %c0_i32 : i32, i32, i32
  }
  func.func @transform_3(%arg0: i32, %arg1: i32) -> (i32, i32, i32) {
    %c0_i32 = arith.constant 0 : i32
    %c0_i32_0 = arith.constant 0 : i32
    return %arg0, %arg1, %c0_i32 : i32, i32, i32
  }
}

module attributes {stable_mosaic.version = 14 : i64} {
  func.func @body(%arg0: i32, %arg1: memref<8192x16xf32, #tpu.memory_space<vmem>>, %arg2: memref<8192x128xf32, #tpu.memory_space<vmem>>, %arg3: memref<256x3xf32, #tpu.memory_space<vmem>>, %arg4: memref<3x128xf32, #tpu.memory_space<vmem>>, %arg5: memref<128xf32, #tpu.memory_space<vmem>>, %arg6: memref<128x128xf32, #tpu.memory_space<vmem>>, %arg7: memref<128xf32, #tpu.memory_space<vmem>>, %arg8: memref<128x256xf32, #tpu.memory_space<vmem>>, %arg9: memref<256xf32, #tpu.memory_space<vmem>>, %arg10: memref<256x256xf32, #tpu.memory_space<vmem>>) attributes {dimension_semantics = [#tpu.dimension_semantics<arbitrary>], iteration_bounds = array<i64: 1>, scalar_prefetch = 0 : i64, scratch_operands = 0 : i64, tpu.core_type = #tpu.core_type<tc>, window_params = [{transform_indices = @transform_0, window_bounds = array<i64: 8192, 16>}, {transform_indices = @transform_1, window_bounds = array<i64: 8192, 128>}, {transform_indices = @transform_2, window_bounds = array<i64: 256, 3>}, {pipeline_mode = #tpu.pipeline_mode<synchronous>, transform_indices = @transform_3, window_bounds = array<i64: 3, 128>}, {pipeline_mode = #tpu.pipeline_mode<synchronous>, transform_indices = @transform_4, window_bounds = array<i64: 128>}, {pipeline_mode = #tpu.pipeline_mode<synchronous>, transform_indices = @transform_5, window_bounds = array<i64: 128, 128>}, {pipeline_mode = #tpu.pipeline_mode<synchronous>, transform_indices = @transform_6, window_bounds = array<i64: 128>}, {pipeline_mode = #tpu.pipeline_mode<synchronous>, transform_indices = @transform_7, window_bounds = array<i64: 128, 256>}, {pipeline_mode = #tpu.pipeline_mode<synchronous>, transform_indices = @transform_8, window_bounds = array<i64: 256>}, {transform_indices = @transform_9, window_bounds = array<i64: 256, 256>}]} {
    %get3A = arith.constant 0 : index
    %get3A_0 = arith.constant 0 : index
    %get3A_1 = vector.load %arg1[%get3A, %get3A_0] : memref<8192x16xf32, #tpu.memory_space<vmem>>, vector<8192x16xf32>
    %reshape3A = vector.shape_cast %get3A_1 : vector<8192x16xf32> to vector<256x32x16xf32>
    %slice3A = vector.extract_strided_slice %reshape3A {offsets = [0, 0, 0], sizes = [256, 32, 3], strides = [1, 1, 1]} : vector<256x32x16xf32> to vector<256x32x3xf32>
    %get3A_2 = arith.constant 0 : index
    %get3A_3 = arith.constant 0 : index
    %get3A_4 = vector.load %arg3[%get3A_2, %get3A_3] : memref<256x3xf32, #tpu.memory_space<vmem>>, vector<256x3xf32>
    %broadcast_in_dim3A = vector.shape_cast %get3A_4 : vector<256x3xf32> to vector<256x1x3xf32>
    %sub3A = vector.broadcast %broadcast_in_dim3A : vector<256x1x3xf32> to vector<256x32x3xf32>
    %sub3A_5 = arith.subf %slice3A, %sub3A : vector<256x32x3xf32>
    %reshape3A_6 = vector.shape_cast %sub3A_5 : vector<256x32x3xf32> to vector<8192x3xf32>
    %get3A_7 = arith.constant 0 : index
    %get3A_8 = arith.constant 0 : index
    %get3A_9 = vector.load %arg4[%get3A_7, %get3A_8] : memref<3x128xf32, #tpu.memory_space<vmem>>, vector<3x128xf32>
    %dot_general3A = arith.constant dense<0.000000e+00> : vector<8192x128xf32>
    %dot_general3A_10 = tpu.matmul %reshape3A_6, %get3A_9, %dot_general3A {dimension_numbers = #tpu.dot_dimension_numbers<[1], [0], [0], [1], [0, 0, 1, 1], [], []>, transpose_lhs_hint = false} : vector<8192x3xf32>, vector<3x128xf32>, vector<8192x128xf32> -> vector<8192x128xf32>
    %get3A_11 = arith.constant 0 : index
    %get3A_12 = vector.load %arg5[%get3A_11] : memref<128xf32, #tpu.memory_space<vmem>>, vector<128xf32>
    %broadcast_in_dim3A_13 = vector.shape_cast %get3A_12 : vector<128xf32> to vector<1x128xf32>
    %add3A = vector.broadcast %broadcast_in_dim3A_13 : vector<1x128xf32> to vector<8192x128xf32>
    %add3A_14 = arith.addf %dot_general3A_10, %add3A : vector<8192x128xf32>
    %get3A_15 = arith.constant 0 : index
    %get3A_16 = arith.constant 0 : index
    %get3A_17 = vector.load %arg2[%get3A_15, %get3A_16] : memref<8192x128xf32, #tpu.memory_space<vmem>>, vector<8192x128xf32>
    %add3A_18 = arith.addf %add3A_14, %get3A_17 : vector<8192x128xf32>
    %mul3A = arith.constant 0.999994993 : f32
    %mul3A_19 = vector.broadcast %mul3A : f32 to vector<8192x128xf32>
    %mul3A_20 = arith.mulf %add3A_18, %mul3A_19 : vector<8192x128xf32>
    %max3A = arith.constant 0.000000e+00 : f32
    %max3A_21 = vector.broadcast %max3A : f32 to vector<8192x128xf32>
    %max3A_22 = arith.maximumf %mul3A_20, %max3A_21 : vector<8192x128xf32>
    %get3A_23 = arith.constant 0 : index
    %get3A_24 = arith.constant 0 : index
    %get3A_25 = vector.load %arg6[%get3A_23, %get3A_24] : memref<128x128xf32, #tpu.memory_space<vmem>>, vector<128x128xf32>
    %get3A_26 = arith.constant 0 : index
    %get3A_27 = vector.load %arg7[%get3A_26] : memref<128xf32, #tpu.memory_space<vmem>>, vector<128xf32>
    %dot_general3A_28 = arith.constant dense<0.000000e+00> : vector<8192x128xf32>
    %dot_general3A_29 = tpu.matmul %max3A_22, %get3A_25, %dot_general3A_28 {dimension_numbers = #tpu.dot_dimension_numbers<[1], [0], [0], [1], [0, 0, 1, 1], [], []>, transpose_lhs_hint = false} : vector<8192x128xf32>, vector<128x128xf32>, vector<8192x128xf32> -> vector<8192x128xf32>
    %broadcast_in_dim3A_30 = vector.shape_cast %get3A_27 : vector<128xf32> to vector<1x128xf32>
    %add3A_31 = vector.broadcast %broadcast_in_dim3A_30 : vector<1x128xf32> to vector<8192x128xf32>
    %add3A_32 = arith.addf %dot_general3A_29, %add3A_31 : vector<8192x128xf32>
    %mul3A_33 = arith.constant 0.999994993 : f32
    %mul3A_34 = vector.broadcast %mul3A_33 : f32 to vector<8192x128xf32>
    %mul3A_35 = arith.mulf %add3A_32, %mul3A_34 : vector<8192x128xf32>
    %max3A_36 = arith.constant 0.000000e+00 : f32
    %max3A_37 = vector.broadcast %max3A_36 : f32 to vector<8192x128xf32>
    %max3A_38 = arith.maximumf %mul3A_35, %max3A_37 : vector<8192x128xf32>
    %get3A_39 = arith.constant 0 : index
    %get3A_40 = arith.constant 0 : index
    %get3A_41 = vector.load %arg8[%get3A_39, %get3A_40] : memref<128x256xf32, #tpu.memory_space<vmem>>, vector<128x256xf32>
    %get3A_42 = arith.constant 0 : index
    %get3A_43 = vector.load %arg9[%get3A_42] : memref<256xf32, #tpu.memory_space<vmem>>, vector<256xf32>
    %dot_general3A_44 = arith.constant dense<0.000000e+00> : vector<8192x256xf32>
    %dot_general3A_45 = tpu.matmul %max3A_38, %get3A_41, %dot_general3A_44 {dimension_numbers = #tpu.dot_dimension_numbers<[1], [0], [0], [1], [0, 0, 1, 1], [], []>, transpose_lhs_hint = false} : vector<8192x128xf32>, vector<128x256xf32>, vector<8192x256xf32> -> vector<8192x256xf32>
    %broadcast_in_dim3A_46 = vector.shape_cast %get3A_43 : vector<256xf32> to vector<1x256xf32>
    %add3A_47 = vector.broadcast %broadcast_in_dim3A_46 : vector<1x256xf32> to vector<8192x256xf32>
    %add3A_48 = arith.addf %dot_general3A_45, %add3A_47 : vector<8192x256xf32>
    %mul3A_49 = arith.constant 0.999994993 : f32
    %mul3A_50 = vector.broadcast %mul3A_49 : f32 to vector<8192x256xf32>
    %mul3A_51 = arith.mulf %add3A_48, %mul3A_50 : vector<8192x256xf32>
    %max3A_52 = arith.constant 0.000000e+00 : f32
    %max3A_53 = vector.broadcast %max3A_52 : f32 to vector<8192x256xf32>
    %max3A_54 = arith.maximumf %mul3A_51, %max3A_53 : vector<8192x256xf32>
    %reshape3A_55 = vector.shape_cast %max3A_54 : vector<8192x256xf32> to vector<256x32x256xf32>
    %reduce_max3A = arith.constant dense<0xFF800000> : vector<256x256xf32>
    %reduce_max3A_56 = vector.multi_reduction <maximumf>, %reshape3A_55, %reduce_max3A [1] : vector<256x32x256xf32> to vector<256x256xf32>
    %swap3A = arith.constant 0 : index
    %swap3A_57 = arith.constant 0 : index
    %swap3A_58 = vector.load %arg10[%swap3A, %swap3A_57] : memref<256x256xf32, #tpu.memory_space<vmem>>, vector<256x256xf32>
    tpu.vector_store %arg10[%swap3A, %swap3A_57], %reduce_max3A_56 {strides = array<i32>} : memref<256x256xf32, #tpu.memory_space<vmem>>, vector<256x256xf32>,
    return
  }
  func.func @transform_0(%arg0: i32) -> (i32, i32) {
    %c0_i32 = arith.constant 0 : i32
    %c0_i32_0 = arith.constant 0 : i32
    return %arg0, %c0_i32 : i32, i32
  }
  func.func @transform_1(%arg0: i32) -> (i32, i32) {
    %c0_i32 = arith.constant 0 : i32
    %c0_i32_0 = arith.constant 0 : i32
    return %arg0, %c0_i32 : i32, i32
  }
  func.func @transform_2(%arg0: i32) -> (i32, i32) {
    %c0_i32 = arith.constant 0 : i32
    %c0_i32_0 = arith.constant 0 : i32
    return %arg0, %c0_i32 : i32, i32
  }
  func.func @transform_3(%arg0: i32) -> (i32, i32) {
    %c0_i32 = arith.constant 0 : i32
    %c0_i32_0 = arith.constant 0 : i32
    %c0_i32_1 = arith.constant 0 : i32
    return %c0_i32, %c0_i32_0 : i32, i32
  }
  func.func @transform_4(%arg0: i32) -> i32 {
    %c0_i32 = arith.constant 0 : i32
    %c0_i32_0 = arith.constant 0 : i32
    return %c0_i32 : i32
  }
  func.func @transform_5(%arg0: i32) -> (i32, i32) {
    %c0_i32 = arith.constant 0 : i32
    %c0_i32_0 = arith.constant 0 : i32
    %c0_i32_1 = arith.constant 0 : i32
    return %c0_i32, %c0_i32_0 : i32, i32
  }
  func.func @transform_6(%arg0: i32) -> i32 {
    %c0_i32 = arith.constant 0 : i32
    %c0_i32_0 = arith.constant 0 : i32
    return %c0_i32 : i32
  }
  func.func @transform_7(%arg0: i32) -> (i32, i32) {
    %c0_i32 = arith.constant 0 : i32
    %c0_i32_0 = arith.constant 0 : i32
    %c0_i32_1 = arith.constant 0 : i32
    return %c0_i32, %c0_i32_0 : i32, i32
  }
  func.func @transform_8(%arg0: i32) -> i32 {
    %c0_i32 = arith.constant 0 : i32
    %c0_i32_0 = arith.constant 0 : i32
    return %c0_i32 : i32
  }
  func.func @transform_9(%arg0: i32) -> (i32, i32) {
    %c0_i32 = arith.constant 0 : i32
    %c0_i32_0 = arith.constant 0 : i32
    return %arg0, %c0_i32 : i32, i32
  }
}

module attributes {stable_mosaic.version = 14 : i64} {
  func.func @body(%arg0: i32, %arg1: memref<1x64x3xf32, #tpu.memory_space<vmem>>, %arg2: memref<1x64x256xf32, #tpu.memory_space<vmem>>, %arg3: memref<3x256xf32, #tpu.memory_space<vmem>>, %arg4: memref<256x256xf32, #tpu.memory_space<vmem>>, %arg5: memref<256xf32, #tpu.memory_space<vmem>>, %arg6: memref<256x512xf32, #tpu.memory_space<vmem>>, %arg7: memref<512xf32, #tpu.memory_space<vmem>>, %arg8: memref<1x1x512xf32, #tpu.memory_space<vmem>>) attributes {dimension_semantics = [#tpu.dimension_semantics<arbitrary>], iteration_bounds = array<i64: 4>, scalar_prefetch = 0 : i64, scratch_operands = 0 : i64, tpu.core_type = #tpu.core_type<tc>, window_params = [{transform_indices = @transform_0, window_bounds = array<i64: 1, 64, 3>}, {transform_indices = @transform_1, window_bounds = array<i64: 1, 64, 256>}, {pipeline_mode = #tpu.pipeline_mode<synchronous>, transform_indices = @transform_2, window_bounds = array<i64: 3, 256>}, {pipeline_mode = #tpu.pipeline_mode<synchronous>, transform_indices = @transform_3, window_bounds = array<i64: 256, 256>}, {pipeline_mode = #tpu.pipeline_mode<synchronous>, transform_indices = @transform_4, window_bounds = array<i64: 256>}, {pipeline_mode = #tpu.pipeline_mode<synchronous>, transform_indices = @transform_5, window_bounds = array<i64: 256, 512>}, {pipeline_mode = #tpu.pipeline_mode<synchronous>, transform_indices = @transform_6, window_bounds = array<i64: 512>}, {transform_indices = @transform_7, window_bounds = array<i64: 1, 1, 512>}]} {
    %get3A = arith.constant 0 : index
    %get3A_0 = arith.constant 0 : index
    %get3A_1 = arith.constant 0 : index
    %get3A_2 = vector.load %arg1[%get3A, %get3A_0, %get3A_1] : memref<1x64x3xf32, #tpu.memory_space<vmem>>, vector<1x64x3xf32>
    %get3A_3 = vector.shape_cast %get3A_2 : vector<1x64x3xf32> to vector<64x3xf32>
    %reduce_sum3A = arith.constant dense<0.000000e+00> : vector<3xf32>
    %reduce_sum3A_4 = vector.multi_reduction <add>, %get3A_3, %reduce_sum3A [0] : vector<64x3xf32> to vector<3xf32>
    %broadcast_in_dim3A = vector.shape_cast %reduce_sum3A_4 : vector<3xf32> to vector<1x3xf32>
    %div3A = arith.constant 6.400000e+01 : f32
    %div3A_5 = vector.broadcast %div3A : f32 to vector<1x3xf32>
    %div3A_6 = arith.divf %broadcast_in_dim3A, %div3A_5 : vector<1x3xf32>
    %sub3A = vector.broadcast %div3A_6 : vector<1x3xf32> to vector<64x3xf32>
    %sub3A_7 = arith.subf %get3A_3, %sub3A : vector<64x3xf32>
    %get3A_8 = arith.constant 0 : index
    %get3A_9 = arith.constant 0 : index
    %get3A_10 = vector.load %arg3[%get3A_8, %get3A_9] : memref<3x256xf32, #tpu.memory_space<vmem>>, vector<3x256xf32>
    %dot_general3A = arith.constant dense<0.000000e+00> : vector<64x256xf32>
    %dot_general3A_11 = tpu.matmul %sub3A_7, %get3A_10, %dot_general3A {dimension_numbers = #tpu.dot_dimension_numbers<[1], [0], [0], [1], [0, 0, 1, 1], [], []>, transpose_lhs_hint = false} : vector<64x3xf32>, vector<3x256xf32>, vector<64x256xf32> -> vector<64x256xf32>
    %get3A_12 = arith.constant 0 : index
    %get3A_13 = arith.constant 0 : index
    %get3A_14 = arith.constant 0 : index
    %get3A_15 = vector.load %arg2[%get3A_12, %get3A_13, %get3A_14] : memref<1x64x256xf32, #tpu.memory_space<vmem>>, vector<1x64x256xf32>
    %get3A_16 = vector.shape_cast %get3A_15 : vector<1x64x256xf32> to vector<64x256xf32>
    %get3A_17 = arith.constant 0 : index
    %get3A_18 = arith.constant 0 : index
    %get3A_19 = vector.load %arg4[%get3A_17, %get3A_18] : memref<256x256xf32, #tpu.memory_space<vmem>>, vector<256x256xf32>
    %dot_general3A_20 = arith.constant dense<0.000000e+00> : vector<64x256xf32>
    %dot_general3A_21 = tpu.matmul %get3A_16, %get3A_19, %dot_general3A_20 {dimension_numbers = #tpu.dot_dimension_numbers<[1], [0], [0], [1], [0, 0, 1, 1], [], []>, transpose_lhs_hint = false} : vector<64x256xf32>, vector<256x256xf32>, vector<64x256xf32> -> vector<64x256xf32>
    %add3A = arith.addf %dot_general3A_11, %dot_general3A_21 : vector<64x256xf32>
    %get3A_22 = arith.constant 0 : index
    %get3A_23 = vector.load %arg5[%get3A_22] : memref<256xf32, #tpu.memory_space<vmem>>, vector<256xf32>
    %broadcast_in_dim3A_24 = vector.shape_cast %get3A_23 : vector<256xf32> to vector<1x256xf32>
    %add3A_25 = vector.broadcast %broadcast_in_dim3A_24 : vector<1x256xf32> to vector<64x256xf32>
    %add3A_26 = arith.addf %add3A, %add3A_25 : vector<64x256xf32>
    %mul3A = arith.constant 0.999994993 : f32
    %mul3A_27 = vector.broadcast %mul3A : f32 to vector<64x256xf32>
    %mul3A_28 = arith.mulf %add3A_26, %mul3A_27 : vector<64x256xf32>
    %max3A = arith.constant 0.000000e+00 : f32
    %max3A_29 = vector.broadcast %max3A : f32 to vector<64x256xf32>
    %max3A_30 = arith.maximumf %mul3A_28, %max3A_29 : vector<64x256xf32>
    %get3A_31 = arith.constant 0 : index
    %get3A_32 = arith.constant 0 : index
    %get3A_33 = vector.load %arg6[%get3A_31, %get3A_32] : memref<256x512xf32, #tpu.memory_space<vmem>>, vector<256x512xf32>
    %dot_general3A_34 = arith.constant dense<0.000000e+00> : vector<64x512xf32>
    %dot_general3A_35 = tpu.matmul %max3A_30, %get3A_33, %dot_general3A_34 {dimension_numbers = #tpu.dot_dimension_numbers<[1], [0], [0], [1], [0, 0, 1, 1], [], []>, transpose_lhs_hint = false} : vector<64x256xf32>, vector<256x512xf32>, vector<64x512xf32> -> vector<64x512xf32>
    %get3A_36 = arith.constant 0 : index
    %get3A_37 = vector.load %arg7[%get3A_36] : memref<512xf32, #tpu.memory_space<vmem>>, vector<512xf32>
    %broadcast_in_dim3A_38 = vector.shape_cast %get3A_37 : vector<512xf32> to vector<1x512xf32>
    %add3A_39 = vector.broadcast %broadcast_in_dim3A_38 : vector<1x512xf32> to vector<64x512xf32>
    %add3A_40 = arith.addf %dot_general3A_35, %add3A_39 : vector<64x512xf32>
    %mul3A_41 = arith.constant 0.999994993 : f32
    %mul3A_42 = vector.broadcast %mul3A_41 : f32 to vector<64x512xf32>
    %mul3A_43 = arith.mulf %add3A_40, %mul3A_42 : vector<64x512xf32>
    %max3A_44 = arith.constant 0.000000e+00 : f32
    %max3A_45 = vector.broadcast %max3A_44 : f32 to vector<64x512xf32>
    %max3A_46 = arith.maximumf %mul3A_43, %max3A_45 : vector<64x512xf32>
    %reduce_max3A = arith.constant dense<0xFF800000> : vector<512xf32>
    %reduce_max3A_47 = vector.multi_reduction <maximumf>, %max3A_46, %reduce_max3A [0] : vector<64x512xf32> to vector<512xf32>
    %swap3A = arith.constant 0 : index
    %swap3A_48 = arith.constant 0 : index
    %swap3A_49 = arith.constant 0 : index
    %swap3A_50 = vector.load %arg8[%swap3A, %swap3A_48, %swap3A_49] : memref<1x1x512xf32, #tpu.memory_space<vmem>>, vector<1x1x512xf32>
    %swap3A_51 = vector.shape_cast %swap3A_50 : vector<1x1x512xf32> to vector<512xf32>
    %swap3A_52 = vector.shape_cast %reduce_max3A_47 : vector<512xf32> to vector<1x1x512xf32>
    tpu.vector_store %arg8[%swap3A, %swap3A_48, %swap3A_49], %swap3A_52 {strides = array<i32>} : memref<1x1x512xf32, #tpu.memory_space<vmem>>, vector<1x1x512xf32>,
    return
  }
  func.func @transform_0(%arg0: i32) -> (i32, i32, i32) {
    %c0_i32 = arith.constant 0 : i32
    %c0_i32_0 = arith.constant 0 : i32
    %c0_i32_1 = arith.constant 0 : i32
    return %arg0, %c0_i32, %c0_i32_0 : i32, i32, i32
  }
  func.func @transform_1(%arg0: i32) -> (i32, i32, i32) {
    %c0_i32 = arith.constant 0 : i32
    %c0_i32_0 = arith.constant 0 : i32
    %c0_i32_1 = arith.constant 0 : i32
    return %arg0, %c0_i32, %c0_i32_0 : i32, i32, i32
  }
  func.func @transform_2(%arg0: i32) -> (i32, i32) {
    %c0_i32 = arith.constant 0 : i32
    %c0_i32_0 = arith.constant 0 : i32
    %c0_i32_1 = arith.constant 0 : i32
    return %c0_i32, %c0_i32_0 : i32, i32
  }
  func.func @transform_3(%arg0: i32) -> (i32, i32) {
    %c0_i32 = arith.constant 0 : i32
    %c0_i32_0 = arith.constant 0 : i32
    %c0_i32_1 = arith.constant 0 : i32
    return %c0_i32, %c0_i32_0 : i32, i32
  }
  func.func @transform_4(%arg0: i32) -> i32 {
    %c0_i32 = arith.constant 0 : i32
    %c0_i32_0 = arith.constant 0 : i32
    return %c0_i32 : i32
  }
  func.func @transform_5(%arg0: i32) -> (i32, i32) {
    %c0_i32 = arith.constant 0 : i32
    %c0_i32_0 = arith.constant 0 : i32
    %c0_i32_1 = arith.constant 0 : i32
    return %c0_i32, %c0_i32_0 : i32, i32
  }
  func.func @transform_6(%arg0: i32) -> i32 {
    %c0_i32 = arith.constant 0 : i32
    %c0_i32_0 = arith.constant 0 : i32
    return %c0_i32 : i32
  }
  func.func @transform_7(%arg0: i32) -> (i32, i32, i32) {
    %c0_i32 = arith.constant 0 : i32
    %c0_i32_0 = arith.constant 0 : i32
    %c0_i32_1 = arith.constant 0 : i32
    return %arg0, %c0_i32, %c0_i32_0 : i32, i32, i32
  }
}

module attributes {stable_mosaic.version = 14 : i64} {
  func.func @body(%arg0: i32, %arg1: memref<256x768xf32, #tpu.memory_space<vmem>>, %arg2: memref<768x256xf32, #tpu.memory_space<vmem>>, %arg3: memref<256xf32, #tpu.memory_space<vmem>>, %arg4: memref<256x256xf32, #tpu.memory_space<vmem>>, %arg5: memref<256xf32, #tpu.memory_space<vmem>>, %arg6: memref<256x256xf32, #tpu.memory_space<vmem>>) attributes {dimension_semantics = [#tpu.dimension_semantics<arbitrary>], iteration_bounds = array<i64: 1>, scalar_prefetch = 0 : i64, scratch_operands = 0 : i64, tpu.core_type = #tpu.core_type<tc>, window_params = [{transform_indices = @transform_0, window_bounds = array<i64: 256, 768>}, {pipeline_mode = #tpu.pipeline_mode<synchronous>, transform_indices = @transform_1, window_bounds = array<i64: 768, 256>}, {pipeline_mode = #tpu.pipeline_mode<synchronous>, transform_indices = @transform_2, window_bounds = array<i64: 256>}, {pipeline_mode = #tpu.pipeline_mode<synchronous>, transform_indices = @transform_3, window_bounds = array<i64: 256, 256>}, {pipeline_mode = #tpu.pipeline_mode<synchronous>, transform_indices = @transform_4, window_bounds = array<i64: 256>}, {transform_indices = @transform_5, window_bounds = array<i64: 256, 256>}]} {
    %get3A = arith.constant 0 : index
    %get3A_0 = arith.constant 0 : index
    %get3A_1 = vector.load %arg1[%get3A, %get3A_0] : memref<256x768xf32, #tpu.memory_space<vmem>>, vector<256x768xf32>
    %get3A_2 = arith.constant 0 : index
    %get3A_3 = arith.constant 0 : index
    %get3A_4 = vector.load %arg2[%get3A_2, %get3A_3] : memref<768x256xf32, #tpu.memory_space<vmem>>, vector<768x256xf32>
    %get3A_5 = arith.constant 0 : index
    %get3A_6 = vector.load %arg3[%get3A_5] : memref<256xf32, #tpu.memory_space<vmem>>, vector<256xf32>
    %dot_general3A = arith.constant dense<0.000000e+00> : vector<256x256xf32>
    %dot_general3A_7 = tpu.matmul %get3A_1, %get3A_4, %dot_general3A {dimension_numbers = #tpu.dot_dimension_numbers<[1], [0], [0], [1], [0, 0, 1, 1], [], []>, transpose_lhs_hint = false} : vector<256x768xf32>, vector<768x256xf32>, vector<256x256xf32> -> vector<256x256xf32>
    %broadcast_in_dim3A = vector.shape_cast %get3A_6 : vector<256xf32> to vector<1x256xf32>
    %add3A = vector.broadcast %broadcast_in_dim3A : vector<1x256xf32> to vector<256x256xf32>
    %add3A_8 = arith.addf %dot_general3A_7, %add3A : vector<256x256xf32>
    %mul3A = arith.constant 0.999994993 : f32
    %mul3A_9 = vector.broadcast %mul3A : f32 to vector<256x256xf32>
    %mul3A_10 = arith.mulf %add3A_8, %mul3A_9 : vector<256x256xf32>
    %max3A = arith.constant 0.000000e+00 : f32
    %max3A_11 = vector.broadcast %max3A : f32 to vector<256x256xf32>
    %max3A_12 = arith.maximumf %mul3A_10, %max3A_11 : vector<256x256xf32>
    %get3A_13 = arith.constant 0 : index
    %get3A_14 = arith.constant 0 : index
    %get3A_15 = vector.load %arg4[%get3A_13, %get3A_14] : memref<256x256xf32, #tpu.memory_space<vmem>>, vector<256x256xf32>
    %get3A_16 = arith.constant 0 : index
    %get3A_17 = vector.load %arg5[%get3A_16] : memref<256xf32, #tpu.memory_space<vmem>>, vector<256xf32>
    %dot_general3A_18 = arith.constant dense<0.000000e+00> : vector<256x256xf32>
    %dot_general3A_19 = tpu.matmul %max3A_12, %get3A_15, %dot_general3A_18 {dimension_numbers = #tpu.dot_dimension_numbers<[1], [0], [0], [1], [0, 0, 1, 1], [], []>, transpose_lhs_hint = false} : vector<256x256xf32>, vector<256x256xf32>, vector<256x256xf32> -> vector<256x256xf32>
    %broadcast_in_dim3A_20 = vector.shape_cast %get3A_17 : vector<256xf32> to vector<1x256xf32>
    %add3A_21 = vector.broadcast %broadcast_in_dim3A_20 : vector<1x256xf32> to vector<256x256xf32>
    %add3A_22 = arith.addf %dot_general3A_19, %add3A_21 : vector<256x256xf32>
    %mul3A_23 = arith.constant 0.999994993 : f32
    %mul3A_24 = vector.broadcast %mul3A_23 : f32 to vector<256x256xf32>
    %mul3A_25 = arith.mulf %add3A_22, %mul3A_24 : vector<256x256xf32>
    %max3A_26 = arith.constant 0.000000e+00 : f32
    %max3A_27 = vector.broadcast %max3A_26 : f32 to vector<256x256xf32>
    %max3A_28 = arith.maximumf %mul3A_25, %max3A_27 : vector<256x256xf32>
    %swap3A = arith.constant 0 : index
    %swap3A_29 = arith.constant 0 : index
    %swap3A_30 = vector.load %arg6[%swap3A, %swap3A_29] : memref<256x256xf32, #tpu.memory_space<vmem>>, vector<256x256xf32>
    tpu.vector_store %arg6[%swap3A, %swap3A_29], %max3A_28 {strides = array<i32>} : memref<256x256xf32, #tpu.memory_space<vmem>>, vector<256x256xf32>,
    return
  }
  func.func @transform_0(%arg0: i32) -> (i32, i32) {
    %c0_i32 = arith.constant 0 : i32
    %c0_i32_0 = arith.constant 0 : i32
    return %arg0, %c0_i32 : i32, i32
  }
  func.func @transform_1(%arg0: i32) -> (i32, i32) {
    %c0_i32 = arith.constant 0 : i32
    %c0_i32_0 = arith.constant 0 : i32
    %c0_i32_1 = arith.constant 0 : i32
    return %c0_i32, %c0_i32_0 : i32, i32
  }
  func.func @transform_2(%arg0: i32) -> i32 {
    %c0_i32 = arith.constant 0 : i32
    %c0_i32_0 = arith.constant 0 : i32
    return %c0_i32 : i32
  }
  func.func @transform_3(%arg0: i32) -> (i32, i32) {
    %c0_i32 = arith.constant 0 : i32
    %c0_i32_0 = arith.constant 0 : i32
    %c0_i32_1 = arith.constant 0 : i32
    return %c0_i32, %c0_i32_0 : i32, i32
  }
  func.func @transform_4(%arg0: i32) -> i32 {
    %c0_i32 = arith.constant 0 : i32
    %c0_i32_0 = arith.constant 0 : i32
    return %c0_i32 : i32
  }
  func.func @transform_5(%arg0: i32) -> (i32, i32) {
    %c0_i32 = arith.constant 0 : i32
    %c0_i32_0 = arith.constant 0 : i32
    return %arg0, %c0_i32 : i32, i32
  }
}

module attributes {stable_mosaic.version = 14 : i64} {
  func.func @body(%arg0: i32, %arg1: i32, %arg2: memref<1x512x3xf32, #tpu.memory_space<vmem>>, %arg3: memref<1x256x3xf32, #tpu.memory_space<vmem>>, %arg4: memref<1x512x3xi32, #tpu.memory_space<vmem>>, %arg5: memref<1x512x3xf32, #tpu.memory_space<vmem>>, %arg6: memref<512x256xf32, #tpu.memory_space<vmem>>, %arg7: memref<512x3xf32, #tpu.memory_space<vmem>>) attributes {dimension_semantics = [#tpu.dimension_semantics<arbitrary>, #tpu.dimension_semantics<arbitrary>], iteration_bounds = array<i64: 4, 2>, scalar_prefetch = 0 : i64, scratch_operands = 2 : i64, tpu.core_type = #tpu.core_type<tc>, window_params = [{transform_indices = @transform_0, window_bounds = array<i64: 1, 512, 3>}, {transform_indices = @transform_1, window_bounds = array<i64: 1, 256, 3>}, {transform_indices = @transform_2, window_bounds = array<i64: 1, 512, 3>}, {transform_indices = @transform_3, window_bounds = array<i64: 1, 512, 3>}]} {
    %get3A = arith.constant 0 : index
    %get3A_0 = arith.constant 0 : index
    %get3A_1 = arith.constant 0 : index
    %get3A_2 = vector.load %arg2[%get3A, %get3A_0, %get3A_1] : memref<1x512x3xf32, #tpu.memory_space<vmem>>, vector<1x512x3xf32>
    %get3A_3 = vector.shape_cast %get3A_2 : vector<1x512x3xf32> to vector<512x3xf32>
    %get3A_4 = arith.constant 0 : index
    %get3A_5 = arith.constant 0 : index
    %get3A_6 = arith.constant 0 : index
    %get3A_7 = vector.load %arg3[%get3A_4, %get3A_5, %get3A_6] : memref<1x256x3xf32, #tpu.memory_space<vmem>>, vector<1x256x3xf32>
    %get3A_8 = vector.shape_cast %get3A_7 : vector<1x256x3xf32> to vector<256x3xf32>
    %mul3A = arith.mulf %get3A_3, %get3A_3 : vector<512x3xf32>
    %reduce_sum3A = arith.constant dense<0.000000e+00> : vector<512xf32>
    %reduce_sum3A_9 = vector.multi_reduction <add>, %mul3A, %reduce_sum3A [1] : vector<512x3xf32> to vector<512xf32>
    %mul3A_10 = arith.mulf %get3A_8, %get3A_8 : vector<256x3xf32>
    %reduce_sum3A_11 = arith.constant dense<0.000000e+00> : vector<256xf32>
    %reduce_sum3A_12 = vector.multi_reduction <add>, %mul3A_10, %reduce_sum3A_11 [1] : vector<256x3xf32> to vector<256xf32>
    %dot_general3A = arith.constant dense<0.000000e+00> : vector<512x256xf32>
    %dot_general3A_13 = tpu.matmul %get3A_3, %get3A_8, %dot_general3A {dimension_numbers = #tpu.dot_dimension_numbers<[1], [1], [0], [0], [0, 0, 1, 0], [], []>, transpose_lhs_hint = false} : vector<512x3xf32>, vector<256x3xf32>, vector<512x256xf32> -> vector<512x256xf32>
    %broadcast_in_dim3A = vector.shape_cast %reduce_sum3A_9 : vector<512xf32> to vector<512x1xf32>
    %broadcast_in_dim3A_14 = vector.shape_cast %reduce_sum3A_12 : vector<256xf32> to vector<1x256xf32>
    %add3A = vector.broadcast %broadcast_in_dim3A : vector<512x1xf32> to vector<512x256xf32>
    %add3A_15 = vector.broadcast %broadcast_in_dim3A_14 : vector<1x256xf32> to vector<512x256xf32>
    %add3A_16 = arith.addf %add3A, %add3A_15 : vector<512x256xf32>
    %mul3A_17 = arith.constant 2.000000e+00 : f32
    %mul3A_18 = vector.broadcast %mul3A_17 : f32 to vector<512x256xf32>
    %mul3A_19 = arith.mulf %mul3A_18, %dot_general3A_13 : vector<512x256xf32>
    %sub3A = arith.subf %add3A_16, %mul3A_19 : vector<512x256xf32>
    %max3A = arith.constant 0.000000e+00 : f32
    %max3A_20 = vector.broadcast %max3A : f32 to vector<512x256xf32>
    %max3A_21 = arith.maximumf %sub3A, %max3A_20 : vector<512x256xf32>
    %swap3A = arith.constant 0 : index
    %swap3A_22 = arith.constant 0 : index
    %swap3A_23 = vector.load %arg6[%swap3A, %swap3A_22] : memref<512x256xf32, #tpu.memory_space<vmem>>, vector<512x256xf32>
    tpu.vector_store %arg6[%swap3A, %swap3A_22], %max3A_21 {strides = array<i32>} : memref<512x256xf32, #tpu.memory_space<vmem>>, vector<512x256xf32>,
    %iota3A = tpu.iota {dimensions = array<i32: 1>} : vector<512x256xi32>
    %iota3A_24 = tpu.iota {dimensions = array<i32: 1>} : vector<512x3xi32>
    %broadcast_in_dim3A_25 = arith.constant -1 : i32
    %broadcast_in_dim3A_26 = vector.broadcast %broadcast_in_dim3A_25 : i32 to vector<512xi32>
    %scan3A = arith.constant 0 : i32
    %scan3A_27 = arith.constant 3 : i32
    %scan3A_28 = arith.addi %scan3A, %scan3A_27 : i32
    %scan3A_29 = arith.constant 1 : i32
    %scan3A_30 = scf.for %scan3A_51 = %scan3A to %scan3A_28 step %scan3A_29 iter_args(%scan3A_52 = %broadcast_in_dim3A_26) -> (vector<512xi32>)  : i32 {
      %broadcast_in_dim3A_53 = vector.shape_cast %scan3A_52 : vector<512xi32> to vector<512x1xi32>
      %eq3A = vector.broadcast %broadcast_in_dim3A_53 : vector<512x1xi32> to vector<512x256xi32>
      %eq3A_54 = arith.cmpi eq, %iota3A, %eq3A : vector<512x256xi32>
      %get3A_55 = arith.constant 0 : index
      %get3A_56 = arith.constant 0 : index
      %get3A_57 = vector.load %arg6[%get3A_55, %get3A_56] : memref<512x256xf32, #tpu.memory_space<vmem>>, vector<512x256xf32>
      %jit3A = arith.constant 0x7F800000 : f32
      %broadcast_in_dim3A_58 = vector.broadcast %jit3A : f32 to vector<512x256xf32>
      %select_n3A = arith.select %eq3A_54, %broadcast_in_dim3A_58, %get3A_57 : vector<512x256xi1>, vector<512x256xf32>
      %swap3A_59 = arith.constant 0 : index
      %swap3A_60 = arith.constant 0 : index
      %swap3A_61 = vector.load %arg6[%swap3A_59, %swap3A_60] : memref<512x256xf32, #tpu.memory_space<vmem>>, vector<512x256xf32>
      tpu.vector_store %arg6[%swap3A_59, %swap3A_60], %select_n3A {strides = array<i32>} : memref<512x256xf32, #tpu.memory_space<vmem>>, vector<512x256xf32>,
      %argmin3A = tpu.reduce_index %select_n3A {axis = 1 : i32, kind = #tpu.reduction_kind<arg_min>} : vector<512x256xf32> -> vector<512xi32>
      %eq3A_62 = vector.broadcast %scan3A_51 : i32 to vector<512x3xi32>
      %eq3A_63 = arith.cmpi eq, %iota3A_24, %eq3A_62 : vector<512x3xi32>
      %mul3A_64 = arith.constant 256 : i32
      %mul3A_65 = arith.muli %arg0, %mul3A_64 : i32
      %add3A_66 = vector.broadcast %mul3A_65 : i32 to vector<512xi32>
      %add3A_67 = arith.addi %argmin3A, %add3A_66 : vector<512xi32>
      %broadcast_in_dim3A_68 = vector.shape_cast %add3A_67 : vector<512xi32> to vector<512x1xi32>
      %get3A_69 = arith.constant 0 : index
      %get3A_70 = arith.constant 0 : index
      %get3A_71 = arith.constant 0 : index
      %get3A_72 = vector.load %arg4[%get3A_69, %get3A_70, %get3A_71] : memref<1x512x3xi32, #tpu.memory_space<vmem>>, vector<1x512x3xi32>
      %get3A_73 = vector.shape_cast %get3A_72 : vector<1x512x3xi32> to vector<512x3xi32>
      %broadcast_in_dim3A_74 = vector.shape_cast %broadcast_in_dim3A_68 : vector<512x1xi32> to vector<512x1xi32>
      %broadcast_in_dim3A_75 = vector.broadcast %broadcast_in_dim3A_74 : vector<512x1xi32> to vector<512x3xi32>
      %select_n3A_76 = arith.select %eq3A_63, %broadcast_in_dim3A_75, %get3A_73 : vector<512x3xi1>, vector<512x3xi32>
      %swap3A_77 = arith.constant 0 : index
      %swap3A_78 = arith.constant 0 : index
      %swap3A_79 = arith.constant 0 : index
      %swap3A_80 = vector.load %arg4[%swap3A_77, %swap3A_78, %swap3A_79] : memref<1x512x3xi32, #tpu.memory_space<vmem>>, vector<1x512x3xi32>
      %swap3A_81 = vector.shape_cast %swap3A_80 : vector<1x512x3xi32> to vector<512x3xi32>
      %swap3A_82 = vector.shape_cast %select_n3A_76 : vector<512x3xi32> to vector<1x512x3xi32>
      tpu.vector_store %arg4[%swap3A_77, %swap3A_78, %swap3A_79], %swap3A_82 {strides = array<i32>} : memref<1x512x3xi32, #tpu.memory_space<vmem>>, vector<1x512x3xi32>,
      %reduce_min3A = arith.constant dense<0x7F800000> : vector<512xf32>
      %reduce_min3A_83 = vector.multi_reduction <minimumf>, %select_n3A, %reduce_min3A [1] : vector<512x256xf32> to vector<512xf32>
      %eq3A_84 = vector.broadcast %scan3A_51 : i32 to vector<512x3xi32>
      %eq3A_85 = arith.cmpi eq, %iota3A_24, %eq3A_84 : vector<512x3xi32>
      %broadcast_in_dim3A_86 = vector.shape_cast %reduce_min3A_83 : vector<512xf32> to vector<512x1xf32>
      %get3A_87 = arith.constant 0 : index
      %get3A_88 = arith.constant 0 : index
      %get3A_89 = vector.load %arg7[%get3A_87, %get3A_88] : memref<512x3xf32, #tpu.memory_space<vmem>>, vector<512x3xf32>
      %broadcast_in_dim3A_90 = vector.shape_cast %broadcast_in_dim3A_86 : vector<512x1xf32> to vector<512x1xf32>
      %broadcast_in_dim3A_91 = vector.broadcast %broadcast_in_dim3A_90 : vector<512x1xf32> to vector<512x3xf32>
      %select_n3A_92 = arith.select %eq3A_85, %broadcast_in_dim3A_91, %get3A_89 : vector<512x3xi1>, vector<512x3xf32>
      %swap3A_93 = arith.constant 0 : index
      %swap3A_94 = arith.constant 0 : index
      %swap3A_95 = vector.load %arg7[%swap3A_93, %swap3A_94] : memref<512x3xf32, #tpu.memory_space<vmem>>, vector<512x3xf32>
      tpu.vector_store %arg7[%swap3A_93, %swap3A_94], %select_n3A_92 {strides = array<i32>} : memref<512x3xf32, #tpu.memory_space<vmem>>, vector<512x3xf32>,
      scf.yield %argmin3A : vector<512xi32>
    }
    %scan3A_31 = arith.constant 3 : i32
    %get3A_32 = arith.constant 0 : index
    %get3A_33 = arith.constant 0 : index
    %get3A_34 = vector.load %arg7[%get3A_32, %get3A_33] : memref<512x3xf32, #tpu.memory_space<vmem>>, vector<512x3xf32>
    %add3A_35 = arith.constant 9.99999993E-9 : f32
    %add3A_36 = vector.broadcast %add3A_35 : f32 to vector<512x3xf32>
    %add3A_37 = arith.addf %get3A_34, %add3A_36 : vector<512x3xf32>
    %div3A = arith.constant 1.000000e+00 : f32
    %div3A_38 = vector.broadcast %div3A : f32 to vector<512x3xf32>
    %div3A_39 = arith.divf %div3A_38, %add3A_37 : vector<512x3xf32>
    %reduce_sum3A_40 = arith.constant dense<0.000000e+00> : vector<512xf32>
    %reduce_sum3A_41 = vector.multi_reduction <add>, %div3A_39, %reduce_sum3A_40 [1] : vector<512x3xf32> to vector<512xf32>
    %broadcast_in_dim3A_42 = vector.shape_cast %reduce_sum3A_41 : vector<512xf32> to vector<512x1xf32>
    %div3A_43 = vector.broadcast %broadcast_in_dim3A_42 : vector<512x1xf32> to vector<512x3xf32>
    %div3A_44 = arith.divf %div3A_39, %div3A_43 : vector<512x3xf32>
    %swap3A_45 = arith.constant 0 : index
    %swap3A_46 = arith.constant 0 : index
    %swap3A_47 = arith.constant 0 : index
    %swap3A_48 = vector.load %arg5[%swap3A_45, %swap3A_46, %swap3A_47] : memref<1x512x3xf32, #tpu.memory_space<vmem>>, vector<1x512x3xf32>
    %swap3A_49 = vector.shape_cast %swap3A_48 : vector<1x512x3xf32> to vector<512x3xf32>
    %swap3A_50 = vector.shape_cast %div3A_44 : vector<512x3xf32> to vector<1x512x3xf32>
    tpu.vector_store %arg5[%swap3A_45, %swap3A_46, %swap3A_47], %swap3A_50 {strides = array<i32>} : memref<1x512x3xf32, #tpu.memory_space<vmem>>, vector<1x512x3xf32>,
    return
  }
  func.func @transform_0(%arg0: i32, %arg1: i32) -> (i32, i32, i32) {
    %c0_i32 = arith.constant 0 : i32
    %c0_i32_0 = arith.constant 0 : i32
    return %arg0, %arg1, %c0_i32 : i32, i32, i32
  }
  func.func @transform_1(%arg0: i32, %arg1: i32) -> (i32, i32, i32) {
    %c0_i32 = arith.constant 0 : i32
    %c0_i32_0 = arith.constant 0 : i32
    %c0_i32_1 = arith.constant 0 : i32
    return %arg0, %c0_i32, %c0_i32_0 : i32, i32, i32
  }
  func.func @transform_2(%arg0: i32, %arg1: i32) -> (i32, i32, i32) {
    %c0_i32 = arith.constant 0 : i32
    %c0_i32_0 = arith.constant 0 : i32
    return %arg0, %arg1, %c0_i32 : i32, i32, i32
  }
  func.func @transform_3(%arg0: i32, %arg1: i32) -> (i32, i32, i32) {
    %c0_i32 = arith.constant 0 : i32
    %c0_i32_0 = arith.constant 0 : i32
    return %arg0, %arg1, %c0_i32 : i32, i32, i32
  }
}

module attributes {stable_mosaic.version = 14 : i64} {
  func.func @body(%arg0: i32, %arg1: memref<1024x128xf32, #tpu.memory_space<vmem>>, %arg2: memref<128x256xf32, #tpu.memory_space<vmem>>, %arg3: memref<256xf32, #tpu.memory_space<vmem>>, %arg4: memref<1024x256xf32, #tpu.memory_space<vmem>>) attributes {dimension_semantics = [#tpu.dimension_semantics<arbitrary>], iteration_bounds = array<i64: 1>, scalar_prefetch = 0 : i64, scratch_operands = 0 : i64, tpu.core_type = #tpu.core_type<tc>, window_params = [{transform_indices = @transform_0, window_bounds = array<i64: 1024, 128>}, {pipeline_mode = #tpu.pipeline_mode<synchronous>, transform_indices = @transform_1, window_bounds = array<i64: 128, 256>}, {pipeline_mode = #tpu.pipeline_mode<synchronous>, transform_indices = @transform_2, window_bounds = array<i64: 256>}, {transform_indices = @transform_3, window_bounds = array<i64: 1024, 256>}]} {
    %get3A = arith.constant 0 : index
    %get3A_0 = arith.constant 0 : index
    %get3A_1 = vector.load %arg1[%get3A, %get3A_0] : memref<1024x128xf32, #tpu.memory_space<vmem>>, vector<1024x128xf32>
    %get3A_2 = arith.constant 0 : index
    %get3A_3 = arith.constant 0 : index
    %get3A_4 = vector.load %arg2[%get3A_2, %get3A_3] : memref<128x256xf32, #tpu.memory_space<vmem>>, vector<128x256xf32>
    %get3A_5 = arith.constant 0 : index
    %get3A_6 = vector.load %arg3[%get3A_5] : memref<256xf32, #tpu.memory_space<vmem>>, vector<256xf32>
    %dot_general3A = arith.constant dense<0.000000e+00> : vector<1024x256xf32>
    %dot_general3A_7 = tpu.matmul %get3A_1, %get3A_4, %dot_general3A {dimension_numbers = #tpu.dot_dimension_numbers<[1], [0], [0], [1], [0, 0, 1, 1], [], []>, transpose_lhs_hint = false} : vector<1024x128xf32>, vector<128x256xf32>, vector<1024x256xf32> -> vector<1024x256xf32>
    %broadcast_in_dim3A = vector.shape_cast %get3A_6 : vector<256xf32> to vector<1x256xf32>
    %add3A = vector.broadcast %broadcast_in_dim3A : vector<1x256xf32> to vector<1024x256xf32>
    %add3A_8 = arith.addf %dot_general3A_7, %add3A : vector<1024x256xf32>
    %swap3A = arith.constant 0 : index
    %swap3A_9 = arith.constant 0 : index
    %swap3A_10 = vector.load %arg4[%swap3A, %swap3A_9] : memref<1024x256xf32, #tpu.memory_space<vmem>>, vector<1024x256xf32>
    tpu.vector_store %arg4[%swap3A, %swap3A_9], %add3A_8 {strides = array<i32>} : memref<1024x256xf32, #tpu.memory_space<vmem>>, vector<1024x256xf32>,
    return
  }
  func.func @transform_0(%arg0: i32) -> (i32, i32) {
    %c0_i32 = arith.constant 0 : i32
    %c0_i32_0 = arith.constant 0 : i32
    return %arg0, %c0_i32 : i32, i32
  }
  func.func @transform_1(%arg0: i32) -> (i32, i32) {
    %c0_i32 = arith.constant 0 : i32
    %c0_i32_0 = arith.constant 0 : i32
    %c0_i32_1 = arith.constant 0 : i32
    return %c0_i32, %c0_i32_0 : i32, i32
  }
  func.func @transform_2(%arg0: i32) -> i32 {
    %c0_i32 = arith.constant 0 : i32
    %c0_i32_0 = arith.constant 0 : i32
    return %c0_i32 : i32
  }
  func.func @transform_3(%arg0: i32) -> (i32, i32) {
    %c0_i32 = arith.constant 0 : i32
    %c0_i32_0 = arith.constant 0 : i32
    return %arg0, %c0_i32 : i32, i32
  }
}

module attributes {stable_mosaic.version = 14 : i64} {
  func.func @body(%arg0: i32, %arg1: memref<1536x256xf32, #tpu.memory_space<vmem>>, %arg2: memref<512x3xf32, #tpu.memory_space<vmem>>, %arg3: memref<512x256xf32, #tpu.memory_space<vmem>>, %arg4: memref<256xf32, #tpu.memory_space<vmem>>, %arg5: memref<256x256xf32, #tpu.memory_space<vmem>>, %arg6: memref<256x128xf32, #tpu.memory_space<vmem>>, %arg7: memref<128xf32, #tpu.memory_space<vmem>>, %arg8: memref<512x128xf32, #tpu.memory_space<vmem>>) attributes {dimension_semantics = [#tpu.dimension_semantics<arbitrary>], iteration_bounds = array<i64: 2>, scalar_prefetch = 0 : i64, scratch_operands = 0 : i64, tpu.core_type = #tpu.core_type<tc>, window_params = [{transform_indices = @transform_0, window_bounds = array<i64: 1536, 256>}, {transform_indices = @transform_1, window_bounds = array<i64: 512, 3>}, {transform_indices = @transform_2, window_bounds = array<i64: 512, 256>}, {pipeline_mode = #tpu.pipeline_mode<synchronous>, transform_indices = @transform_3, window_bounds = array<i64: 256>}, {pipeline_mode = #tpu.pipeline_mode<synchronous>, transform_indices = @transform_4, window_bounds = array<i64: 256, 256>}, {pipeline_mode = #tpu.pipeline_mode<synchronous>, transform_indices = @transform_5, window_bounds = array<i64: 256, 128>}, {pipeline_mode = #tpu.pipeline_mode<synchronous>, transform_indices = @transform_6, window_bounds = array<i64: 128>}, {transform_indices = @transform_7, window_bounds = array<i64: 512, 128>}]} {
    %get3A = arith.constant 0 : index
    %get3A_0 = arith.constant 0 : index
    %get3A_1 = vector.load %arg1[%get3A, %get3A_0] : memref<1536x256xf32, #tpu.memory_space<vmem>>, vector<1536x256xf32>
    %reshape3A = vector.shape_cast %get3A_1 : vector<1536x256xf32> to vector<512x3x256xf32>
    %get3A_2 = arith.constant 0 : index
    %get3A_3 = arith.constant 0 : index
    %get3A_4 = vector.load %arg2[%get3A_2, %get3A_3] : memref<512x3xf32, #tpu.memory_space<vmem>>, vector<512x3xf32>
    %broadcast_in_dim3A = vector.shape_cast %get3A_4 : vector<512x3xf32> to vector<512x3x1xf32>
    %mul3A = vector.broadcast %broadcast_in_dim3A : vector<512x3x1xf32> to vector<512x3x256xf32>
    %mul3A_5 = arith.mulf %reshape3A, %mul3A : vector<512x3x256xf32>
    %reduce_sum3A = arith.constant dense<0.000000e+00> : vector<512x256xf32>
    %reduce_sum3A_6 = vector.multi_reduction <add>, %mul3A_5, %reduce_sum3A [1] : vector<512x3x256xf32> to vector<512x256xf32>
    %get3A_7 = arith.constant 0 : index
    %get3A_8 = arith.constant 0 : index
    %get3A_9 = vector.load %arg5[%get3A_7, %get3A_8] : memref<256x256xf32, #tpu.memory_space<vmem>>, vector<256x256xf32>
    %dot_general3A = arith.constant dense<0.000000e+00> : vector<512x256xf32>
    %dot_general3A_10 = tpu.matmul %reduce_sum3A_6, %get3A_9, %dot_general3A {dimension_numbers = #tpu.dot_dimension_numbers<[1], [0], [0], [1], [0, 0, 1, 1], [], []>, transpose_lhs_hint = false} : vector<512x256xf32>, vector<256x256xf32>, vector<512x256xf32> -> vector<512x256xf32>
    %get3A_11 = arith.constant 0 : index
    %get3A_12 = arith.constant 0 : index
    %get3A_13 = vector.load %arg3[%get3A_11, %get3A_12] : memref<512x256xf32, #tpu.memory_space<vmem>>, vector<512x256xf32>
    %add3A = arith.addf %dot_general3A_10, %get3A_13 : vector<512x256xf32>
    %get3A_14 = arith.constant 0 : index
    %get3A_15 = vector.load %arg4[%get3A_14] : memref<256xf32, #tpu.memory_space<vmem>>, vector<256xf32>
    %broadcast_in_dim3A_16 = vector.shape_cast %get3A_15 : vector<256xf32> to vector<1x256xf32>
    %add3A_17 = vector.broadcast %broadcast_in_dim3A_16 : vector<1x256xf32> to vector<512x256xf32>
    %add3A_18 = arith.addf %add3A, %add3A_17 : vector<512x256xf32>
    %mul3A_19 = arith.constant 0.999994993 : f32
    %mul3A_20 = vector.broadcast %mul3A_19 : f32 to vector<512x256xf32>
    %mul3A_21 = arith.mulf %add3A_18, %mul3A_20 : vector<512x256xf32>
    %max3A = arith.constant 0.000000e+00 : f32
    %max3A_22 = vector.broadcast %max3A : f32 to vector<512x256xf32>
    %max3A_23 = arith.maximumf %mul3A_21, %max3A_22 : vector<512x256xf32>
    %get3A_24 = arith.constant 0 : index
    %get3A_25 = arith.constant 0 : index
    %get3A_26 = vector.load %arg6[%get3A_24, %get3A_25] : memref<256x128xf32, #tpu.memory_space<vmem>>, vector<256x128xf32>
    %get3A_27 = arith.constant 0 : index
    %get3A_28 = vector.load %arg7[%get3A_27] : memref<128xf32, #tpu.memory_space<vmem>>, vector<128xf32>
    %dot_general3A_29 = arith.constant dense<0.000000e+00> : vector<512x128xf32>
    %dot_general3A_30 = tpu.matmul %max3A_23, %get3A_26, %dot_general3A_29 {dimension_numbers = #tpu.dot_dimension_numbers<[1], [0], [0], [1], [0, 0, 1, 1], [], []>, transpose_lhs_hint = false} : vector<512x256xf32>, vector<256x128xf32>, vector<512x128xf32> -> vector<512x128xf32>
    %broadcast_in_dim3A_31 = vector.shape_cast %get3A_28 : vector<128xf32> to vector<1x128xf32>
    %add3A_32 = vector.broadcast %broadcast_in_dim3A_31 : vector<1x128xf32> to vector<512x128xf32>
    %add3A_33 = arith.addf %dot_general3A_30, %add3A_32 : vector<512x128xf32>
    %mul3A_34 = arith.constant 0.999994993 : f32
    %mul3A_35 = vector.broadcast %mul3A_34 : f32 to vector<512x128xf32>
    %mul3A_36 = arith.mulf %add3A_33, %mul3A_35 : vector<512x128xf32>
    %max3A_37 = arith.constant 0.000000e+00 : f32
    %max3A_38 = vector.broadcast %max3A_37 : f32 to vector<512x128xf32>
    %max3A_39 = arith.maximumf %mul3A_36, %max3A_38 : vector<512x128xf32>
    %swap3A = arith.constant 0 : index
    %swap3A_40 = arith.constant 0 : index
    %swap3A_41 = vector.load %arg8[%swap3A, %swap3A_40] : memref<512x128xf32, #tpu.memory_space<vmem>>, vector<512x128xf32>
    tpu.vector_store %arg8[%swap3A, %swap3A_40], %max3A_39 {strides = array<i32>} : memref<512x128xf32, #tpu.memory_space<vmem>>, vector<512x128xf32>,
    return
  }
  func.func @transform_0(%arg0: i32) -> (i32, i32) {
    %c0_i32 = arith.constant 0 : i32
    %c0_i32_0 = arith.constant 0 : i32
    return %arg0, %c0_i32 : i32, i32
  }
  func.func @transform_1(%arg0: i32) -> (i32, i32) {
    %c0_i32 = arith.constant 0 : i32
    %c0_i32_0 = arith.constant 0 : i32
    return %arg0, %c0_i32 : i32, i32
  }
  func.func @transform_2(%arg0: i32) -> (i32, i32) {
    %c0_i32 = arith.constant 0 : i32
    %c0_i32_0 = arith.constant 0 : i32
    return %arg0, %c0_i32 : i32, i32
  }
  func.func @transform_3(%arg0: i32) -> i32 {
    %c0_i32 = arith.constant 0 : i32
    %c0_i32_0 = arith.constant 0 : i32
    return %c0_i32 : i32
  }
  func.func @transform_4(%arg0: i32) -> (i32, i32) {
    %c0_i32 = arith.constant 0 : i32
    %c0_i32_0 = arith.constant 0 : i32
    %c0_i32_1 = arith.constant 0 : i32
    return %c0_i32, %c0_i32_0 : i32, i32
  }
  func.func @transform_5(%arg0: i32) -> (i32, i32) {
    %c0_i32 = arith.constant 0 : i32
    %c0_i32_0 = arith.constant 0 : i32
    %c0_i32_1 = arith.constant 0 : i32
    return %c0_i32, %c0_i32_0 : i32, i32
  }
  func.func @transform_6(%arg0: i32) -> i32 {
    %c0_i32 = arith.constant 0 : i32
    %c0_i32_0 = arith.constant 0 : i32
    return %c0_i32 : i32
  }
  func.func @transform_7(%arg0: i32) -> (i32, i32) {
    %c0_i32 = arith.constant 0 : i32
    %c0_i32_0 = arith.constant 0 : i32
    return %arg0, %c0_i32 : i32, i32
  }
}

module attributes {stable_mosaic.version = 14 : i64} {
  func.func @body(%arg0: i32, %arg1: i32, %arg2: memref<1x512x3xf32, #tpu.memory_space<vmem>>, %arg3: memref<1x1024x3xf32, #tpu.memory_space<vmem>>, %arg4: memref<1x512x3xi32, #tpu.memory_space<vmem>>, %arg5: memref<1x512x3xf32, #tpu.memory_space<vmem>>, %arg6: memref<512x1024xf32, #tpu.memory_space<vmem>>, %arg7: memref<512x3xf32, #tpu.memory_space<vmem>>) attributes {dimension_semantics = [#tpu.dimension_semantics<arbitrary>, #tpu.dimension_semantics<arbitrary>], iteration_bounds = array<i64: 4, 16>, scalar_prefetch = 0 : i64, scratch_operands = 2 : i64, tpu.core_type = #tpu.core_type<tc>, window_params = [{transform_indices = @transform_0, window_bounds = array<i64: 1, 512, 3>}, {transform_indices = @transform_1, window_bounds = array<i64: 1, 1024, 3>}, {transform_indices = @transform_2, window_bounds = array<i64: 1, 512, 3>}, {transform_indices = @transform_3, window_bounds = array<i64: 1, 512, 3>}]} {
    %get3A = arith.constant 0 : index
    %get3A_0 = arith.constant 0 : index
    %get3A_1 = arith.constant 0 : index
    %get3A_2 = vector.load %arg2[%get3A, %get3A_0, %get3A_1] : memref<1x512x3xf32, #tpu.memory_space<vmem>>, vector<1x512x3xf32>
    %get3A_3 = vector.shape_cast %get3A_2 : vector<1x512x3xf32> to vector<512x3xf32>
    %get3A_4 = arith.constant 0 : index
    %get3A_5 = arith.constant 0 : index
    %get3A_6 = arith.constant 0 : index
    %get3A_7 = vector.load %arg3[%get3A_4, %get3A_5, %get3A_6] : memref<1x1024x3xf32, #tpu.memory_space<vmem>>, vector<1x1024x3xf32>
    %get3A_8 = vector.shape_cast %get3A_7 : vector<1x1024x3xf32> to vector<1024x3xf32>
    %mul3A = arith.mulf %get3A_3, %get3A_3 : vector<512x3xf32>
    %reduce_sum3A = arith.constant dense<0.000000e+00> : vector<512xf32>
    %reduce_sum3A_9 = vector.multi_reduction <add>, %mul3A, %reduce_sum3A [1] : vector<512x3xf32> to vector<512xf32>
    %mul3A_10 = arith.mulf %get3A_8, %get3A_8 : vector<1024x3xf32>
    %reduce_sum3A_11 = arith.constant dense<0.000000e+00> : vector<1024xf32>
    %reduce_sum3A_12 = vector.multi_reduction <add>, %mul3A_10, %reduce_sum3A_11 [1] : vector<1024x3xf32> to vector<1024xf32>
    %dot_general3A = arith.constant dense<0.000000e+00> : vector<512x1024xf32>
    %dot_general3A_13 = tpu.matmul %get3A_3, %get3A_8, %dot_general3A {dimension_numbers = #tpu.dot_dimension_numbers<[1], [1], [0], [0], [0, 0, 1, 0], [], []>, transpose_lhs_hint = false} : vector<512x3xf32>, vector<1024x3xf32>, vector<512x1024xf32> -> vector<512x1024xf32>
    %broadcast_in_dim3A = vector.shape_cast %reduce_sum3A_9 : vector<512xf32> to vector<512x1xf32>
    %broadcast_in_dim3A_14 = vector.shape_cast %reduce_sum3A_12 : vector<1024xf32> to vector<1x1024xf32>
    %add3A = vector.broadcast %broadcast_in_dim3A : vector<512x1xf32> to vector<512x1024xf32>
    %add3A_15 = vector.broadcast %broadcast_in_dim3A_14 : vector<1x1024xf32> to vector<512x1024xf32>
    %add3A_16 = arith.addf %add3A, %add3A_15 : vector<512x1024xf32>
    %mul3A_17 = arith.constant 2.000000e+00 : f32
    %mul3A_18 = vector.broadcast %mul3A_17 : f32 to vector<512x1024xf32>
    %mul3A_19 = arith.mulf %mul3A_18, %dot_general3A_13 : vector<512x1024xf32>
    %sub3A = arith.subf %add3A_16, %mul3A_19 : vector<512x1024xf32>
    %max3A = arith.constant 0.000000e+00 : f32
    %max3A_20 = vector.broadcast %max3A : f32 to vector<512x1024xf32>
    %max3A_21 = arith.maximumf %sub3A, %max3A_20 : vector<512x1024xf32>
    %swap3A = arith.constant 0 : index
    %swap3A_22 = arith.constant 0 : index
    %swap3A_23 = vector.load %arg6[%swap3A, %swap3A_22] : memref<512x1024xf32, #tpu.memory_space<vmem>>, vector<512x1024xf32>
    tpu.vector_store %arg6[%swap3A, %swap3A_22], %max3A_21 {strides = array<i32>} : memref<512x1024xf32, #tpu.memory_space<vmem>>, vector<512x1024xf32>,
    %iota3A = tpu.iota {dimensions = array<i32: 1>} : vector<512x1024xi32>
    %iota3A_24 = tpu.iota {dimensions = array<i32: 1>} : vector<512x3xi32>
    %broadcast_in_dim3A_25 = arith.constant -1 : i32
    %broadcast_in_dim3A_26 = vector.broadcast %broadcast_in_dim3A_25 : i32 to vector<512xi32>
    %scan3A = arith.constant 0 : i32
    %scan3A_27 = arith.constant 3 : i32
    %scan3A_28 = arith.addi %scan3A, %scan3A_27 : i32
    %scan3A_29 = arith.constant 1 : i32
    %scan3A_30 = scf.for %scan3A_51 = %scan3A to %scan3A_28 step %scan3A_29 iter_args(%scan3A_52 = %broadcast_in_dim3A_26) -> (vector<512xi32>)  : i32 {
      %broadcast_in_dim3A_53 = vector.shape_cast %scan3A_52 : vector<512xi32> to vector<512x1xi32>
      %eq3A = vector.broadcast %broadcast_in_dim3A_53 : vector<512x1xi32> to vector<512x1024xi32>
      %eq3A_54 = arith.cmpi eq, %iota3A, %eq3A : vector<512x1024xi32>
      %get3A_55 = arith.constant 0 : index
      %get3A_56 = arith.constant 0 : index
      %get3A_57 = vector.load %arg6[%get3A_55, %get3A_56] : memref<512x1024xf32, #tpu.memory_space<vmem>>, vector<512x1024xf32>
      %jit3A = arith.constant 0x7F800000 : f32
      %broadcast_in_dim3A_58 = vector.broadcast %jit3A : f32 to vector<512x1024xf32>
      %select_n3A = arith.select %eq3A_54, %broadcast_in_dim3A_58, %get3A_57 : vector<512x1024xi1>, vector<512x1024xf32>
      %swap3A_59 = arith.constant 0 : index
      %swap3A_60 = arith.constant 0 : index
      %swap3A_61 = vector.load %arg6[%swap3A_59, %swap3A_60] : memref<512x1024xf32, #tpu.memory_space<vmem>>, vector<512x1024xf32>
      tpu.vector_store %arg6[%swap3A_59, %swap3A_60], %select_n3A {strides = array<i32>} : memref<512x1024xf32, #tpu.memory_space<vmem>>, vector<512x1024xf32>,
      %argmin3A = tpu.reduce_index %select_n3A {axis = 1 : i32, kind = #tpu.reduction_kind<arg_min>} : vector<512x1024xf32> -> vector<512xi32>
      %eq3A_62 = vector.broadcast %scan3A_51 : i32 to vector<512x3xi32>
      %eq3A_63 = arith.cmpi eq, %iota3A_24, %eq3A_62 : vector<512x3xi32>
      %mul3A_64 = arith.constant 1024 : i32
      %mul3A_65 = arith.muli %arg0, %mul3A_64 : i32
      %add3A_66 = vector.broadcast %mul3A_65 : i32 to vector<512xi32>
      %add3A_67 = arith.addi %argmin3A, %add3A_66 : vector<512xi32>
      %broadcast_in_dim3A_68 = vector.shape_cast %add3A_67 : vector<512xi32> to vector<512x1xi32>
      %get3A_69 = arith.constant 0 : index
      %get3A_70 = arith.constant 0 : index
      %get3A_71 = arith.constant 0 : index
      %get3A_72 = vector.load %arg4[%get3A_69, %get3A_70, %get3A_71] : memref<1x512x3xi32, #tpu.memory_space<vmem>>, vector<1x512x3xi32>
      %get3A_73 = vector.shape_cast %get3A_72 : vector<1x512x3xi32> to vector<512x3xi32>
      %broadcast_in_dim3A_74 = vector.shape_cast %broadcast_in_dim3A_68 : vector<512x1xi32> to vector<512x1xi32>
      %broadcast_in_dim3A_75 = vector.broadcast %broadcast_in_dim3A_74 : vector<512x1xi32> to vector<512x3xi32>
      %select_n3A_76 = arith.select %eq3A_63, %broadcast_in_dim3A_75, %get3A_73 : vector<512x3xi1>, vector<512x3xi32>
      %swap3A_77 = arith.constant 0 : index
      %swap3A_78 = arith.constant 0 : index
      %swap3A_79 = arith.constant 0 : index
      %swap3A_80 = vector.load %arg4[%swap3A_77, %swap3A_78, %swap3A_79] : memref<1x512x3xi32, #tpu.memory_space<vmem>>, vector<1x512x3xi32>
      %swap3A_81 = vector.shape_cast %swap3A_80 : vector<1x512x3xi32> to vector<512x3xi32>
      %swap3A_82 = vector.shape_cast %select_n3A_76 : vector<512x3xi32> to vector<1x512x3xi32>
      tpu.vector_store %arg4[%swap3A_77, %swap3A_78, %swap3A_79], %swap3A_82 {strides = array<i32>} : memref<1x512x3xi32, #tpu.memory_space<vmem>>, vector<1x512x3xi32>,
      %reduce_min3A = arith.constant dense<0x7F800000> : vector<512xf32>
      %reduce_min3A_83 = vector.multi_reduction <minimumf>, %select_n3A, %reduce_min3A [1] : vector<512x1024xf32> to vector<512xf32>
      %eq3A_84 = vector.broadcast %scan3A_51 : i32 to vector<512x3xi32>
      %eq3A_85 = arith.cmpi eq, %iota3A_24, %eq3A_84 : vector<512x3xi32>
      %broadcast_in_dim3A_86 = vector.shape_cast %reduce_min3A_83 : vector<512xf32> to vector<512x1xf32>
      %get3A_87 = arith.constant 0 : index
      %get3A_88 = arith.constant 0 : index
      %get3A_89 = vector.load %arg7[%get3A_87, %get3A_88] : memref<512x3xf32, #tpu.memory_space<vmem>>, vector<512x3xf32>
      %broadcast_in_dim3A_90 = vector.shape_cast %broadcast_in_dim3A_86 : vector<512x1xf32> to vector<512x1xf32>
      %broadcast_in_dim3A_91 = vector.broadcast %broadcast_in_dim3A_90 : vector<512x1xf32> to vector<512x3xf32>
      %select_n3A_92 = arith.select %eq3A_85, %broadcast_in_dim3A_91, %get3A_89 : vector<512x3xi1>, vector<512x3xf32>
      %swap3A_93 = arith.constant 0 : index
      %swap3A_94 = arith.constant 0 : index
      %swap3A_95 = vector.load %arg7[%swap3A_93, %swap3A_94] : memref<512x3xf32, #tpu.memory_space<vmem>>, vector<512x3xf32>
      tpu.vector_store %arg7[%swap3A_93, %swap3A_94], %select_n3A_92 {strides = array<i32>} : memref<512x3xf32, #tpu.memory_space<vmem>>, vector<512x3xf32>,
      scf.yield %argmin3A : vector<512xi32>
    }
    %scan3A_31 = arith.constant 3 : i32
    %get3A_32 = arith.constant 0 : index
    %get3A_33 = arith.constant 0 : index
    %get3A_34 = vector.load %arg7[%get3A_32, %get3A_33] : memref<512x3xf32, #tpu.memory_space<vmem>>, vector<512x3xf32>
    %add3A_35 = arith.constant 9.99999993E-9 : f32
    %add3A_36 = vector.broadcast %add3A_35 : f32 to vector<512x3xf32>
    %add3A_37 = arith.addf %get3A_34, %add3A_36 : vector<512x3xf32>
    %div3A = arith.constant 1.000000e+00 : f32
    %div3A_38 = vector.broadcast %div3A : f32 to vector<512x3xf32>
    %div3A_39 = arith.divf %div3A_38, %add3A_37 : vector<512x3xf32>
    %reduce_sum3A_40 = arith.constant dense<0.000000e+00> : vector<512xf32>
    %reduce_sum3A_41 = vector.multi_reduction <add>, %div3A_39, %reduce_sum3A_40 [1] : vector<512x3xf32> to vector<512xf32>
    %broadcast_in_dim3A_42 = vector.shape_cast %reduce_sum3A_41 : vector<512xf32> to vector<512x1xf32>
    %div3A_43 = vector.broadcast %broadcast_in_dim3A_42 : vector<512x1xf32> to vector<512x3xf32>
    %div3A_44 = arith.divf %div3A_39, %div3A_43 : vector<512x3xf32>
    %swap3A_45 = arith.constant 0 : index
    %swap3A_46 = arith.constant 0 : index
    %swap3A_47 = arith.constant 0 : index
    %swap3A_48 = vector.load %arg5[%swap3A_45, %swap3A_46, %swap3A_47] : memref<1x512x3xf32, #tpu.memory_space<vmem>>, vector<1x512x3xf32>
    %swap3A_49 = vector.shape_cast %swap3A_48 : vector<1x512x3xf32> to vector<512x3xf32>
    %swap3A_50 = vector.shape_cast %div3A_44 : vector<512x3xf32> to vector<1x512x3xf32>
    tpu.vector_store %arg5[%swap3A_45, %swap3A_46, %swap3A_47], %swap3A_50 {strides = array<i32>} : memref<1x512x3xf32, #tpu.memory_space<vmem>>, vector<1x512x3xf32>,
    return
  }
  func.func @transform_0(%arg0: i32, %arg1: i32) -> (i32, i32, i32) {
    %c0_i32 = arith.constant 0 : i32
    %c0_i32_0 = arith.constant 0 : i32
    return %arg0, %arg1, %c0_i32 : i32, i32, i32
  }
  func.func @transform_1(%arg0: i32, %arg1: i32) -> (i32, i32, i32) {
    %c0_i32 = arith.constant 0 : i32
    %c0_i32_0 = arith.constant 0 : i32
    %c0_i32_1 = arith.constant 0 : i32
    return %arg0, %c0_i32, %c0_i32_0 : i32, i32, i32
  }
  func.func @transform_2(%arg0: i32, %arg1: i32) -> (i32, i32, i32) {
    %c0_i32 = arith.constant 0 : i32
    %c0_i32_0 = arith.constant 0 : i32
    return %arg0, %arg1, %c0_i32 : i32, i32, i32
  }
  func.func @transform_3(%arg0: i32, %arg1: i32) -> (i32, i32, i32) {
    %c0_i32 = arith.constant 0 : i32
    %c0_i32_0 = arith.constant 0 : i32
    return %arg0, %arg1, %c0_i32 : i32, i32, i32
  }
}

module attributes {stable_mosaic.version = 14 : i64} {
  func.func @body(%arg0: i32, %arg1: memref<2048x64xf32, #tpu.memory_space<vmem>>, %arg2: memref<64x128xf32, #tpu.memory_space<vmem>>, %arg3: memref<128xf32, #tpu.memory_space<vmem>>, %arg4: memref<2048x128xf32, #tpu.memory_space<vmem>>) attributes {dimension_semantics = [#tpu.dimension_semantics<arbitrary>], iteration_bounds = array<i64: 2>, scalar_prefetch = 0 : i64, scratch_operands = 0 : i64, tpu.core_type = #tpu.core_type<tc>, window_params = [{transform_indices = @transform_0, window_bounds = array<i64: 2048, 64>}, {pipeline_mode = #tpu.pipeline_mode<synchronous>, transform_indices = @transform_1, window_bounds = array<i64: 64, 128>}, {pipeline_mode = #tpu.pipeline_mode<synchronous>, transform_indices = @transform_2, window_bounds = array<i64: 128>}, {transform_indices = @transform_3, window_bounds = array<i64: 2048, 128>}]} {
    %get3A = arith.constant 0 : index
    %get3A_0 = arith.constant 0 : index
    %get3A_1 = vector.load %arg1[%get3A, %get3A_0] : memref<2048x64xf32, #tpu.memory_space<vmem>>, vector<2048x64xf32>
    %get3A_2 = arith.constant 0 : index
    %get3A_3 = arith.constant 0 : index
    %get3A_4 = vector.load %arg2[%get3A_2, %get3A_3] : memref<64x128xf32, #tpu.memory_space<vmem>>, vector<64x128xf32>
    %get3A_5 = arith.constant 0 : index
    %get3A_6 = vector.load %arg3[%get3A_5] : memref<128xf32, #tpu.memory_space<vmem>>, vector<128xf32>
    %dot_general3A = arith.constant dense<0.000000e+00> : vector<2048x128xf32>
    %dot_general3A_7 = tpu.matmul %get3A_1, %get3A_4, %dot_general3A {dimension_numbers = #tpu.dot_dimension_numbers<[1], [0], [0], [1], [0, 0, 1, 1], [], []>, transpose_lhs_hint = false} : vector<2048x64xf32>, vector<64x128xf32>, vector<2048x128xf32> -> vector<2048x128xf32>
    %broadcast_in_dim3A = vector.shape_cast %get3A_6 : vector<128xf32> to vector<1x128xf32>
    %add3A = vector.broadcast %broadcast_in_dim3A : vector<1x128xf32> to vector<2048x128xf32>
    %add3A_8 = arith.addf %dot_general3A_7, %add3A : vector<2048x128xf32>
    %swap3A = arith.constant 0 : index
    %swap3A_9 = arith.constant 0 : index
    %swap3A_10 = vector.load %arg4[%swap3A, %swap3A_9] : memref<2048x128xf32, #tpu.memory_space<vmem>>, vector<2048x128xf32>
    tpu.vector_store %arg4[%swap3A, %swap3A_9], %add3A_8 {strides = array<i32>} : memref<2048x128xf32, #tpu.memory_space<vmem>>, vector<2048x128xf32>,
    return
  }
  func.func @transform_0(%arg0: i32) -> (i32, i32) {
    %c0_i32 = arith.constant 0 : i32
    %c0_i32_0 = arith.constant 0 : i32
    return %arg0, %c0_i32 : i32, i32
  }
  func.func @transform_1(%arg0: i32) -> (i32, i32) {
    %c0_i32 = arith.constant 0 : i32
    %c0_i32_0 = arith.constant 0 : i32
    %c0_i32_1 = arith.constant 0 : i32
    return %c0_i32, %c0_i32_0 : i32, i32
  }
  func.func @transform_2(%arg0: i32) -> i32 {
    %c0_i32 = arith.constant 0 : i32
    %c0_i32_0 = arith.constant 0 : i32
    return %c0_i32 : i32
  }
  func.func @transform_3(%arg0: i32) -> (i32, i32) {
    %c0_i32 = arith.constant 0 : i32
    %c0_i32_0 = arith.constant 0 : i32
    return %arg0, %c0_i32 : i32, i32
  }
}

module attributes {stable_mosaic.version = 14 : i64} {
  func.func @body(%arg0: i32, %arg1: memref<1536x128xf32, #tpu.memory_space<vmem>>, %arg2: memref<512x3xf32, #tpu.memory_space<vmem>>, %arg3: memref<512x128xf32, #tpu.memory_space<vmem>>, %arg4: memref<128xf32, #tpu.memory_space<vmem>>, %arg5: memref<128x128xf32, #tpu.memory_space<vmem>>, %arg6: memref<128x128xf32, #tpu.memory_space<vmem>>, %arg7: memref<128xf32, #tpu.memory_space<vmem>>, %arg8: memref<512x128xf32, #tpu.memory_space<vmem>>) attributes {dimension_semantics = [#tpu.dimension_semantics<arbitrary>], iteration_bounds = array<i64: 8>, scalar_prefetch = 0 : i64, scratch_operands = 0 : i64, tpu.core_type = #tpu.core_type<tc>, window_params = [{transform_indices = @transform_0, window_bounds = array<i64: 1536, 128>}, {transform_indices = @transform_1, window_bounds = array<i64: 512, 3>}, {transform_indices = @transform_2, window_bounds = array<i64: 512, 128>}, {pipeline_mode = #tpu.pipeline_mode<synchronous>, transform_indices = @transform_3, window_bounds = array<i64: 128>}, {pipeline_mode = #tpu.pipeline_mode<synchronous>, transform_indices = @transform_4, window_bounds = array<i64: 128, 128>}, {pipeline_mode = #tpu.pipeline_mode<synchronous>, transform_indices = @transform_5, window_bounds = array<i64: 128, 128>}, {pipeline_mode = #tpu.pipeline_mode<synchronous>, transform_indices = @transform_6, window_bounds = array<i64: 128>}, {transform_indices = @transform_7, window_bounds = array<i64: 512, 128>}]} {
    %get3A = arith.constant 0 : index
    %get3A_0 = arith.constant 0 : index
    %get3A_1 = vector.load %arg1[%get3A, %get3A_0] : memref<1536x128xf32, #tpu.memory_space<vmem>>, vector<1536x128xf32>
    %reshape3A = vector.shape_cast %get3A_1 : vector<1536x128xf32> to vector<512x3x128xf32>
    %get3A_2 = arith.constant 0 : index
    %get3A_3 = arith.constant 0 : index
    %get3A_4 = vector.load %arg2[%get3A_2, %get3A_3] : memref<512x3xf32, #tpu.memory_space<vmem>>, vector<512x3xf32>
    %broadcast_in_dim3A = vector.shape_cast %get3A_4 : vector<512x3xf32> to vector<512x3x1xf32>
    %mul3A = vector.broadcast %broadcast_in_dim3A : vector<512x3x1xf32> to vector<512x3x128xf32>
    %mul3A_5 = arith.mulf %reshape3A, %mul3A : vector<512x3x128xf32>
    %reduce_sum3A = arith.constant dense<0.000000e+00> : vector<512x128xf32>
    %reduce_sum3A_6 = vector.multi_reduction <add>, %mul3A_5, %reduce_sum3A [1] : vector<512x3x128xf32> to vector<512x128xf32>
    %get3A_7 = arith.constant 0 : index
    %get3A_8 = arith.constant 0 : index
    %get3A_9 = vector.load %arg5[%get3A_7, %get3A_8] : memref<128x128xf32, #tpu.memory_space<vmem>>, vector<128x128xf32>
    %dot_general3A = arith.constant dense<0.000000e+00> : vector<512x128xf32>
    %dot_general3A_10 = tpu.matmul %reduce_sum3A_6, %get3A_9, %dot_general3A {dimension_numbers = #tpu.dot_dimension_numbers<[1], [0], [0], [1], [0, 0, 1, 1], [], []>, transpose_lhs_hint = false} : vector<512x128xf32>, vector<128x128xf32>, vector<512x128xf32> -> vector<512x128xf32>
    %get3A_11 = arith.constant 0 : index
    %get3A_12 = arith.constant 0 : index
    %get3A_13 = vector.load %arg3[%get3A_11, %get3A_12] : memref<512x128xf32, #tpu.memory_space<vmem>>, vector<512x128xf32>
    %add3A = arith.addf %dot_general3A_10, %get3A_13 : vector<512x128xf32>
    %get3A_14 = arith.constant 0 : index
    %get3A_15 = vector.load %arg4[%get3A_14] : memref<128xf32, #tpu.memory_space<vmem>>, vector<128xf32>
    %broadcast_in_dim3A_16 = vector.shape_cast %get3A_15 : vector<128xf32> to vector<1x128xf32>
    %add3A_17 = vector.broadcast %broadcast_in_dim3A_16 : vector<1x128xf32> to vector<512x128xf32>
    %add3A_18 = arith.addf %add3A, %add3A_17 : vector<512x128xf32>
    %mul3A_19 = arith.constant 0.999994993 : f32
    %mul3A_20 = vector.broadcast %mul3A_19 : f32 to vector<512x128xf32>
    %mul3A_21 = arith.mulf %add3A_18, %mul3A_20 : vector<512x128xf32>
    %max3A = arith.constant 0.000000e+00 : f32
    %max3A_22 = vector.broadcast %max3A : f32 to vector<512x128xf32>
    %max3A_23 = arith.maximumf %mul3A_21, %max3A_22 : vector<512x128xf32>
    %get3A_24 = arith.constant 0 : index
    %get3A_25 = arith.constant 0 : index
    %get3A_26 = vector.load %arg6[%get3A_24, %get3A_25] : memref<128x128xf32, #tpu.memory_space<vmem>>, vector<128x128xf32>
    %get3A_27 = arith.constant 0 : index
    %get3A_28 = vector.load %arg7[%get3A_27] : memref<128xf32, #tpu.memory_space<vmem>>, vector<128xf32>
    %dot_general3A_29 = arith.constant dense<0.000000e+00> : vector<512x128xf32>
    %dot_general3A_30 = tpu.matmul %max3A_23, %get3A_26, %dot_general3A_29 {dimension_numbers = #tpu.dot_dimension_numbers<[1], [0], [0], [1], [0, 0, 1, 1], [], []>, transpose_lhs_hint = false} : vector<512x128xf32>, vector<128x128xf32>, vector<512x128xf32> -> vector<512x128xf32>
    %broadcast_in_dim3A_31 = vector.shape_cast %get3A_28 : vector<128xf32> to vector<1x128xf32>
    %add3A_32 = vector.broadcast %broadcast_in_dim3A_31 : vector<1x128xf32> to vector<512x128xf32>
    %add3A_33 = arith.addf %dot_general3A_30, %add3A_32 : vector<512x128xf32>
    %mul3A_34 = arith.constant 0.999994993 : f32
    %mul3A_35 = vector.broadcast %mul3A_34 : f32 to vector<512x128xf32>
    %mul3A_36 = arith.mulf %add3A_33, %mul3A_35 : vector<512x128xf32>
    %max3A_37 = arith.constant 0.000000e+00 : f32
    %max3A_38 = vector.broadcast %max3A_37 : f32 to vector<512x128xf32>
    %max3A_39 = arith.maximumf %mul3A_36, %max3A_38 : vector<512x128xf32>
    %swap3A = arith.constant 0 : index
    %swap3A_40 = arith.constant 0 : index
    %swap3A_41 = vector.load %arg8[%swap3A, %swap3A_40] : memref<512x128xf32, #tpu.memory_space<vmem>>, vector<512x128xf32>
    tpu.vector_store %arg8[%swap3A, %swap3A_40], %max3A_39 {strides = array<i32>} : memref<512x128xf32, #tpu.memory_space<vmem>>, vector<512x128xf32>,
    return
  }
  func.func @transform_0(%arg0: i32) -> (i32, i32) {
    %c0_i32 = arith.constant 0 : i32
    %c0_i32_0 = arith.constant 0 : i32
    return %arg0, %c0_i32 : i32, i32
  }
  func.func @transform_1(%arg0: i32) -> (i32, i32) {
    %c0_i32 = arith.constant 0 : i32
    %c0_i32_0 = arith.constant 0 : i32
    return %arg0, %c0_i32 : i32, i32
  }
  func.func @transform_2(%arg0: i32) -> (i32, i32) {
    %c0_i32 = arith.constant 0 : i32
    %c0_i32_0 = arith.constant 0 : i32
    return %arg0, %c0_i32 : i32, i32
  }
  func.func @transform_3(%arg0: i32) -> i32 {
    %c0_i32 = arith.constant 0 : i32
    %c0_i32_0 = arith.constant 0 : i32
    return %c0_i32 : i32
  }
  func.func @transform_4(%arg0: i32) -> (i32, i32) {
    %c0_i32 = arith.constant 0 : i32
    %c0_i32_0 = arith.constant 0 : i32
    %c0_i32_1 = arith.constant 0 : i32
    return %c0_i32, %c0_i32_0 : i32, i32
  }
  func.func @transform_5(%arg0: i32) -> (i32, i32) {
    %c0_i32 = arith.constant 0 : i32
    %c0_i32_0 = arith.constant 0 : i32
    %c0_i32_1 = arith.constant 0 : i32
    return %c0_i32, %c0_i32_0 : i32, i32
  }
  func.func @transform_6(%arg0: i32) -> i32 {
    %c0_i32 = arith.constant 0 : i32
    %c0_i32_0 = arith.constant 0 : i32
    return %c0_i32 : i32
  }
  func.func @transform_7(%arg0: i32) -> (i32, i32) {
    %c0_i32 = arith.constant 0 : i32
    %c0_i32_0 = arith.constant 0 : i32
    return %arg0, %c0_i32 : i32, i32
  }
}

module attributes {stable_mosaic.version = 14 : i64} {
  func.func @body(%arg0: i32, %arg1: memref<2048x3xf32, #tpu.memory_space<vmem>>, %arg2: memref<3x128xf32, #tpu.memory_space<vmem>>, %arg3: memref<128xf32, #tpu.memory_space<vmem>>, %arg4: memref<2048x128xf32, #tpu.memory_space<vmem>>) attributes {dimension_semantics = [#tpu.dimension_semantics<arbitrary>], iteration_bounds = array<i64: 16>, scalar_prefetch = 0 : i64, scratch_operands = 0 : i64, tpu.core_type = #tpu.core_type<tc>, window_params = [{transform_indices = @transform_0, window_bounds = array<i64: 2048, 3>}, {pipeline_mode = #tpu.pipeline_mode<synchronous>, transform_indices = @transform_1, window_bounds = array<i64: 3, 128>}, {pipeline_mode = #tpu.pipeline_mode<synchronous>, transform_indices = @transform_2, window_bounds = array<i64: 128>}, {transform_indices = @transform_3, window_bounds = array<i64: 2048, 128>}]} {
    %get3A = arith.constant 0 : index
    %get3A_0 = arith.constant 0 : index
    %get3A_1 = vector.load %arg1[%get3A, %get3A_0] : memref<2048x3xf32, #tpu.memory_space<vmem>>, vector<2048x3xf32>
    %get3A_2 = arith.constant 0 : index
    %get3A_3 = arith.constant 0 : index
    %get3A_4 = vector.load %arg2[%get3A_2, %get3A_3] : memref<3x128xf32, #tpu.memory_space<vmem>>, vector<3x128xf32>
    %get3A_5 = arith.constant 0 : index
    %get3A_6 = vector.load %arg3[%get3A_5] : memref<128xf32, #tpu.memory_space<vmem>>, vector<128xf32>
    %dot_general3A = arith.constant dense<0.000000e+00> : vector<2048x128xf32>
    %dot_general3A_7 = tpu.matmul %get3A_1, %get3A_4, %dot_general3A {dimension_numbers = #tpu.dot_dimension_numbers<[1], [0], [0], [1], [0, 0, 1, 1], [], []>, transpose_lhs_hint = false} : vector<2048x3xf32>, vector<3x128xf32>, vector<2048x128xf32> -> vector<2048x128xf32>
    %broadcast_in_dim3A = vector.shape_cast %get3A_6 : vector<128xf32> to vector<1x128xf32>
    %add3A = vector.broadcast %broadcast_in_dim3A : vector<1x128xf32> to vector<2048x128xf32>
    %add3A_8 = arith.addf %dot_general3A_7, %add3A : vector<2048x128xf32>
    %swap3A = arith.constant 0 : index
    %swap3A_9 = arith.constant 0 : index
    %swap3A_10 = vector.load %arg4[%swap3A, %swap3A_9] : memref<2048x128xf32, #tpu.memory_space<vmem>>, vector<2048x128xf32>
    tpu.vector_store %arg4[%swap3A, %swap3A_9], %add3A_8 {strides = array<i32>} : memref<2048x128xf32, #tpu.memory_space<vmem>>, vector<2048x128xf32>,
    return
  }
  func.func @transform_0(%arg0: i32) -> (i32, i32) {
    %c0_i32 = arith.constant 0 : i32
    %c0_i32_0 = arith.constant 0 : i32
    return %arg0, %c0_i32 : i32, i32
  }
  func.func @transform_1(%arg0: i32) -> (i32, i32) {
    %c0_i32 = arith.constant 0 : i32
    %c0_i32_0 = arith.constant 0 : i32
    %c0_i32_1 = arith.constant 0 : i32
    return %c0_i32, %c0_i32_0 : i32, i32
  }
  func.func @transform_2(%arg0: i32) -> i32 {
    %c0_i32 = arith.constant 0 : i32
    %c0_i32_0 = arith.constant 0 : i32
    return %c0_i32 : i32
  }
  func.func @transform_3(%arg0: i32) -> (i32, i32) {
    %c0_i32 = arith.constant 0 : i32
    %c0_i32_0 = arith.constant 0 : i32
    return %arg0, %c0_i32 : i32, i32
  }
}

module attributes {stable_mosaic.version = 14 : i64} {
  func.func @body(%arg0: i32, %arg1: memref<1536x128xf32, #tpu.memory_space<vmem>>, %arg2: memref<512x3xf32, #tpu.memory_space<vmem>>, %arg3: memref<512x128xf32, #tpu.memory_space<vmem>>, %arg4: memref<128xf32, #tpu.memory_space<vmem>>, %arg5: memref<128x128xf32, #tpu.memory_space<vmem>>, %arg6: memref<128x128xf32, #tpu.memory_space<vmem>>, %arg7: memref<128xf32, #tpu.memory_space<vmem>>, %arg8: memref<128x128xf32, #tpu.memory_space<vmem>>, %arg9: memref<128xf32, #tpu.memory_space<vmem>>, %arg10: memref<128x2xf32, #tpu.memory_space<vmem>>, %arg11: memref<2xf32, #tpu.memory_space<vmem>>, %arg12: memref<512x2xf32, #tpu.memory_space<vmem>>) attributes {dimension_semantics = [#tpu.dimension_semantics<arbitrary>], iteration_bounds = array<i64: 64>, scalar_prefetch = 0 : i64, scratch_operands = 0 : i64, tpu.core_type = #tpu.core_type<tc>, window_params = [{transform_indices = @transform_0, window_bounds = array<i64: 1536, 128>}, {transform_indices = @transform_1, window_bounds = array<i64: 512, 3>}, {transform_indices = @transform_2, window_bounds = array<i64: 512, 128>}, {pipeline_mode = #tpu.pipeline_mode<synchronous>, transform_indices = @transform_3, window_bounds = array<i64: 128>}, {pipeline_mode = #tpu.pipeline_mode<synchronous>, transform_indices = @transform_4, window_bounds = array<i64: 128, 128>}, {pipeline_mode = #tpu.pipeline_mode<synchronous>, transform_indices = @transform_5, window_bounds = array<i64: 128, 128>}, {pipeline_mode = #tpu.pipeline_mode<synchronous>, transform_indices = @transform_6, window_bounds = array<i64: 128>}, {pipeline_mode = #tpu.pipeline_mode<synchronous>, transform_indices = @transform_7, window_bounds = array<i64: 128, 128>}, {pipeline_mode = #tpu.pipeline_mode<synchronous>, transform_indices = @transform_8, window_bounds = array<i64: 128>}, {pipeline_mode = #tpu.pipeline_mode<synchronous>, transform_indices = @transform_9, window_bounds = array<i64: 128, 2>}, {pipeline_mode = #tpu.pipeline_mode<synchronous>, transform_indices = @transform_10, window_bounds = array<i64: 2>}, {transform_indices = @transform_11, window_bounds = array<i64: 512, 2>}]} {
    %get3A = arith.constant 0 : index
    %get3A_0 = arith.constant 0 : index
    %get3A_1 = vector.load %arg1[%get3A, %get3A_0] : memref<1536x128xf32, #tpu.memory_space<vmem>>, vector<1536x128xf32>
    %reshape3A = vector.shape_cast %get3A_1 : vector<1536x128xf32> to vector<512x3x128xf32>
    %get3A_2 = arith.constant 0 : index
    %get3A_3 = arith.constant 0 : index
    %get3A_4 = vector.load %arg2[%get3A_2, %get3A_3] : memref<512x3xf32, #tpu.memory_space<vmem>>, vector<512x3xf32>
    %broadcast_in_dim3A = vector.shape_cast %get3A_4 : vector<512x3xf32> to vector<512x3x1xf32>
    %mul3A = vector.broadcast %broadcast_in_dim3A : vector<512x3x1xf32> to vector<512x3x128xf32>
    %mul3A_5 = arith.mulf %reshape3A, %mul3A : vector<512x3x128xf32>
    %reduce_sum3A = arith.constant dense<0.000000e+00> : vector<512x128xf32>
    %reduce_sum3A_6 = vector.multi_reduction <add>, %mul3A_5, %reduce_sum3A [1] : vector<512x3x128xf32> to vector<512x128xf32>
    %get3A_7 = arith.constant 0 : index
    %get3A_8 = arith.constant 0 : index
    %get3A_9 = vector.load %arg5[%get3A_7, %get3A_8] : memref<128x128xf32, #tpu.memory_space<vmem>>, vector<128x128xf32>
    %dot_general3A = arith.constant dense<0.000000e+00> : vector<512x128xf32>
    %dot_general3A_10 = tpu.matmul %reduce_sum3A_6, %get3A_9, %dot_general3A {dimension_numbers = #tpu.dot_dimension_numbers<[1], [0], [0], [1], [0, 0, 1, 1], [], []>, transpose_lhs_hint = false} : vector<512x128xf32>, vector<128x128xf32>, vector<512x128xf32> -> vector<512x128xf32>
    %get3A_11 = arith.constant 0 : index
    %get3A_12 = arith.constant 0 : index
    %get3A_13 = vector.load %arg3[%get3A_11, %get3A_12] : memref<512x128xf32, #tpu.memory_space<vmem>>, vector<512x128xf32>
    %add3A = arith.addf %dot_general3A_10, %get3A_13 : vector<512x128xf32>
    %get3A_14 = arith.constant 0 : index
    %get3A_15 = vector.load %arg4[%get3A_14] : memref<128xf32, #tpu.memory_space<vmem>>, vector<128xf32>
    %broadcast_in_dim3A_16 = vector.shape_cast %get3A_15 : vector<128xf32> to vector<1x128xf32>
    %add3A_17 = vector.broadcast %broadcast_in_dim3A_16 : vector<1x128xf32> to vector<512x128xf32>
    %add3A_18 = arith.addf %add3A, %add3A_17 : vector<512x128xf32>
    %mul3A_19 = arith.constant 0.999994993 : f32
    %mul3A_20 = vector.broadcast %mul3A_19 : f32 to vector<512x128xf32>
    %mul3A_21 = arith.mulf %add3A_18, %mul3A_20 : vector<512x128xf32>
    %max3A = arith.constant 0.000000e+00 : f32
    %max3A_22 = vector.broadcast %max3A : f32 to vector<512x128xf32>
    %max3A_23 = arith.maximumf %mul3A_21, %max3A_22 : vector<512x128xf32>
    %get3A_24 = arith.constant 0 : index
    %get3A_25 = arith.constant 0 : index
    %get3A_26 = vector.load %arg6[%get3A_24, %get3A_25] : memref<128x128xf32, #tpu.memory_space<vmem>>, vector<128x128xf32>
    %get3A_27 = arith.constant 0 : index
    %get3A_28 = vector.load %arg7[%get3A_27] : memref<128xf32, #tpu.memory_space<vmem>>, vector<128xf32>
    %dot_general3A_29 = arith.constant dense<0.000000e+00> : vector<512x128xf32>
    %dot_general3A_30 = tpu.matmul %max3A_23, %get3A_26, %dot_general3A_29 {dimension_numbers = #tpu.dot_dimension_numbers<[1], [0], [0], [1], [0, 0, 1, 1], [], []>, transpose_lhs_hint = false} : vector<512x128xf32>, vector<128x128xf32>, vector<512x128xf32> -> vector<512x128xf32>
    %broadcast_in_dim3A_31 = vector.shape_cast %get3A_28 : vector<128xf32> to vector<1x128xf32>
    %add3A_32 = vector.broadcast %broadcast_in_dim3A_31 : vector<1x128xf32> to vector<512x128xf32>
    %add3A_33 = arith.addf %dot_general3A_30, %add3A_32 : vector<512x128xf32>
    %mul3A_34 = arith.constant 0.999994993 : f32
    %mul3A_35 = vector.broadcast %mul3A_34 : f32 to vector<512x128xf32>
    %mul3A_36 = arith.mulf %add3A_33, %mul3A_35 : vector<512x128xf32>
    %max3A_37 = arith.constant 0.000000e+00 : f32
    %max3A_38 = vector.broadcast %max3A_37 : f32 to vector<512x128xf32>
    %max3A_39 = arith.maximumf %mul3A_36, %max3A_38 : vector<512x128xf32>
    %get3A_40 = arith.constant 0 : index
    %get3A_41 = arith.constant 0 : index
    %get3A_42 = vector.load %arg8[%get3A_40, %get3A_41] : memref<128x128xf32, #tpu.memory_space<vmem>>, vector<128x128xf32>
    %get3A_43 = arith.constant 0 : index
    %get3A_44 = vector.load %arg9[%get3A_43] : memref<128xf32, #tpu.memory_space<vmem>>, vector<128xf32>
    %dot_general3A_45 = arith.constant dense<0.000000e+00> : vector<512x128xf32>
    %dot_general3A_46 = tpu.matmul %max3A_39, %get3A_42, %dot_general3A_45 {dimension_numbers = #tpu.dot_dimension_numbers<[1], [0], [0], [1], [0, 0, 1, 1], [], []>, transpose_lhs_hint = false} : vector<512x128xf32>, vector<128x128xf32>, vector<512x128xf32> -> vector<512x128xf32>
    %broadcast_in_dim3A_47 = vector.shape_cast %get3A_44 : vector<128xf32> to vector<1x128xf32>
    %add3A_48 = vector.broadcast %broadcast_in_dim3A_47 : vector<1x128xf32> to vector<512x128xf32>
    %add3A_49 = arith.addf %dot_general3A_46, %add3A_48 : vector<512x128xf32>
    %mul3A_50 = arith.constant 0.999994993 : f32
    %mul3A_51 = vector.broadcast %mul3A_50 : f32 to vector<512x128xf32>
    %mul3A_52 = arith.mulf %add3A_49, %mul3A_51 : vector<512x128xf32>
    %max3A_53 = arith.constant 0.000000e+00 : f32
    %max3A_54 = vector.broadcast %max3A_53 : f32 to vector<512x128xf32>
    %max3A_55 = arith.maximumf %mul3A_52, %max3A_54 : vector<512x128xf32>
    %get3A_56 = arith.constant 0 : index
    %get3A_57 = arith.constant 0 : index
    %get3A_58 = vector.load %arg10[%get3A_56, %get3A_57] : memref<128x2xf32, #tpu.memory_space<vmem>>, vector<128x2xf32>
    %get3A_59 = arith.constant 0 : index
    %get3A_60 = vector.load %arg11[%get3A_59] : memref<2xf32, #tpu.memory_space<vmem>>, vector<2xf32>
    %dot_general3A_61 = arith.constant dense<0.000000e+00> : vector<512x2xf32>
    %dot_general3A_62 = tpu.matmul %max3A_55, %get3A_58, %dot_general3A_61 {dimension_numbers = #tpu.dot_dimension_numbers<[1], [0], [0], [1], [0, 0, 1, 1], [], []>, transpose_lhs_hint = false} : vector<512x128xf32>, vector<128x2xf32>, vector<512x2xf32> -> vector<512x2xf32>
    %broadcast_in_dim3A_63 = vector.shape_cast %get3A_60 : vector<2xf32> to vector<1x2xf32>
    %add3A_64 = vector.broadcast %broadcast_in_dim3A_63 : vector<1x2xf32> to vector<512x2xf32>
    %add3A_65 = arith.addf %dot_general3A_62, %add3A_64 : vector<512x2xf32>
    %swap3A = arith.constant 0 : index
    %swap3A_66 = arith.constant 0 : index
    %swap3A_67 = vector.load %arg12[%swap3A, %swap3A_66] : memref<512x2xf32, #tpu.memory_space<vmem>>, vector<512x2xf32>
    tpu.vector_store %arg12[%swap3A, %swap3A_66], %add3A_65 {strides = array<i32>} : memref<512x2xf32, #tpu.memory_space<vmem>>, vector<512x2xf32>,
    return
  }
  func.func @transform_0(%arg0: i32) -> (i32, i32) {
    %c0_i32 = arith.constant 0 : i32
    %c0_i32_0 = arith.constant 0 : i32
    return %arg0, %c0_i32 : i32, i32
  }
  func.func @transform_1(%arg0: i32) -> (i32, i32) {
    %c0_i32 = arith.constant 0 : i32
    %c0_i32_0 = arith.constant 0 : i32
    return %arg0, %c0_i32 : i32, i32
  }
  func.func @transform_2(%arg0: i32) -> (i32, i32) {
    %c0_i32 = arith.constant 0 : i32
    %c0_i32_0 = arith.constant 0 : i32
    return %arg0, %c0_i32 : i32, i32
  }
  func.func @transform_3(%arg0: i32) -> i32 {
    %c0_i32 = arith.constant 0 : i32
    %c0_i32_0 = arith.constant 0 : i32
    return %c0_i32 : i32
  }
  func.func @transform_4(%arg0: i32) -> (i32, i32) {
    %c0_i32 = arith.constant 0 : i32
    %c0_i32_0 = arith.constant 0 : i32
    %c0_i32_1 = arith.constant 0 : i32
    return %c0_i32, %c0_i32_0 : i32, i32
  }
  func.func @transform_5(%arg0: i32) -> (i32, i32) {
    %c0_i32 = arith.constant 0 : i32
    %c0_i32_0 = arith.constant 0 : i32
    %c0_i32_1 = arith.constant 0 : i32
    return %c0_i32, %c0_i32_0 : i32, i32
  }
  func.func @transform_6(%arg0: i32) -> i32 {
    %c0_i32 = arith.constant 0 : i32
    %c0_i32_0 = arith.constant 0 : i32
    return %c0_i32 : i32
  }
  func.func @transform_7(%arg0: i32) -> (i32, i32) {
    %c0_i32 = arith.constant 0 : i32
    %c0_i32_0 = arith.constant 0 : i32
    %c0_i32_1 = arith.constant 0 : i32
    return %c0_i32, %c0_i32_0 : i32, i32
  }
  func.func @transform_8(%arg0: i32) -> i32 {
    %c0_i32 = arith.constant 0 : i32
    %c0_i32_0 = arith.constant 0 : i32
    return %c0_i32 : i32
  }
  func.func @transform_9(%arg0: i32) -> (i32, i32) {
    %c0_i32 = arith.constant 0 : i32
    %c0_i32_0 = arith.constant 0 : i32
    %c0_i32_1 = arith.constant 0 : i32
    return %c0_i32, %c0_i32_0 : i32, i32
  }
  func.func @transform_10(%arg0: i32) -> i32 {
    %c0_i32 = arith.constant 0 : i32
    %c0_i32_0 = arith.constant 0 : i32
    return %c0_i32 : i32
  }
  func.func @transform_11(%arg0: i32) -> (i32, i32) {
    %c0_i32 = arith.constant 0 : i32
    %c0_i32_0 = arith.constant 0 : i32
    return %arg0, %c0_i32 : i32, i32
  }
}

</mosaic_0001>

<sc_bundles>
// kernel: kernel.30.cloned.1.call-start
scs
__scs_entry_jumppad:
0x0: {  	(pc) =	sbr.rel $0x88, $3  }
0x1: {  	(tag) =	ssettag $0x0;
	lr =	simm.s32 $0x1  }
0x2: {  	[smem:$0x3F76] =	sst lr;
	_ =	strace $0xD0000000  }
0x3: {  	_ = 	snop  }
0x4: {  	_ = 	snop  }
0x5: {  	_ = 	snop  }
0x6: {  	_ = 	snop  }
0x7: {  	_ = 	snop  }
__scs_overlays_trampoline_lowered:
0x8: {  	[smem:$0x3F85] =	sst s0  }
0x9: {  	[smem:$0x3F86] =	sst s1  }
0xa: {  	[smem:$0x3F87] =	sst s2  }
0xb: {  	[smem:$0x3F88] =	sst s3  }
0xc: {  	[smem:$0x3F89] =	sst s4  }
0xd: {  	[smem:$0x3F8A] =	sst s5  }
0xe: {  	[smem:$0x3F8B] =	sst s6  }
0xf: {  	[smem:$0x3F8C] =	sst s7  }
0x10: {  	[smem:$0x3F8D] =	sst s8  }
0x11: {  	[smem:$0x3F8E] =	sst s9;
	s0 =	simm.s32 @!p0 $0x0  }
0x12: {  	s1 =	sld [smem:$0x3F74];
	s0 =	simm.s32 @p0 $0x1  }
0x13: {  	[smem:$0x3F8F] =	sst s0;
	s0 =	simm.s32 @!p1 $0x0  }
0x14: {  	s2 =	sld [smem:$0x3F73];
	s0 =	simm.s32 @p1 $0x1  }
0x15: {  	[smem:$0x3F90] =	sst s0;
	s0 =	simm.s32 @!p2 $0x0  }
0x16: {  	s3 =	sld [smem:$0x3FDB];
	s0 =	simm.s32 @p2 $0x1  }
0x17: {  	s4 =	simm.s32 $0x1BF5;
	[smem:$0x3F92] =	sst s0  }
0x18: {  	s0 =	sld [smem:$0x3F75];
	_ =	swait.ge [sflag:s4], $0x0  }
0x19: {  	s7 =	sld [smem:$0x3F76]  }
0x1a: {  	s8 =	sadd.s32 $0xFFFFE003, lr  }
0x1b: {  	s9 =	sadd.s32 $0xFFFFFEF7, lr;
	s5 =	simm.s32 $0xFFFFFFFF;
	p2 =	slt.u32 s8, $0xFFFFF086  }
0x1c: {  	p1 =	slt.u32 s9, $0xF7A;
	s5 =	simm.s32 @!p2 $0x0  }
0x1d: {  	s5 =	simm.s32 @p1 $0x1;
	p0 =	seq.s32 s7, s2  }
0x1e: {  	s7 =	smul.u32 @!p0 $0xF7A, s2;
	p2 =	seq.s32 @!p0 s5, $0x0  }
0x1f: {  	s9 =	smul.u32 $0xF7A, s1;
	s8 =	simm.s32 @!p0 $0x1BF5;
	p2 =	por !p2, p0  }
0x20: {  	[sflag:s8] =	ssyncset.s32 @!p0 $0xFFFFF086;
	s6 =	sadd.s32 @!p0 s3, s7;
	s7 =	simm.s32 @!p0 $0x108  }
0x21: {  	s3 =	sadd.s32 s3, s9;
	s6 =	sadd.s32 @!p0 $0x88, s6;
	s7 =	simm.s32 @p2 $0x1082  }
0x22: {  	[simem:s7], [sflag:s8] =	dma.local @!p0 [hbm:s6], $0xF7A  }
0x23: {  	s9 =	sor.u32 $0xD0000000, s2;
	s6 =	simm.s32 $0x108;
	_ =	swait.ge @!p0 [sflag:s8], $0x0  }
0x24: {  	s3 =	sadd.s32 $0x88, s3;
	s6 =	simm.s32 @!p1 $0x1082;
	[sflag:s4] =	ssyncset.s32 $0xFFFFF086  }
0x25: {  	[simem:s6], [sflag:s4] =	dma.local [hbm:s3], $0xF7A  }
0x26: {  	[smem:$0x3F76] =	sst s1;
	(tag) =	ssettag s2;
	_ =	strace s9  }
0x27: {  	s1 =	sld [smem:$0x3F86]  }
0x28: {  	s2 =	sld [smem:$0x3F87]  }
0x29: {  	s4 =	sld [smem:$0x3F89]  }
0x2a: {  	p0 =	seq.s32 s5, $0x0;
	s5 =	sld [smem:$0x3F8A]  }
0x2b: {  	s6 =	sld [smem:$0x3F8B]  }
0x2c: {  	s7 =	sld [smem:$0x3F8C]  }
0x2d: {  	s3 =	simm.s32 $0x108;
	s8 =	sld [smem:$0x3F8D]  }
0x2e: {  	s3 =	simm.s32 @!p0 $0x1082;
	s9 =	sld [smem:$0x3F8E]  }
0x2f: {  	lr =	sadd.s32 s0, s3;
	s0 =	sld [smem:$0x3F85]  }
0x30: {  	s3 =	sld [smem:$0x3F88]  }
0x31: {  	[smem:$0x3F91] =	sst s10  }
0x32: {  	s10 =	sld [smem:$0x3F8F];
	_ =	sdelay $0x3  }
0x33: {  	p0 =	seq.s32 s10, $0x1;
	s10 =	sld [smem:$0x3F91];
	_ =	sdelay $0x3  }
0x34: {  	[smem:$0x3F91] =	sst s10  }
0x35: {  	s10 =	sld [smem:$0x3F90];
	_ =	sdelay $0x3  }
0x36: {  	p1 =	seq.s32 s10, $0x1;
	s10 =	sld [smem:$0x3F91];
	_ =	sdelay $0x3  }
0x37: {  	[smem:$0x3F91] =	sst s10  }
0x38: {  	s10 =	sld [smem:$0x3F92]  }
0x39: {  	_ = 	snop;
	(pc) =	sbr.ind lr, $3  }
0x3a: {  	_ = 	snop  }
0x3b: {  	_ = 	snop  }
0x3c: {  	p2 =	seq.s32 s10, $0x1;
	s10 =	sld [smem:$0x3F91]  }
0x3d: {  	_ =	shalt  }
0x3e: {  	_ =	shalt  }
0x3f: {  	_ =	shalt  }
0x40: {  	_ =	shalt  }
0x41: {  	_ =	shalt  }
0x42: {  	_ =	shalt  }
0x43: {  	_ =	shalt  }
0x44: {  	_ =	shalt  }
0x45: {  	_ =	shalt  }
0x46: {  	_ =	shalt  }
0x47: {  	_ =	shalt  }
0x48: {  	_ =	shalt  }
0x49: {  	_ =	shalt  }
0x4a: {  	_ =	shalt  }
0x4b: {  	_ =	shalt  }
0x4c: {  	_ =	shalt  }
0x4d: {  	_ =	shalt  }
0x4e: {  	_ =	shalt  }
0x4f: {  	_ =	shalt  }
0x50: {  	_ =	shalt  }
0x51: {  	_ =	shalt  }
0x52: {  	_ =	shalt  }
0x53: {  	_ =	shalt  }
0x54: {  	_ =	shalt  }
0x55: {  	_ =	shalt  }
0x56: {  	_ =	shalt  }
0x57: {  	_ =	shalt  }
0x58: {  	_ =	shalt  }
0x59: {  	_ =	shalt  }
0x5a: {  	_ =	shalt  }
0x5b: {  	_ =	shalt  }
0x5c: {  	_ =	shalt  }
0x5d: {  	_ =	shalt  }
0x5e: {  	_ =	shalt  }
0x5f: {  	_ =	shalt  }
0x60: {  	_ =	shalt  }
0x61: {  	_ =	shalt  }
0x62: {  	_ =	shalt  }
0x63: {  	_ =	shalt  }
0x64: {  	_ =	shalt  }
0x65: {  	_ =	shalt  }
0x66: {  	_ =	shalt  }
0x67: {  	_ =	shalt  }
0x68: {  	_ =	shalt  }
0x69: {  	_ =	shalt  }
0x6a: {  	_ =	shalt  }
0x6b: {  	_ =	shalt  }
0x6c: {  	_ =	shalt  }
0x6d: {  	_ =	shalt  }
0x6e: {  	_ =	shalt  }
0x6f: {  	_ =	shalt  }
0x70: {  	_ =	shalt  }
0x71: {  	_ =	shalt  }
0x72: {  	_ =	shalt  }
0x73: {  	_ =	shalt  }
0x74: {  	_ =	shalt  }
0x75: {  	_ =	shalt  }
0x76: {  	_ =	shalt  }
0x77: {  	_ =	shalt  }
0x78: {  	_ =	shalt  }
0x79: {  	_ =	shalt  }
0x7a: {  	_ =	shalt  }
0x7b: {  	_ =	shalt  }
0x7c: {  	_ =	shalt  }
0x7d: {  	_ =	shalt  }
0x7e: {  	_ =	shalt  }
0x7f: {  	_ =	shalt  }
0x80: {  	_ =	shalt  }
0x81: {  	_ =	shalt  }
0x82: {  	_ =	shalt  }
0x83: {  	_ =	shalt  }
0x84: {  	_ =	shalt  }
0x85: {  	_ =	shalt  }
0x86: {  	_ =	shalt  }
0x87: {  	_ =	shalt  }
.Lfunc_end0:
.L_simem_size_0:
called_computation_lowered:
.L_overlay_start_0:
0x88: {  	s2 =	sld [smem:$0x3FD9]  }
0x89: {  	s3 =	sld [smem:$0x3FFE];
	_ =	sdelay $0x1  }
0x8a: {  	s1 =	srdreg.scid  }
0x8b: {  	s0 =	sand.u32 $0x1, s1  }
0x8c: {  	s17 =	sshll.u32 s0, $0xA;
	s2 =	sadd.s32 s3, s2  }
0x8d: {  	s2 =	sadd.s32 s2, s17  }
0x8e: {  	[smem:$0x3F9D] =	sst s2  }
0x8f: {  	_ = 	snop  }
0x90: {  	s2 =	sld [smem:$0x3FD0];
	(tm) =	ssettm $0x1  }
0x91: {  	s18 =	sld [smem:$0x3FFB];
	_ =	sdelay $0x3  }
0x92: {  	_ =	strace s18  }
0x93: {  	s3 =	sld [smem:$0x3FFC];
	_ =	sdelay $0x3  }
0x94: {  	_ =	strace s3  }
0x95: {  	s3 =	sld [smem:$0x3FFD];
	_ =	sdelay $0x3  }
0x96: {  	_ =	strace s3  }
0x97: {  	_ =	strace $0x8FFFFFFF  }
0x98: {  	s19 =	sld [smem:$0x3FDB];
	_ =	sdelay $0x1  }
0x99: {  	s4 =	simm.s32 $_scs_section_size  }
0x9a: {  	s5 =	simm.s32 $_size__tile_overlayer_lowered;
	s6 =	simm.s32 $_tile_overlayer_lowered  }
0x9b: {  	s22 =	simm.s32 $0x1BFF;
	s21 =	sshll.u32 s6, $0x1;
	s3 =	sadd.s32 s4, s19  }
0x9c: {  	s7 =	simm.s32 $0x0;
	s20 =	sshll.u32 s5, $0x1;
	s5 =	sadd.s32 s21, s3  }
0x9d: {  	[timem:s7], [sflag:s22] =	dma.local [hbm:s5], s20  }
0x9e: {  	_ =	swait.ge [sflag:s22], s20  }
0x9f: {  	s4 =	ssub.s32 $0x0, s20;
	[sflag:s22] =	ssyncset.done $0x0  }
0xa0: {  	[sflag:s22] =	ssyncadd.s32 s4;
	_ =	sdelay $0x1  }
0xa1: {  	s23 =	simm.s32 $0x1B8B  }
0xa2: {  	_ =	swait.ge [sflag:s23], $0x1  }
0xa3: {  	[sflag:s23] =	ssyncset.done $0x0  }
0xa4: {  	s25 =	simm.s32 $0x1B8E;
	s24 =	sld [smem:$0x3FFE];
	[sflag:s23] =	ssyncadd.s32 $0xFFFFFFFF  }
0xa5: {  	s26 =	simm.s32 $execute0_lowered;
	[smem:$0x3FD2] =	sst s25  }
0xa6: {  	s5 =	sshll.u32 s26, $0x1;
	_ =	strace $0x80000046;
	[dreg:$0x1] =	wrdreg $0xFFFFFFFF  }
0xa7: {  	s28 =	simm.s32 $_size_execute0_lowered;
	s3 =	sadd.s32 s3, s5;
	[dreg:$0x0] =	wrdreg $0x0  }
0xa8: {  	s5 =	sshll.u32 s28, $0x1;
	[dreg:$0x2] =	wrdreg s3  }
0xa9: {  	[dreg:$0x3] =	wrdreg s5  }
0xaa: {  	[dreg:$0x4] =	wrdreg $0xC0  }
0xab: {  	_ =	task [dreg:s7], $0x5FFFF  }
0xac: {  	[dreg:$0x1] =	wrdreg $0xFFFFFFFF  }
0xad: {  	[dreg:$0x0] =	wrdreg $0x60  }
0xae: {  	[dreg:$0x2] =	wrdreg s24  }
0xaf: {  	[dreg:$0x3] =	wrdreg s2  }
0xb0: {  	[dreg:$0x4] =	wrdreg $0x9  }
0xb1: {  	_ =	task.clear_ibuf [dreg:s7], $0x5FFFF;
	_ =	strace $0x90000046  }
0xb2: {  	s29 =	simm.s32 $0x9;
	_ =	strace $0x80000048  }
0xb3: {  	_ =	swait.ge [sflag:s29], $0x1  }
0xb4: {  	[sflag:s29] =	ssyncadd.s32 $0xFFFFFFFF  }
0xb5: {  	_ =	strace $0x90000048  }
0xb6: {  	_ =	sfence  }
0xb7: {  	s30 =	sld [smem:$0x0];
	_ =	sdelay $0x2  }
0xb8: {  	s31 =	sshll.u32 s1, $0xD;
	s1 =	sshrl.u32 s1, $0x2  }
0xb9: {  	s3 =	sand.u32 $0x4000, s31;
	s1 =	sadd.s32 s1, s30  }
0xba: {  	s0 =	sor.u32 s3, s0;
	s1 =	sshll.u32 s1, $0x11  }
0xbb: {  	s0 =	sor.u32 s1, s0  }
0xbc: {  	s0 =	sadd.s32 $0x8F2B, s0  }
0xbd: {  	[sflag:s0] =	ssyncadd.remote.s32 $0x1  }
0xbe: {  	_ =	sfence.sel $0xFFFF  }
0xbf: {  	[dreg:$0x0] =	wrdreg $0xFFFFFFFF;
	(pc) =	sbr.abs _section_cstart, $3  }
0xc0: {  	[dreg:$0x1] =	wrdreg $0xFFFFFFFF  }
0xc1: {  	_ =	task.clear_ibuf [dreg:s7], $0x2FFFF;
	_ =	strace $0x9FFFFFFF  }
0xc2: {  	(tm) =	ssettm $0x7FFFFFFF  }
0xc3: {  	_ =	shalt  }
tec
execute0_lowered:
.L_overlay_start_1:
0x0: {  	(tag) =	ssettag $0x1  }
0x1: {  	s1 =	srdreg.scid  }
0x2: {  	s0 =	stileid.u32;
	s6 =	sand.u32 $0x1, s1  }
0x3: {  	s5 =	rddreg [dreg:$0x0];
	s30 =	sshll.u32 s0, $0x8;
	s2 =	sshll.u32 s6, $0x7  }
0x4: {  	s8 =	rddreg [dreg:$0x1];
	s9 =	sor.u32 s2, s30  }
0x5: {  	s1 =	rddreg [dreg:$0x2];
	s2 =	simm.s32 $0x0;
	s3 =	sshrl.u32 s9, $0x3  }
0x6: {  	s10 =	ssub.s32 $0x2, s6;
	[smem:$0x7FF] =	sst s2;
	s3 =	sadd.s32 s3, s5  }
0x7: {  	_ =	strace $0x80000047;
	s4 =	sadd.s32 $0x8200, s3;
	s3 =	simm.s32 $0x2  }
0x8: {  	[tilespmem:s2], [sflag:$0x2] =	stream.linear.gather [hbm4b:s4+s2], $0x80, $0x38;
	[tilespmem:$0x880] =	vst v63  }
0x9: {  	s7 =	simm.s32 $0x1;
	s11 =	sshrl.u32 s10, $0x1;
	_ =	swait.ge [sflag:s3], $0x80  }
0xa: {  	s6 =	simm.s32 $0x80;
	s10 =	ssub.s32 s10, s11;
	[sflag:s3] =	ssyncset.done $0x0  }
0xb: {  	s5 =	sadd.s32 $0x8400, s5;
	s31 =	smax.u32 s10, $0x1;
	[sflag:s3] =	ssyncadd.s32 $0xFFFFFF80  }
0xc: {  	[tilespmem:s6], [sflag:$0x1] =	stream.indirect.gather [hbm4b:s5+s6], $0x10, s2, s6, $0xb8;
	[tilespmem:$0x880] =	vst v63  }
0xd: {  	p0 =	sne.s32 s31, $0x1;
	_ =	swait.ge [sflag:s7], $0x800  }
.Ltmp0:
0xe: {  	s9 =	sshll.u32 s9, $0x1;
	[sflag:s7] =	ssyncset.done $0x0;
	(pc) =	sbr.rel @!p0 .LBB2_2-.Ltmp0, $4  }
0xf: {  	s8 =	sadd.s32 s8, s9;
	[sflag:s7] =	ssyncadd.s32 $0xFFFFF800  }
0x10: {  	[hbm4b:s8+s2] =	stream.linear.scatter [tilespmem:s6], [sflag:$0x2], $0x800, $0x38;
	[tilespmem:$0x880] =	vst v63  }
0x11: {  	_ =	swait.ge [sflag:s3], $0x800  }
0x12: {  	s9 =	sadd.s32 $0xFFFFFFFF, s31;
	[sflag:s3] =	ssyncset.done $0x0  }
.LBB2_1:
0x13: {  	p0 =	sne.s32 s9, $0x1;
	s9 =	sadd.s32 $0xFFFFFFFF, s9;
	[sflag:s3] =	ssyncadd.s32 $0xFFFFF800  }
0x14: {  	[tilespmem:s2], [sflag:$0x2] =	stream.linear.gather [hbm4b:s4+s2], $0x80, $0x38;
	[tilespmem:$0x880] =	vst v63  }
0x15: {  	_ =	swait.ge [sflag:s3], $0x80  }
0x16: {  	[sflag:s3] =	ssyncset.done $0x0  }
0x17: {  	[sflag:s3] =	ssyncadd.s32 $0xFFFFFF80  }
0x18: {  	[tilespmem:s6], [sflag:$0x1] =	stream.indirect.gather [hbm4b:s5+s6], $0x10, s2, s6, $0xb8;
	[tilespmem:$0x880] =	vst v63  }
0x19: {  	_ =	swait.ge [sflag:s7], $0x800  }
.Ltmp1:
0x1a: {  	[sflag:s7] =	ssyncset.done $0x0;
	(pc) =	sbr.rel @p0 .LBB2_1-.Ltmp1, $4  }
0x1b: {  	[sflag:s7] =	ssyncadd.s32 $0xFFFFF800  }
0x1c: {  	[hbm4b:s8+s2] =	stream.linear.scatter [tilespmem:s6], [sflag:$0x2], $0x800, $0x38;
	[tilespmem:$0x880] =	vst v63  }
0x1d: {  	_ =	swait.ge [sflag:s3], $0x800  }
0x1e: {  	[sflag:s3] =	ssyncset.done $0x0  }
.LBB2_2:
0x1f: {  	[sflag:s3] =	ssyncadd.s32 $0xFFFFF800  }
0x20: {  	_ =	sfence.sel $0x180000  }
0x21: {  	[bflag:$0x0] =	sbarrier.arrive $0xFFFF  }
0x22: {  	p0 =	sne.s32 s0, $0x0;
	_ =	strace $0x90000047  }
0x23: {  	s0 =	sadd.s32 @!p0 $0x100000, s1;
	[bflag:$0x2] =	sbarrier.arrive $0xFFFF  }
0x24: {  	[sflag:s0] =	ssyncadd.tile.s32 @!p0 $0x1;
	_ =	shalt  }
.Lfunc_end2:
_tile_overlayer_lowered:
.L_overlay_start_2:
0x25: {  	(tag) =	ssettag $0x2  }
0x26: {  	s0 =	rddreg [dreg:$0x0];
	s2 =	stileid.u32  }
0x27: {  	s1 =	rddreg [dreg:$0x1];
	p0 =	sne.s32 s2, $0x0  }
0x28: {  	s3 =	rddreg [dreg:$0x2];
	[bflag:$0x3] =	sbarrier.arrive $0xFFFF;
	s2 =	simm.s32 @!p0 $0x1C02  }
0x29: {  	[timem:s3], [sflag:s2] =	dma.local @!p0 [hbm:s0], s1  }
0x2a: {  	s0 =	simm.s32 @!p0 $0x2  }
0x2b: {  	_ =	swait.ge @!p0 [sflag:s0], s1  }
0x2c: {  	s1 =	ssub.s32 @!p0 $0x0, s1;
	[sflag:s0] =	ssyncset.done @!p0 $0x0  }
0x2d: {  	[sflag:s0] =	ssyncadd.s32 @!p0 s1  }
0x2e: {  	[bflag:$0x3] =	sbarrier.arrive $0xFFFF  }
0x2f: {  	_ =	shalt  }

// kernel: kernel.33.cloned.1.call-start
scs
__scs_entry_jumppad:
0x0: {  	(pc) =	sbr.rel $0x88, $3  }
0x1: {  	(tag) =	ssettag $0x0;
	lr =	simm.s32 $0x1  }
0x2: {  	[smem:$0x3F76] =	sst lr;
	_ =	strace $0xD0000000  }
0x3: {  	_ = 	snop  }
0x4: {  	_ = 	snop  }
0x5: {  	_ = 	snop  }
0x6: {  	_ = 	snop  }
0x7: {  	_ = 	snop  }
__scs_overlays_trampoline_lowered:
0x8: {  	[smem:$0x3F85] =	sst s0  }
0x9: {  	[smem:$0x3F86] =	sst s1  }
0xa: {  	[smem:$0x3F87] =	sst s2  }
0xb: {  	[smem:$0x3F88] =	sst s3  }
0xc: {  	[smem:$0x3F89] =	sst s4  }
0xd: {  	[smem:$0x3F8A] =	sst s5  }
0xe: {  	[smem:$0x3F8B] =	sst s6  }
0xf: {  	[smem:$0x3F8C] =	sst s7  }
0x10: {  	[smem:$0x3F8D] =	sst s8  }
0x11: {  	[smem:$0x3F8E] =	sst s9;
	s0 =	simm.s32 @!p0 $0x0  }
0x12: {  	s1 =	sld [smem:$0x3F74];
	s0 =	simm.s32 @p0 $0x1  }
0x13: {  	[smem:$0x3F8F] =	sst s0;
	s0 =	simm.s32 @!p1 $0x0  }
0x14: {  	s2 =	sld [smem:$0x3F73];
	s0 =	simm.s32 @p1 $0x1  }
0x15: {  	[smem:$0x3F90] =	sst s0;
	s0 =	simm.s32 @!p2 $0x0  }
0x16: {  	s3 =	sld [smem:$0x3FDB];
	s0 =	simm.s32 @p2 $0x1  }
0x17: {  	s4 =	simm.s32 $0x1BF5;
	[smem:$0x3F92] =	sst s0  }
0x18: {  	s0 =	sld [smem:$0x3F75];
	_ =	swait.ge [sflag:s4], $0x0  }
0x19: {  	s7 =	sld [smem:$0x3F76]  }
0x1a: {  	s8 =	sadd.s32 $0xFFFFE003, lr  }
0x1b: {  	s9 =	sadd.s32 $0xFFFFFEF7, lr;
	s5 =	simm.s32 $0xFFFFFFFF;
	p2 =	slt.u32 s8, $0xFFFFF086  }
0x1c: {  	p1 =	slt.u32 s9, $0xF7A;
	s5 =	simm.s32 @!p2 $0x0  }
0x1d: {  	s5 =	simm.s32 @p1 $0x1;
	p0 =	seq.s32 s7, s2  }
0x1e: {  	s7 =	smul.u32 @!p0 $0xF7A, s2;
	p2 =	seq.s32 @!p0 s5, $0x0  }
0x1f: {  	s9 =	smul.u32 $0xF7A, s1;
	s8 =	simm.s32 @!p0 $0x1BF5;
	p2 =	por !p2, p0  }
0x20: {  	[sflag:s8] =	ssyncset.s32 @!p0 $0xFFFFF086;
	s6 =	sadd.s32 @!p0 s3, s7;
	s7 =	simm.s32 @!p0 $0x108  }
0x21: {  	s3 =	sadd.s32 s3, s9;
	s6 =	sadd.s32 @!p0 $0x88, s6;
	s7 =	simm.s32 @p2 $0x1082  }
0x22: {  	[simem:s7], [sflag:s8] =	dma.local @!p0 [hbm:s6], $0xF7A  }
0x23: {  	s9 =	sor.u32 $0xD0000000, s2;
	s6 =	simm.s32 $0x108;
	_ =	swait.ge @!p0 [sflag:s8], $0x0  }
0x24: {  	s3 =	sadd.s32 $0x88, s3;
	s6 =	simm.s32 @!p1 $0x1082;
	[sflag:s4] =	ssyncset.s32 $0xFFFFF086  }
0x25: {  	[simem:s6], [sflag:s4] =	dma.local [hbm:s3], $0xF7A  }
0x26: {  	[smem:$0x3F76] =	sst s1;
	(tag) =	ssettag s2;
	_ =	strace s9  }
0x27: {  	s1 =	sld [smem:$0x3F86]  }
0x28: {  	s2 =	sld [smem:$0x3F87]  }
0x29: {  	s4 =	sld [smem:$0x3F89]  }
0x2a: {  	p0 =	seq.s32 s5, $0x0;
	s5 =	sld [smem:$0x3F8A]  }
0x2b: {  	s6 =	sld [smem:$0x3F8B]  }
0x2c: {  	s7 =	sld [smem:$0x3F8C]  }
0x2d: {  	s3 =	simm.s32 $0x108;
	s8 =	sld [smem:$0x3F8D]  }
0x2e: {  	s3 =	simm.s32 @!p0 $0x1082;
	s9 =	sld [smem:$0x3F8E]  }
0x2f: {  	lr =	sadd.s32 s0, s3;
	s0 =	sld [smem:$0x3F85]  }
0x30: {  	s3 =	sld [smem:$0x3F88]  }
0x31: {  	[smem:$0x3F91] =	sst s10  }
0x32: {  	s10 =	sld [smem:$0x3F8F];
	_ =	sdelay $0x3  }
0x33: {  	p0 =	seq.s32 s10, $0x1;
	s10 =	sld [smem:$0x3F91];
	_ =	sdelay $0x3  }
0x34: {  	[smem:$0x3F91] =	sst s10  }
0x35: {  	s10 =	sld [smem:$0x3F90];
	_ =	sdelay $0x3  }
0x36: {  	p1 =	seq.s32 s10, $0x1;
	s10 =	sld [smem:$0x3F91];
	_ =	sdelay $0x3  }
0x37: {  	[smem:$0x3F91] =	sst s10  }
0x38: {  	s10 =	sld [smem:$0x3F92]  }
0x39: {  	_ = 	snop;
	(pc) =	sbr.ind lr, $3  }
0x3a: {  	_ = 	snop  }
0x3b: {  	_ = 	snop  }
0x3c: {  	p2 =	seq.s32 s10, $0x1;
	s10 =	sld [smem:$0x3F91]  }
0x3d: {  	_ =	shalt  }
0x3e: {  	_ =	shalt  }
0x3f: {  	_ =	shalt  }
0x40: {  	_ =	shalt  }
0x41: {  	_ =	shalt  }
0x42: {  	_ =	shalt  }
0x43: {  	_ =	shalt  }
0x44: {  	_ =	shalt  }
0x45: {  	_ =	shalt  }
0x46: {  	_ =	shalt  }
0x47: {  	_ =	shalt  }
0x48: {  	_ =	shalt  }
0x49: {  	_ =	shalt  }
0x4a: {  	_ =	shalt  }
0x4b: {  	_ =	shalt  }
0x4c: {  	_ =	shalt  }
0x4d: {  	_ =	shalt  }
0x4e: {  	_ =	shalt  }
0x4f: {  	_ =	shalt  }
0x50: {  	_ =	shalt  }
0x51: {  	_ =	shalt  }
0x52: {  	_ =	shalt  }
0x53: {  	_ =	shalt  }
0x54: {  	_ =	shalt  }
0x55: {  	_ =	shalt  }
0x56: {  	_ =	shalt  }
0x57: {  	_ =	shalt  }
0x58: {  	_ =	shalt  }
0x59: {  	_ =	shalt  }
0x5a: {  	_ =	shalt  }
0x5b: {  	_ =	shalt  }
0x5c: {  	_ =	shalt  }
0x5d: {  	_ =	shalt  }
0x5e: {  	_ =	shalt  }
0x5f: {  	_ =	shalt  }
0x60: {  	_ =	shalt  }
0x61: {  	_ =	shalt  }
0x62: {  	_ =	shalt  }
0x63: {  	_ =	shalt  }
0x64: {  	_ =	shalt  }
0x65: {  	_ =	shalt  }
0x66: {  	_ =	shalt  }
0x67: {  	_ =	shalt  }
0x68: {  	_ =	shalt  }
0x69: {  	_ =	shalt  }
0x6a: {  	_ =	shalt  }
0x6b: {  	_ =	shalt  }
0x6c: {  	_ =	shalt  }
0x6d: {  	_ =	shalt  }
0x6e: {  	_ =	shalt  }
0x6f: {  	_ =	shalt  }
0x70: {  	_ =	shalt  }
0x71: {  	_ =	shalt  }
0x72: {  	_ =	shalt  }
0x73: {  	_ =	shalt  }
0x74: {  	_ =	shalt  }
0x75: {  	_ =	shalt  }
0x76: {  	_ =	shalt  }
0x77: {  	_ =	shalt  }
0x78: {  	_ =	shalt  }
0x79: {  	_ =	shalt  }
0x7a: {  	_ =	shalt  }
0x7b: {  	_ =	shalt  }
0x7c: {  	_ =	shalt  }
0x7d: {  	_ =	shalt  }
0x7e: {  	_ =	shalt  }
0x7f: {  	_ =	shalt  }
0x80: {  	_ =	shalt  }
0x81: {  	_ =	shalt  }
0x82: {  	_ =	shalt  }
0x83: {  	_ =	shalt  }
0x84: {  	_ =	shalt  }
0x85: {  	_ =	shalt  }
0x86: {  	_ =	shalt  }
0x87: {  	_ =	shalt  }
.Lfunc_end0:
.L_simem_size_0:
called_computation.1_lowered:
.L_overlay_start_0:
0x88: {  	s2 =	sld [smem:$0x3FD9]  }
0x89: {  	s3 =	sld [smem:$0x3FFE];
	_ =	sdelay $0x1  }
0x8a: {  	s1 =	srdreg.scid  }
0x8b: {  	s0 =	sand.u32 $0x1, s1  }
0x8c: {  	s17 =	sshll.u32 s0, $0xA;
	s2 =	sadd.s32 s3, s2  }
0x8d: {  	s2 =	sadd.s32 s2, s17  }
0x8e: {  	[smem:$0x3F9D] =	sst s2  }
0x8f: {  	_ = 	snop  }
0x90: {  	s18 =	sld [smem:$0x3FD0];
	(tm) =	ssettm $0x1  }
0x91: {  	s19 =	sld [smem:$0x3FFB];
	_ =	sdelay $0x3  }
0x92: {  	_ =	strace s19  }
0x93: {  	s2 =	sld [smem:$0x3FFC];
	_ =	sdelay $0x3  }
0x94: {  	_ =	strace s2  }
0x95: {  	s2 =	sld [smem:$0x3FFD];
	_ =	sdelay $0x3  }
0x96: {  	_ =	strace s2  }
0x97: {  	_ =	strace $0x8FFFFFFF  }
0x98: {  	s20 =	sld [smem:$0x3FDB];
	_ =	sdelay $0x1  }
0x99: {  	s4 =	simm.s32 $_scs_section_size  }
0x9a: {  	s5 =	simm.s32 $_size__tile_overlayer_lowered;
	s6 =	simm.s32 $_tile_overlayer_lowered  }
0x9b: {  	s7 =	simm.s32 $0x1BFF;
	s21 =	sshll.u32 s6, $0x1;
	s4 =	sadd.s32 s4, s20  }
0x9c: {  	s22 =	simm.s32 $0x0;
	s5 =	sshll.u32 s5, $0x1;
	s6 =	sadd.s32 s21, s4  }
0x9d: {  	[timem:s22], [sflag:s7] =	dma.local [hbm:s6], s5  }
0x9e: {  	_ =	swait.ge [sflag:s7], s5  }
0x9f: {  	s5 =	ssub.s32 $0x0, s5;
	[sflag:s7] =	ssyncset.done $0x0  }
0xa0: {  	[sflag:s7] =	ssyncadd.s32 s5;
	_ =	sdelay $0x1  }
0xa1: {  	s23 =	simm.s32 $0x1B8B  }
0xa2: {  	_ =	swait.ge [sflag:s23], $0x1  }
0xa3: {  	[sflag:s23] =	ssyncset.done $0x0  }
0xa4: {  	[sflag:s23] =	ssyncadd.s32 $0xFFFFFFFF  }
0xa5: {  	s5 =	sld [smem:$0x0]  }
0xa6: {  	s6 =	sand.u32 $0xFFFFFFFE, s1  }
0xa7: {  	p0 =	sne.s32 s1, s6  }
0xa8: {  	s6 =	sshll.u32 @p0 s6, $0xE  }
0xa9: {  	s6 =	sadd.s32 @p0 $0x11B8D, s6;
	s7 =	sshll.u32 @p0 s5, $0x11  }
0xaa: {  	s6 =	sor.u32 @p0 s7, s6  }
0xab: {  	[sflag:s6] =	ssyncadd.remote.s32 @p0 $0x1;
	_ =	sdelay $0x1  }
0xac: {  	s6 =	simm.s32 @p0 $0x1B8D  }
0xad: {  	_ =	swait.eq @p0 [sflag:s6], $0x1  }
0xae: {  	[sflag:s6] =	ssyncadd.s32 @p0 $0xFFFFFFFF  }
0xaf: {  	s7 =	sshll.u32 @!p0 s1, $0xE  }
0xb0: {  	s7 =	sor.u32 @!p0 $0x4000, s7;
	s6 =	simm.s32 @!p0 $0x1B8D  }
0xb1: {  	s5 =	sshll.u32 @!p0 s5, $0x11;
	s7 =	sadd.s32 @!p0 $0x11B8D, s7;
	_ =	swait.eq @!p0 [sflag:s6], $0x1  }
0xb2: {  	s5 =	sor.u32 @!p0 s5, s7;
	[sflag:s6] =	ssyncadd.s32 @!p0 $0xFFFFFFFF  }
0xb3: {  	s25 =	simm.s32 $0x1B8E;
	s24 =	sld [smem:$0x3FFE];
	[sflag:s5] =	ssyncadd.remote.s32 @!p0 $0x1  }
0xb4: {  	s26 =	simm.s32 $execute0_lowered;
	[smem:$0x3FD2] =	sst s25  }
0xb5: {  	s6 =	sshll.u32 s26, $0x1;
	_ =	strace $0x8000004C;
	[dreg:$0x1] =	wrdreg $0xFFFFFFFF  }
0xb6: {  	s28 =	simm.s32 $_size_execute0_lowered;
	s4 =	sadd.s32 s4, s6;
	[dreg:$0x0] =	wrdreg $0x0  }
0xb7: {  	s6 =	sshll.u32 s28, $0x1;
	[dreg:$0x2] =	wrdreg s4  }
0xb8: {  	[dreg:$0x3] =	wrdreg s6  }
0xb9: {  	[dreg:$0x4] =	wrdreg $0xC0  }
0xba: {  	_ =	task [dreg:s22], $0x5FFFF  }
0xbb: {  	[dreg:$0x1] =	wrdreg $0xFFFFFFFF  }
0xbc: {  	[dreg:$0x0] =	wrdreg $0x60  }
0xbd: {  	[dreg:$0x2] =	wrdreg s18  }
0xbe: {  	[dreg:$0x3] =	wrdreg s24  }
0xbf: {  	[dreg:$0x4] =	wrdreg $0x9  }
0xc0: {  	_ =	task.clear_ibuf [dreg:s22], $0x5FFFF;
	_ =	strace $0x9000004C  }
0xc1: {  	s29 =	simm.s32 $0x9;
	_ =	strace $0x8000004E  }
0xc2: {  	_ =	swait.ge [sflag:s29], $0x1  }
0xc3: {  	[sflag:s29] =	ssyncadd.s32 $0xFFFFFFFF  }
0xc4: {  	_ =	strace $0x9000004E  }
0xc5: {  	_ =	sfence  }
0xc6: {  	s30 =	sld [smem:$0x0];
	_ =	sdelay $0x2  }
0xc7: {  	s31 =	sshll.u32 s1, $0xD;
	s1 =	sshrl.u32 s1, $0x2  }
0xc8: {  	s4 =	sand.u32 $0x4000, s31;
	s1 =	sadd.s32 s1, s30  }
0xc9: {  	s0 =	sor.u32 s4, s0;
	s1 =	sshll.u32 s1, $0x11  }
0xca: {  	s0 =	sor.u32 s1, s0  }
0xcb: {  	s0 =	sadd.s32 $0x8F2B, s0  }
0xcc: {  	[sflag:s0] =	ssyncadd.remote.s32 $0x1  }
0xcd: {  	_ =	sfence.sel $0xFFFF  }
0xce: {  	[dreg:$0x0] =	wrdreg $0xFFFFFFFF;
	(pc) =	sbr.abs _section_cstart, $3  }
0xcf: {  	[dreg:$0x1] =	wrdreg $0xFFFFFFFF  }
0xd0: {  	_ =	task.clear_ibuf [dreg:s22], $0x2FFFF;
	_ =	strace $0x9FFFFFFF  }
0xd1: {  	(tm) =	ssettm $0x7FFFFFFF  }
tec
execute0_lowered:
.L_overlay_start_1:
0x0: {  	(tag) =	ssettag $0x1  }
0x1: {  	s1 =	srdreg.scid  }
0x2: {  	s0 =	stileid.u32;
	s6 =	sand.u32 $0x1, s1  }
0x3: {  	s2 =	rddreg [dreg:$0x0];
	s30 =	sshll.u32 s0, $0x6;
	s3 =	sshll.u32 s6, $0x5  }
0x4: {  	s8 =	rddreg [dreg:$0x1];
	s7 =	simm.s32 $0x1;
	s9 =	sor.u32 s3, s30  }
0x5: {  	s1 =	rddreg [dreg:$0x2];
	s3 =	simm.s32 $0x0;
	s4 =	sshrl.u32 s9, $0x3  }
0x6: {  	s10 =	ssub.s32 $0x2, s6;
	[smem:$0x7FF] =	sst s3;
	s4 =	sadd.s32 s4, s8  }
0x7: {  	_ =	strace $0x8000004D;
	s5 =	sadd.s32 $0x8200, s4;
	s4 =	simm.s32 $0x2  }
0x8: {  	[tilespmem:s3], [sflag:$0x2] =	stream.linear.gather [hbm4b:s5+s3], $0x20, $0x38;
	[tilespmem:$0x220] =	vst v63  }
0x9: {  	s6 =	simm.s32 $0x20;
	s11 =	sshrl.u32 s10, $0x1;
	_ =	swait.ge [sflag:s4], $0x20  }
0xa: {  	s9 =	sshll.u32 s9, $0x1;
	s31 =	ssub.s32 s10, s11;
	[sflag:s4] =	ssyncset.done $0x0  }
0xb: {  	s8 =	sadd.s32 s9, s8;
	s9 =	smax.u32 s31, $0x1;
	[sflag:s4] =	ssyncadd.s32 $0xFFFFFFE0  }
0xc: {  	[tilespmem:s6], [sflag:$0x1] =	stream.indirect.gather [hbm4b:s2+s6], $0x10, s3, s6, $0xb8;
	[tilespmem:$0x220] =	vst v63  }
0xd: {  	p0 =	sne.s32 s9, $0x1;
	_ =	swait.ge [sflag:s7], $0x200  }
.Ltmp0:
0xe: {  	[sflag:s7] =	ssyncset.done $0x0;
	(pc) =	sbr.rel @!p0 .LBB2_2-.Ltmp0, $4  }
0xf: {  	s8 =	sadd.s32 $0xDC400, s8;
	[sflag:s7] =	ssyncadd.s32 $0xFFFFFE00  }
0x10: {  	[hbm4b:s8+s3] =	stream.linear.scatter [tilespmem:s6], [sflag:$0x2], $0x200, $0x38;
	[tilespmem:$0x220] =	vst v63  }
0x11: {  	_ =	swait.ge [sflag:s4], $0x200  }
0x12: {  	s9 =	sadd.s32 $0xFFFFFFFF, s9;
	[sflag:s4] =	ssyncset.done $0x0  }
.LBB2_1:
0x13: {  	p0 =	sne.s32 s9, $0x1;
	s9 =	sadd.s32 $0xFFFFFFFF, s9;
	[sflag:s4] =	ssyncadd.s32 $0xFFFFFE00  }
0x14: {  	[tilespmem:s3], [sflag:$0x2] =	stream.linear.gather [hbm4b:s5+s3], $0x20, $0x38;
	[tilespmem:$0x220] =	vst v63  }
0x15: {  	_ =	swait.ge [sflag:s4], $0x20  }
0x16: {  	[sflag:s4] =	ssyncset.done $0x0  }
0x17: {  	[sflag:s4] =	ssyncadd.s32 $0xFFFFFFE0  }
0x18: {  	[tilespmem:s6], [sflag:$0x1] =	stream.indirect.gather [hbm4b:s2+s6], $0x10, s3, s6, $0xb8;
	[tilespmem:$0x220] =	vst v63  }
0x19: {  	_ =	swait.ge [sflag:s7], $0x200  }
.Ltmp1:
0x1a: {  	[sflag:s7] =	ssyncset.done $0x0;
	(pc) =	sbr.rel @p0 .LBB2_1-.Ltmp1, $4  }
0x1b: {  	[sflag:s7] =	ssyncadd.s32 $0xFFFFFE00  }
0x1c: {  	[hbm4b:s8+s3] =	stream.linear.scatter [tilespmem:s6], [sflag:$0x2], $0x200, $0x38;
	[tilespmem:$0x220] =	vst v63  }
0x1d: {  	_ =	swait.ge [sflag:s4], $0x200  }
0x1e: {  	[sflag:s4] =	ssyncset.done $0x0  }
.LBB2_2:
0x1f: {  	[sflag:s4] =	ssyncadd.s32 $0xFFFFFE00  }
0x20: {  	_ =	sfence.sel $0x180000  }
0x21: {  	[bflag:$0x0] =	sbarrier.arrive $0xFFFF  }
0x22: {  	p0 =	sne.s32 s0, $0x0;
	_ =	strace $0x9000004D  }
0x23: {  	s0 =	sadd.s32 @!p0 $0x100000, s1;
	[bflag:$0x2] =	sbarrier.arrive $0xFFFF  }
0x24: {  	[sflag:s0] =	ssyncadd.tile.s32 @!p0 $0x1;
	_ =	shalt  }
.Lfunc_end2:
_tile_overlayer_lowered:
.L_overlay_start_2:
0x25: {  	(tag) =	ssettag $0x2  }
0x26: {  	s0 =	rddreg [dreg:$0x0];
	s2 =	stileid.u32  }
0x27: {  	s1 =	rddreg [dreg:$0x1];
	p0 =	sne.s32 s2, $0x0  }
0x28: {  	s3 =	rddreg [dreg:$0x2];
	[bflag:$0x3] =	sbarrier.arrive $0xFFFF;
	s2 =	simm.s32 @!p0 $0x1C02  }
0x29: {  	[timem:s3], [sflag:s2] =	dma.local @!p0 [hbm:s0], s1  }
0x2a: {  	s0 =	simm.s32 @!p0 $0x2  }
0x2b: {  	_ =	swait.ge @!p0 [sflag:s0], s1  }
0x2c: {  	s1 =	ssub.s32 @!p0 $0x0, s1;
	[sflag:s0] =	ssyncset.done @!p0 $0x0  }
0x2d: {  	[sflag:s0] =	ssyncadd.s32 @!p0 s1  }
0x2e: {  	[bflag:$0x3] =	sbarrier.arrive $0xFFFF  }
0x2f: {  	_ =	shalt  }

// kernel: kernel.36.cloned.1.call-start
scs
__scs_entry_jumppad:
0x0: {  	(pc) =	sbr.rel $0x88, $3  }
0x1: {  	(tag) =	ssettag $0x0;
	lr =	simm.s32 $0x1  }
0x2: {  	[smem:$0x3F76] =	sst lr;
	_ =	strace $0xD0000000  }
0x3: {  	_ = 	snop  }
0x4: {  	_ = 	snop  }
0x5: {  	_ = 	snop  }
0x6: {  	_ = 	snop  }
0x7: {  	_ = 	snop  }
__scs_overlays_trampoline_lowered:
0x8: {  	[smem:$0x3F85] =	sst s0  }
0x9: {  	[smem:$0x3F86] =	sst s1  }
0xa: {  	[smem:$0x3F87] =	sst s2  }
0xb: {  	[smem:$0x3F88] =	sst s3  }
0xc: {  	[smem:$0x3F89] =	sst s4  }
0xd: {  	[smem:$0x3F8A] =	sst s5  }
0xe: {  	[smem:$0x3F8B] =	sst s6  }
0xf: {  	[smem:$0x3F8C] =	sst s7  }
0x10: {  	[smem:$0x3F8D] =	sst s8  }
0x11: {  	[smem:$0x3F8E] =	sst s9;
	s0 =	simm.s32 @!p0 $0x0  }
0x12: {  	s1 =	sld [smem:$0x3F74];
	s0 =	simm.s32 @p0 $0x1  }
0x13: {  	[smem:$0x3F8F] =	sst s0;
	s0 =	simm.s32 @!p1 $0x0  }
0x14: {  	s2 =	sld [smem:$0x3F73];
	s0 =	simm.s32 @p1 $0x1  }
0x15: {  	[smem:$0x3F90] =	sst s0;
	s0 =	simm.s32 @!p2 $0x0  }
0x16: {  	s3 =	sld [smem:$0x3FDB];
	s0 =	simm.s32 @p2 $0x1  }
0x17: {  	s4 =	simm.s32 $0x1BF5;
	[smem:$0x3F92] =	sst s0  }
0x18: {  	s0 =	sld [smem:$0x3F75];
	_ =	swait.ge [sflag:s4], $0x0  }
0x19: {  	s7 =	sld [smem:$0x3F76]  }
0x1a: {  	s8 =	sadd.s32 $0xFFFFE003, lr  }
0x1b: {  	s9 =	sadd.s32 $0xFFFFFEF7, lr;
	s5 =	simm.s32 $0xFFFFFFFF;
	p2 =	slt.u32 s8, $0xFFFFF086  }
0x1c: {  	p1 =	slt.u32 s9, $0xF7A;
	s5 =	simm.s32 @!p2 $0x0  }
0x1d: {  	s5 =	simm.s32 @p1 $0x1;
	p0 =	seq.s32 s7, s2  }
0x1e: {  	s7 =	smul.u32 @!p0 $0xF7A, s2;
	p2 =	seq.s32 @!p0 s5, $0x0  }
0x1f: {  	s9 =	smul.u32 $0xF7A, s1;
	s8 =	simm.s32 @!p0 $0x1BF5;
	p2 =	por !p2, p0  }
0x20: {  	[sflag:s8] =	ssyncset.s32 @!p0 $0xFFFFF086;
	s6 =	sadd.s32 @!p0 s3, s7;
	s7 =	simm.s32 @!p0 $0x108  }
0x21: {  	s3 =	sadd.s32 s3, s9;
	s6 =	sadd.s32 @!p0 $0x88, s6;
	s7 =	simm.s32 @p2 $0x1082  }
0x22: {  	[simem:s7], [sflag:s8] =	dma.local @!p0 [hbm:s6], $0xF7A  }
0x23: {  	s9 =	sor.u32 $0xD0000000, s2;
	s6 =	simm.s32 $0x108;
	_ =	swait.ge @!p0 [sflag:s8], $0x0  }
0x24: {  	s3 =	sadd.s32 $0x88, s3;
	s6 =	simm.s32 @!p1 $0x1082;
	[sflag:s4] =	ssyncset.s32 $0xFFFFF086  }
0x25: {  	[simem:s6], [sflag:s4] =	dma.local [hbm:s3], $0xF7A  }
0x26: {  	[smem:$0x3F76] =	sst s1;
	(tag) =	ssettag s2;
	_ =	strace s9  }
0x27: {  	s1 =	sld [smem:$0x3F86]  }
0x28: {  	s2 =	sld [smem:$0x3F87]  }
0x29: {  	s4 =	sld [smem:$0x3F89]  }
0x2a: {  	p0 =	seq.s32 s5, $0x0;
	s5 =	sld [smem:$0x3F8A]  }
0x2b: {  	s6 =	sld [smem:$0x3F8B]  }
0x2c: {  	s7 =	sld [smem:$0x3F8C]  }
0x2d: {  	s3 =	simm.s32 $0x108;
	s8 =	sld [smem:$0x3F8D]  }
0x2e: {  	s3 =	simm.s32 @!p0 $0x1082;
	s9 =	sld [smem:$0x3F8E]  }
0x2f: {  	lr =	sadd.s32 s0, s3;
	s0 =	sld [smem:$0x3F85]  }
0x30: {  	s3 =	sld [smem:$0x3F88]  }
0x31: {  	[smem:$0x3F91] =	sst s10  }
0x32: {  	s10 =	sld [smem:$0x3F8F];
	_ =	sdelay $0x3  }
0x33: {  	p0 =	seq.s32 s10, $0x1;
	s10 =	sld [smem:$0x3F91];
	_ =	sdelay $0x3  }
0x34: {  	[smem:$0x3F91] =	sst s10  }
0x35: {  	s10 =	sld [smem:$0x3F90];
	_ =	sdelay $0x3  }
0x36: {  	p1 =	seq.s32 s10, $0x1;
	s10 =	sld [smem:$0x3F91];
	_ =	sdelay $0x3  }
0x37: {  	[smem:$0x3F91] =	sst s10  }
0x38: {  	s10 =	sld [smem:$0x3F92]  }
0x39: {  	_ = 	snop;
	(pc) =	sbr.ind lr, $3  }
0x3a: {  	_ = 	snop  }
0x3b: {  	_ = 	snop  }
0x3c: {  	p2 =	seq.s32 s10, $0x1;
	s10 =	sld [smem:$0x3F91]  }
0x3d: {  	_ =	shalt  }
0x3e: {  	_ =	shalt  }
0x3f: {  	_ =	shalt  }
0x40: {  	_ =	shalt  }
0x41: {  	_ =	shalt  }
0x42: {  	_ =	shalt  }
0x43: {  	_ =	shalt  }
0x44: {  	_ =	shalt  }
0x45: {  	_ =	shalt  }
0x46: {  	_ =	shalt  }
0x47: {  	_ =	shalt  }
0x48: {  	_ =	shalt  }
0x49: {  	_ =	shalt  }
0x4a: {  	_ =	shalt  }
0x4b: {  	_ =	shalt  }
0x4c: {  	_ =	shalt  }
0x4d: {  	_ =	shalt  }
0x4e: {  	_ =	shalt  }
0x4f: {  	_ =	shalt  }
0x50: {  	_ =	shalt  }
0x51: {  	_ =	shalt  }
0x52: {  	_ =	shalt  }
0x53: {  	_ =	shalt  }
0x54: {  	_ =	shalt  }
0x55: {  	_ =	shalt  }
0x56: {  	_ =	shalt  }
0x57: {  	_ =	shalt  }
0x58: {  	_ =	shalt  }
0x59: {  	_ =	shalt  }
0x5a: {  	_ =	shalt  }
0x5b: {  	_ =	shalt  }
0x5c: {  	_ =	shalt  }
0x5d: {  	_ =	shalt  }
0x5e: {  	_ =	shalt  }
0x5f: {  	_ =	shalt  }
0x60: {  	_ =	shalt  }
0x61: {  	_ =	shalt  }
0x62: {  	_ =	shalt  }
0x63: {  	_ =	shalt  }
0x64: {  	_ =	shalt  }
0x65: {  	_ =	shalt  }
0x66: {  	_ =	shalt  }
0x67: {  	_ =	shalt  }
0x68: {  	_ =	shalt  }
0x69: {  	_ =	shalt  }
0x6a: {  	_ =	shalt  }
0x6b: {  	_ =	shalt  }
0x6c: {  	_ =	shalt  }
0x6d: {  	_ =	shalt  }
0x6e: {  	_ =	shalt  }
0x6f: {  	_ =	shalt  }
0x70: {  	_ =	shalt  }
0x71: {  	_ =	shalt  }
0x72: {  	_ =	shalt  }
0x73: {  	_ =	shalt  }
0x74: {  	_ =	shalt  }
0x75: {  	_ =	shalt  }
0x76: {  	_ =	shalt  }
0x77: {  	_ =	shalt  }
0x78: {  	_ =	shalt  }
0x79: {  	_ =	shalt  }
0x7a: {  	_ =	shalt  }
0x7b: {  	_ =	shalt  }
0x7c: {  	_ =	shalt  }
0x7d: {  	_ =	shalt  }
0x7e: {  	_ =	shalt  }
0x7f: {  	_ =	shalt  }
0x80: {  	_ =	shalt  }
0x81: {  	_ =	shalt  }
0x82: {  	_ =	shalt  }
0x83: {  	_ =	shalt  }
0x84: {  	_ =	shalt  }
0x85: {  	_ =	shalt  }
0x86: {  	_ =	shalt  }
0x87: {  	_ =	shalt  }
.Lfunc_end0:
.L_simem_size_0:
called_computation.2_lowered:
.L_overlay_start_0:
0x88: {  	s2 =	sld [smem:$0x3FD9]  }
0x89: {  	s3 =	sld [smem:$0x3FFE];
	_ =	sdelay $0x1  }
0x8a: {  	s1 =	srdreg.scid  }
0x8b: {  	s0 =	sand.u32 $0x1, s1  }
0x8c: {  	s17 =	sshll.u32 s0, $0xA;
	s2 =	sadd.s32 s3, s2  }
0x8d: {  	s2 =	sadd.s32 s2, s17  }
0x8e: {  	[smem:$0x3F9D] =	sst s2  }
0x8f: {  	_ = 	snop  }
0x90: {  	(tm) =	ssettm $0x1  }
0x91: {  	s18 =	sld [smem:$0x3FFB];
	_ =	sdelay $0x3  }
0x92: {  	_ =	strace s18  }
0x93: {  	s2 =	sld [smem:$0x3FFC];
	_ =	sdelay $0x3  }
0x94: {  	_ =	strace s2  }
0x95: {  	s2 =	sld [smem:$0x3FFD];
	_ =	sdelay $0x3  }
0x96: {  	_ =	strace s2  }
0x97: {  	_ =	strace $0x8FFFFFFF  }
0x98: {  	s19 =	sld [smem:$0x3FDB];
	_ =	sdelay $0x1  }
0x99: {  	s20 =	simm.s32 $_scs_section_size  }
0x9a: {  	s4 =	simm.s32 $_size__tile_overlayer_lowered;
	s5 =	simm.s32 $_tile_overlayer_lowered  }
0x9b: {  	s6 =	simm.s32 $0x1BFF;
	s21 =	sshll.u32 s5, $0x1;
	s3 =	sadd.s32 s20, s19  }
0x9c: {  	s22 =	simm.s32 $0x0;
	s4 =	sshll.u32 s4, $0x1;
	s5 =	sadd.s32 s21, s3  }
0x9d: {  	[timem:s22], [sflag:s6] =	dma.local [hbm:s5], s4  }
0x9e: {  	_ =	swait.ge [sflag:s6], s4  }
0x9f: {  	s4 =	ssub.s32 $0x0, s4;
	[sflag:s6] =	ssyncset.done $0x0  }
0xa0: {  	[sflag:s6] =	ssyncadd.s32 s4;
	_ =	sdelay $0x1  }
0xa1: {  	s23 =	simm.s32 $0x1B8B  }
0xa2: {  	_ =	swait.ge [sflag:s23], $0x1  }
0xa3: {  	[sflag:s23] =	ssyncset.done $0x0  }
0xa4: {  	[sflag:s23] =	ssyncadd.s32 $0xFFFFFFFF  }
0xa5: {  	s4 =	sld [smem:$0x0]  }
0xa6: {  	s5 =	sand.u32 $0xFFFFFFFE, s1  }
0xa7: {  	p0 =	sne.s32 s1, s5  }
0xa8: {  	s5 =	sshll.u32 @p0 s5, $0xE  }
0xa9: {  	s5 =	sadd.s32 @p0 $0x11B8D, s5;
	s6 =	sshll.u32 @p0 s4, $0x11  }
0xaa: {  	s5 =	sor.u32 @p0 s6, s5  }
0xab: {  	[sflag:s5] =	ssyncadd.remote.s32 @p0 $0x1;
	_ =	sdelay $0x1  }
0xac: {  	s5 =	simm.s32 @p0 $0x1B8D  }
0xad: {  	_ =	swait.eq @p0 [sflag:s5], $0x1  }
0xae: {  	[sflag:s5] =	ssyncadd.s32 @p0 $0xFFFFFFFF  }
0xaf: {  	s6 =	sshll.u32 @!p0 s1, $0xE  }
0xb0: {  	s6 =	sor.u32 @!p0 $0x4000, s6;
	s5 =	simm.s32 @!p0 $0x1B8D  }
0xb1: {  	s4 =	sshll.u32 @!p0 s4, $0x11;
	s6 =	sadd.s32 @!p0 $0x11B8D, s6;
	_ =	swait.eq @!p0 [sflag:s5], $0x1  }
0xb2: {  	s4 =	sor.u32 @!p0 s4, s6;
	[sflag:s5] =	ssyncadd.s32 @!p0 $0xFFFFFFFF  }
0xb3: {  	s25 =	simm.s32 $0x1B8E;
	s24 =	sld [smem:$0x3FFE];
	[sflag:s4] =	ssyncadd.remote.s32 @!p0 $0x1  }
0xb4: {  	s26 =	simm.s32 $execute0_lowered;
	[smem:$0x3FD2] =	sst s25  }
0xb5: {  	s5 =	sshll.u32 s26, $0x1;
	_ =	strace $0x80000052;
	[dreg:$0x1] =	wrdreg $0xFFFFFFFF  }
0xb6: {  	s28 =	simm.s32 $_size_execute0_lowered;
	s3 =	sadd.s32 s3, s5;
	[dreg:$0x0] =	wrdreg $0x0  }
0xb7: {  	s5 =	sshll.u32 s28, $0x1;
	[dreg:$0x2] =	wrdreg s3  }
0xb8: {  	[dreg:$0x3] =	wrdreg s5  }
0xb9: {  	[dreg:$0x4] =	wrdreg $0xC0  }
0xba: {  	_ =	task [dreg:s22], $0x5FFFF  }
0xbb: {  	[dreg:$0x1] =	wrdreg $0xFFFFFFFF  }
0xbc: {  	[dreg:$0x0] =	wrdreg $0x60  }
0xbd: {  	[dreg:$0x2] =	wrdreg s24  }
0xbe: {  	[dreg:$0x3] =	wrdreg $0x9  }
0xbf: {  	_ =	task.clear_ibuf [dreg:s22], $0x4FFFF;
	_ =	strace $0x90000052  }
0xc0: {  	s29 =	simm.s32 $0x9;
	_ =	strace $0x80000054  }
0xc1: {  	_ =	swait.ge [sflag:s29], $0x1  }
0xc2: {  	[sflag:s29] =	ssyncadd.s32 $0xFFFFFFFF  }
0xc3: {  	_ =	strace $0x90000054  }
0xc4: {  	_ =	sfence  }
0xc5: {  	s30 =	sld [smem:$0x0];
	_ =	sdelay $0x2  }
0xc6: {  	s31 =	sshll.u32 s1, $0xD;
	s1 =	sshrl.u32 s1, $0x2  }
0xc7: {  	s4 =	sand.u32 $0x4000, s31;
	s1 =	sadd.s32 s1, s30  }
0xc8: {  	s0 =	sor.u32 s4, s0;
	s1 =	sshll.u32 s1, $0x11  }
0xc9: {  	s0 =	sor.u32 s1, s0  }
0xca: {  	s0 =	sadd.s32 $0x8F2B, s0  }
0xcb: {  	[sflag:s0] =	ssyncadd.remote.s32 $0x1  }
0xcc: {  	_ =	sfence.sel $0xFFFF  }
0xcd: {  	[dreg:$0x0] =	wrdreg $0xFFFFFFFF;
	(pc) =	sbr.abs _section_cstart, $3  }
0xce: {  	[dreg:$0x1] =	wrdreg $0xFFFFFFFF  }
0xcf: {  	_ =	task.clear_ibuf [dreg:s22], $0x2FFFF;
	_ =	strace $0x9FFFFFFF  }
0xd0: {  	(tm) =	ssettm $0x7FFFFFFF  }
0xd1: {  	_ =	shalt  }
tec
execute0_lowered:
.L_overlay_start_1:
0x0: {  	(tag) =	ssettag $0x1  }
0x1: {  	s1 =	srdreg.scid  }
0x2: {  	s0 =	stileid.u32;
	s6 =	sand.u32 $0x1, s1  }
0x3: {  	s8 =	rddreg [dreg:$0x0];
	s30 =	sshll.u32 s0, $0x4;
	s2 =	sshll.u32 s6, $0x3  }
0x4: {  	s7 =	simm.s32 $0x1;
	s1 =	rddreg [dreg:$0x1];
	s9 =	sor.u32 s2, s30  }
0x5: {  	s5 =	sadd.s32 $0x11400, s8;
	s2 =	simm.s32 $0x0;
	s3 =	sshrl.u32 s9, $0x3  }
0x6: {  	s10 =	ssub.s32 $0x2, s6;
	[smem:$0x7FF] =	sst s2;
	s3 =	sadd.s32 s3, s8  }
0x7: {  	_ =	strace $0x80000053;
	s4 =	sadd.s32 $0x8200, s3;
	s3 =	simm.s32 $0x2  }
0x8: {  	[tilespmem:s2], [sflag:$0x2] =	stream.linear.gather [hbm4b:s4+s2], $0x8, $0x38;
	[tilespmem:$0x88] =	vst v63  }
0x9: {  	s6 =	simm.s32 $0x8;
	s11 =	sshrl.u32 s10, $0x1;
	_ =	swait.ge [sflag:s3], $0x8  }
0xa: {  	s9 =	sshll.u32 s9, $0x1;
	s31 =	ssub.s32 s10, s11;
	[sflag:s3] =	ssyncset.done $0x0  }
0xb: {  	s8 =	sadd.s32 s9, s8;
	s9 =	smax.u32 s31, $0x1;
	[sflag:s3] =	ssyncadd.s32 $0xFFFFFFF8  }
0xc: {  	[tilespmem:s6], [sflag:$0x1] =	stream.indirect.gather [hbm4b:s5+s6], $0x10, s2, s6, $0xb8;
	[tilespmem:$0x88] =	vst v63  }
0xd: {  	p0 =	sne.s32 s9, $0x1;
	_ =	swait.ge [sflag:s7], $0x80  }
.Ltmp0:
0xe: {  	[sflag:s7] =	ssyncset.done $0x0;
	(pc) =	sbr.rel @!p0 .LBB2_2-.Ltmp0, $4  }
0xf: {  	s8 =	sadd.s32 $0x11C00, s8;
	[sflag:s7] =	ssyncadd.s32 $0xFFFFFF80  }
0x10: {  	[hbm4b:s8+s2] =	stream.linear.scatter [tilespmem:s6], [sflag:$0x2], $0x80, $0x38;
	[tilespmem:$0x88] =	vst v63  }
0x11: {  	_ =	swait.ge [sflag:s3], $0x80  }
0x12: {  	s9 =	sadd.s32 $0xFFFFFFFF, s9;
	[sflag:s3] =	ssyncset.done $0x0  }
.LBB2_1:
0x13: {  	p0 =	sne.s32 s9, $0x1;
	s9 =	sadd.s32 $0xFFFFFFFF, s9;
	[sflag:s3] =	ssyncadd.s32 $0xFFFFFF80  }
0x14: {  	[tilespmem:s2], [sflag:$0x2] =	stream.linear.gather [hbm4b:s4+s2], $0x8, $0x38;
	[tilespmem:$0x88] =	vst v63  }
0x15: {  	_ =	swait.ge [sflag:s3], $0x8  }
0x16: {  	[sflag:s3] =	ssyncset.done $0x0  }
0x17: {  	[sflag:s3] =	ssyncadd.s32 $0xFFFFFFF8  }
0x18: {  	[tilespmem:s6], [sflag:$0x1] =	stream.indirect.gather [hbm4b:s5+s6], $0x10, s2, s6, $0xb8;
	[tilespmem:$0x88] =	vst v63  }
0x19: {  	_ =	swait.ge [sflag:s7], $0x80  }
.Ltmp1:
0x1a: {  	[sflag:s7] =	ssyncset.done $0x0;
	(pc) =	sbr.rel @p0 .LBB2_1-.Ltmp1, $4  }
0x1b: {  	[sflag:s7] =	ssyncadd.s32 $0xFFFFFF80  }
0x1c: {  	[hbm4b:s8+s2] =	stream.linear.scatter [tilespmem:s6], [sflag:$0x2], $0x80, $0x38;
	[tilespmem:$0x88] =	vst v63  }
0x1d: {  	_ =	swait.ge [sflag:s3], $0x80  }
0x1e: {  	[sflag:s3] =	ssyncset.done $0x0  }
.LBB2_2:
0x1f: {  	[sflag:s3] =	ssyncadd.s32 $0xFFFFFF80  }
0x20: {  	_ =	sfence.sel $0x180000  }
0x21: {  	[bflag:$0x0] =	sbarrier.arrive $0xFFFF  }
0x22: {  	p0 =	sne.s32 s0, $0x0;
	_ =	strace $0x90000053  }
0x23: {  	s0 =	sadd.s32 @!p0 $0x100000, s1;
	[bflag:$0x2] =	sbarrier.arrive $0xFFFF  }
0x24: {  	[sflag:s0] =	ssyncadd.tile.s32 @!p0 $0x1;
	_ =	shalt  }
.Lfunc_end2:
_tile_overlayer_lowered:
.L_overlay_start_2:
0x25: {  	(tag) =	ssettag $0x2  }
0x26: {  	s0 =	rddreg [dreg:$0x0];
	s2 =	stileid.u32  }
0x27: {  	s1 =	rddreg [dreg:$0x1];
	p0 =	sne.s32 s2, $0x0  }
0x28: {  	s3 =	rddreg [dreg:$0x2];
	[bflag:$0x3] =	sbarrier.arrive $0xFFFF;
	s2 =	simm.s32 @!p0 $0x1C02  }
0x29: {  	[timem:s3], [sflag:s2] =	dma.local @!p0 [hbm:s0], s1  }
0x2a: {  	s0 =	simm.s32 @!p0 $0x2  }
0x2b: {  	_ =	swait.ge @!p0 [sflag:s0], s1  }
0x2c: {  	s1 =	ssub.s32 @!p0 $0x0, s1;
	[sflag:s0] =	ssyncset.done @!p0 $0x0  }
0x2d: {  	[sflag:s0] =	ssyncadd.s32 @!p0 s1  }
0x2e: {  	[bflag:$0x3] =	sbarrier.arrive $0xFFFF  }
0x2f: {  	_ =	shalt  }

// kernel: kernel.39.cloned.1.call-start
scs
__scs_entry_jumppad:
0x0: {  	(pc) =	sbr.rel $0x88, $3  }
0x1: {  	(tag) =	ssettag $0x0;
	lr =	simm.s32 $0x1  }
0x2: {  	[smem:$0x3F76] =	sst lr;
	_ =	strace $0xD0000000  }
0x3: {  	_ = 	snop  }
0x4: {  	_ = 	snop  }
0x5: {  	_ = 	snop  }
0x6: {  	_ = 	snop  }
0x7: {  	_ = 	snop  }
__scs_overlays_trampoline_lowered:
0x8: {  	[smem:$0x3F85] =	sst s0  }
0x9: {  	[smem:$0x3F86] =	sst s1  }
0xa: {  	[smem:$0x3F87] =	sst s2  }
0xb: {  	[smem:$0x3F88] =	sst s3  }
0xc: {  	[smem:$0x3F89] =	sst s4  }
0xd: {  	[smem:$0x3F8A] =	sst s5  }
0xe: {  	[smem:$0x3F8B] =	sst s6  }
0xf: {  	[smem:$0x3F8C] =	sst s7  }
0x10: {  	[smem:$0x3F8D] =	sst s8  }
0x11: {  	[smem:$0x3F8E] =	sst s9;
	s0 =	simm.s32 @!p0 $0x0  }
0x12: {  	s1 =	sld [smem:$0x3F74];
	s0 =	simm.s32 @p0 $0x1  }
0x13: {  	[smem:$0x3F8F] =	sst s0;
	s0 =	simm.s32 @!p1 $0x0  }
0x14: {  	s2 =	sld [smem:$0x3F73];
	s0 =	simm.s32 @p1 $0x1  }
0x15: {  	[smem:$0x3F90] =	sst s0;
	s0 =	simm.s32 @!p2 $0x0  }
0x16: {  	s3 =	sld [smem:$0x3FDB];
	s0 =	simm.s32 @p2 $0x1  }
0x17: {  	s4 =	simm.s32 $0x1BF5;
	[smem:$0x3F92] =	sst s0  }
0x18: {  	s0 =	sld [smem:$0x3F75];
	_ =	swait.ge [sflag:s4], $0x0  }
0x19: {  	s7 =	sld [smem:$0x3F76]  }
0x1a: {  	s8 =	sadd.s32 $0xFFFFE003, lr  }
0x1b: {  	s9 =	sadd.s32 $0xFFFFFEF7, lr;
	s5 =	simm.s32 $0xFFFFFFFF;
	p2 =	slt.u32 s8, $0xFFFFF086  }
0x1c: {  	p1 =	slt.u32 s9, $0xF7A;
	s5 =	simm.s32 @!p2 $0x0  }
0x1d: {  	s5 =	simm.s32 @p1 $0x1;
	p0 =	seq.s32 s7, s2  }
0x1e: {  	s7 =	smul.u32 @!p0 $0xF7A, s2;
	p2 =	seq.s32 @!p0 s5, $0x0  }
0x1f: {  	s9 =	smul.u32 $0xF7A, s1;
	s8 =	simm.s32 @!p0 $0x1BF5;
	p2 =	por !p2, p0  }
0x20: {  	[sflag:s8] =	ssyncset.s32 @!p0 $0xFFFFF086;
	s6 =	sadd.s32 @!p0 s3, s7;
	s7 =	simm.s32 @!p0 $0x108  }
0x21: {  	s3 =	sadd.s32 s3, s9;
	s6 =	sadd.s32 @!p0 $0x88, s6;
	s7 =	simm.s32 @p2 $0x1082  }
0x22: {  	[simem:s7], [sflag:s8] =	dma.local @!p0 [hbm:s6], $0xF7A  }
0x23: {  	s9 =	sor.u32 $0xD0000000, s2;
	s6 =	simm.s32 $0x108;
	_ =	swait.ge @!p0 [sflag:s8], $0x0  }
0x24: {  	s3 =	sadd.s32 $0x88, s3;
	s6 =	simm.s32 @!p1 $0x1082;
	[sflag:s4] =	ssyncset.s32 $0xFFFFF086  }
0x25: {  	[simem:s6], [sflag:s4] =	dma.local [hbm:s3], $0xF7A  }
0x26: {  	[smem:$0x3F76] =	sst s1;
	(tag) =	ssettag s2;
	_ =	strace s9  }
0x27: {  	s1 =	sld [smem:$0x3F86]  }
0x28: {  	s2 =	sld [smem:$0x3F87]  }
0x29: {  	s4 =	sld [smem:$0x3F89]  }
0x2a: {  	p0 =	seq.s32 s5, $0x0;
	s5 =	sld [smem:$0x3F8A]  }
0x2b: {  	s6 =	sld [smem:$0x3F8B]  }
0x2c: {  	s7 =	sld [smem:$0x3F8C]  }
0x2d: {  	s3 =	simm.s32 $0x108;
	s8 =	sld [smem:$0x3F8D]  }
0x2e: {  	s3 =	simm.s32 @!p0 $0x1082;
	s9 =	sld [smem:$0x3F8E]  }
0x2f: {  	lr =	sadd.s32 s0, s3;
	s0 =	sld [smem:$0x3F85]  }
0x30: {  	s3 =	sld [smem:$0x3F88]  }
0x31: {  	[smem:$0x3F91] =	sst s10  }
0x32: {  	s10 =	sld [smem:$0x3F8F];
	_ =	sdelay $0x3  }
0x33: {  	p0 =	seq.s32 s10, $0x1;
	s10 =	sld [smem:$0x3F91];
	_ =	sdelay $0x3  }
0x34: {  	[smem:$0x3F91] =	sst s10  }
0x35: {  	s10 =	sld [smem:$0x3F90];
	_ =	sdelay $0x3  }
0x36: {  	p1 =	seq.s32 s10, $0x1;
	s10 =	sld [smem:$0x3F91];
	_ =	sdelay $0x3  }
0x37: {  	[smem:$0x3F91] =	sst s10  }
0x38: {  	s10 =	sld [smem:$0x3F92]  }
0x39: {  	_ = 	snop;
	(pc) =	sbr.ind lr, $3  }
0x3a: {  	_ = 	snop  }
0x3b: {  	_ = 	snop  }
0x3c: {  	p2 =	seq.s32 s10, $0x1;
	s10 =	sld [smem:$0x3F91]  }
0x3d: {  	_ =	shalt  }
0x3e: {  	_ =	shalt  }
0x3f: {  	_ =	shalt  }
0x40: {  	_ =	shalt  }
0x41: {  	_ =	shalt  }
0x42: {  	_ =	shalt  }
0x43: {  	_ =	shalt  }
0x44: {  	_ =	shalt  }
0x45: {  	_ =	shalt  }
0x46: {  	_ =	shalt  }
0x47: {  	_ =	shalt  }
0x48: {  	_ =	shalt  }
0x49: {  	_ =	shalt  }
0x4a: {  	_ =	shalt  }
0x4b: {  	_ =	shalt  }
0x4c: {  	_ =	shalt  }
0x4d: {  	_ =	shalt  }
0x4e: {  	_ =	shalt  }
0x4f: {  	_ =	shalt  }
0x50: {  	_ =	shalt  }
0x51: {  	_ =	shalt  }
0x52: {  	_ =	shalt  }
0x53: {  	_ =	shalt  }
0x54: {  	_ =	shalt  }
0x55: {  	_ =	shalt  }
0x56: {  	_ =	shalt  }
0x57: {  	_ =	shalt  }
0x58: {  	_ =	shalt  }
0x59: {  	_ =	shalt  }
0x5a: {  	_ =	shalt  }
0x5b: {  	_ =	shalt  }
0x5c: {  	_ =	shalt  }
0x5d: {  	_ =	shalt  }
0x5e: {  	_ =	shalt  }
0x5f: {  	_ =	shalt  }
0x60: {  	_ =	shalt  }
0x61: {  	_ =	shalt  }
0x62: {  	_ =	shalt  }
0x63: {  	_ =	shalt  }
0x64: {  	_ =	shalt  }
0x65: {  	_ =	shalt  }
0x66: {  	_ =	shalt  }
0x67: {  	_ =	shalt  }
0x68: {  	_ =	shalt  }
0x69: {  	_ =	shalt  }
0x6a: {  	_ =	shalt  }
0x6b: {  	_ =	shalt  }
0x6c: {  	_ =	shalt  }
0x6d: {  	_ =	shalt  }
0x6e: {  	_ =	shalt  }
0x6f: {  	_ =	shalt  }
0x70: {  	_ =	shalt  }
0x71: {  	_ =	shalt  }
0x72: {  	_ =	shalt  }
0x73: {  	_ =	shalt  }
0x74: {  	_ =	shalt  }
0x75: {  	_ =	shalt  }
0x76: {  	_ =	shalt  }
0x77: {  	_ =	shalt  }
0x78: {  	_ =	shalt  }
0x79: {  	_ =	shalt  }
0x7a: {  	_ =	shalt  }
0x7b: {  	_ =	shalt  }
0x7c: {  	_ =	shalt  }
0x7d: {  	_ =	shalt  }
0x7e: {  	_ =	shalt  }
0x7f: {  	_ =	shalt  }
0x80: {  	_ =	shalt  }
0x81: {  	_ =	shalt  }
0x82: {  	_ =	shalt  }
0x83: {  	_ =	shalt  }
0x84: {  	_ =	shalt  }
0x85: {  	_ =	shalt  }
0x86: {  	_ =	shalt  }
0x87: {  	_ =	shalt  }
.Lfunc_end0:
.L_simem_size_0:
called_computation.3_lowered:
.L_overlay_start_0:
0x88: {  	s2 =	sld [smem:$0x3FD9]  }
0x89: {  	s3 =	sld [smem:$0x3FFE];
	_ =	sdelay $0x1  }
0x8a: {  	s1 =	srdreg.scid  }
0x8b: {  	s0 =	sand.u32 $0x1, s1  }
0x8c: {  	s16 =	sshll.u32 s0, $0xA;
	s2 =	sadd.s32 s3, s2  }
0x8d: {  	s2 =	sadd.s32 s2, s16  }
0x8e: {  	[smem:$0x3F9D] =	sst s2  }
0x8f: {  	_ = 	snop  }
0x90: {  	(tm) =	ssettm $0x1  }
0x91: {  	s17 =	sld [smem:$0x3FFB];
	_ =	sdelay $0x3  }
0x92: {  	_ =	strace s17  }
0x93: {  	s2 =	sld [smem:$0x3FFC];
	_ =	sdelay $0x3  }
0x94: {  	_ =	strace s2  }
0x95: {  	s2 =	sld [smem:$0x3FFD];
	_ =	sdelay $0x3  }
0x96: {  	_ =	strace s2  }
0x97: {  	_ =	strace $0x8FFFFFFF  }
0x98: {  	s18 =	sld [smem:$0x3FDB];
	_ =	sdelay $0x1  }
0x99: {  	s19 =	simm.s32 $_scs_section_size  }
0x9a: {  	s4 =	simm.s32 $_size__tile_overlayer_lowered;
	s5 =	simm.s32 $_tile_overlayer_lowered  }
0x9b: {  	s22 =	simm.s32 $0x1BFF;
	s21 =	sshll.u32 s5, $0x1;
	s2 =	sadd.s32 s19, s18  }
0x9c: {  	s6 =	simm.s32 $0x0;
	s20 =	sshll.u32 s4, $0x1;
	s4 =	sadd.s32 s21, s2  }
0x9d: {  	[timem:s6], [sflag:s22] =	dma.local [hbm:s4], s20  }
0x9e: {  	_ =	swait.ge [sflag:s22], s20  }
0x9f: {  	s3 =	ssub.s32 $0x0, s20;
	[sflag:s22] =	ssyncset.done $0x0  }
0xa0: {  	[sflag:s22] =	ssyncadd.s32 s3;
	_ =	sdelay $0x1  }
0xa1: {  	s23 =	simm.s32 $0x1B8B  }
0xa2: {  	_ =	swait.ge [sflag:s23], $0x1  }
0xa3: {  	[sflag:s23] =	ssyncset.done $0x0  }
0xa4: {  	s25 =	simm.s32 $0x1B8E;
	s24 =	sld [smem:$0x3FFE];
	[sflag:s23] =	ssyncadd.s32 $0xFFFFFFFF  }
0xa5: {  	s26 =	simm.s32 $execute0_lowered;
	[smem:$0x3FD2] =	sst s25  }
0xa6: {  	s4 =	sshll.u32 s26, $0x1;
	_ =	strace $0x80000049;
	[dreg:$0x1] =	wrdreg $0xFFFFFFFF  }
0xa7: {  	s28 =	simm.s32 $_size_execute0_lowered;
	s2 =	sadd.s32 s2, s4;
	[dreg:$0x0] =	wrdreg $0x0  }
0xa8: {  	s4 =	sshll.u32 s28, $0x1;
	[dreg:$0x2] =	wrdreg s2  }
0xa9: {  	[dreg:$0x3] =	wrdreg s4  }
0xaa: {  	[dreg:$0x4] =	wrdreg $0xC0  }
0xab: {  	_ =	task [dreg:s6], $0x5FFFF  }
0xac: {  	[dreg:$0x1] =	wrdreg $0xFFFFFFFF  }
0xad: {  	[dreg:$0x0] =	wrdreg $0x60  }
0xae: {  	[dreg:$0x2] =	wrdreg s24  }
0xaf: {  	[dreg:$0x3] =	wrdreg $0xA  }
0xb0: {  	_ =	task.clear_ibuf [dreg:s6], $0x4FFFF;
	_ =	strace $0x90000049  }
0xb1: {  	s29 =	simm.s32 $0xA;
	_ =	strace $0x8000004B  }
0xb2: {  	_ =	swait.ge [sflag:s29], $0x1  }
0xb3: {  	[sflag:s29] =	ssyncadd.s32 $0xFFFFFFFF  }
0xb4: {  	_ =	strace $0x9000004B  }
0xb5: {  	_ =	sfence  }
0xb6: {  	s30 =	sld [smem:$0x0];
	_ =	sdelay $0x2  }
0xb7: {  	s31 =	sshll.u32 s1, $0xD;
	s1 =	sshrl.u32 s1, $0x2  }
0xb8: {  	s3 =	sand.u32 $0x4000, s31;
	s1 =	sadd.s32 s1, s30  }
0xb9: {  	s0 =	sor.u32 s3, s0;
	s1 =	sshll.u32 s1, $0x11  }
0xba: {  	s0 =	sor.u32 s1, s0  }
0xbb: {  	s0 =	sadd.s32 $0x8F2B, s0  }
0xbc: {  	[sflag:s0] =	ssyncadd.remote.s32 $0x1  }
0xbd: {  	_ =	sfence.sel $0xFFFF  }
0xbe: {  	[dreg:$0x0] =	wrdreg $0xFFFFFFFF;
	(pc) =	sbr.abs _section_cstart, $3  }
0xbf: {  	[dreg:$0x1] =	wrdreg $0xFFFFFFFF  }
0xc0: {  	_ =	task.clear_ibuf [dreg:s6], $0x2FFFF;
	_ =	strace $0x9FFFFFFF  }
0xc1: {  	(tm) =	ssettm $0x7FFFFFFF  }
tec
execute0_lowered:
.L_overlay_start_1:
0x0: {  	(tag) =	ssettag $0x1  }
0x1: {  	s4 =	rddreg [dreg:$0x0]  }
0x2: {  	s0 =	rddreg [dreg:$0x1];
	s2 =	simm.s32 $0x0;
	s3 =	srdreg.scid  }
0x3: {  	s1 =	stileid.u32;
	s10 =	simm.s32 $0x0;
	[smem:$0x7FF] =	sst s2  }
0x4: {  	s5 =	sand.u32 $0x1, s3;
	s6 =	sshll.u32 s1, $0xD;
	s3 =	sadd.s32 $0x8400, s4  }
0x5: {  	s8 =	sshll.u32 s1, $0xE;
	_ =	strace $0x8000004A;
	s7 =	sshll.u32 s5, $0xC  }
0x6: {  	s31 =	ssub.s32 $0x2, s5;
	s8 =	sadd.s32 s8, s4;
	s5 =	sshll.u32 s5, $0xD  }
0x7: {  	s6 =	sor.u32 s7, s6;
	s9 =	sshrl.u32 s31, $0x1;
	s5 =	sadd.s32 s5, s8  }
0x8: {  	s8 =	simm.s32 $0x80;
	s6 =	sshrl.u32 s6, $0x3;
	s7 =	ssub.s32 s31, s9  }
0x9: {  	s5 =	sadd.s32 $0x9C400, s5;
	s9 =	simm.s32 $0x1;
	s6 =	sadd.s32 s6, s4  }
0xa: {  	s4 =	smax.u32 s7, $0x1;
	s7 =	simm.s32 $0x2;
	s6 =	sadd.s32 $0x98400, s6  }
.LBB2_1:
0xb: {  	s11 =	sadd.s32 $0x0, s6  }
0xc: {  	[tilespmem:s2], [sflag:$0x2] =	stream.linear.gather [hbm4b:s11+s2], $0x80, $0x38;
	[tilespmem:$0x880] =	vst v63  }
0xd: {  	_ =	swait.ge [sflag:s7], $0x80  }
0xe: {  	[sflag:s7] =	ssyncset.done $0x0  }
0xf: {  	[sflag:s7] =	ssyncadd.s32 $0xFFFFFF80  }
0x10: {  	[tilespmem:s8], [sflag:$0x1] =	stream.indirect.gather [hbm4b:s3+s8], $0x10, s2, s8, $0xb8;
	[tilespmem:$0x880] =	vst v63  }
0x11: {  	_ =	swait.ge [sflag:s9], $0x800  }
0x12: {  	[sflag:s9] =	ssyncset.done $0x0  }
0x13: {  	[sflag:s9] =	ssyncadd.s32 $0xFFFFF800  }
0x14: {  	[hbm4b:s5+s2] =	stream.linear.scatter [tilespmem:s8], [sflag:$0x2], $0x800, $0x38;
	[tilespmem:$0x880] =	vst v63  }
0x15: {  	s12 =	simm.s32 $0x10;
	_ =	swait.ge [sflag:s7], $0x800  }
0x16: {  	s13 =	simm.s32 $0x20;
	s11 =	sadd.s32 $0x100, s5;
	[sflag:s7] =	ssyncset.done $0x0  }
.LBB2_2:
0x17: {  	s14 =	sadd.s32 s12, s6  }
0x18: {  	[sflag:s7] =	ssyncadd.s32 $0xFFFFF800;
	s12 =	smov.u32 s13;
	s15 =	sadd.s32 $0x10, s13  }
0x19: {  	[tilespmem:s2], [sflag:$0x2] =	stream.linear.gather [hbm4b:s14+s2], $0x80, $0x38;
	[tilespmem:$0x880] =	vst v63  }
0x1a: {  	p0 =	sne.s32 s13, $0x1F0;
	_ =	swait.ge [sflag:s7], $0x80  }
0x1b: {  	[sflag:s7] =	ssyncset.done $0x0  }
0x1c: {  	[sflag:s7] =	ssyncadd.s32 $0xFFFFFF80  }
0x1d: {  	[tilespmem:s8], [sflag:$0x1] =	stream.indirect.gather [hbm4b:s3+s8], $0x10, s2, s8, $0xb8;
	[tilespmem:$0x880] =	vst v63  }
0x1e: {  	_ =	swait.ge [sflag:s9], $0x800  }
.Ltmp0:
0x1f: {  	[sflag:s9] =	ssyncset.done $0x0;
	(pc) =	sbr.rel @p0 .LBB2_2-.Ltmp0, $4  }
0x20: {  	[sflag:s9] =	ssyncadd.s32 $0xFFFFF800  }
0x21: {  	[hbm4b:s11+s2] =	stream.linear.scatter [tilespmem:s8], [sflag:$0x2], $0x800, $0x38;
	[tilespmem:$0x880] =	vst v63  }
0x22: {  	_ =	swait.ge [sflag:s7], $0x800  }
0x23: {  	s13 =	smov.u32 s15;
	s11 =	sadd.s32 $0x100, s11;
	[sflag:s7] =	ssyncset.done $0x0  }
0x24: {  	s12 =	sadd.s32 s12, s6;
	[sflag:s7] =	ssyncadd.s32 $0xFFFFF800  }
0x25: {  	[tilespmem:s2], [sflag:$0x2] =	stream.linear.gather [hbm4b:s12+s2], $0x80, $0x38;
	[tilespmem:$0x880] =	vst v63  }
0x26: {  	_ =	swait.ge [sflag:s7], $0x80  }
0x27: {  	[sflag:s7] =	ssyncset.done $0x0  }
0x28: {  	[sflag:s7] =	ssyncadd.s32 $0xFFFFFF80  }
0x29: {  	[tilespmem:s8], [sflag:$0x1] =	stream.indirect.gather [hbm4b:s3+s8], $0x10, s2, s8, $0xb8;
	[tilespmem:$0x880] =	vst v63  }
0x2a: {  	s10 =	sadd.s32 $0x1, s10;
	_ =	swait.ge [sflag:s9], $0x800  }
0x2b: {  	p0 =	sne.s32 s10, s4;
	[sflag:s9] =	ssyncset.done $0x0  }
.Ltmp1:
0x2c: {  	[sflag:s9] =	ssyncadd.s32 $0xFFFFF800;
	(pc) =	sbr.rel @p0 .LBB2_1-.Ltmp1, $4  }
0x2d: {  	[hbm4b:s11+s2] =	stream.linear.scatter [tilespmem:s8], [sflag:$0x2], $0x800, $0x38;
	[tilespmem:$0x880] =	vst v63  }
0x2e: {  	_ =	swait.ge [sflag:s7], $0x800  }
0x2f: {  	[sflag:s7] =	ssyncset.done $0x0  }
0x30: {  	[sflag:s7] =	ssyncadd.s32 $0xFFFFF800  }
0x31: {  	_ =	sfence.sel $0x180000  }
0x32: {  	[bflag:$0x0] =	sbarrier.arrive $0xFFFF  }
0x33: {  	p0 =	sne.s32 s1, $0x0;
	_ =	strace $0x9000004A  }
0x34: {  	s0 =	sadd.s32 @!p0 $0x100000, s0;
	[bflag:$0x2] =	sbarrier.arrive $0xFFFF  }
0x35: {  	[sflag:s0] =	ssyncadd.tile.s32 @!p0 $0x1;
	_ =	shalt  }
.Lfunc_end2:
_tile_overlayer_lowered:
.L_overlay_start_2:
0x36: {  	(tag) =	ssettag $0x2  }
0x37: {  	s0 =	rddreg [dreg:$0x0];
	s2 =	stileid.u32  }
0x38: {  	s1 =	rddreg [dreg:$0x1];
	p0 =	sne.s32 s2, $0x0  }
0x39: {  	s3 =	rddreg [dreg:$0x2];
	[bflag:$0x3] =	sbarrier.arrive $0xFFFF;
	s2 =	simm.s32 @!p0 $0x1C02  }
0x3a: {  	[timem:s3], [sflag:s2] =	dma.local @!p0 [hbm:s0], s1  }
0x3b: {  	s0 =	simm.s32 @!p0 $0x2  }
0x3c: {  	_ =	swait.ge @!p0 [sflag:s0], s1  }
0x3d: {  	s1 =	ssub.s32 @!p0 $0x0, s1;
	[sflag:s0] =	ssyncset.done @!p0 $0x0  }
0x3e: {  	[sflag:s0] =	ssyncadd.s32 @!p0 s1  }
0x3f: {  	[bflag:$0x3] =	sbarrier.arrive $0xFFFF  }
0x40: {  	_ =	shalt  }

// kernel: kernel.42.cloned.1.call-start
scs
__scs_entry_jumppad:
0x0: {  	(pc) =	sbr.rel $0x88, $3  }
0x1: {  	(tag) =	ssettag $0x0;
	lr =	simm.s32 $0x1  }
0x2: {  	[smem:$0x3F76] =	sst lr;
	_ =	strace $0xD0000000  }
0x3: {  	_ = 	snop  }
0x4: {  	_ = 	snop  }
0x5: {  	_ = 	snop  }
0x6: {  	_ = 	snop  }
0x7: {  	_ = 	snop  }
__scs_overlays_trampoline_lowered:
0x8: {  	[smem:$0x3F85] =	sst s0  }
0x9: {  	[smem:$0x3F86] =	sst s1  }
0xa: {  	[smem:$0x3F87] =	sst s2  }
0xb: {  	[smem:$0x3F88] =	sst s3  }
0xc: {  	[smem:$0x3F89] =	sst s4  }
0xd: {  	[smem:$0x3F8A] =	sst s5  }
0xe: {  	[smem:$0x3F8B] =	sst s6  }
0xf: {  	[smem:$0x3F8C] =	sst s7  }
0x10: {  	[smem:$0x3F8D] =	sst s8  }
0x11: {  	[smem:$0x3F8E] =	sst s9;
	s0 =	simm.s32 @!p0 $0x0  }
0x12: {  	s1 =	sld [smem:$0x3F74];
	s0 =	simm.s32 @p0 $0x1  }
0x13: {  	[smem:$0x3F8F] =	sst s0;
	s0 =	simm.s32 @!p1 $0x0  }
0x14: {  	s2 =	sld [smem:$0x3F73];
	s0 =	simm.s32 @p1 $0x1  }
0x15: {  	[smem:$0x3F90] =	sst s0;
	s0 =	simm.s32 @!p2 $0x0  }
0x16: {  	s3 =	sld [smem:$0x3FDB];
	s0 =	simm.s32 @p2 $0x1  }
0x17: {  	s4 =	simm.s32 $0x1BF5;
	[smem:$0x3F92] =	sst s0  }
0x18: {  	s0 =	sld [smem:$0x3F75];
	_ =	swait.ge [sflag:s4], $0x0  }
0x19: {  	s7 =	sld [smem:$0x3F76]  }
0x1a: {  	s8 =	sadd.s32 $0xFFFFE003, lr  }
0x1b: {  	s9 =	sadd.s32 $0xFFFFFEF7, lr;
	s5 =	simm.s32 $0xFFFFFFFF;
	p2 =	slt.u32 s8, $0xFFFFF086  }
0x1c: {  	p1 =	slt.u32 s9, $0xF7A;
	s5 =	simm.s32 @!p2 $0x0  }
0x1d: {  	s5 =	simm.s32 @p1 $0x1;
	p0 =	seq.s32 s7, s2  }
0x1e: {  	s7 =	smul.u32 @!p0 $0xF7A, s2;
	p2 =	seq.s32 @!p0 s5, $0x0  }
0x1f: {  	s9 =	smul.u32 $0xF7A, s1;
	s8 =	simm.s32 @!p0 $0x1BF5;
	p2 =	por !p2, p0  }
0x20: {  	[sflag:s8] =	ssyncset.s32 @!p0 $0xFFFFF086;
	s6 =	sadd.s32 @!p0 s3, s7;
	s7 =	simm.s32 @!p0 $0x108  }
0x21: {  	s3 =	sadd.s32 s3, s9;
	s6 =	sadd.s32 @!p0 $0x88, s6;
	s7 =	simm.s32 @p2 $0x1082  }
0x22: {  	[simem:s7], [sflag:s8] =	dma.local @!p0 [hbm:s6], $0xF7A  }
0x23: {  	s9 =	sor.u32 $0xD0000000, s2;
	s6 =	simm.s32 $0x108;
	_ =	swait.ge @!p0 [sflag:s8], $0x0  }
0x24: {  	s3 =	sadd.s32 $0x88, s3;
	s6 =	simm.s32 @!p1 $0x1082;
	[sflag:s4] =	ssyncset.s32 $0xFFFFF086  }
0x25: {  	[simem:s6], [sflag:s4] =	dma.local [hbm:s3], $0xF7A  }
0x26: {  	[smem:$0x3F76] =	sst s1;
	(tag) =	ssettag s2;
	_ =	strace s9  }
0x27: {  	s1 =	sld [smem:$0x3F86]  }
0x28: {  	s2 =	sld [smem:$0x3F87]  }
0x29: {  	s4 =	sld [smem:$0x3F89]  }
0x2a: {  	p0 =	seq.s32 s5, $0x0;
	s5 =	sld [smem:$0x3F8A]  }
0x2b: {  	s6 =	sld [smem:$0x3F8B]  }
0x2c: {  	s7 =	sld [smem:$0x3F8C]  }
0x2d: {  	s3 =	simm.s32 $0x108;
	s8 =	sld [smem:$0x3F8D]  }
0x2e: {  	s3 =	simm.s32 @!p0 $0x1082;
	s9 =	sld [smem:$0x3F8E]  }
0x2f: {  	lr =	sadd.s32 s0, s3;
	s0 =	sld [smem:$0x3F85]  }
0x30: {  	s3 =	sld [smem:$0x3F88]  }
0x31: {  	[smem:$0x3F91] =	sst s10  }
0x32: {  	s10 =	sld [smem:$0x3F8F];
	_ =	sdelay $0x3  }
0x33: {  	p0 =	seq.s32 s10, $0x1;
	s10 =	sld [smem:$0x3F91];
	_ =	sdelay $0x3  }
0x34: {  	[smem:$0x3F91] =	sst s10  }
0x35: {  	s10 =	sld [smem:$0x3F90];
	_ =	sdelay $0x3  }
0x36: {  	p1 =	seq.s32 s10, $0x1;
	s10 =	sld [smem:$0x3F91];
	_ =	sdelay $0x3  }
0x37: {  	[smem:$0x3F91] =	sst s10  }
0x38: {  	s10 =	sld [smem:$0x3F92]  }
0x39: {  	_ = 	snop;
	(pc) =	sbr.ind lr, $3  }
0x3a: {  	_ = 	snop  }
0x3b: {  	_ = 	snop  }
0x3c: {  	p2 =	seq.s32 s10, $0x1;
	s10 =	sld [smem:$0x3F91]  }
0x3d: {  	_ =	shalt  }
0x3e: {  	_ =	shalt  }
0x3f: {  	_ =	shalt  }
0x40: {  	_ =	shalt  }
0x41: {  	_ =	shalt  }
0x42: {  	_ =	shalt  }
0x43: {  	_ =	shalt  }
0x44: {  	_ =	shalt  }
0x45: {  	_ =	shalt  }
0x46: {  	_ =	shalt  }
0x47: {  	_ =	shalt  }
0x48: {  	_ =	shalt  }
0x49: {  	_ =	shalt  }
0x4a: {  	_ =	shalt  }
0x4b: {  	_ =	shalt  }
0x4c: {  	_ =	shalt  }
0x4d: {  	_ =	shalt  }
0x4e: {  	_ =	shalt  }
0x4f: {  	_ =	shalt  }
0x50: {  	_ =	shalt  }
0x51: {  	_ =	shalt  }
0x52: {  	_ =	shalt  }
0x53: {  	_ =	shalt  }
0x54: {  	_ =	shalt  }
0x55: {  	_ =	shalt  }
0x56: {  	_ =	shalt  }
0x57: {  	_ =	shalt  }
0x58: {  	_ =	shalt  }
0x59: {  	_ =	shalt  }
0x5a: {  	_ =	shalt  }
0x5b: {  	_ =	shalt  }
0x5c: {  	_ =	shalt  }
0x5d: {  	_ =	shalt  }
0x5e: {  	_ =	shalt  }
0x5f: {  	_ =	shalt  }
0x60: {  	_ =	shalt  }
0x61: {  	_ =	shalt  }
0x62: {  	_ =	shalt  }
0x63: {  	_ =	shalt  }
0x64: {  	_ =	shalt  }
0x65: {  	_ =	shalt  }
0x66: {  	_ =	shalt  }
0x67: {  	_ =	shalt  }
0x68: {  	_ =	shalt  }
0x69: {  	_ =	shalt  }
0x6a: {  	_ =	shalt  }
0x6b: {  	_ =	shalt  }
0x6c: {  	_ =	shalt  }
0x6d: {  	_ =	shalt  }
0x6e: {  	_ =	shalt  }
0x6f: {  	_ =	shalt  }
0x70: {  	_ =	shalt  }
0x71: {  	_ =	shalt  }
0x72: {  	_ =	shalt  }
0x73: {  	_ =	shalt  }
0x74: {  	_ =	shalt  }
0x75: {  	_ =	shalt  }
0x76: {  	_ =	shalt  }
0x77: {  	_ =	shalt  }
0x78: {  	_ =	shalt  }
0x79: {  	_ =	shalt  }
0x7a: {  	_ =	shalt  }
0x7b: {  	_ =	shalt  }
0x7c: {  	_ =	shalt  }
0x7d: {  	_ =	shalt  }
0x7e: {  	_ =	shalt  }
0x7f: {  	_ =	shalt  }
0x80: {  	_ =	shalt  }
0x81: {  	_ =	shalt  }
0x82: {  	_ =	shalt  }
0x83: {  	_ =	shalt  }
0x84: {  	_ =	shalt  }
0x85: {  	_ =	shalt  }
0x86: {  	_ =	shalt  }
0x87: {  	_ =	shalt  }
.Lfunc_end0:
.L_simem_size_0:
called_computation.4_lowered:
.L_overlay_start_0:
0x88: {  	s2 =	sld [smem:$0x3FD9]  }
0x89: {  	s3 =	sld [smem:$0x3FFE];
	_ =	sdelay $0x1  }
0x8a: {  	s1 =	srdreg.scid  }
0x8b: {  	s0 =	sand.u32 $0x1, s1  }
0x8c: {  	s17 =	sshll.u32 s0, $0xA;
	s2 =	sadd.s32 s3, s2  }
0x8d: {  	s2 =	sadd.s32 s2, s17  }
0x8e: {  	[smem:$0x3F9D] =	sst s2  }
0x8f: {  	_ = 	snop  }
0x90: {  	s2 =	sld [smem:$0x3FD0];
	(tm) =	ssettm $0x1  }
0x91: {  	s18 =	sld [smem:$0x3FFB];
	_ =	sdelay $0x3  }
0x92: {  	_ =	strace s18  }
0x93: {  	s3 =	sld [smem:$0x3FFC];
	_ =	sdelay $0x3  }
0x94: {  	_ =	strace s3  }
0x95: {  	s3 =	sld [smem:$0x3FFD];
	_ =	sdelay $0x3  }
0x96: {  	_ =	strace s3  }
0x97: {  	_ =	strace $0x8FFFFFFF  }
0x98: {  	s19 =	sld [smem:$0x3FDB];
	_ =	sdelay $0x1  }
0x99: {  	s4 =	simm.s32 $_scs_section_size  }
0x9a: {  	s5 =	simm.s32 $_size__tile_overlayer_lowered;
	s6 =	simm.s32 $_tile_overlayer_lowered  }
0x9b: {  	s22 =	simm.s32 $0x1BFF;
	s21 =	sshll.u32 s6, $0x1;
	s3 =	sadd.s32 s4, s19  }
0x9c: {  	s7 =	simm.s32 $0x0;
	s20 =	sshll.u32 s5, $0x1;
	s5 =	sadd.s32 s21, s3  }
0x9d: {  	[timem:s7], [sflag:s22] =	dma.local [hbm:s5], s20  }
0x9e: {  	_ =	swait.ge [sflag:s22], s20  }
0x9f: {  	s4 =	ssub.s32 $0x0, s20;
	[sflag:s22] =	ssyncset.done $0x0  }
0xa0: {  	[sflag:s22] =	ssyncadd.s32 s4;
	_ =	sdelay $0x1  }
0xa1: {  	s23 =	simm.s32 $0x1B8B  }
0xa2: {  	_ =	swait.ge [sflag:s23], $0x1  }
0xa3: {  	[sflag:s23] =	ssyncset.done $0x0  }
0xa4: {  	s25 =	simm.s32 $0x1B8E;
	s24 =	sld [smem:$0x3FFE];
	[sflag:s23] =	ssyncadd.s32 $0xFFFFFFFF  }
0xa5: {  	s26 =	simm.s32 $execute0_lowered;
	[smem:$0x3FD2] =	sst s25  }
0xa6: {  	s5 =	sshll.u32 s26, $0x1;
	_ =	strace $0x8000004F;
	[dreg:$0x1] =	wrdreg $0xFFFFFFFF  }
0xa7: {  	s28 =	simm.s32 $_size_execute0_lowered;
	s3 =	sadd.s32 s3, s5;
	[dreg:$0x0] =	wrdreg $0x0  }
0xa8: {  	s5 =	sshll.u32 s28, $0x1;
	[dreg:$0x2] =	wrdreg s3  }
0xa9: {  	[dreg:$0x3] =	wrdreg s5  }
0xaa: {  	[dreg:$0x4] =	wrdreg $0xC0  }
0xab: {  	_ =	task [dreg:s7], $0x5FFFF  }
0xac: {  	[dreg:$0x1] =	wrdreg $0xFFFFFFFF  }
0xad: {  	[dreg:$0x0] =	wrdreg $0x60  }
0xae: {  	[dreg:$0x2] =	wrdreg s2  }
0xaf: {  	[dreg:$0x3] =	wrdreg s24  }
0xb0: {  	[dreg:$0x4] =	wrdreg $0xA  }
0xb1: {  	_ =	task.clear_ibuf [dreg:s7], $0x5FFFF;
	_ =	strace $0x9000004F  }
0xb2: {  	s29 =	simm.s32 $0xA;
	_ =	strace $0x80000051  }
0xb3: {  	_ =	swait.ge [sflag:s29], $0x1  }
0xb4: {  	[sflag:s29] =	ssyncadd.s32 $0xFFFFFFFF  }
0xb5: {  	_ =	strace $0x90000051  }
0xb6: {  	_ =	sfence  }
0xb7: {  	s30 =	sld [smem:$0x0];
	_ =	sdelay $0x2  }
0xb8: {  	s31 =	sshll.u32 s1, $0xD;
	s1 =	sshrl.u32 s1, $0x2  }
0xb9: {  	s3 =	sand.u32 $0x4000, s31;
	s1 =	sadd.s32 s1, s30  }
0xba: {  	s0 =	sor.u32 s3, s0;
	s1 =	sshll.u32 s1, $0x11  }
0xbb: {  	s0 =	sor.u32 s1, s0  }
0xbc: {  	s0 =	sadd.s32 $0x8F2B, s0  }
0xbd: {  	[sflag:s0] =	ssyncadd.remote.s32 $0x1  }
0xbe: {  	_ =	sfence.sel $0xFFFF  }
0xbf: {  	[dreg:$0x0] =	wrdreg $0xFFFFFFFF;
	(pc) =	sbr.abs _section_cstart, $3  }
0xc0: {  	[dreg:$0x1] =	wrdreg $0xFFFFFFFF  }
0xc1: {  	_ =	task.clear_ibuf [dreg:s7], $0x2FFFF;
	_ =	strace $0x9FFFFFFF  }
0xc2: {  	(tm) =	ssettm $0x7FFFFFFF  }
0xc3: {  	_ =	shalt  }
tec
execute0_lowered:
.L_overlay_start_1:
0x0: {  	(tag) =	ssettag $0x1  }
0x1: {  	s1 =	srdreg.scid  }
0x2: {  	s2 =	rddreg [dreg:$0x0];
	s0 =	stileid.u32  }
0x3: {  	s6 =	rddreg [dreg:$0x1];
	s3 =	simm.s32 $0x0;
	s12 =	simm.s32 $0x1  }
0x4: {  	s13 =	simm.s32 $0x2;
	s5 =	sand.u32 $0x1, s1;
	s1 =	rddreg [dreg:$0x2]  }
0x5: {  	s14 =	simm.s32 $0x0;
	s4 =	sshll.u32 s0, $0xB;
	[smem:$0x7FF] =	sst s3  }
0x6: {  	s29 =	sshll.u32 s0, $0xC;
	s9 =	sshll.u32 s0, $0xE;
	s7 =	sshll.u32 s5, $0xA  }
0x7: {  	_ =	strace $0x80000050;
	s10 =	ssub.s32 $0x2, s5;
	s4 =	sor.u32 s7, s4  }
0x8: {  	s31 =	sshll.u32 s5, $0xD;
	s11 =	sshll.u32 s5, $0xB;
	s7 =	sshrl.u32 s4, $0x3  }
0x9: {  	s30 =	sshrl.u32 s10, $0x1;
	s4 =	sadd.s32 $0x8400, s6;
	s8 =	sadd.s32 s7, s6  }
0xa: {  	s7 =	sadd.s32 s29, s6;
	s6 =	sadd.s32 s9, s6;
	s9 =	ssub.s32 s10, s30  }
0xb: {  	s10 =	simm.s32 $0x80;
	s5 =	smax.u32 s9, $0x1;
	s6 =	sadd.s32 s31, s6  }
0xc: {  	s7 =	sadd.s32 s11, s7;
	s8 =	sadd.s32 $0x10400, s8;
	s9 =	simm.s32 $0x3  }
0xd: {  	s11 =	simm.s32 $0x880;
	s6 =	sadd.s32 $0x98400, s6;
	s7 =	sadd.s32 $0xD8400, s7  }
.LBB2_1:
0xe: {  	s15 =	sadd.s32 $0x0, s8  }
0xf: {  	[tilespmem:s3], [sflag:$0x3] =	stream.linear.gather [hbm4b:s15+s3], $0x80, $0x38;
	[tilespmem:$0x2880] =	vst v63  }
0x10: {  	_ =	swait.ge [sflag:s9], $0x80  }
0x11: {  	[sflag:s9] =	ssyncset.done $0x0  }
0x12: {  	[sflag:s9] =	ssyncadd.s32 $0xFFFFFF80  }
0x13: {  	[tilespmem:s10], [sflag:$0x1] =	stream.indirect.gather [hbm4b:s2+s10], $0x10, s3, s10, $0xb8;
	[tilespmem:$0x2880] =	vst v63  }
0x14: {  	_ = 	snop  }
0x15: {  	[tilespmem:s11], [sflag:$0x2] =	stream.indirect.gather [hbm4b:s4+s10], $0x40, s3, s10, $0xb8;
	[tilespmem:$0x2880] =	vst v63  }
0x16: {  	_ =	swait.ge [sflag:s12], $0x800  }
0x17: {  	[sflag:s12] =	ssyncset.done $0x0  }
0x18: {  	[sflag:s12] =	ssyncadd.s32 $0xFFFFF800  }
0x19: {  	_ =	swait.ge [sflag:s13], $0x2000  }
0x1a: {  	[sflag:s13] =	ssyncset.done $0x0  }
0x1b: {  	[sflag:s13] =	ssyncadd.s32 $0xFFFFE000  }
0x1c: {  	[hbm4b:s7+s3] =	stream.linear.scatter [tilespmem:s10], [sflag:$0x3], $0x800, $0x38;
	[tilespmem:$0x2880] =	vst v63  }
0x1d: {  	_ =	swait.ge [sflag:s9], $0x800  }
0x1e: {  	[sflag:s9] =	ssyncset.done $0x0  }
0x1f: {  	[sflag:s9] =	ssyncadd.s32 $0xFFFFF800  }
0x20: {  	[hbm4b:s6+s3] =	stream.linear.scatter [tilespmem:s11], [sflag:$0x3], $0x2000, $0x38;
	[tilespmem:$0x2880] =	vst v63  }
0x21: {  	s17 =	simm.s32 $0x10;
	s18 =	simm.s32 $0x20;
	_ =	swait.ge [sflag:s9], $0x2000  }
0x22: {  	s16 =	sadd.s32 $0x100, s7;
	s15 =	sadd.s32 $0x400, s6;
	[sflag:s9] =	ssyncset.done $0x0  }
.LBB2_2:
0x23: {  	s19 =	sadd.s32 s17, s8  }
0x24: {  	[sflag:s9] =	ssyncadd.s32 $0xFFFFE000;
	s17 =	smov.u32 s18;
	s20 =	sadd.s32 $0x10, s18  }
0x25: {  	[tilespmem:s3], [sflag:$0x3] =	stream.linear.gather [hbm4b:s19+s3], $0x80, $0x38;
	[tilespmem:$0x2880] =	vst v63  }
0x26: {  	p0 =	sne.s32 s18, $0x70;
	_ =	swait.ge [sflag:s9], $0x80  }
0x27: {  	[sflag:s9] =	ssyncset.done $0x0  }
0x28: {  	[sflag:s9] =	ssyncadd.s32 $0xFFFFFF80  }
0x29: {  	[tilespmem:s10], [sflag:$0x1] =	stream.indirect.gather [hbm4b:s2+s10], $0x10, s3, s10, $0xb8;
	[tilespmem:$0x2880] =	vst v63  }
0x2a: {  	_ = 	snop  }
0x2b: {  	[tilespmem:s11], [sflag:$0x2] =	stream.indirect.gather [hbm4b:s4+s10], $0x40, s3, s10, $0xb8;
	[tilespmem:$0x2880] =	vst v63  }
0x2c: {  	_ =	swait.ge [sflag:s12], $0x800  }
0x2d: {  	[sflag:s12] =	ssyncset.done $0x0  }
0x2e: {  	[sflag:s12] =	ssyncadd.s32 $0xFFFFF800  }
0x2f: {  	_ =	swait.ge [sflag:s13], $0x2000  }
0x30: {  	[sflag:s13] =	ssyncset.done $0x0  }
0x31: {  	[sflag:s13] =	ssyncadd.s32 $0xFFFFE000  }
0x32: {  	[hbm4b:s16+s3] =	stream.linear.scatter [tilespmem:s10], [sflag:$0x3], $0x800, $0x38;
	[tilespmem:$0x2880] =	vst v63  }
0x33: {  	_ =	swait.ge [sflag:s9], $0x800  }
.Ltmp0:
0x34: {  	[sflag:s9] =	ssyncset.done $0x0;
	(pc) =	sbr.rel @p0 .LBB2_2-.Ltmp0, $4  }
0x35: {  	[sflag:s9] =	ssyncadd.s32 $0xFFFFF800  }
0x36: {  	[hbm4b:s15+s3] =	stream.linear.scatter [tilespmem:s11], [sflag:$0x3], $0x2000, $0x38;
	[tilespmem:$0x2880] =	vst v63  }
0x37: {  	s18 =	smov.u32 s20;
	_ =	swait.ge [sflag:s9], $0x2000  }
0x38: {  	s16 =	sadd.s32 $0x100, s16;
	s15 =	sadd.s32 $0x400, s15;
	[sflag:s9] =	ssyncset.done $0x0  }
0x39: {  	s17 =	sadd.s32 s17, s8;
	[sflag:s9] =	ssyncadd.s32 $0xFFFFE000  }
0x3a: {  	[tilespmem:s3], [sflag:$0x3] =	stream.linear.gather [hbm4b:s17+s3], $0x80, $0x38;
	[tilespmem:$0x2880] =	vst v63  }
0x3b: {  	_ =	swait.ge [sflag:s9], $0x80  }
0x3c: {  	[sflag:s9] =	ssyncset.done $0x0  }
0x3d: {  	[sflag:s9] =	ssyncadd.s32 $0xFFFFFF80  }
0x3e: {  	[tilespmem:s10], [sflag:$0x1] =	stream.indirect.gather [hbm4b:s2+s10], $0x10, s3, s10, $0xb8;
	[tilespmem:$0x2880] =	vst v63  }
0x3f: {  	_ = 	snop  }
0x40: {  	[tilespmem:s11], [sflag:$0x2] =	stream.indirect.gather [hbm4b:s4+s10], $0x40, s3, s10, $0xb8;
	[tilespmem:$0x2880] =	vst v63  }
0x41: {  	_ =	swait.ge [sflag:s12], $0x800  }
0x42: {  	[sflag:s12] =	ssyncset.done $0x0  }
0x43: {  	[sflag:s12] =	ssyncadd.s32 $0xFFFFF800  }
0x44: {  	_ =	swait.ge [sflag:s13], $0x2000  }
0x45: {  	[sflag:s13] =	ssyncset.done $0x0  }
0x46: {  	[sflag:s13] =	ssyncadd.s32 $0xFFFFE000  }
0x47: {  	[hbm4b:s16+s3] =	stream.linear.scatter [tilespmem:s10], [sflag:$0x3], $0x800, $0x38;
	[tilespmem:$0x2880] =	vst v63  }
0x48: {  	s14 =	sadd.s32 $0x1, s14;
	_ =	swait.ge [sflag:s9], $0x800  }
0x49: {  	p0 =	sne.s32 s14, s5;
	[sflag:s9] =	ssyncset.done $0x0  }
.Ltmp1:
0x4a: {  	[sflag:s9] =	ssyncadd.s32 $0xFFFFF800;
	(pc) =	sbr.rel @p0 .LBB2_1-.Ltmp1, $4  }
0x4b: {  	[hbm4b:s15+s3] =	stream.linear.scatter [tilespmem:s11], [sflag:$0x3], $0x2000, $0x38;
	[tilespmem:$0x2880] =	vst v63  }
0x4c: {  	_ =	swait.ge [sflag:s9], $0x2000  }
0x4d: {  	[sflag:s9] =	ssyncset.done $0x0  }
0x4e: {  	[sflag:s9] =	ssyncadd.s32 $0xFFFFE000  }
0x4f: {  	_ =	sfence.sel $0x180000  }
0x50: {  	[bflag:$0x0] =	sbarrier.arrive $0xFFFF  }
0x51: {  	p0 =	sne.s32 s0, $0x0;
	_ =	strace $0x90000050  }
0x52: {  	s0 =	sadd.s32 @!p0 $0x100000, s1;
	[bflag:$0x2] =	sbarrier.arrive $0xFFFF  }
0x53: {  	[sflag:s0] =	ssyncadd.tile.s32 @!p0 $0x1;
	_ =	shalt  }
.Lfunc_end2:
_tile_overlayer_lowered:
.L_overlay_start_2:
0x54: {  	(tag) =	ssettag $0x2  }
0x55: {  	s0 =	rddreg [dreg:$0x0];
	s2 =	stileid.u32  }
0x56: {  	s1 =	rddreg [dreg:$0x1];
	p0 =	sne.s32 s2, $0x0  }
0x57: {  	s3 =	rddreg [dreg:$0x2];
	[bflag:$0x3] =	sbarrier.arrive $0xFFFF;
	s2 =	simm.s32 @!p0 $0x1C03  }
0x58: {  	[timem:s3], [sflag:s2] =	dma.local @!p0 [hbm:s0], s1  }
0x59: {  	s0 =	simm.s32 @!p0 $0x3  }
0x5a: {  	_ =	swait.ge @!p0 [sflag:s0], s1  }
0x5b: {  	s1 =	ssub.s32 @!p0 $0x0, s1;
	[sflag:s0] =	ssyncset.done @!p0 $0x0  }
0x5c: {  	[sflag:s0] =	ssyncadd.s32 @!p0 s1  }
0x5d: {  	[bflag:$0x3] =	sbarrier.arrive $0xFFFF  }
0x5e: {  	_ =	shalt  }

// kernel: kernel.45.cloned.1.call-start
scs
__scs_entry_jumppad:
0x0: {  	(pc) =	sbr.rel $0x88, $3  }
0x1: {  	(tag) =	ssettag $0x0;
	lr =	simm.s32 $0x1  }
0x2: {  	[smem:$0x3F76] =	sst lr;
	_ =	strace $0xD0000000  }
0x3: {  	_ = 	snop  }
0x4: {  	_ = 	snop  }
0x5: {  	_ = 	snop  }
0x6: {  	_ = 	snop  }
0x7: {  	_ = 	snop  }
__scs_overlays_trampoline_lowered:
0x8: {  	[smem:$0x3F85] =	sst s0  }
0x9: {  	[smem:$0x3F86] =	sst s1  }
0xa: {  	[smem:$0x3F87] =	sst s2  }
0xb: {  	[smem:$0x3F88] =	sst s3  }
0xc: {  	[smem:$0x3F89] =	sst s4  }
0xd: {  	[smem:$0x3F8A] =	sst s5  }
0xe: {  	[smem:$0x3F8B] =	sst s6  }
0xf: {  	[smem:$0x3F8C] =	sst s7  }
0x10: {  	[smem:$0x3F8D] =	sst s8  }
0x11: {  	[smem:$0x3F8E] =	sst s9;
	s0 =	simm.s32 @!p0 $0x0  }
0x12: {  	s1 =	sld [smem:$0x3F74];
	s0 =	simm.s32 @p0 $0x1  }
0x13: {  	[smem:$0x3F8F] =	sst s0;
	s0 =	simm.s32 @!p1 $0x0  }
0x14: {  	s2 =	sld [smem:$0x3F73];
	s0 =	simm.s32 @p1 $0x1  }
0x15: {  	[smem:$0x3F90] =	sst s0;
	s0 =	simm.s32 @!p2 $0x0  }
0x16: {  	s3 =	sld [smem:$0x3FDB];
	s0 =	simm.s32 @p2 $0x1  }
0x17: {  	s4 =	simm.s32 $0x1BF5;
	[smem:$0x3F92] =	sst s0  }
0x18: {  	s0 =	sld [smem:$0x3F75];
	_ =	swait.ge [sflag:s4], $0x0  }
0x19: {  	s7 =	sld [smem:$0x3F76]  }
0x1a: {  	s8 =	sadd.s32 $0xFFFFE003, lr  }
0x1b: {  	s9 =	sadd.s32 $0xFFFFFEF7, lr;
	s5 =	simm.s32 $0xFFFFFFFF;
	p2 =	slt.u32 s8, $0xFFFFF086  }
0x1c: {  	p1 =	slt.u32 s9, $0xF7A;
	s5 =	simm.s32 @!p2 $0x0  }
0x1d: {  	s5 =	simm.s32 @p1 $0x1;
	p0 =	seq.s32 s7, s2  }
0x1e: {  	s7 =	smul.u32 @!p0 $0xF7A, s2;
	p2 =	seq.s32 @!p0 s5, $0x0  }
0x1f: {  	s9 =	smul.u32 $0xF7A, s1;
	s8 =	simm.s32 @!p0 $0x1BF5;
	p2 =	por !p2, p0  }
0x20: {  	[sflag:s8] =	ssyncset.s32 @!p0 $0xFFFFF086;
	s6 =	sadd.s32 @!p0 s3, s7;
	s7 =	simm.s32 @!p0 $0x108  }
0x21: {  	s3 =	sadd.s32 s3, s9;
	s6 =	sadd.s32 @!p0 $0x88, s6;
	s7 =	simm.s32 @p2 $0x1082  }
0x22: {  	[simem:s7], [sflag:s8] =	dma.local @!p0 [hbm:s6], $0xF7A  }
0x23: {  	s9 =	sor.u32 $0xD0000000, s2;
	s6 =	simm.s32 $0x108;
	_ =	swait.ge @!p0 [sflag:s8], $0x0  }
0x24: {  	s3 =	sadd.s32 $0x88, s3;
	s6 =	simm.s32 @!p1 $0x1082;
	[sflag:s4] =	ssyncset.s32 $0xFFFFF086  }
0x25: {  	[simem:s6], [sflag:s4] =	dma.local [hbm:s3], $0xF7A  }
0x26: {  	[smem:$0x3F76] =	sst s1;
	(tag) =	ssettag s2;
	_ =	strace s9  }
0x27: {  	s1 =	sld [smem:$0x3F86]  }
0x28: {  	s2 =	sld [smem:$0x3F87]  }
0x29: {  	s4 =	sld [smem:$0x3F89]  }
0x2a: {  	p0 =	seq.s32 s5, $0x0;
	s5 =	sld [smem:$0x3F8A]  }
0x2b: {  	s6 =	sld [smem:$0x3F8B]  }
0x2c: {  	s7 =	sld [smem:$0x3F8C]  }
0x2d: {  	s3 =	simm.s32 $0x108;
	s8 =	sld [smem:$0x3F8D]  }
0x2e: {  	s3 =	simm.s32 @!p0 $0x1082;
	s9 =	sld [smem:$0x3F8E]  }
0x2f: {  	lr =	sadd.s32 s0, s3;
	s0 =	sld [smem:$0x3F85]  }
0x30: {  	s3 =	sld [smem:$0x3F88]  }
0x31: {  	[smem:$0x3F91] =	sst s10  }
0x32: {  	s10 =	sld [smem:$0x3F8F];
	_ =	sdelay $0x3  }
0x33: {  	p0 =	seq.s32 s10, $0x1;
	s10 =	sld [smem:$0x3F91];
	_ =	sdelay $0x3  }
0x34: {  	[smem:$0x3F91] =	sst s10  }
0x35: {  	s10 =	sld [smem:$0x3F90];
	_ =	sdelay $0x3  }
0x36: {  	p1 =	seq.s32 s10, $0x1;
	s10 =	sld [smem:$0x3F91];
	_ =	sdelay $0x3  }
0x37: {  	[smem:$0x3F91] =	sst s10  }
0x38: {  	s10 =	sld [smem:$0x3F92]  }
0x39: {  	_ = 	snop;
	(pc) =	sbr.ind lr, $3  }
0x3a: {  	_ = 	snop  }
0x3b: {  	_ = 	snop  }
0x3c: {  	p2 =	seq.s32 s10, $0x1;
	s10 =	sld [smem:$0x3F91]  }
0x3d: {  	_ =	shalt  }
0x3e: {  	_ =	shalt  }
0x3f: {  	_ =	shalt  }
0x40: {  	_ =	shalt  }
0x41: {  	_ =	shalt  }
0x42: {  	_ =	shalt  }
0x43: {  	_ =	shalt  }
0x44: {  	_ =	shalt  }
0x45: {  	_ =	shalt  }
0x46: {  	_ =	shalt  }
0x47: {  	_ =	shalt  }
0x48: {  	_ =	shalt  }
0x49: {  	_ =	shalt  }
0x4a: {  	_ =	shalt  }
0x4b: {  	_ =	shalt  }
0x4c: {  	_ =	shalt  }
0x4d: {  	_ =	shalt  }
0x4e: {  	_ =	shalt  }
0x4f: {  	_ =	shalt  }
0x50: {  	_ =	shalt  }
0x51: {  	_ =	shalt  }
0x52: {  	_ =	shalt  }
0x53: {  	_ =	shalt  }
0x54: {  	_ =	shalt  }
0x55: {  	_ =	shalt  }
0x56: {  	_ =	shalt  }
0x57: {  	_ =	shalt  }
0x58: {  	_ =	shalt  }
0x59: {  	_ =	shalt  }
0x5a: {  	_ =	shalt  }
0x5b: {  	_ =	shalt  }
0x5c: {  	_ =	shalt  }
0x5d: {  	_ =	shalt  }
0x5e: {  	_ =	shalt  }
0x5f: {  	_ =	shalt  }
0x60: {  	_ =	shalt  }
0x61: {  	_ =	shalt  }
0x62: {  	_ =	shalt  }
0x63: {  	_ =	shalt  }
0x64: {  	_ =	shalt  }
0x65: {  	_ =	shalt  }
0x66: {  	_ =	shalt  }
0x67: {  	_ =	shalt  }
0x68: {  	_ =	shalt  }
0x69: {  	_ =	shalt  }
0x6a: {  	_ =	shalt  }
0x6b: {  	_ =	shalt  }
0x6c: {  	_ =	shalt  }
0x6d: {  	_ =	shalt  }
0x6e: {  	_ =	shalt  }
0x6f: {  	_ =	shalt  }
0x70: {  	_ =	shalt  }
0x71: {  	_ =	shalt  }
0x72: {  	_ =	shalt  }
0x73: {  	_ =	shalt  }
0x74: {  	_ =	shalt  }
0x75: {  	_ =	shalt  }
0x76: {  	_ =	shalt  }
0x77: {  	_ =	shalt  }
0x78: {  	_ =	shalt  }
0x79: {  	_ =	shalt  }
0x7a: {  	_ =	shalt  }
0x7b: {  	_ =	shalt  }
0x7c: {  	_ =	shalt  }
0x7d: {  	_ =	shalt  }
0x7e: {  	_ =	shalt  }
0x7f: {  	_ =	shalt  }
0x80: {  	_ =	shalt  }
0x81: {  	_ =	shalt  }
0x82: {  	_ =	shalt  }
0x83: {  	_ =	shalt  }
0x84: {  	_ =	shalt  }
0x85: {  	_ =	shalt  }
0x86: {  	_ =	shalt  }
0x87: {  	_ =	shalt  }
.Lfunc_end0:
.L_simem_size_0:
called_computation.5_lowered:
.L_overlay_start_0:
0x88: {  	s2 =	sld [smem:$0x3FD9]  }
0x89: {  	s3 =	sld [smem:$0x3FFE];
	_ =	sdelay $0x1  }
0x8a: {  	s1 =	srdreg.scid  }
0x8b: {  	s0 =	sand.u32 $0x1, s1  }
0x8c: {  	s17 =	sshll.u32 s0, $0xA;
	s2 =	sadd.s32 s3, s2  }
0x8d: {  	s2 =	sadd.s32 s2, s17  }
0x8e: {  	[smem:$0x3F9D] =	sst s2  }
0x8f: {  	_ = 	snop  }
0x90: {  	s2 =	sld [smem:$0x3FD0];
	(tm) =	ssettm $0x1  }
0x91: {  	s18 =	sld [smem:$0x3FFB];
	_ =	sdelay $0x3  }
0x92: {  	_ =	strace s18  }
0x93: {  	s3 =	sld [smem:$0x3FFC];
	_ =	sdelay $0x3  }
0x94: {  	_ =	strace s3  }
0x95: {  	s3 =	sld [smem:$0x3FFD];
	_ =	sdelay $0x3  }
0x96: {  	_ =	strace s3  }
0x97: {  	_ =	strace $0x8FFFFFFF  }
0x98: {  	s19 =	sld [smem:$0x3FDB];
	_ =	sdelay $0x1  }
0x99: {  	s4 =	simm.s32 $_scs_section_size  }
0x9a: {  	s5 =	simm.s32 $_size__tile_overlayer_lowered;
	s6 =	simm.s32 $_tile_overlayer_lowered  }
0x9b: {  	s22 =	simm.s32 $0x1BFF;
	s21 =	sshll.u32 s6, $0x1;
	s3 =	sadd.s32 s4, s19  }
0x9c: {  	s7 =	simm.s32 $0x0;
	s20 =	sshll.u32 s5, $0x1;
	s5 =	sadd.s32 s21, s3  }
0x9d: {  	[timem:s7], [sflag:s22] =	dma.local [hbm:s5], s20  }
0x9e: {  	_ =	swait.ge [sflag:s22], s20  }
0x9f: {  	s4 =	ssub.s32 $0x0, s20;
	[sflag:s22] =	ssyncset.done $0x0  }
0xa0: {  	[sflag:s22] =	ssyncadd.s32 s4;
	_ =	sdelay $0x1  }
0xa1: {  	s23 =	simm.s32 $0x1B8B  }
0xa2: {  	_ =	swait.ge [sflag:s23], $0x1  }
0xa3: {  	[sflag:s23] =	ssyncset.done $0x0  }
0xa4: {  	s25 =	simm.s32 $0x1B8E;
	s24 =	sld [smem:$0x3FFE];
	[sflag:s23] =	ssyncadd.s32 $0xFFFFFFFF  }
0xa5: {  	s26 =	simm.s32 $execute0_lowered;
	[smem:$0x3FD2] =	sst s25  }
0xa6: {  	s5 =	sshll.u32 s26, $0x1;
	_ =	strace $0x80000055;
	[dreg:$0x1] =	wrdreg $0xFFFFFFFF  }
0xa7: {  	s28 =	simm.s32 $_size_execute0_lowered;
	s3 =	sadd.s32 s3, s5;
	[dreg:$0x0] =	wrdreg $0x0  }
0xa8: {  	s5 =	sshll.u32 s28, $0x1;
	[dreg:$0x2] =	wrdreg s3  }
0xa9: {  	[dreg:$0x3] =	wrdreg s5  }
0xaa: {  	[dreg:$0x4] =	wrdreg $0xC0  }
0xab: {  	_ =	task [dreg:s7], $0x5FFFF  }
0xac: {  	[dreg:$0x1] =	wrdreg $0xFFFFFFFF  }
0xad: {  	[dreg:$0x0] =	wrdreg $0x60  }
0xae: {  	[dreg:$0x2] =	wrdreg s24  }
0xaf: {  	[dreg:$0x3] =	wrdreg s2  }
0xb0: {  	[dreg:$0x4] =	wrdreg $0x9  }
0xb1: {  	_ =	task.clear_ibuf [dreg:s7], $0x5FFFF;
	_ =	strace $0x90000055  }
0xb2: {  	s29 =	simm.s32 $0x9;
	_ =	strace $0x80000057  }
0xb3: {  	_ =	swait.ge [sflag:s29], $0x1  }
0xb4: {  	[sflag:s29] =	ssyncadd.s32 $0xFFFFFFFF  }
0xb5: {  	_ =	strace $0x90000057  }
0xb6: {  	_ =	sfence  }
0xb7: {  	s30 =	sld [smem:$0x0];
	_ =	sdelay $0x2  }
0xb8: {  	s31 =	sshll.u32 s1, $0xD;
	s1 =	sshrl.u32 s1, $0x2  }
0xb9: {  	s3 =	sand.u32 $0x4000, s31;
	s1 =	sadd.s32 s1, s30  }
0xba: {  	s0 =	sor.u32 s3, s0;
	s1 =	sshll.u32 s1, $0x11  }
0xbb: {  	s0 =	sor.u32 s1, s0  }
0xbc: {  	s0 =	sadd.s32 $0x8F2B, s0  }
0xbd: {  	[sflag:s0] =	ssyncadd.remote.s32 $0x1  }
0xbe: {  	_ =	sfence.sel $0xFFFF  }
0xbf: {  	[dreg:$0x0] =	wrdreg $0xFFFFFFFF;
	(pc) =	sbr.abs _section_cstart, $3  }
0xc0: {  	[dreg:$0x1] =	wrdreg $0xFFFFFFFF  }
0xc1: {  	_ =	task.clear_ibuf [dreg:s7], $0x2FFFF;
	_ =	strace $0x9FFFFFFF  }
0xc2: {  	(tm) =	ssettm $0x7FFFFFFF  }
0xc3: {  	_ =	shalt  }
tec
execute0_lowered:
.L_overlay_start_1:
0x0: {  	(tag) =	ssettag $0x1  }
0x1: {  	s1 =	srdreg.scid  }
0x2: {  	s12 =	rddreg [dreg:$0x0];
	s0 =	stileid.u32;
	s14 =	sand.u32 $0x1, s1  }
0x3: {  	s13 =	rddreg [dreg:$0x1];
	s3 =	sshll.u32 s0, $0x9;
	s4 =	sshll.u32 s14, $0x8  }
0x4: {  	s2 =	simm.s32 $0x0;
	s1 =	rddreg [dreg:$0x2];
	s15 =	sor.u32 s4, s3  }
0x5: {  	[smem:$0x7FF] =	sst s2;
	s3 =	sshrl.u32 s15, $0x3  }
0x6: {  	_ =	strace $0x80000056;
	s4 =	sadd.s32 s13, s3;
	s3 =	simm.s32 $0x3  }
0x7: {  	[tilespmem:s2], [sflag:$0x3] =	stream.linear.gather [hbm4b:s4+s2], $0x80, $0x38;
	[tilespmem:$0x4880] =	vst v63  }
0x8: {  	_ =	swait.ge [sflag:s3], $0x80  }
0x9: {  	[sflag:s3] =	ssyncset.done $0x0  }
0xa: {  	s6 =	simm.s32 $0x80;
	s5 =	sadd.s32 $0x11400, s12;
	[sflag:s3] =	ssyncadd.s32 $0xFFFFFF80  }
0xb: {  	[tilespmem:s6], [sflag:$0x1] =	stream.indirect.gather [hbm4b:s5+s6], $0x10, s2, s6, $0xb8;
	[tilespmem:$0x4880] =	vst v63  }
0xc: {  	s8 =	simm.s32 $0x880;
	s9 =	simm.s32 $0x1;
	s7 =	sadd.s32 $0x11C00, s12  }
0xd: {  	[tilespmem:s8], [sflag:$0x2] =	stream.indirect.gather [hbm4b:s7+s6], $0x80, s2, s6, $0xb8;
	[tilespmem:$0x4880] =	vst v63  }
0xe: {  	_ =	swait.ge [sflag:s9], $0x800  }
0xf: {  	[sflag:s9] =	ssyncset.done $0x0  }
0x10: {  	s10 =	simm.s32 $0x2;
	[sflag:s9] =	ssyncadd.s32 $0xFFFFF800  }
0x11: {  	_ =	swait.ge [sflag:s10], $0x4000  }
0x12: {  	s16 =	sadd.s32 $0x8200, s12;
	s11 =	sshll.u32 s15, $0x1;
	[sflag:s10] =	ssyncset.done $0x0  }
0x13: {  	s11 =	sadd.s32 s16, s11;
	[sflag:s10] =	ssyncadd.s32 $0xFFFFC000  }
0x14: {  	[hbm4b:s11+s2] =	stream.linear.scatter [tilespmem:s6], [sflag:$0x3], $0x800, $0x38;
	[tilespmem:$0x4880] =	vst v63  }
0x15: {  	_ =	swait.ge [sflag:s3], $0x800  }
0x16: {  	s17 =	sadd.s32 $0x98400, s12;
	s29 =	sshll.u32 s15, $0x4;
	[sflag:s3] =	ssyncset.done $0x0  }
0x17: {  	s12 =	sadd.s32 s17, s29;
	[sflag:s3] =	ssyncadd.s32 $0xFFFFF800  }
0x18: {  	[hbm4b:s12+s2] =	stream.linear.scatter [tilespmem:s8], [sflag:$0x3], $0x4000, $0x38;
	[tilespmem:$0x4880] =	vst v63  }
0x19: {  	s15 =	sor.u32 $0x80, s15;
	_ =	swait.ge [sflag:s3], $0x4000  }
0x1a: {  	s18 =	sshrl.u32 s15, $0x3;
	[sflag:s3] =	ssyncset.done $0x0  }
0x1b: {  	s13 =	sadd.s32 s13, s18;
	[sflag:s3] =	ssyncadd.s32 $0xFFFFC000  }
0x1c: {  	[tilespmem:s2], [sflag:$0x3] =	stream.linear.gather [hbm4b:s13+s2], $0x80, $0x38;
	[tilespmem:$0x4880] =	vst v63  }
0x1d: {  	_ =	swait.ge [sflag:s3], $0x80  }
0x1e: {  	[sflag:s3] =	ssyncset.done $0x0  }
0x1f: {  	[sflag:s3] =	ssyncadd.s32 $0xFFFFFF80  }
0x20: {  	[tilespmem:s6], [sflag:$0x1] =	stream.indirect.gather [hbm4b:s5+s6], $0x10, s2, s6, $0xb8;
	[tilespmem:$0x4880] =	vst v63  }
0x21: {  	_ = 	snop  }
0x22: {  	[tilespmem:s8], [sflag:$0x2] =	stream.indirect.gather [hbm4b:s7+s6], $0x80, s2, s6, $0xb8;
	[tilespmem:$0x4880] =	vst v63  }
0x23: {  	_ =	swait.ge [sflag:s9], $0x800  }
0x24: {  	[sflag:s9] =	ssyncset.done $0x0  }
0x25: {  	s19 =	ssub.s32 $0x2, s14;
	[sflag:s9] =	ssyncadd.s32 $0xFFFFF800  }
0x26: {  	s31 =	sshrl.u32 s19, $0x1;
	s30 =	sshll.u32 s15, $0x1;
	_ =	swait.ge [sflag:s10], $0x4000  }
0x27: {  	s14 =	sadd.s32 s16, s30;
	s16 =	ssub.s32 s19, s31;
	[sflag:s10] =	ssyncset.done $0x0  }
0x28: {  	s16 =	smax.u32 s16, $0x1;
	[sflag:s10] =	ssyncadd.s32 $0xFFFFC000  }
0x29: {  	[hbm4b:s14+s2] =	stream.linear.scatter [tilespmem:s6], [sflag:$0x3], $0x800, $0x38;
	[tilespmem:$0x4880] =	vst v63  }
0x2a: {  	p0 =	sne.s32 s16, $0x1;
	_ =	swait.ge [sflag:s3], $0x800  }
.Ltmp0:
0x2b: {  	s15 =	sshll.u32 s15, $0x4;
	[sflag:s3] =	ssyncset.done $0x0;
	(pc) =	sbr.rel @!p0 .LBB2_2-.Ltmp0, $4  }
0x2c: {  	s15 =	sadd.s32 s17, s15;
	[sflag:s3] =	ssyncadd.s32 $0xFFFFF800  }
0x2d: {  	[hbm4b:s15+s2] =	stream.linear.scatter [tilespmem:s8], [sflag:$0x3], $0x4000, $0x38;
	[tilespmem:$0x4880] =	vst v63  }
0x2e: {  	_ =	swait.ge [sflag:s3], $0x4000  }
0x2f: {  	s16 =	sadd.s32 $0xFFFFFFFF, s16;
	[sflag:s3] =	ssyncset.done $0x0  }
.LBB2_1:
0x30: {  	p0 =	sne.s32 s16, $0x1;
	s16 =	sadd.s32 $0xFFFFFFFF, s16;
	[sflag:s3] =	ssyncadd.s32 $0xFFFFC000  }
0x31: {  	[tilespmem:s2], [sflag:$0x3] =	stream.linear.gather [hbm4b:s4+s2], $0x80, $0x38;
	[tilespmem:$0x4880] =	vst v63  }
0x32: {  	_ =	swait.ge [sflag:s3], $0x80  }
0x33: {  	[sflag:s3] =	ssyncset.done $0x0  }
0x34: {  	[sflag:s3] =	ssyncadd.s32 $0xFFFFFF80  }
0x35: {  	[tilespmem:s6], [sflag:$0x1] =	stream.indirect.gather [hbm4b:s5+s6], $0x10, s2, s6, $0xb8;
	[tilespmem:$0x4880] =	vst v63  }
0x36: {  	_ = 	snop  }
0x37: {  	[tilespmem:s8], [sflag:$0x2] =	stream.indirect.gather [hbm4b:s7+s6], $0x80, s2, s6, $0xb8;
	[tilespmem:$0x4880] =	vst v63  }
0x38: {  	_ =	swait.ge [sflag:s9], $0x800  }
0x39: {  	[sflag:s9] =	ssyncset.done $0x0  }
0x3a: {  	[sflag:s9] =	ssyncadd.s32 $0xFFFFF800  }
0x3b: {  	_ =	swait.ge [sflag:s10], $0x4000  }
0x3c: {  	[sflag:s10] =	ssyncset.done $0x0  }
0x3d: {  	[sflag:s10] =	ssyncadd.s32 $0xFFFFC000  }
0x3e: {  	[hbm4b:s11+s2] =	stream.linear.scatter [tilespmem:s6], [sflag:$0x3], $0x800, $0x38;
	[tilespmem:$0x4880] =	vst v63  }
0x3f: {  	_ =	swait.ge [sflag:s3], $0x800  }
0x40: {  	[sflag:s3] =	ssyncset.done $0x0  }
0x41: {  	[sflag:s3] =	ssyncadd.s32 $0xFFFFF800  }
0x42: {  	[hbm4b:s12+s2] =	stream.linear.scatter [tilespmem:s8], [sflag:$0x3], $0x4000, $0x38;
	[tilespmem:$0x4880] =	vst v63  }
0x43: {  	_ =	swait.ge [sflag:s3], $0x4000  }
0x44: {  	[sflag:s3] =	ssyncset.done $0x0  }
0x45: {  	[sflag:s3] =	ssyncadd.s32 $0xFFFFC000  }
0x46: {  	[tilespmem:s2], [sflag:$0x3] =	stream.linear.gather [hbm4b:s13+s2], $0x80, $0x38;
	[tilespmem:$0x4880] =	vst v63  }
0x47: {  	_ =	swait.ge [sflag:s3], $0x80  }
0x48: {  	[sflag:s3] =	ssyncset.done $0x0  }
0x49: {  	[sflag:s3] =	ssyncadd.s32 $0xFFFFFF80  }
0x4a: {  	[tilespmem:s6], [sflag:$0x1] =	stream.indirect.gather [hbm4b:s5+s6], $0x10, s2, s6, $0xb8;
	[tilespmem:$0x4880] =	vst v63  }
0x4b: {  	_ = 	snop  }
0x4c: {  	[tilespmem:s8], [sflag:$0x2] =	stream.indirect.gather [hbm4b:s7+s6], $0x80, s2, s6, $0xb8;
	[tilespmem:$0x4880] =	vst v63  }
0x4d: {  	_ =	swait.ge [sflag:s9], $0x800  }
0x4e: {  	[sflag:s9] =	ssyncset.done $0x0  }
0x4f: {  	[sflag:s9] =	ssyncadd.s32 $0xFFFFF800  }
0x50: {  	_ =	swait.ge [sflag:s10], $0x4000  }
0x51: {  	[sflag:s10] =	ssyncset.done $0x0  }
0x52: {  	[sflag:s10] =	ssyncadd.s32 $0xFFFFC000  }
0x53: {  	[hbm4b:s14+s2] =	stream.linear.scatter [tilespmem:s6], [sflag:$0x3], $0x800, $0x38;
	[tilespmem:$0x4880] =	vst v63  }
0x54: {  	_ =	swait.ge [sflag:s3], $0x800  }
.Ltmp1:
0x55: {  	[sflag:s3] =	ssyncset.done $0x0;
	(pc) =	sbr.rel @p0 .LBB2_1-.Ltmp1, $4  }
0x56: {  	[sflag:s3] =	ssyncadd.s32 $0xFFFFF800  }
0x57: {  	[hbm4b:s15+s2] =	stream.linear.scatter [tilespmem:s8], [sflag:$0x3], $0x4000, $0x38;
	[tilespmem:$0x4880] =	vst v63  }
0x58: {  	_ =	swait.ge [sflag:s3], $0x4000  }
0x59: {  	[sflag:s3] =	ssyncset.done $0x0  }
.LBB2_2:
0x5a: {  	[sflag:s3] =	ssyncadd.s32 $0xFFFFC000  }
0x5b: {  	_ =	sfence.sel $0x180000  }
0x5c: {  	[bflag:$0x0] =	sbarrier.arrive $0xFFFF  }
0x5d: {  	p0 =	sne.s32 s0, $0x0;
	_ =	strace $0x90000056  }
0x5e: {  	s0 =	sadd.s32 @!p0 $0x100000, s1;
	[bflag:$0x2] =	sbarrier.arrive $0xFFFF  }
0x5f: {  	[sflag:s0] =	ssyncadd.tile.s32 @!p0 $0x1;
	_ =	shalt  }
.Lfunc_end2:
_tile_overlayer_lowered:
.L_overlay_start_2:
0x60: {  	(tag) =	ssettag $0x2  }
0x61: {  	s0 =	rddreg [dreg:$0x0];
	s2 =	stileid.u32  }
0x62: {  	s1 =	rddreg [dreg:$0x1];
	p0 =	sne.s32 s2, $0x0  }
0x63: {  	s3 =	rddreg [dreg:$0x2];
	[bflag:$0x3] =	sbarrier.arrive $0xFFFF;
	s2 =	simm.s32 @!p0 $0x1C03  }
0x64: {  	[timem:s3], [sflag:s2] =	dma.local @!p0 [hbm:s0], s1  }
0x65: {  	s0 =	simm.s32 @!p0 $0x3  }
0x66: {  	_ =	swait.ge @!p0 [sflag:s0], s1  }
0x67: {  	s1 =	ssub.s32 @!p0 $0x0, s1;
	[sflag:s0] =	ssyncset.done @!p0 $0x0  }
0x68: {  	[sflag:s0] =	ssyncadd.s32 @!p0 s1  }
0x69: {  	[bflag:$0x3] =	sbarrier.arrive $0xFFFF  }
0x6a: {  	_ =	shalt  }

// kernel: kernel.48.cloned.1.call-start
scs
__scs_entry_jumppad:
0x0: {  	(pc) =	sbr.rel $0x88, $3  }
0x1: {  	(tag) =	ssettag $0x0;
	lr =	simm.s32 $0x1  }
0x2: {  	[smem:$0x3F76] =	sst lr;
	_ =	strace $0xD0000000  }
0x3: {  	_ = 	snop  }
0x4: {  	_ = 	snop  }
0x5: {  	_ = 	snop  }
0x6: {  	_ = 	snop  }
0x7: {  	_ = 	snop  }
__scs_overlays_trampoline_lowered:
0x8: {  	[smem:$0x3F85] =	sst s0  }
0x9: {  	[smem:$0x3F86] =	sst s1  }
0xa: {  	[smem:$0x3F87] =	sst s2  }
0xb: {  	[smem:$0x3F88] =	sst s3  }
0xc: {  	[smem:$0x3F89] =	sst s4  }
0xd: {  	[smem:$0x3F8A] =	sst s5  }
0xe: {  	[smem:$0x3F8B] =	sst s6  }
0xf: {  	[smem:$0x3F8C] =	sst s7  }
0x10: {  	[smem:$0x3F8D] =	sst s8  }
0x11: {  	[smem:$0x3F8E] =	sst s9;
	s0 =	simm.s32 @!p0 $0x0  }
0x12: {  	s1 =	sld [smem:$0x3F74];
	s0 =	simm.s32 @p0 $0x1  }
0x13: {  	[smem:$0x3F8F] =	sst s0;
	s0 =	simm.s32 @!p1 $0x0  }
0x14: {  	s2 =	sld [smem:$0x3F73];
	s0 =	simm.s32 @p1 $0x1  }
0x15: {  	[smem:$0x3F90] =	sst s0;
	s0 =	simm.s32 @!p2 $0x0  }
0x16: {  	s3 =	sld [smem:$0x3FDB];
	s0 =	simm.s32 @p2 $0x1  }
0x17: {  	s4 =	simm.s32 $0x1BF5;
	[smem:$0x3F92] =	sst s0  }
0x18: {  	s0 =	sld [smem:$0x3F75];
	_ =	swait.ge [sflag:s4], $0x0  }
0x19: {  	s7 =	sld [smem:$0x3F76]  }
0x1a: {  	s8 =	sadd.s32 $0xFFFFE003, lr  }
0x1b: {  	s9 =	sadd.s32 $0xFFFFFEF7, lr;
	s5 =	simm.s32 $0xFFFFFFFF;
	p2 =	slt.u32 s8, $0xFFFFF086  }
0x1c: {  	p1 =	slt.u32 s9, $0xF7A;
	s5 =	simm.s32 @!p2 $0x0  }
0x1d: {  	s5 =	simm.s32 @p1 $0x1;
	p0 =	seq.s32 s7, s2  }
0x1e: {  	s7 =	smul.u32 @!p0 $0xF7A, s2;
	p2 =	seq.s32 @!p0 s5, $0x0  }
0x1f: {  	s9 =	smul.u32 $0xF7A, s1;
	s8 =	simm.s32 @!p0 $0x1BF5;
	p2 =	por !p2, p0  }
0x20: {  	[sflag:s8] =	ssyncset.s32 @!p0 $0xFFFFF086;
	s6 =	sadd.s32 @!p0 s3, s7;
	s7 =	simm.s32 @!p0 $0x108  }
0x21: {  	s3 =	sadd.s32 s3, s9;
	s6 =	sadd.s32 @!p0 $0x88, s6;
	s7 =	simm.s32 @p2 $0x1082  }
0x22: {  	[simem:s7], [sflag:s8] =	dma.local @!p0 [hbm:s6], $0xF7A  }
0x23: {  	s9 =	sor.u32 $0xD0000000, s2;
	s6 =	simm.s32 $0x108;
	_ =	swait.ge @!p0 [sflag:s8], $0x0  }
0x24: {  	s3 =	sadd.s32 $0x88, s3;
	s6 =	simm.s32 @!p1 $0x1082;
	[sflag:s4] =	ssyncset.s32 $0xFFFFF086  }
0x25: {  	[simem:s6], [sflag:s4] =	dma.local [hbm:s3], $0xF7A  }
0x26: {  	[smem:$0x3F76] =	sst s1;
	(tag) =	ssettag s2;
	_ =	strace s9  }
0x27: {  	s1 =	sld [smem:$0x3F86]  }
0x28: {  	s2 =	sld [smem:$0x3F87]  }
0x29: {  	s4 =	sld [smem:$0x3F89]  }
0x2a: {  	p0 =	seq.s32 s5, $0x0;
	s5 =	sld [smem:$0x3F8A]  }
0x2b: {  	s6 =	sld [smem:$0x3F8B]  }
0x2c: {  	s7 =	sld [smem:$0x3F8C]  }
0x2d: {  	s3 =	simm.s32 $0x108;
	s8 =	sld [smem:$0x3F8D]  }
0x2e: {  	s3 =	simm.s32 @!p0 $0x1082;
	s9 =	sld [smem:$0x3F8E]  }
0x2f: {  	lr =	sadd.s32 s0, s3;
	s0 =	sld [smem:$0x3F85]  }
0x30: {  	s3 =	sld [smem:$0x3F88]  }
0x31: {  	[smem:$0x3F91] =	sst s10  }
0x32: {  	s10 =	sld [smem:$0x3F8F];
	_ =	sdelay $0x3  }
0x33: {  	p0 =	seq.s32 s10, $0x1;
	s10 =	sld [smem:$0x3F91];
	_ =	sdelay $0x3  }
0x34: {  	[smem:$0x3F91] =	sst s10  }
0x35: {  	s10 =	sld [smem:$0x3F90];
	_ =	sdelay $0x3  }
0x36: {  	p1 =	seq.s32 s10, $0x1;
	s10 =	sld [smem:$0x3F91];
	_ =	sdelay $0x3  }
0x37: {  	[smem:$0x3F91] =	sst s10  }
0x38: {  	s10 =	sld [smem:$0x3F92]  }
0x39: {  	_ = 	snop;
	(pc) =	sbr.ind lr, $3  }
0x3a: {  	_ = 	snop  }
0x3b: {  	_ = 	snop  }
0x3c: {  	p2 =	seq.s32 s10, $0x1;
	s10 =	sld [smem:$0x3F91]  }
0x3d: {  	_ =	shalt  }
0x3e: {  	_ =	shalt  }
0x3f: {  	_ =	shalt  }
0x40: {  	_ =	shalt  }
0x41: {  	_ =	shalt  }
0x42: {  	_ =	shalt  }
0x43: {  	_ =	shalt  }
0x44: {  	_ =	shalt  }
0x45: {  	_ =	shalt  }
0x46: {  	_ =	shalt  }
0x47: {  	_ =	shalt  }
0x48: {  	_ =	shalt  }
0x49: {  	_ =	shalt  }
0x4a: {  	_ =	shalt  }
0x4b: {  	_ =	shalt  }
0x4c: {  	_ =	shalt  }
0x4d: {  	_ =	shalt  }
0x4e: {  	_ =	shalt  }
0x4f: {  	_ =	shalt  }
0x50: {  	_ =	shalt  }
0x51: {  	_ =	shalt  }
0x52: {  	_ =	shalt  }
0x53: {  	_ =	shalt  }
0x54: {  	_ =	shalt  }
0x55: {  	_ =	shalt  }
0x56: {  	_ =	shalt  }
0x57: {  	_ =	shalt  }
0x58: {  	_ =	shalt  }
0x59: {  	_ =	shalt  }
0x5a: {  	_ =	shalt  }
0x5b: {  	_ =	shalt  }
0x5c: {  	_ =	shalt  }
0x5d: {  	_ =	shalt  }
0x5e: {  	_ =	shalt  }
0x5f: {  	_ =	shalt  }
0x60: {  	_ =	shalt  }
0x61: {  	_ =	shalt  }
0x62: {  	_ =	shalt  }
0x63: {  	_ =	shalt  }
0x64: {  	_ =	shalt  }
0x65: {  	_ =	shalt  }
0x66: {  	_ =	shalt  }
0x67: {  	_ =	shalt  }
0x68: {  	_ =	shalt  }
0x69: {  	_ =	shalt  }
0x6a: {  	_ =	shalt  }
0x6b: {  	_ =	shalt  }
0x6c: {  	_ =	shalt  }
0x6d: {  	_ =	shalt  }
0x6e: {  	_ =	shalt  }
0x6f: {  	_ =	shalt  }
0x70: {  	_ =	shalt  }
0x71: {  	_ =	shalt  }
0x72: {  	_ =	shalt  }
0x73: {  	_ =	shalt  }
0x74: {  	_ =	shalt  }
0x75: {  	_ =	shalt  }
0x76: {  	_ =	shalt  }
0x77: {  	_ =	shalt  }
0x78: {  	_ =	shalt  }
0x79: {  	_ =	shalt  }
0x7a: {  	_ =	shalt  }
0x7b: {  	_ =	shalt  }
0x7c: {  	_ =	shalt  }
0x7d: {  	_ =	shalt  }
0x7e: {  	_ =	shalt  }
0x7f: {  	_ =	shalt  }
0x80: {  	_ =	shalt  }
0x81: {  	_ =	shalt  }
0x82: {  	_ =	shalt  }
0x83: {  	_ =	shalt  }
0x84: {  	_ =	shalt  }
0x85: {  	_ =	shalt  }
0x86: {  	_ =	shalt  }
0x87: {  	_ =	shalt  }
.Lfunc_end0:
.L_simem_size_0:
called_computation.6_lowered:
.L_overlay_start_0:
0x88: {  	s2 =	sld [smem:$0x3FD9]  }
0x89: {  	s3 =	sld [smem:$0x3FFE];
	_ =	sdelay $0x1  }
0x8a: {  	s1 =	srdreg.scid  }
0x8b: {  	s0 =	sand.u32 $0x1, s1  }
0x8c: {  	s17 =	sshll.u32 s0, $0xA;
	s2 =	sadd.s32 s3, s2  }
0x8d: {  	s2 =	sadd.s32 s2, s17  }
0x8e: {  	[smem:$0x3F9D] =	sst s2  }
0x8f: {  	_ = 	snop  }
0x90: {  	s2 =	sld [smem:$0x3FD0];
	(tm) =	ssettm $0x1  }
0x91: {  	s18 =	sld [smem:$0x3FFB];
	_ =	sdelay $0x3  }
0x92: {  	_ =	strace s18  }
0x93: {  	s3 =	sld [smem:$0x3FFC];
	_ =	sdelay $0x3  }
0x94: {  	_ =	strace s3  }
0x95: {  	s3 =	sld [smem:$0x3FFD];
	_ =	sdelay $0x3  }
0x96: {  	_ =	strace s3  }
0x97: {  	_ =	strace $0x8FFFFFFF  }
0x98: {  	s19 =	sld [smem:$0x3FDB];
	_ =	sdelay $0x1  }
0x99: {  	s4 =	simm.s32 $_scs_section_size  }
0x9a: {  	s5 =	simm.s32 $_size__tile_overlayer_lowered;
	s6 =	simm.s32 $_tile_overlayer_lowered  }
0x9b: {  	s22 =	simm.s32 $0x1BFF;
	s21 =	sshll.u32 s6, $0x1;
	s3 =	sadd.s32 s4, s19  }
0x9c: {  	s7 =	simm.s32 $0x0;
	s20 =	sshll.u32 s5, $0x1;
	s5 =	sadd.s32 s21, s3  }
0x9d: {  	[timem:s7], [sflag:s22] =	dma.local [hbm:s5], s20  }
0x9e: {  	_ =	swait.ge [sflag:s22], s20  }
0x9f: {  	s4 =	ssub.s32 $0x0, s20;
	[sflag:s22] =	ssyncset.done $0x0  }
0xa0: {  	[sflag:s22] =	ssyncadd.s32 s4;
	_ =	sdelay $0x1  }
0xa1: {  	s23 =	simm.s32 $0x1B8B  }
0xa2: {  	_ =	swait.ge [sflag:s23], $0x1  }
0xa3: {  	[sflag:s23] =	ssyncset.done $0x0  }
0xa4: {  	s25 =	simm.s32 $0x1B8E;
	s24 =	sld [smem:$0x3FFE];
	[sflag:s23] =	ssyncadd.s32 $0xFFFFFFFF  }
0xa5: {  	s26 =	simm.s32 $execute0_lowered;
	[smem:$0x3FD2] =	sst s25  }
0xa6: {  	s5 =	sshll.u32 s26, $0x1;
	_ =	strace $0x80000058;
	[dreg:$0x1] =	wrdreg $0xFFFFFFFF  }
0xa7: {  	s28 =	simm.s32 $_size_execute0_lowered;
	s3 =	sadd.s32 s3, s5;
	[dreg:$0x0] =	wrdreg $0x0  }
0xa8: {  	s5 =	sshll.u32 s28, $0x1;
	[dreg:$0x2] =	wrdreg s3  }
0xa9: {  	[dreg:$0x3] =	wrdreg s5  }
0xaa: {  	[dreg:$0x4] =	wrdreg $0xC0  }
0xab: {  	_ =	task [dreg:s7], $0x5FFFF  }
0xac: {  	[dreg:$0x1] =	wrdreg $0xFFFFFFFF  }
0xad: {  	[dreg:$0x0] =	wrdreg $0x60  }
0xae: {  	[dreg:$0x2] =	wrdreg s2  }
0xaf: {  	[dreg:$0x3] =	wrdreg s24  }
0xb0: {  	[dreg:$0x4] =	wrdreg $0x9  }
0xb1: {  	_ =	task.clear_ibuf [dreg:s7], $0x5FFFF;
	_ =	strace $0x90000058  }
0xb2: {  	s29 =	simm.s32 $0x9;
	_ =	strace $0x8000005A  }
0xb3: {  	_ =	swait.ge [sflag:s29], $0x1  }
0xb4: {  	[sflag:s29] =	ssyncadd.s32 $0xFFFFFFFF  }
0xb5: {  	_ =	strace $0x9000005A  }
0xb6: {  	_ =	sfence  }
0xb7: {  	s30 =	sld [smem:$0x0];
	_ =	sdelay $0x2  }
0xb8: {  	s31 =	sshll.u32 s1, $0xD;
	s1 =	sshrl.u32 s1, $0x2  }
0xb9: {  	s3 =	sand.u32 $0x4000, s31;
	s1 =	sadd.s32 s1, s30  }
0xba: {  	s0 =	sor.u32 s3, s0;
	s1 =	sshll.u32 s1, $0x11  }
0xbb: {  	s0 =	sor.u32 s1, s0  }
0xbc: {  	s0 =	sadd.s32 $0x8F2B, s0  }
0xbd: {  	[sflag:s0] =	ssyncadd.remote.s32 $0x1  }
0xbe: {  	_ =	sfence.sel $0xFFFF  }
0xbf: {  	[dreg:$0x0] =	wrdreg $0xFFFFFFFF;
	(pc) =	sbr.abs _section_cstart, $3  }
0xc0: {  	[dreg:$0x1] =	wrdreg $0xFFFFFFFF  }
0xc1: {  	_ =	task.clear_ibuf [dreg:s7], $0x2FFFF;
	_ =	strace $0x9FFFFFFF  }
0xc2: {  	(tm) =	ssettm $0x7FFFFFFF  }
0xc3: {  	_ =	shalt  }
tec
execute0_lowered:
.L_overlay_start_1:
0x0: {  	(tag) =	ssettag $0x1  }
0x1: {  	s1 =	srdreg.scid;
	s0 =	stileid.u32  }
0x2: {  	s2 =	rddreg [dreg:$0x0];
	s6 =	sand.u32 $0x1, s1;
	s30 =	sshll.u32 s0, $0x1  }
0x3: {  	s8 =	rddreg [dreg:$0x1];
	s7 =	sor.u32 s6, s30  }
0x4: {  	s3 =	simm.s32 $0x0;
	s1 =	rddreg [dreg:$0x2];
	s4 =	smul.u32 $0xC, s7  }
0x5: {  	[smem:$0x7FF] =	sst s3  }
0x6: {  	_ =	strace $0x80000059;
	s10 =	ssub.s32 $0x2, s6;
	s4 =	sadd.s32 s4, s8  }
0x7: {  	s6 =	simm.s32 $0x60;
	s5 =	sadd.s32 $0x15C00, s4;
	s4 =	simm.s32 $0x2  }
0x8: {  	[tilespmem:s3], [sflag:$0x2] =	stream.linear.gather [hbm4b:s5+s3], $0x60, $0x38;
	[tilespmem:$0x6060] =	vst v63  }
0x9: {  	s9 =	smul.u32 $0xC00, s7;
	s11 =	sshrl.u32 s10, $0x1;
	_ =	swait.ge [sflag:s4], $0x60  }
0xa: {  	s7 =	simm.s32 $0x1;
	s31 =	ssub.s32 s10, s11;
	[sflag:s4] =	ssyncset.done $0x0  }
0xb: {  	s8 =	sadd.s32 s9, s8;
	s9 =	smax.u32 s31, $0x1;
	[sflag:s4] =	ssyncadd.s32 $0xFFFFFFA0  }
0xc: {  	[tilespmem:s6], [sflag:$0x1] =	stream.indirect.gather [hbm4b:s2+s6], $0x100, s3, s6, $0xb8;
	[tilespmem:$0x6060] =	vst v63  }
0xd: {  	p0 =	sne.s32 s9, $0x1;
	_ =	swait.ge [sflag:s7], $0x6000  }
.Ltmp0:
0xe: {  	[sflag:s7] =	ssyncset.done $0x0;
	(pc) =	sbr.rel @!p0 .LBB2_2-.Ltmp0, $4  }
0xf: {  	s8 =	sadd.s32 $0x98400, s8;
	[sflag:s7] =	ssyncadd.s32 $0xFFFFA000  }
0x10: {  	[hbm4b:s8+s3] =	stream.linear.scatter [tilespmem:s6], [sflag:$0x2], $0x6000, $0x38;
	[tilespmem:$0x6060] =	vst v63  }
0x11: {  	_ =	swait.ge [sflag:s4], $0x6000  }
0x12: {  	s9 =	sadd.s32 $0xFFFFFFFF, s9;
	[sflag:s4] =	ssyncset.done $0x0  }
.LBB2_1:
0x13: {  	p0 =	sne.s32 s9, $0x1;
	s9 =	sadd.s32 $0xFFFFFFFF, s9;
	[sflag:s4] =	ssyncadd.s32 $0xFFFFA000  }
0x14: {  	[tilespmem:s3], [sflag:$0x2] =	stream.linear.gather [hbm4b:s5+s3], $0x60, $0x38;
	[tilespmem:$0x6060] =	vst v63  }
0x15: {  	_ =	swait.ge [sflag:s4], $0x60  }
0x16: {  	[sflag:s4] =	ssyncset.done $0x0  }
0x17: {  	[sflag:s4] =	ssyncadd.s32 $0xFFFFFFA0  }
0x18: {  	[tilespmem:s6], [sflag:$0x1] =	stream.indirect.gather [hbm4b:s2+s6], $0x100, s3, s6, $0xb8;
	[tilespmem:$0x6060] =	vst v63  }
0x19: {  	_ =	swait.ge [sflag:s7], $0x6000  }
.Ltmp1:
0x1a: {  	[sflag:s7] =	ssyncset.done $0x0;
	(pc) =	sbr.rel @p0 .LBB2_1-.Ltmp1, $4  }
0x1b: {  	[sflag:s7] =	ssyncadd.s32 $0xFFFFA000  }
0x1c: {  	[hbm4b:s8+s3] =	stream.linear.scatter [tilespmem:s6], [sflag:$0x2], $0x6000, $0x38;
	[tilespmem:$0x6060] =	vst v63  }
0x1d: {  	_ =	swait.ge [sflag:s4], $0x6000  }
0x1e: {  	[sflag:s4] =	ssyncset.done $0x0  }
.LBB2_2:
0x1f: {  	[sflag:s4] =	ssyncadd.s32 $0xFFFFA000  }
0x20: {  	_ =	sfence.sel $0x180000  }
0x21: {  	[bflag:$0x0] =	sbarrier.arrive $0xFFFF  }
0x22: {  	p0 =	sne.s32 s0, $0x0;
	_ =	strace $0x90000059  }
0x23: {  	s0 =	sadd.s32 @!p0 $0x100000, s1;
	[bflag:$0x2] =	sbarrier.arrive $0xFFFF  }
0x24: {  	[sflag:s0] =	ssyncadd.tile.s32 @!p0 $0x1;
	_ =	shalt  }
.Lfunc_end2:
_tile_overlayer_lowered:
.L_overlay_start_2:
0x25: {  	(tag) =	ssettag $0x2  }
0x26: {  	s0 =	rddreg [dreg:$0x0];
	s2 =	stileid.u32  }
0x27: {  	s1 =	rddreg [dreg:$0x1];
	p0 =	sne.s32 s2, $0x0  }
0x28: {  	s3 =	rddreg [dreg:$0x2];
	[bflag:$0x3] =	sbarrier.arrive $0xFFFF;
	s2 =	simm.s32 @!p0 $0x1C02  }
0x29: {  	[timem:s3], [sflag:s2] =	dma.local @!p0 [hbm:s0], s1  }
0x2a: {  	s0 =	simm.s32 @!p0 $0x2  }
0x2b: {  	_ =	swait.ge @!p0 [sflag:s0], s1  }
0x2c: {  	s1 =	ssub.s32 @!p0 $0x0, s1;
	[sflag:s0] =	ssyncset.done @!p0 $0x0  }
0x2d: {  	[sflag:s0] =	ssyncadd.s32 @!p0 s1  }
0x2e: {  	[bflag:$0x3] =	sbarrier.arrive $0xFFFF  }
0x2f: {  	_ =	shalt  }

// kernel: kernel.51.cloned.1.call-start
scs
__scs_entry_jumppad:
0x0: {  	(pc) =	sbr.rel $0x88, $3  }
0x1: {  	(tag) =	ssettag $0x0;
	lr =	simm.s32 $0x1  }
0x2: {  	[smem:$0x3F76] =	sst lr;
	_ =	strace $0xD0000000  }
0x3: {  	_ = 	snop  }
0x4: {  	_ = 	snop  }
0x5: {  	_ = 	snop  }
0x6: {  	_ = 	snop  }
0x7: {  	_ = 	snop  }
__scs_overlays_trampoline_lowered:
0x8: {  	[smem:$0x3F85] =	sst s0  }
0x9: {  	[smem:$0x3F86] =	sst s1  }
0xa: {  	[smem:$0x3F87] =	sst s2  }
0xb: {  	[smem:$0x3F88] =	sst s3  }
0xc: {  	[smem:$0x3F89] =	sst s4  }
0xd: {  	[smem:$0x3F8A] =	sst s5  }
0xe: {  	[smem:$0x3F8B] =	sst s6  }
0xf: {  	[smem:$0x3F8C] =	sst s7  }
0x10: {  	[smem:$0x3F8D] =	sst s8  }
0x11: {  	[smem:$0x3F8E] =	sst s9;
	s0 =	simm.s32 @!p0 $0x0  }
0x12: {  	s1 =	sld [smem:$0x3F74];
	s0 =	simm.s32 @p0 $0x1  }
0x13: {  	[smem:$0x3F8F] =	sst s0;
	s0 =	simm.s32 @!p1 $0x0  }
0x14: {  	s2 =	sld [smem:$0x3F73];
	s0 =	simm.s32 @p1 $0x1  }
0x15: {  	[smem:$0x3F90] =	sst s0;
	s0 =	simm.s32 @!p2 $0x0  }
0x16: {  	s3 =	sld [smem:$0x3FDB];
	s0 =	simm.s32 @p2 $0x1  }
0x17: {  	s4 =	simm.s32 $0x1BF5;
	[smem:$0x3F92] =	sst s0  }
0x18: {  	s0 =	sld [smem:$0x3F75];
	_ =	swait.ge [sflag:s4], $0x0  }
0x19: {  	s7 =	sld [smem:$0x3F76]  }
0x1a: {  	s8 =	sadd.s32 $0xFFFFE003, lr  }
0x1b: {  	s9 =	sadd.s32 $0xFFFFFEF7, lr;
	s5 =	simm.s32 $0xFFFFFFFF;
	p2 =	slt.u32 s8, $0xFFFFF086  }
0x1c: {  	p1 =	slt.u32 s9, $0xF7A;
	s5 =	simm.s32 @!p2 $0x0  }
0x1d: {  	s5 =	simm.s32 @p1 $0x1;
	p0 =	seq.s32 s7, s2  }
0x1e: {  	s7 =	smul.u32 @!p0 $0xF7A, s2;
	p2 =	seq.s32 @!p0 s5, $0x0  }
0x1f: {  	s9 =	smul.u32 $0xF7A, s1;
	s8 =	simm.s32 @!p0 $0x1BF5;
	p2 =	por !p2, p0  }
0x20: {  	[sflag:s8] =	ssyncset.s32 @!p0 $0xFFFFF086;
	s6 =	sadd.s32 @!p0 s3, s7;
	s7 =	simm.s32 @!p0 $0x108  }
0x21: {  	s3 =	sadd.s32 s3, s9;
	s6 =	sadd.s32 @!p0 $0x88, s6;
	s7 =	simm.s32 @p2 $0x1082  }
0x22: {  	[simem:s7], [sflag:s8] =	dma.local @!p0 [hbm:s6], $0xF7A  }
0x23: {  	s9 =	sor.u32 $0xD0000000, s2;
	s6 =	simm.s32 $0x108;
	_ =	swait.ge @!p0 [sflag:s8], $0x0  }
0x24: {  	s3 =	sadd.s32 $0x88, s3;
	s6 =	simm.s32 @!p1 $0x1082;
	[sflag:s4] =	ssyncset.s32 $0xFFFFF086  }
0x25: {  	[simem:s6], [sflag:s4] =	dma.local [hbm:s3], $0xF7A  }
0x26: {  	[smem:$0x3F76] =	sst s1;
	(tag) =	ssettag s2;
	_ =	strace s9  }
0x27: {  	s1 =	sld [smem:$0x3F86]  }
0x28: {  	s2 =	sld [smem:$0x3F87]  }
0x29: {  	s4 =	sld [smem:$0x3F89]  }
0x2a: {  	p0 =	seq.s32 s5, $0x0;
	s5 =	sld [smem:$0x3F8A]  }
0x2b: {  	s6 =	sld [smem:$0x3F8B]  }
0x2c: {  	s7 =	sld [smem:$0x3F8C]  }
0x2d: {  	s3 =	simm.s32 $0x108;
	s8 =	sld [smem:$0x3F8D]  }
0x2e: {  	s3 =	simm.s32 @!p0 $0x1082;
	s9 =	sld [smem:$0x3F8E]  }
0x2f: {  	lr =	sadd.s32 s0, s3;
	s0 =	sld [smem:$0x3F85]  }
0x30: {  	s3 =	sld [smem:$0x3F88]  }
0x31: {  	[smem:$0x3F91] =	sst s10  }
0x32: {  	s10 =	sld [smem:$0x3F8F];
	_ =	sdelay $0x3  }
0x33: {  	p0 =	seq.s32 s10, $0x1;
	s10 =	sld [smem:$0x3F91];
	_ =	sdelay $0x3  }
0x34: {  	[smem:$0x3F91] =	sst s10  }
0x35: {  	s10 =	sld [smem:$0x3F90];
	_ =	sdelay $0x3  }
0x36: {  	p1 =	seq.s32 s10, $0x1;
	s10 =	sld [smem:$0x3F91];
	_ =	sdelay $0x3  }
0x37: {  	[smem:$0x3F91] =	sst s10  }
0x38: {  	s10 =	sld [smem:$0x3F92]  }
0x39: {  	_ = 	snop;
	(pc) =	sbr.ind lr, $3  }
0x3a: {  	_ = 	snop  }
0x3b: {  	_ = 	snop  }
0x3c: {  	p2 =	seq.s32 s10, $0x1;
	s10 =	sld [smem:$0x3F91]  }
0x3d: {  	_ =	shalt  }
0x3e: {  	_ =	shalt  }
0x3f: {  	_ =	shalt  }
0x40: {  	_ =	shalt  }
0x41: {  	_ =	shalt  }
0x42: {  	_ =	shalt  }
0x43: {  	_ =	shalt  }
0x44: {  	_ =	shalt  }
0x45: {  	_ =	shalt  }
0x46: {  	_ =	shalt  }
0x47: {  	_ =	shalt  }
0x48: {  	_ =	shalt  }
0x49: {  	_ =	shalt  }
0x4a: {  	_ =	shalt  }
0x4b: {  	_ =	shalt  }
0x4c: {  	_ =	shalt  }
0x4d: {  	_ =	shalt  }
0x4e: {  	_ =	shalt  }
0x4f: {  	_ =	shalt  }
0x50: {  	_ =	shalt  }
0x51: {  	_ =	shalt  }
0x52: {  	_ =	shalt  }
0x53: {  	_ =	shalt  }
0x54: {  	_ =	shalt  }
0x55: {  	_ =	shalt  }
0x56: {  	_ =	shalt  }
0x57: {  	_ =	shalt  }
0x58: {  	_ =	shalt  }
0x59: {  	_ =	shalt  }
0x5a: {  	_ =	shalt  }
0x5b: {  	_ =	shalt  }
0x5c: {  	_ =	shalt  }
0x5d: {  	_ =	shalt  }
0x5e: {  	_ =	shalt  }
0x5f: {  	_ =	shalt  }
0x60: {  	_ =	shalt  }
0x61: {  	_ =	shalt  }
0x62: {  	_ =	shalt  }
0x63: {  	_ =	shalt  }
0x64: {  	_ =	shalt  }
0x65: {  	_ =	shalt  }
0x66: {  	_ =	shalt  }
0x67: {  	_ =	shalt  }
0x68: {  	_ =	shalt  }
0x69: {  	_ =	shalt  }
0x6a: {  	_ =	shalt  }
0x6b: {  	_ =	shalt  }
0x6c: {  	_ =	shalt  }
0x6d: {  	_ =	shalt  }
0x6e: {  	_ =	shalt  }
0x6f: {  	_ =	shalt  }
0x70: {  	_ =	shalt  }
0x71: {  	_ =	shalt  }
0x72: {  	_ =	shalt  }
0x73: {  	_ =	shalt  }
0x74: {  	_ =	shalt  }
0x75: {  	_ =	shalt  }
0x76: {  	_ =	shalt  }
0x77: {  	_ =	shalt  }
0x78: {  	_ =	shalt  }
0x79: {  	_ =	shalt  }
0x7a: {  	_ =	shalt  }
0x7b: {  	_ =	shalt  }
0x7c: {  	_ =	shalt  }
0x7d: {  	_ =	shalt  }
0x7e: {  	_ =	shalt  }
0x7f: {  	_ =	shalt  }
0x80: {  	_ =	shalt  }
0x81: {  	_ =	shalt  }
0x82: {  	_ =	shalt  }
0x83: {  	_ =	shalt  }
0x84: {  	_ =	shalt  }
0x85: {  	_ =	shalt  }
0x86: {  	_ =	shalt  }
0x87: {  	_ =	shalt  }
.Lfunc_end0:
.L_simem_size_0:
called_computation.7_lowered:
.L_overlay_start_0:
0x88: {  	s2 =	sld [smem:$0x3FD9]  }
0x89: {  	s3 =	sld [smem:$0x3FFE];
	_ =	sdelay $0x1  }
0x8a: {  	s1 =	srdreg.scid  }
0x8b: {  	s0 =	sand.u32 $0x1, s1  }
0x8c: {  	s16 =	sshll.u32 s0, $0xA;
	s2 =	sadd.s32 s3, s2  }
0x8d: {  	s2 =	sadd.s32 s2, s16  }
0x8e: {  	[smem:$0x3F9D] =	sst s2  }
0x8f: {  	_ = 	snop  }
0x90: {  	(tm) =	ssettm $0x1  }
0x91: {  	s17 =	sld [smem:$0x3FFB];
	_ =	sdelay $0x3  }
0x92: {  	_ =	strace s17  }
0x93: {  	s2 =	sld [smem:$0x3FFC];
	_ =	sdelay $0x3  }
0x94: {  	_ =	strace s2  }
0x95: {  	s2 =	sld [smem:$0x3FFD];
	_ =	sdelay $0x3  }
0x96: {  	_ =	strace s2  }
0x97: {  	_ =	strace $0x8FFFFFFF  }
0x98: {  	s18 =	sld [smem:$0x3FDB];
	_ =	sdelay $0x1  }
0x99: {  	s19 =	simm.s32 $_scs_section_size  }
0x9a: {  	s4 =	simm.s32 $_size__tile_overlayer_lowered;
	s5 =	simm.s32 $_tile_overlayer_lowered  }
0x9b: {  	s22 =	simm.s32 $0x1BFF;
	s21 =	sshll.u32 s5, $0x1;
	s2 =	sadd.s32 s19, s18  }
0x9c: {  	s6 =	simm.s32 $0x0;
	s20 =	sshll.u32 s4, $0x1;
	s4 =	sadd.s32 s21, s2  }
0x9d: {  	[timem:s6], [sflag:s22] =	dma.local [hbm:s4], s20  }
0x9e: {  	_ =	swait.ge [sflag:s22], s20  }
0x9f: {  	s3 =	ssub.s32 $0x0, s20;
	[sflag:s22] =	ssyncset.done $0x0  }
0xa0: {  	[sflag:s22] =	ssyncadd.s32 s3;
	_ =	sdelay $0x1  }
0xa1: {  	s23 =	simm.s32 $0x1B8B  }
0xa2: {  	_ =	swait.ge [sflag:s23], $0x1  }
0xa3: {  	[sflag:s23] =	ssyncset.done $0x0  }
0xa4: {  	s25 =	simm.s32 $0x1B8E;
	s24 =	sld [smem:$0x3FFE];
	[sflag:s23] =	ssyncadd.s32 $0xFFFFFFFF  }
0xa5: {  	s26 =	simm.s32 $execute0_lowered;
	[smem:$0x3FD2] =	sst s25  }
0xa6: {  	s4 =	sshll.u32 s26, $0x1;
	_ =	strace $0x8000005B;
	[dreg:$0x1] =	wrdreg $0xFFFFFFFF  }
0xa7: {  	s28 =	simm.s32 $_size_execute0_lowered;
	s2 =	sadd.s32 s2, s4;
	[dreg:$0x0] =	wrdreg $0x0  }
0xa8: {  	s4 =	sshll.u32 s28, $0x1;
	[dreg:$0x2] =	wrdreg s2  }
0xa9: {  	[dreg:$0x3] =	wrdreg s4  }
0xaa: {  	[dreg:$0x4] =	wrdreg $0xC0  }
0xab: {  	_ =	task [dreg:s6], $0x5FFFF  }
0xac: {  	[dreg:$0x1] =	wrdreg $0xFFFFFFFF  }
0xad: {  	[dreg:$0x0] =	wrdreg $0x60  }
0xae: {  	[dreg:$0x2] =	wrdreg s24  }
0xaf: {  	[dreg:$0x3] =	wrdreg $0x9  }
0xb0: {  	_ =	task.clear_ibuf [dreg:s6], $0x4FFFF;
	_ =	strace $0x9000005B  }
0xb1: {  	s29 =	simm.s32 $0x9;
	_ =	strace $0x8000005D  }
0xb2: {  	_ =	swait.ge [sflag:s29], $0x1  }
0xb3: {  	[sflag:s29] =	ssyncadd.s32 $0xFFFFFFFF  }
0xb4: {  	_ =	strace $0x9000005D  }
0xb5: {  	_ =	sfence  }
0xb6: {  	s30 =	sld [smem:$0x0];
	_ =	sdelay $0x2  }
0xb7: {  	s31 =	sshll.u32 s1, $0xD;
	s1 =	sshrl.u32 s1, $0x2  }
0xb8: {  	s3 =	sand.u32 $0x4000, s31;
	s1 =	sadd.s32 s1, s30  }
0xb9: {  	s0 =	sor.u32 s3, s0;
	s1 =	sshll.u32 s1, $0x11  }
0xba: {  	s0 =	sor.u32 s1, s0  }
0xbb: {  	s0 =	sadd.s32 $0x8F2B, s0  }
0xbc: {  	[sflag:s0] =	ssyncadd.remote.s32 $0x1  }
0xbd: {  	_ =	sfence.sel $0xFFFF  }
0xbe: {  	[dreg:$0x0] =	wrdreg $0xFFFFFFFF;
	(pc) =	sbr.abs _section_cstart, $3  }
0xbf: {  	[dreg:$0x1] =	wrdreg $0xFFFFFFFF  }
0xc0: {  	_ =	task.clear_ibuf [dreg:s6], $0x2FFFF;
	_ =	strace $0x9FFFFFFF  }
0xc1: {  	(tm) =	ssettm $0x7FFFFFFF  }
tec
execute0_lowered:
.L_overlay_start_1:
0x0: {  	(tag) =	ssettag $0x1  }
0x1: {  	s1 =	srdreg.scid;
	s0 =	stileid.u32  }
0x2: {  	s12 =	sand.u32 $0x1, s1;
	s28 =	sshll.u32 s0, $0x1  }
0x3: {  	s8 =	sor.u32 s12, s28  }
0x4: {  	s9 =	rddreg [dreg:$0x0];
	s11 =	smul.u32 $0x180, s8  }
0x5: {  	s2 =	simm.s32 $0x0;
	s1 =	rddreg [dreg:$0x1]  }
0x6: {  	[smem:$0x7FF] =	sst s2;
	s13 =	sadd.s32 $0x15E00, s9;
	s3 =	sshrl.u32 s11, $0x3  }
0x7: {  	_ =	strace $0x8000005C;
	s4 =	sadd.s32 s13, s3;
	s3 =	simm.s32 $0x2  }
0x8: {  	[tilespmem:s2], [sflag:$0x2] =	stream.linear.gather [hbm4b:s4+s2], $0x80, $0x38;
	[tilespmem:$0x4080] =	vst v63  }
0x9: {  	_ =	swait.ge [sflag:s3], $0x80  }
0xa: {  	s6 =	simm.s32 $0x80;
	[sflag:s3] =	ssyncset.done $0x0  }
0xb: {  	s7 =	simm.s32 $0x1;
	s5 =	sadd.s32 $0x8200, s9;
	[sflag:s3] =	ssyncadd.s32 $0xFFFFFF80  }
0xc: {  	[tilespmem:s6], [sflag:$0x1] =	stream.indirect.gather [hbm4b:s5+s6], $0x80, s2, s6, $0xb8;
	[tilespmem:$0x4080] =	vst v63  }
0xd: {  	s8 =	smul.u32 $0x1800, s8;
	_ =	swait.ge [sflag:s7], $0x4000  }
0xe: {  	s14 =	sadd.s32 $0x98400, s9;
	[sflag:s7] =	ssyncset.done $0x0  }
0xf: {  	s8 =	sadd.s32 s14, s8;
	[sflag:s7] =	ssyncadd.s32 $0xFFFFC000  }
0x10: {  	[hbm4b:s8+s2] =	stream.linear.scatter [tilespmem:s6], [sflag:$0x2], $0x4000, $0x38;
	[tilespmem:$0x4080] =	vst v63  }
0x11: {  	s10 =	sadd.s32 $0x80, s11;
	_ =	swait.ge [sflag:s3], $0x4000  }
0x12: {  	s29 =	sshrl.u32 s10, $0x3;
	[sflag:s3] =	ssyncset.done $0x0  }
0x13: {  	s9 =	sadd.s32 s13, s29;
	[sflag:s3] =	ssyncadd.s32 $0xFFFFC000  }
0x14: {  	[tilespmem:s2], [sflag:$0x2] =	stream.linear.gather [hbm4b:s9+s2], $0x80, $0x38;
	[tilespmem:$0x4080] =	vst v63  }
0x15: {  	_ =	swait.ge [sflag:s3], $0x80  }
0x16: {  	[sflag:s3] =	ssyncset.done $0x0  }
0x17: {  	[sflag:s3] =	ssyncadd.s32 $0xFFFFFF80  }
0x18: {  	[tilespmem:s6], [sflag:$0x1] =	stream.indirect.gather [hbm4b:s5+s6], $0x80, s2, s6, $0xb8;
	[tilespmem:$0x4080] =	vst v63  }
0x19: {  	_ =	swait.ge [sflag:s7], $0x4000  }
0x1a: {  	s10 =	sshll.u32 s10, $0x4;
	[sflag:s7] =	ssyncset.done $0x0  }
0x1b: {  	s10 =	sadd.s32 s14, s10;
	[sflag:s7] =	ssyncadd.s32 $0xFFFFC000  }
0x1c: {  	[hbm4b:s10+s2] =	stream.linear.scatter [tilespmem:s6], [sflag:$0x2], $0x4000, $0x38;
	[tilespmem:$0x4080] =	vst v63  }
0x1d: {  	s15 =	sadd.s32 $0x100, s11;
	_ =	swait.ge [sflag:s3], $0x4000  }
0x1e: {  	s11 =	sshrl.u32 s15, $0x3;
	[sflag:s3] =	ssyncset.done $0x0  }
0x1f: {  	s12 =	ssub.s32 $0x2, s12;
	s11 =	sadd.s32 s13, s11;
	[sflag:s3] =	ssyncadd.s32 $0xFFFFC000  }
0x20: {  	[tilespmem:s2], [sflag:$0x2] =	stream.linear.gather [hbm4b:s11+s2], $0x80, $0x38;
	[tilespmem:$0x4080] =	vst v63  }
0x21: {  	s30 =	sshrl.u32 s12, $0x1;
	_ =	swait.ge [sflag:s3], $0x80  }
0x22: {  	s13 =	ssub.s32 s12, s30;
	[sflag:s3] =	ssyncset.done $0x0  }
0x23: {  	s13 =	smax.u32 s13, $0x1;
	[sflag:s3] =	ssyncadd.s32 $0xFFFFFF80  }
0x24: {  	[tilespmem:s6], [sflag:$0x1] =	stream.indirect.gather [hbm4b:s5+s6], $0x80, s2, s6, $0xb8;
	[tilespmem:$0x4080] =	vst v63  }
0x25: {  	p0 =	sne.s32 s13, $0x1;
	_ =	swait.ge [sflag:s7], $0x4000  }
.Ltmp0:
0x26: {  	s31 =	sshll.u32 s15, $0x4;
	[sflag:s7] =	ssyncset.done $0x0;
	(pc) =	sbr.rel @!p0 .LBB2_2-.Ltmp0, $4  }
0x27: {  	s12 =	sadd.s32 s14, s31;
	[sflag:s7] =	ssyncadd.s32 $0xFFFFC000  }
0x28: {  	[hbm4b:s12+s2] =	stream.linear.scatter [tilespmem:s6], [sflag:$0x2], $0x4000, $0x38;
	[tilespmem:$0x4080] =	vst v63  }
0x29: {  	_ =	swait.ge [sflag:s3], $0x4000  }
0x2a: {  	s13 =	sadd.s32 $0xFFFFFFFF, s13;
	[sflag:s3] =	ssyncset.done $0x0  }
.LBB2_1:
0x2b: {  	p0 =	sne.s32 s13, $0x1;
	s13 =	sadd.s32 $0xFFFFFFFF, s13;
	[sflag:s3] =	ssyncadd.s32 $0xFFFFC000  }
0x2c: {  	[tilespmem:s2], [sflag:$0x2] =	stream.linear.gather [hbm4b:s4+s2], $0x80, $0x38;
	[tilespmem:$0x4080] =	vst v63  }
0x2d: {  	_ =	swait.ge [sflag:s3], $0x80  }
0x2e: {  	[sflag:s3] =	ssyncset.done $0x0  }
0x2f: {  	[sflag:s3] =	ssyncadd.s32 $0xFFFFFF80  }
0x30: {  	[tilespmem:s6], [sflag:$0x1] =	stream.indirect.gather [hbm4b:s5+s6], $0x80, s2, s6, $0xb8;
	[tilespmem:$0x4080] =	vst v63  }
0x31: {  	_ =	swait.ge [sflag:s7], $0x4000  }
0x32: {  	[sflag:s7] =	ssyncset.done $0x0  }
0x33: {  	[sflag:s7] =	ssyncadd.s32 $0xFFFFC000  }
0x34: {  	[hbm4b:s8+s2] =	stream.linear.scatter [tilespmem:s6], [sflag:$0x2], $0x4000, $0x38;
	[tilespmem:$0x4080] =	vst v63  }
0x35: {  	_ =	swait.ge [sflag:s3], $0x4000  }
0x36: {  	[sflag:s3] =	ssyncset.done $0x0  }
0x37: {  	[sflag:s3] =	ssyncadd.s32 $0xFFFFC000  }
0x38: {  	[tilespmem:s2], [sflag:$0x2] =	stream.linear.gather [hbm4b:s9+s2], $0x80, $0x38;
	[tilespmem:$0x4080] =	vst v63  }
0x39: {  	_ =	swait.ge [sflag:s3], $0x80  }
0x3a: {  	[sflag:s3] =	ssyncset.done $0x0  }
0x3b: {  	[sflag:s3] =	ssyncadd.s32 $0xFFFFFF80  }
0x3c: {  	[tilespmem:s6], [sflag:$0x1] =	stream.indirect.gather [hbm4b:s5+s6], $0x80, s2, s6, $0xb8;
	[tilespmem:$0x4080] =	vst v63  }
0x3d: {  	_ =	swait.ge [sflag:s7], $0x4000  }
0x3e: {  	[sflag:s7] =	ssyncset.done $0x0  }
0x3f: {  	[sflag:s7] =	ssyncadd.s32 $0xFFFFC000  }
0x40: {  	[hbm4b:s10+s2] =	stream.linear.scatter [tilespmem:s6], [sflag:$0x2], $0x4000, $0x38;
	[tilespmem:$0x4080] =	vst v63  }
0x41: {  	_ =	swait.ge [sflag:s3], $0x4000  }
0x42: {  	[sflag:s3] =	ssyncset.done $0x0  }
0x43: {  	[sflag:s3] =	ssyncadd.s32 $0xFFFFC000  }
0x44: {  	[tilespmem:s2], [sflag:$0x2] =	stream.linear.gather [hbm4b:s11+s2], $0x80, $0x38;
	[tilespmem:$0x4080] =	vst v63  }
0x45: {  	_ =	swait.ge [sflag:s3], $0x80  }
0x46: {  	[sflag:s3] =	ssyncset.done $0x0  }
0x47: {  	[sflag:s3] =	ssyncadd.s32 $0xFFFFFF80  }
0x48: {  	[tilespmem:s6], [sflag:$0x1] =	stream.indirect.gather [hbm4b:s5+s6], $0x80, s2, s6, $0xb8;
	[tilespmem:$0x4080] =	vst v63  }
0x49: {  	_ =	swait.ge [sflag:s7], $0x4000  }
.Ltmp1:
0x4a: {  	[sflag:s7] =	ssyncset.done $0x0;
	(pc) =	sbr.rel @p0 .LBB2_1-.Ltmp1, $4  }
0x4b: {  	[sflag:s7] =	ssyncadd.s32 $0xFFFFC000  }
0x4c: {  	[hbm4b:s12+s2] =	stream.linear.scatter [tilespmem:s6], [sflag:$0x2], $0x4000, $0x38;
	[tilespmem:$0x4080] =	vst v63  }
0x4d: {  	_ =	swait.ge [sflag:s3], $0x4000  }
0x4e: {  	[sflag:s3] =	ssyncset.done $0x0  }
.LBB2_2:
0x4f: {  	[sflag:s3] =	ssyncadd.s32 $0xFFFFC000  }
0x50: {  	_ =	sfence.sel $0x180000  }
0x51: {  	[bflag:$0x0] =	sbarrier.arrive $0xFFFF  }
0x52: {  	p0 =	sne.s32 s0, $0x0;
	_ =	strace $0x9000005C  }
0x53: {  	s0 =	sadd.s32 @!p0 $0x100000, s1;
	[bflag:$0x2] =	sbarrier.arrive $0xFFFF  }
0x54: {  	[sflag:s0] =	ssyncadd.tile.s32 @!p0 $0x1;
	_ =	shalt  }
.Lfunc_end2:
_tile_overlayer_lowered:
.L_overlay_start_2:
0x55: {  	(tag) =	ssettag $0x2  }
0x56: {  	s0 =	rddreg [dreg:$0x0];
	s2 =	stileid.u32  }
0x57: {  	s1 =	rddreg [dreg:$0x1];
	p0 =	sne.s32 s2, $0x0  }
0x58: {  	s3 =	rddreg [dreg:$0x2];
	[bflag:$0x3] =	sbarrier.arrive $0xFFFF;
	s2 =	simm.s32 @!p0 $0x1C02  }
0x59: {  	[timem:s3], [sflag:s2] =	dma.local @!p0 [hbm:s0], s1  }
0x5a: {  	s0 =	simm.s32 @!p0 $0x2  }
0x5b: {  	_ =	swait.ge @!p0 [sflag:s0], s1  }
0x5c: {  	s1 =	ssub.s32 @!p0 $0x0, s1;
	[sflag:s0] =	ssyncset.done @!p0 $0x0  }
0x5d: {  	[sflag:s0] =	ssyncadd.s32 @!p0 s1  }
0x5e: {  	[bflag:$0x3] =	sbarrier.arrive $0xFFFF  }
0x5f: {  	_ =	shalt  }

// kernel: kernel.54.cloned.1.call-start
scs
__scs_entry_jumppad:
0x0: {  	(pc) =	sbr.rel $0x88, $3  }
0x1: {  	(tag) =	ssettag $0x0;
	lr =	simm.s32 $0x1  }
0x2: {  	[smem:$0x3F76] =	sst lr;
	_ =	strace $0xD0000000  }
0x3: {  	_ = 	snop  }
0x4: {  	_ = 	snop  }
0x5: {  	_ = 	snop  }
0x6: {  	_ = 	snop  }
0x7: {  	_ = 	snop  }
__scs_overlays_trampoline_lowered:
0x8: {  	[smem:$0x3F85] =	sst s0  }
0x9: {  	[smem:$0x3F86] =	sst s1  }
0xa: {  	[smem:$0x3F87] =	sst s2  }
0xb: {  	[smem:$0x3F88] =	sst s3  }
0xc: {  	[smem:$0x3F89] =	sst s4  }
0xd: {  	[smem:$0x3F8A] =	sst s5  }
0xe: {  	[smem:$0x3F8B] =	sst s6  }
0xf: {  	[smem:$0x3F8C] =	sst s7  }
0x10: {  	[smem:$0x3F8D] =	sst s8  }
0x11: {  	[smem:$0x3F8E] =	sst s9;
	s0 =	simm.s32 @!p0 $0x0  }
0x12: {  	s1 =	sld [smem:$0x3F74];
	s0 =	simm.s32 @p0 $0x1  }
0x13: {  	[smem:$0x3F8F] =	sst s0;
	s0 =	simm.s32 @!p1 $0x0  }
0x14: {  	s2 =	sld [smem:$0x3F73];
	s0 =	simm.s32 @p1 $0x1  }
0x15: {  	[smem:$0x3F90] =	sst s0;
	s0 =	simm.s32 @!p2 $0x0  }
0x16: {  	s3 =	sld [smem:$0x3FDB];
	s0 =	simm.s32 @p2 $0x1  }
0x17: {  	s4 =	simm.s32 $0x1BF5;
	[smem:$0x3F92] =	sst s0  }
0x18: {  	s0 =	sld [smem:$0x3F75];
	_ =	swait.ge [sflag:s4], $0x0  }
0x19: {  	s7 =	sld [smem:$0x3F76]  }
0x1a: {  	s8 =	sadd.s32 $0xFFFFE003, lr  }
0x1b: {  	s9 =	sadd.s32 $0xFFFFFEF7, lr;
	s5 =	simm.s32 $0xFFFFFFFF;
	p2 =	slt.u32 s8, $0xFFFFF086  }
0x1c: {  	p1 =	slt.u32 s9, $0xF7A;
	s5 =	simm.s32 @!p2 $0x0  }
0x1d: {  	s5 =	simm.s32 @p1 $0x1;
	p0 =	seq.s32 s7, s2  }
0x1e: {  	s7 =	smul.u32 @!p0 $0xF7A, s2;
	p2 =	seq.s32 @!p0 s5, $0x0  }
0x1f: {  	s9 =	smul.u32 $0xF7A, s1;
	s8 =	simm.s32 @!p0 $0x1BF5;
	p2 =	por !p2, p0  }
0x20: {  	[sflag:s8] =	ssyncset.s32 @!p0 $0xFFFFF086;
	s6 =	sadd.s32 @!p0 s3, s7;
	s7 =	simm.s32 @!p0 $0x108  }
0x21: {  	s3 =	sadd.s32 s3, s9;
	s6 =	sadd.s32 @!p0 $0x88, s6;
	s7 =	simm.s32 @p2 $0x1082  }
0x22: {  	[simem:s7], [sflag:s8] =	dma.local @!p0 [hbm:s6], $0xF7A  }
0x23: {  	s9 =	sor.u32 $0xD0000000, s2;
	s6 =	simm.s32 $0x108;
	_ =	swait.ge @!p0 [sflag:s8], $0x0  }
0x24: {  	s3 =	sadd.s32 $0x88, s3;
	s6 =	simm.s32 @!p1 $0x1082;
	[sflag:s4] =	ssyncset.s32 $0xFFFFF086  }
0x25: {  	[simem:s6], [sflag:s4] =	dma.local [hbm:s3], $0xF7A  }
0x26: {  	[smem:$0x3F76] =	sst s1;
	(tag) =	ssettag s2;
	_ =	strace s9  }
0x27: {  	s1 =	sld [smem:$0x3F86]  }
0x28: {  	s2 =	sld [smem:$0x3F87]  }
0x29: {  	s4 =	sld [smem:$0x3F89]  }
0x2a: {  	p0 =	seq.s32 s5, $0x0;
	s5 =	sld [smem:$0x3F8A]  }
0x2b: {  	s6 =	sld [smem:$0x3F8B]  }
0x2c: {  	s7 =	sld [smem:$0x3F8C]  }
0x2d: {  	s3 =	simm.s32 $0x108;
	s8 =	sld [smem:$0x3F8D]  }
0x2e: {  	s3 =	simm.s32 @!p0 $0x1082;
	s9 =	sld [smem:$0x3F8E]  }
0x2f: {  	lr =	sadd.s32 s0, s3;
	s0 =	sld [smem:$0x3F85]  }
0x30: {  	s3 =	sld [smem:$0x3F88]  }
0x31: {  	[smem:$0x3F91] =	sst s10  }
0x32: {  	s10 =	sld [smem:$0x3F8F];
	_ =	sdelay $0x3  }
0x33: {  	p0 =	seq.s32 s10, $0x1;
	s10 =	sld [smem:$0x3F91];
	_ =	sdelay $0x3  }
0x34: {  	[smem:$0x3F91] =	sst s10  }
0x35: {  	s10 =	sld [smem:$0x3F90];
	_ =	sdelay $0x3  }
0x36: {  	p1 =	seq.s32 s10, $0x1;
	s10 =	sld [smem:$0x3F91];
	_ =	sdelay $0x3  }
0x37: {  	[smem:$0x3F91] =	sst s10  }
0x38: {  	s10 =	sld [smem:$0x3F92]  }
0x39: {  	_ = 	snop;
	(pc) =	sbr.ind lr, $3  }
0x3a: {  	_ = 	snop  }
0x3b: {  	_ = 	snop  }
0x3c: {  	p2 =	seq.s32 s10, $0x1;
	s10 =	sld [smem:$0x3F91]  }
0x3d: {  	_ =	shalt  }
0x3e: {  	_ =	shalt  }
0x3f: {  	_ =	shalt  }
0x40: {  	_ =	shalt  }
0x41: {  	_ =	shalt  }
0x42: {  	_ =	shalt  }
0x43: {  	_ =	shalt  }
0x44: {  	_ =	shalt  }
0x45: {  	_ =	shalt  }
0x46: {  	_ =	shalt  }
0x47: {  	_ =	shalt  }
0x48: {  	_ =	shalt  }
0x49: {  	_ =	shalt  }
0x4a: {  	_ =	shalt  }
0x4b: {  	_ =	shalt  }
0x4c: {  	_ =	shalt  }
0x4d: {  	_ =	shalt  }
0x4e: {  	_ =	shalt  }
0x4f: {  	_ =	shalt  }
0x50: {  	_ =	shalt  }
0x51: {  	_ =	shalt  }
0x52: {  	_ =	shalt  }
0x53: {  	_ =	shalt  }
0x54: {  	_ =	shalt  }
0x55: {  	_ =	shalt  }
0x56: {  	_ =	shalt  }
0x57: {  	_ =	shalt  }
0x58: {  	_ =	shalt  }
0x59: {  	_ =	shalt  }
0x5a: {  	_ =	shalt  }
0x5b: {  	_ =	shalt  }
0x5c: {  	_ =	shalt  }
0x5d: {  	_ =	shalt  }
0x5e: {  	_ =	shalt  }
0x5f: {  	_ =	shalt  }
0x60: {  	_ =	shalt  }
0x61: {  	_ =	shalt  }
0x62: {  	_ =	shalt  }
0x63: {  	_ =	shalt  }
0x64: {  	_ =	shalt  }
0x65: {  	_ =	shalt  }
0x66: {  	_ =	shalt  }
0x67: {  	_ =	shalt  }
0x68: {  	_ =	shalt  }
0x69: {  	_ =	shalt  }
0x6a: {  	_ =	shalt  }
0x6b: {  	_ =	shalt  }
0x6c: {  	_ =	shalt  }
0x6d: {  	_ =	shalt  }
0x6e: {  	_ =	shalt  }
0x6f: {  	_ =	shalt  }
0x70: {  	_ =	shalt  }
0x71: {  	_ =	shalt  }
0x72: {  	_ =	shalt  }
0x73: {  	_ =	shalt  }
0x74: {  	_ =	shalt  }
0x75: {  	_ =	shalt  }
0x76: {  	_ =	shalt  }
0x77: {  	_ =	shalt  }
0x78: {  	_ =	shalt  }
0x79: {  	_ =	shalt  }
0x7a: {  	_ =	shalt  }
0x7b: {  	_ =	shalt  }
0x7c: {  	_ =	shalt  }
0x7d: {  	_ =	shalt  }
0x7e: {  	_ =	shalt  }
0x7f: {  	_ =	shalt  }
0x80: {  	_ =	shalt  }
0x81: {  	_ =	shalt  }
0x82: {  	_ =	shalt  }
0x83: {  	_ =	shalt  }
0x84: {  	_ =	shalt  }
0x85: {  	_ =	shalt  }
0x86: {  	_ =	shalt  }
0x87: {  	_ =	shalt  }
.Lfunc_end0:
.L_simem_size_0:
called_computation.8_lowered:
.L_overlay_start_0:
0x88: {  	s2 =	sld [smem:$0x3FD9]  }
0x89: {  	s3 =	sld [smem:$0x3FFE];
	_ =	sdelay $0x1  }
0x8a: {  	s1 =	srdreg.scid  }
0x8b: {  	s0 =	sand.u32 $0x1, s1  }
0x8c: {  	s16 =	sshll.u32 s0, $0xA;
	s2 =	sadd.s32 s3, s2  }
0x8d: {  	s2 =	sadd.s32 s2, s16  }
0x8e: {  	[smem:$0x3F9D] =	sst s2  }
0x8f: {  	_ = 	snop  }
0x90: {  	(tm) =	ssettm $0x1  }
0x91: {  	s17 =	sld [smem:$0x3FFB];
	_ =	sdelay $0x3  }
0x92: {  	_ =	strace s17  }
0x93: {  	s2 =	sld [smem:$0x3FFC];
	_ =	sdelay $0x3  }
0x94: {  	_ =	strace s2  }
0x95: {  	s2 =	sld [smem:$0x3FFD];
	_ =	sdelay $0x3  }
0x96: {  	_ =	strace s2  }
0x97: {  	_ =	strace $0x8FFFFFFF  }
0x98: {  	s18 =	sld [smem:$0x3FDB];
	_ =	sdelay $0x1  }
0x99: {  	s19 =	simm.s32 $_scs_section_size  }
0x9a: {  	s4 =	simm.s32 $_size__tile_overlayer_lowered;
	s5 =	simm.s32 $_tile_overlayer_lowered  }
0x9b: {  	s22 =	simm.s32 $0x1BFF;
	s21 =	sshll.u32 s5, $0x1;
	s2 =	sadd.s32 s19, s18  }
0x9c: {  	s6 =	simm.s32 $0x0;
	s20 =	sshll.u32 s4, $0x1;
	s4 =	sadd.s32 s21, s2  }
0x9d: {  	[timem:s6], [sflag:s22] =	dma.local [hbm:s4], s20  }
0x9e: {  	_ =	swait.ge [sflag:s22], s20  }
0x9f: {  	s3 =	ssub.s32 $0x0, s20;
	[sflag:s22] =	ssyncset.done $0x0  }
0xa0: {  	[sflag:s22] =	ssyncadd.s32 s3;
	_ =	sdelay $0x1  }
0xa1: {  	s23 =	simm.s32 $0x1B8B  }
0xa2: {  	_ =	swait.ge [sflag:s23], $0x1  }
0xa3: {  	[sflag:s23] =	ssyncset.done $0x0  }
0xa4: {  	s25 =	simm.s32 $0x1B8E;
	s24 =	sld [smem:$0x3FFE];
	[sflag:s23] =	ssyncadd.s32 $0xFFFFFFFF  }
0xa5: {  	s26 =	simm.s32 $execute0_lowered;
	[smem:$0x3FD2] =	sst s25  }
0xa6: {  	s4 =	sshll.u32 s26, $0x1;
	_ =	strace $0x8000005E;
	[dreg:$0x1] =	wrdreg $0xFFFFFFFF  }
0xa7: {  	s28 =	simm.s32 $_size_execute0_lowered;
	s2 =	sadd.s32 s2, s4;
	[dreg:$0x0] =	wrdreg $0x0  }
0xa8: {  	s4 =	sshll.u32 s28, $0x1;
	[dreg:$0x2] =	wrdreg s2  }
0xa9: {  	[dreg:$0x3] =	wrdreg s4  }
0xaa: {  	[dreg:$0x4] =	wrdreg $0xC0  }
0xab: {  	_ =	task [dreg:s6], $0x5FFFF  }
0xac: {  	[dreg:$0x1] =	wrdreg $0xFFFFFFFF  }
0xad: {  	[dreg:$0x0] =	wrdreg $0x60  }
0xae: {  	[dreg:$0x2] =	wrdreg s24  }
0xaf: {  	[dreg:$0x3] =	wrdreg $0x9  }
0xb0: {  	_ =	task.clear_ibuf [dreg:s6], $0x4FFFF;
	_ =	strace $0x9000005E  }
0xb1: {  	s29 =	simm.s32 $0x9;
	_ =	strace $0x80000060  }
0xb2: {  	_ =	swait.ge [sflag:s29], $0x1  }
0xb3: {  	[sflag:s29] =	ssyncadd.s32 $0xFFFFFFFF  }
0xb4: {  	_ =	strace $0x90000060  }
0xb5: {  	_ =	sfence  }
0xb6: {  	s30 =	sld [smem:$0x0];
	_ =	sdelay $0x2  }
0xb7: {  	s31 =	sshll.u32 s1, $0xD;
	s1 =	sshrl.u32 s1, $0x2  }
0xb8: {  	s3 =	sand.u32 $0x4000, s31;
	s1 =	sadd.s32 s1, s30  }
0xb9: {  	s0 =	sor.u32 s3, s0;
	s1 =	sshll.u32 s1, $0x11  }
0xba: {  	s0 =	sor.u32 s1, s0  }
0xbb: {  	s0 =	sadd.s32 $0x8F2B, s0  }
0xbc: {  	[sflag:s0] =	ssyncadd.remote.s32 $0x1  }
0xbd: {  	_ =	sfence.sel $0xFFFF  }
0xbe: {  	[dreg:$0x0] =	wrdreg $0xFFFFFFFF;
	(pc) =	sbr.abs _section_cstart, $3  }
0xbf: {  	[dreg:$0x1] =	wrdreg $0xFFFFFFFF  }
0xc0: {  	_ =	task.clear_ibuf [dreg:s6], $0x2FFFF;
	_ =	strace $0x9FFFFFFF  }
0xc1: {  	(tm) =	ssettm $0x7FFFFFFF  }
tec
execute0_lowered:
.L_overlay_start_1:
0x0: {  	(tag) =	ssettag $0x1  }
0x1: {  	s4 =	rddreg [dreg:$0x0]  }
0x2: {  	s0 =	rddreg [dreg:$0x1];
	s2 =	simm.s32 $0x0;
	s1 =	stileid.u32  }
0x3: {  	s3 =	srdreg.scid;
	s10 =	simm.s32 $0x0;
	s6 =	smul.u32 $0x1800, s1  }
0x4: {  	[smem:$0x7FF] =	sst s2;
	s5 =	sand.u32 $0x1, s3;
	s8 =	smul.u32 $0x18000, s1  }
0x5: {  	s3 =	sadd.s32 $0x98400, s4;
	s7 =	smul.u32 $0xC00, s5;
	s9 =	ssub.s32 $0x2, s5  }
0x6: {  	_ =	strace $0x8000005F;
	s5 =	smul.u32 $0xC000, s5;
	s31 =	sshrl.u32 s9, $0x1  }
0x7: {  	s8 =	sadd.s32 s8, s4;
	s6 =	sadd.s32 s7, s6;
	s7 =	ssub.s32 s9, s31  }
0x8: {  	s5 =	sadd.s32 s5, s8;
	s8 =	simm.s32 $0x80;
	s6 =	sshrl.u32 s6, $0x3  }
0x9: {  	s9 =	simm.s32 $0x1;
	s5 =	sadd.s32 $0x148400, s5;
	s6 =	sadd.s32 s6, s4  }
0xa: {  	s4 =	smax.u32 s7, $0x1;
	s7 =	simm.s32 $0x2;
	s6 =	sadd.s32 $0xC200, s6  }
.LBB2_1:
0xb: {  	s11 =	sadd.s32 $0x0, s6  }
0xc: {  	[tilespmem:s2], [sflag:$0x2] =	stream.linear.gather [hbm4b:s11+s2], $0x80, $0x38;
	[tilespmem:$0x4080] =	vst v63  }
0xd: {  	_ =	swait.ge [sflag:s7], $0x80  }
0xe: {  	[sflag:s7] =	ssyncset.done $0x0  }
0xf: {  	[sflag:s7] =	ssyncadd.s32 $0xFFFFFF80  }
0x10: {  	[tilespmem:s8], [sflag:$0x1] =	stream.indirect.gather [hbm4b:s3+s8], $0x80, s2, s8, $0xb8;
	[tilespmem:$0x4080] =	vst v63  }
0x11: {  	_ =	swait.ge [sflag:s9], $0x4000  }
0x12: {  	[sflag:s9] =	ssyncset.done $0x0  }
0x13: {  	[sflag:s9] =	ssyncadd.s32 $0xFFFFC000  }
0x14: {  	[hbm4b:s5+s2] =	stream.linear.scatter [tilespmem:s8], [sflag:$0x2], $0x4000, $0x38;
	[tilespmem:$0x4080] =	vst v63  }
0x15: {  	s12 =	simm.s32 $0x10;
	_ =	swait.ge [sflag:s7], $0x4000  }
0x16: {  	s13 =	simm.s32 $0x20;
	s11 =	sadd.s32 $0x800, s5;
	[sflag:s7] =	ssyncset.done $0x0  }
.LBB2_2:
0x17: {  	s14 =	sadd.s32 s12, s6  }
0x18: {  	[sflag:s7] =	ssyncadd.s32 $0xFFFFC000;
	s12 =	smov.u32 s13;
	s15 =	sadd.s32 $0x10, s13  }
0x19: {  	[tilespmem:s2], [sflag:$0x2] =	stream.linear.gather [hbm4b:s14+s2], $0x80, $0x38;
	[tilespmem:$0x4080] =	vst v63  }
0x1a: {  	p0 =	sne.s32 s13, $0x170;
	_ =	swait.ge [sflag:s7], $0x80  }
0x1b: {  	[sflag:s7] =	ssyncset.done $0x0  }
0x1c: {  	[sflag:s7] =	ssyncadd.s32 $0xFFFFFF80  }
0x1d: {  	[tilespmem:s8], [sflag:$0x1] =	stream.indirect.gather [hbm4b:s3+s8], $0x80, s2, s8, $0xb8;
	[tilespmem:$0x4080] =	vst v63  }
0x1e: {  	_ =	swait.ge [sflag:s9], $0x4000  }
.Ltmp0:
0x1f: {  	[sflag:s9] =	ssyncset.done $0x0;
	(pc) =	sbr.rel @p0 .LBB2_2-.Ltmp0, $4  }
0x20: {  	[sflag:s9] =	ssyncadd.s32 $0xFFFFC000  }
0x21: {  	[hbm4b:s11+s2] =	stream.linear.scatter [tilespmem:s8], [sflag:$0x2], $0x4000, $0x38;
	[tilespmem:$0x4080] =	vst v63  }
0x22: {  	_ =	swait.ge [sflag:s7], $0x4000  }
0x23: {  	s13 =	smov.u32 s15;
	s11 =	sadd.s32 $0x800, s11;
	[sflag:s7] =	ssyncset.done $0x0  }
0x24: {  	s12 =	sadd.s32 s12, s6;
	[sflag:s7] =	ssyncadd.s32 $0xFFFFC000  }
0x25: {  	[tilespmem:s2], [sflag:$0x2] =	stream.linear.gather [hbm4b:s12+s2], $0x80, $0x38;
	[tilespmem:$0x4080] =	vst v63  }
0x26: {  	_ =	swait.ge [sflag:s7], $0x80  }
0x27: {  	[sflag:s7] =	ssyncset.done $0x0  }
0x28: {  	[sflag:s7] =	ssyncadd.s32 $0xFFFFFF80  }
0x29: {  	[tilespmem:s8], [sflag:$0x1] =	stream.indirect.gather [hbm4b:s3+s8], $0x80, s2, s8, $0xb8;
	[tilespmem:$0x4080] =	vst v63  }
0x2a: {  	s10 =	sadd.s32 $0x1, s10;
	_ =	swait.ge [sflag:s9], $0x4000  }
0x2b: {  	p0 =	sne.s32 s10, s4;
	[sflag:s9] =	ssyncset.done $0x0  }
.Ltmp1:
0x2c: {  	[sflag:s9] =	ssyncadd.s32 $0xFFFFC000;
	(pc) =	sbr.rel @p0 .LBB2_1-.Ltmp1, $4  }
0x2d: {  	[hbm4b:s11+s2] =	stream.linear.scatter [tilespmem:s8], [sflag:$0x2], $0x4000, $0x38;
	[tilespmem:$0x4080] =	vst v63  }
0x2e: {  	_ =	swait.ge [sflag:s7], $0x4000  }
0x2f: {  	[sflag:s7] =	ssyncset.done $0x0  }
0x30: {  	[sflag:s7] =	ssyncadd.s32 $0xFFFFC000  }
0x31: {  	_ =	sfence.sel $0x180000  }
0x32: {  	[bflag:$0x0] =	sbarrier.arrive $0xFFFF  }
0x33: {  	p0 =	sne.s32 s1, $0x0;
	_ =	strace $0x9000005F  }
0x34: {  	s0 =	sadd.s32 @!p0 $0x100000, s0;
	[bflag:$0x2] =	sbarrier.arrive $0xFFFF  }
0x35: {  	[sflag:s0] =	ssyncadd.tile.s32 @!p0 $0x1;
	_ =	shalt  }
.Lfunc_end2:
_tile_overlayer_lowered:
.L_overlay_start_2:
0x36: {  	(tag) =	ssettag $0x2  }
0x37: {  	s0 =	rddreg [dreg:$0x0];
	s2 =	stileid.u32  }
0x38: {  	s1 =	rddreg [dreg:$0x1];
	p0 =	sne.s32 s2, $0x0  }
0x39: {  	s3 =	rddreg [dreg:$0x2];
	[bflag:$0x3] =	sbarrier.arrive $0xFFFF;
	s2 =	simm.s32 @!p0 $0x1C02  }
0x3a: {  	[timem:s3], [sflag:s2] =	dma.local @!p0 [hbm:s0], s1  }
0x3b: {  	s0 =	simm.s32 @!p0 $0x2  }
0x3c: {  	_ =	swait.ge @!p0 [sflag:s0], s1  }
0x3d: {  	s1 =	ssub.s32 @!p0 $0x0, s1;
	[sflag:s0] =	ssyncset.done @!p0 $0x0  }
0x3e: {  	[sflag:s0] =	ssyncadd.s32 @!p0 s1  }
0x3f: {  	[bflag:$0x3] =	sbarrier.arrive $0xFFFF  }
0x40: {  	_ =	shalt  }

</sc_bundles>
